<compile_context>
chip_gen: v7x
topology: tpu7x:2x2x1
jax: 0.10.2.dev20260603
libtpu: 0.0.44.dev20260713+nightly
codegen_flags: <defaults>
</compile_context>

<pallas_src>
import functools

import jax
import jax.numpy as jnp
from jax import lax
from jax.experimental import pallas as pl
from jax.experimental.pallas import tpu as pltpu
from jax.experimental.pallas import tpu_sc as plsc

HIDDEN = 128
SEQ = 200
L = 16
NSEG = HIDDEN // L
NW = 32
CHUNK = 100
NBUF = 4


@functools.lru_cache(maxsize=None)
def _make_sc_kernel(batch: int):
    n_tokens = batch * SEQ
    assert n_tokens % (NW * SEQ) == 0
    tok_per_w = n_tokens // NW
    chunks_per_w = tok_per_w // CHUNK
    assert chunks_per_w % NBUF == 0
    groups = chunks_per_w // NBUF

    mesh = plsc.VectorSubcoreMesh(core_axis_name="c", subcore_axis_name="s")

    @functools.partial(
        pl.kernel,
        mesh=mesh,
        compiler_params=pltpu.CompilerParams(needs_layout_passes=False,
                                             use_tc_tiling_on_sc=False),
        out_type=jax.ShapeDtypeStruct((n_tokens, HIDDEN), jnp.float32),
        scratch_types=[
            pltpu.VMEM((chunks_per_w, CHUNK), jnp.int32),
            pltpu.VMEM((tok_per_w + L,), jnp.float32),
            pltpu.VMEM((SEQ, HIDDEN), jnp.float32),
            pltpu.VMEM((2, HIDDEN), jnp.float32),
            pltpu.VMEM((HIDDEN,), jnp.float32),
            pltpu.VMEM((HIDDEN,), jnp.float32),
            pltpu.VMEM((CHUNK, HIDDEN), jnp.float32),
            pltpu.VMEM((CHUNK, HIDDEN), jnp.float32),
            pltpu.VMEM((CHUNK, HIDDEN), jnp.float32),
            pltpu.VMEM((CHUNK, HIDDEN), jnp.float32),
            pltpu.SemaphoreType.DMA,
            pltpu.SemaphoreType.DMA,
            pltpu.SemaphoreType.DMA,
            pltpu.SemaphoreType.DMA,
            pltpu.SemaphoreType.DMA,
            pltpu.SemaphoreType.DMA,
            pltpu.SemaphoreType.DMA,
            pltpu.SemaphoreType.DMA,
        ],
    )
    def sc_kernel(ids_hbm, ttf_hbm, word_hbm, pos_hbm, type_hbm, gamma_hbm,
                  beta_hbm, out_hbm, ids_v, ttf_v, post0_v, type_v, gamma_v,
                  beta_v, buf0, buf1, buf2, buf3, sem_g0, sem_g1, sem_g2,
                  sem_g3, sem_w0, sem_w1, sem_w2, sem_w3):
        bufs = [buf0, buf1, buf2, buf3]
        sg = [sem_g0, sem_g1, sem_g2, sem_g3]
        sw = [sem_w0, sem_w1, sem_w2, sem_w3]

        wid = lax.axis_index("s") * 2 + lax.axis_index("c")
        tok_base = wid * tok_per_w
        row_base = wid * chunks_per_w

        pltpu.sync_copy(pos_hbm.at[pl.ds(0, SEQ)], post0_v)
        pltpu.sync_copy(type_hbm, type_v)
        pltpu.sync_copy(gamma_hbm, gamma_v)
        pltpu.sync_copy(beta_hbm, beta_v)
        pltpu.sync_copy(ids_hbm.at[pl.ds(row_base, chunks_per_w)], ids_v)
        pltpu.sync_copy(ttf_hbm.at[pl.ds(tok_base, tok_per_w)],
                        ttf_v.at[pl.ds(0, tok_per_w)])

        g = [gamma_v[pl.ds(s * L, L)] for s in range(NSEG)]
        bt = [beta_v[pl.ds(s * L, L)] for s in range(NSEG)]
        t0 = [type_v[0, pl.ds(s * L, L)] for s in range(NSEG)]
        td = [type_v[1, pl.ds(s * L, L)] - t0[s] for s in range(NSEG)]

        e0 = (lax.iota(jnp.int32, L) == 0).astype(jnp.float32)

        def bcast0(v):
            return plsc.cumsum(v * e0)

        def bcast_total(v):
            return bcast0(jnp.flip(plsc.cumsum(v), 0))

        def fold_body(r, carry):
            for s in range(NSEG):
                ds = pl.ds(s * L, L)
                post0_v[r, ds] = post0_v[r, ds] + t0[s]
            return carry

        lax.fori_loop(0, SEQ, fold_body, 0, unroll=2)

        def start_gather(qq, b):
            pltpu.async_copy(word_hbm.at[ids_v.at[qq]], bufs[b], sg[b])

        def gather_wait(b):
            pltpu.make_async_copy(word_hbm.at[ids_v.at[0]], bufs[b],
                                  sg[b]).wait()

        def write_wait(b):
            pltpu.make_async_copy(bufs[b], out_hbm.at[pl.ds(0, CHUNK)],
                                  sw[b]).wait()

        for qq in range(NBUF - 1):
            start_gather(qq, qq)

        def group_body(grp, carry):
            for b in range(NBUF):
                q = grp * NBUF + b
                buf = bufs[b]
                pos_base = (b % 2) * CHUNK
                ttq_base = q * CHUNK

                gather_wait(b)

                def stats(i):
                    ttf = bcast0(ttf_v[pl.ds(ttq_base + i, L)])
                    acc_s = None
                    acc_q = None
                    for s in range(NSEG):
                        ds = pl.ds(s * L, L)
                        x = (buf[i, ds] + post0_v[pos_base + i, ds] +
                             ttf * td[s])
                        buf[i, ds] = x
                        acc_s = x if acc_s is None else acc_s + x
                        acc_q = x * x if acc_q is None else acc_q + x * x
                    return acc_s, acc_q

                def finish(j, acc_s, acc_q):
                    mean = bcast_total(acc_s) * (1.0 / HIDDEN)
                    sq = bcast_total(acc_q) * (1.0 / HIDDEN)
                    var = sq - mean * mean
                    xv = var + 1e-5
                    xh = 0.5 * xv
                    yi = 0x5F3759DF - (plsc.bitcast(xv, jnp.int32) >> 1)
                    y = plsc.bitcast(yi, jnp.float32)
                    for _ in range(1):
                        y = y * (1.5 - xh * y * y)
                    for s in range(NSEG):
                        ds = pl.ds(s * L, L)
                        buf[j, ds] = (buf[j, ds] - mean) * y * g[s] + bt[s]

                def tok_body(i, tcarry):
                    pa, pq = tcarry
                    na, nq = stats(i)
                    finish(i - 1, pa, pq)
                    return na, nq

                first = stats(0)
                last = lax.fori_loop(1, CHUNK, tok_body, first, unroll=1)
                finish(CHUNK - 1, *last)

                b3 = (b + NBUF - 1) % NBUF

                def refill():
                    start_gather(q + NBUF - 1, b3)

                if b == 0:
                    pl.when(grp >= 1)(lambda: write_wait(b3))
                    refill()
                else:
                    write_wait(b3)
                    pl.when(grp < groups - 1)(refill)

                pltpu.async_copy(
                    buf, out_hbm.at[pl.ds(tok_base + q * CHUNK, CHUNK)],
                    sw[b])
            return carry

        lax.fori_loop(0, groups, group_body, 0)
        write_wait(NBUF - 1)

    return sc_kernel


def kernel(input_ids, token_type_ids, word_emb, pos_emb, type_emb, ln_gamma,
           ln_beta):
    batch, seq = input_ids.shape
    assert seq == SEQ
    ids = input_ids.astype(jnp.int32).reshape(-1, CHUNK)
    ttf = token_type_ids.astype(jnp.float32).reshape(-1)
    out = _make_sc_kernel(batch)(ids, ttf, word_emb, pos_emb, type_emb,
                                 ln_gamma, ln_beta)
    return out.reshape(batch, seq, HIDDEN)

# --- scband reference (transcript-rebuilt; emitter-appended) ---
"""Pipeline reference for scband-bertembeddings-40931038331093 (READ-ONLY COPY).

The authoritative reference and input builder live on the scoring server;
editing this copy changes nothing except your own understanding.
"""

import jax, jax.numpy as jnp
import numpy as np

VOCAB = 100000
HIDDEN = 128
MAX_POS = 512
TYPE_VOCAB = 2
BATCH = 1024
SEQ = 200


def setup_inputs(seed: int = 0) -> dict:
    key = jax.random.key(seed)
    k1, k2, k3, k4, k5 = jax.random.split(key, 5)
    input_ids = jax.random.randint(k1, (BATCH, SEQ), 0, VOCAB, dtype=jnp.int64 if jax.config.jax_enable_x64 else jnp.int32)
    token_type_ids = jax.random.randint(k2, (BATCH, SEQ), 0, TYPE_VOCAB, dtype=input_ids.dtype)
    word_emb = jax.random.normal(k3, (VOCAB, HIDDEN), dtype=jnp.float32) * 0.02
    pos_emb = jax.random.normal(k4, (MAX_POS, HIDDEN), dtype=jnp.float32) * 0.02
    type_emb = jax.random.normal(k5, (TYPE_VOCAB, HIDDEN), dtype=jnp.float32) * 0.02
    ln_gamma = jnp.ones((HIDDEN,), dtype=jnp.float32)
    ln_beta = jnp.zeros((HIDDEN,), dtype=jnp.float32)
    return {
        "input_ids": input_ids,
        "token_type_ids": token_type_ids,
        "word_emb": word_emb,
        "pos_emb": pos_emb,
        "type_emb": type_emb,
        "ln_gamma": ln_gamma,
        "ln_beta": ln_beta,
    }


def reference(input_ids, token_type_ids, word_emb, pos_emb, type_emb, ln_gamma, ln_beta):
    # BERTEmbeddings.forward (eval mode, dropout is identity)
    seq_len = input_ids.shape[1]
    position_ids = jnp.arange(seq_len)[None, :]  # [1, seq_len]
    w = jnp.take(word_emb, input_ids, axis=0)            # [B, S, H] gather
    p = jnp.take(pos_emb, position_ids, axis=0)          # [1, S, H] gather
    t = jnp.take(type_emb, token_type_ids, axis=0)       # [B, S, H] gather
    embeddings = w + p + t
    # LayerNorm over last dim, eps=1e-5 (torch default)
    mean = jnp.mean(embeddings, axis=-1, keepdims=True)
    var = jnp.mean(jnp.square(embeddings - mean), axis=-1, keepdims=True)
    normed = (embeddings - mean) / jnp.sqrt(var + 1e-5)
    out = normed * ln_gamma + ln_beta
    return out

if __name__ == "__main__":
    import jax
    _d = setup_inputs()
    print(jax.jit(kernel)(*tuple(_d.values())))

</pallas_src>

<mosaic_0001>
#map = affine_map<(d0, d1) -> (0, 0)>
#map1 = affine_map<(d0, d1) -> (0)>
module attributes {stable_mosaic.version = 14 : i64} {
  func.func @sc_kernel(%arg0: i32, %arg1: i32, %arg2: memref<2048x100xi32, #tpu.memory_space<hbm>>, %arg3: memref<204800xf32, #tpu.memory_space<hbm>>, %arg4: memref<100000x128xf32, #tpu.memory_space<hbm>>, %arg5: memref<512x128xf32, #tpu.memory_space<hbm>>, %arg6: memref<2x128xf32, #tpu.memory_space<hbm>>, %arg7: memref<128xf32, #tpu.memory_space<hbm>>, %arg8: memref<128xf32, #tpu.memory_space<hbm>>, %arg9: memref<204800x128xf32, #tpu.memory_space<hbm>>, %arg10: memref<64x100xi32, #tpu.memory_space<vmem>>, %arg11: memref<6416xf32, #tpu.memory_space<vmem>>, %arg12: memref<200x128xf32, #tpu.memory_space<vmem>>, %arg13: memref<2x128xf32, #tpu.memory_space<vmem>>, %arg14: memref<128xf32, #tpu.memory_space<vmem>>, %arg15: memref<128xf32, #tpu.memory_space<vmem>>, %arg16: memref<100x128xf32, #tpu.memory_space<vmem>>, %arg17: memref<100x128xf32, #tpu.memory_space<vmem>>, %arg18: memref<100x128xf32, #tpu.memory_space<vmem>>, %arg19: memref<100x128xf32, #tpu.memory_space<vmem>>, %arg20: memref<!tpu.dma_semaphore, #tpu.memory_space<semaphore_mem>>, %arg21: memref<!tpu.dma_semaphore, #tpu.memory_space<semaphore_mem>>, %arg22: memref<!tpu.dma_semaphore, #tpu.memory_space<semaphore_mem>>, %arg23: memref<!tpu.dma_semaphore, #tpu.memory_space<semaphore_mem>>, %arg24: memref<!tpu.dma_semaphore, #tpu.memory_space<semaphore_mem>>, %arg25: memref<!tpu.dma_semaphore, #tpu.memory_space<semaphore_mem>>, %arg26: memref<!tpu.dma_semaphore, #tpu.memory_space<semaphore_mem>>, %arg27: memref<!tpu.dma_semaphore, #tpu.memory_space<semaphore_mem>>) attributes {dimension_semantics = [#tpu.dimension_semantics<core_parallel>, #tpu.dimension_semantics<subcore_parallel>], iteration_bounds = array<i64: 2, 16>, scalar_prefetch = 0 : i64, scratch_operands = 18 : i64, tpu.core_type = #tpu.core_type<sc_vector_subcore>, window_params = [{transform_indices = #map}, {transform_indices = #map1}, {transform_indices = #map}, {transform_indices = #map}, {transform_indices = #map}, {transform_indices = #map1}, {transform_indices = #map1}, {transform_indices = #map}]} {
    %mul3A = arith.constant 2 : i32
    %mul3A_0 = arith.muli %arg1, %mul3A : i32
    %add3A = arith.addi %mul3A_0, %arg0 : i32
    %mul3A_1 = arith.constant 6400 : i32
    %mul3A_2 = arith.muli %add3A, %mul3A_1 : i32
    %mul3A_3 = arith.constant 64 : i32
    %mul3A_4 = arith.muli %add3A, %mul3A_3 : i32
    "tpu.region"() ({
      %run_scoped3A = tpu.sem_alloc : memref<!tpu.dma_semaphore, #tpu.memory_space<semaphore_mem>>
      %dma_start3A_146 = arith.constant 0 : i32
      %dma_start3A_147 = arith.constant 0 : i32
      %dma_start3A_148 = tpu.memref_slice %arg5[%dma_start3A_146, %dma_start3A_147] : memref<512x128xf32, #tpu.memory_space<hbm>> -> memref<200x128xf32, #tpu.memory_space<hbm>>
      %dma_start3A_149 = arith.constant 0 : i32
      %dma_start3A_150 = arith.constant 0 : i32
      %dma_start3A_151 = tpu.memref_slice %arg5[%dma_start3A_149, %dma_start3A_150] : memref<512x128xf32, #tpu.memory_space<hbm>> -> memref<200x128xf32, #tpu.memory_space<hbm>>
      tpu.enqueue_dma source(%dma_start3A_151 : memref<200x128xf32, #tpu.memory_space<hbm>>) target(%arg12 : memref<200x128xf32, #tpu.memory_space<vmem>>) target_semaphore(%run_scoped3A : memref<!tpu.dma_semaphore, #tpu.memory_space<semaphore_mem>>)
      %dma_wait3A_152 = arith.constant 0 : i32
      %dma_wait3A_153 = arith.constant 0 : i32
      %dma_wait3A_154 = tpu.memref_slice %arg5[%dma_wait3A_152, %dma_wait3A_153] : memref<512x128xf32, #tpu.memory_space<hbm>> -> memref<200x128xf32, #tpu.memory_space<hbm>>
      %dma_wait3A_155 = arith.constant 0 : i32
      %dma_wait3A_156 = arith.constant 0 : i32
      %dma_wait3A_157 = tpu.memref_slice %arg5[%dma_wait3A_155, %dma_wait3A_156] : memref<512x128xf32, #tpu.memory_space<hbm>> -> memref<200x128xf32, #tpu.memory_space<hbm>>
      tpu.wait_dma2 semaphore(%run_scoped3A : memref<!tpu.dma_semaphore, #tpu.memory_space<semaphore_mem>>) src(%dma_wait3A_157 : memref<200x128xf32, #tpu.memory_space<hbm>>) dst(%arg12 : memref<200x128xf32, #tpu.memory_space<vmem>>)
      tpu.yield
    }) : () -> ()
    "tpu.region"() ({
      %run_scoped3A = tpu.sem_alloc : memref<!tpu.dma_semaphore, #tpu.memory_space<semaphore_mem>>
      tpu.enqueue_dma source(%arg6 : memref<2x128xf32, #tpu.memory_space<hbm>>) target(%arg13 : memref<2x128xf32, #tpu.memory_space<vmem>>) target_semaphore(%run_scoped3A : memref<!tpu.dma_semaphore, #tpu.memory_space<semaphore_mem>>)
      tpu.wait_dma2 semaphore(%run_scoped3A : memref<!tpu.dma_semaphore, #tpu.memory_space<semaphore_mem>>) src(%arg6 : memref<2x128xf32, #tpu.memory_space<hbm>>) dst(%arg13 : memref<2x128xf32, #tpu.memory_space<vmem>>)
      tpu.yield
    }) : () -> ()
    "tpu.region"() ({
      %run_scoped3A = tpu.sem_alloc : memref<!tpu.dma_semaphore, #tpu.memory_space<semaphore_mem>>
      tpu.enqueue_dma source(%arg7 : memref<128xf32, #tpu.memory_space<hbm>>) target(%arg14 : memref<128xf32, #tpu.memory_space<vmem>>) target_semaphore(%run_scoped3A : memref<!tpu.dma_semaphore, #tpu.memory_space<semaphore_mem>>)
      tpu.wait_dma2 semaphore(%run_scoped3A : memref<!tpu.dma_semaphore, #tpu.memory_space<semaphore_mem>>) src(%arg7 : memref<128xf32, #tpu.memory_space<hbm>>) dst(%arg14 : memref<128xf32, #tpu.memory_space<vmem>>)
      tpu.yield
    }) : () -> ()
    "tpu.region"() ({
      %run_scoped3A = tpu.sem_alloc : memref<!tpu.dma_semaphore, #tpu.memory_space<semaphore_mem>>
      tpu.enqueue_dma source(%arg8 : memref<128xf32, #tpu.memory_space<hbm>>) target(%arg15 : memref<128xf32, #tpu.memory_space<vmem>>) target_semaphore(%run_scoped3A : memref<!tpu.dma_semaphore, #tpu.memory_space<semaphore_mem>>)
      tpu.wait_dma2 semaphore(%run_scoped3A : memref<!tpu.dma_semaphore, #tpu.memory_space<semaphore_mem>>) src(%arg8 : memref<128xf32, #tpu.memory_space<hbm>>) dst(%arg15 : memref<128xf32, #tpu.memory_space<vmem>>)
      tpu.yield
    }) : () -> ()
    "tpu.region"() ({
      %run_scoped3A = tpu.sem_alloc : memref<!tpu.dma_semaphore, #tpu.memory_space<semaphore_mem>>
      %dma_start3A_146 = arith.constant 0 : i32
      %dma_start3A_147 = tpu.memref_slice %arg2[%mul3A_4, %dma_start3A_146] : memref<2048x100xi32, #tpu.memory_space<hbm>> -> memref<64x100xi32, #tpu.memory_space<hbm>>
      %dma_start3A_148 = arith.constant 0 : i32
      %dma_start3A_149 = tpu.memref_slice %arg2[%mul3A_4, %dma_start3A_148] : memref<2048x100xi32, #tpu.memory_space<hbm>> -> memref<64x100xi32, #tpu.memory_space<hbm>>
      tpu.enqueue_dma source(%dma_start3A_149 : memref<64x100xi32, #tpu.memory_space<hbm>>) target(%arg10 : memref<64x100xi32, #tpu.memory_space<vmem>>) target_semaphore(%run_scoped3A : memref<!tpu.dma_semaphore, #tpu.memory_space<semaphore_mem>>)
      %dma_wait3A_150 = arith.constant 0 : i32
      %dma_wait3A_151 = tpu.memref_slice %arg2[%mul3A_4, %dma_wait3A_150] : memref<2048x100xi32, #tpu.memory_space<hbm>> -> memref<64x100xi32, #tpu.memory_space<hbm>>
      %dma_wait3A_152 = arith.constant 0 : i32
      %dma_wait3A_153 = tpu.memref_slice %arg2[%mul3A_4, %dma_wait3A_152] : memref<2048x100xi32, #tpu.memory_space<hbm>> -> memref<64x100xi32, #tpu.memory_space<hbm>>
      tpu.wait_dma2 semaphore(%run_scoped3A : memref<!tpu.dma_semaphore, #tpu.memory_space<semaphore_mem>>) src(%dma_wait3A_153 : memref<64x100xi32, #tpu.memory_space<hbm>>) dst(%arg10 : memref<64x100xi32, #tpu.memory_space<vmem>>)
      tpu.yield
    }) : () -> ()
    "tpu.region"() ({
      %run_scoped3A = tpu.sem_alloc : memref<!tpu.dma_semaphore, #tpu.memory_space<semaphore_mem>>
      %dma_start3A_146 = arith.constant 0 : i32
      %dma_start3A_147 = tpu.memref_slice %arg11[%dma_start3A_146] : memref<6416xf32, #tpu.memory_space<vmem>> -> memref<6400xf32, #tpu.memory_space<vmem>>
      %dma_start3A_148 = tpu.memref_slice %arg3[%mul3A_2] : memref<204800xf32, #tpu.memory_space<hbm>> -> memref<6400xf32, #tpu.memory_space<hbm>>
      %dma_start3A_149 = arith.constant 0 : i32
      %dma_start3A_150 = tpu.memref_slice %arg11[%dma_start3A_149] : memref<6416xf32, #tpu.memory_space<vmem>> -> memref<6400xf32, #tpu.memory_space<vmem>>
      %dma_start3A_151 = tpu.memref_slice %arg3[%mul3A_2] : memref<204800xf32, #tpu.memory_space<hbm>> -> memref<6400xf32, #tpu.memory_space<hbm>>
      tpu.enqueue_dma source(%dma_start3A_151 : memref<6400xf32, #tpu.memory_space<hbm>>) target(%dma_start3A_150 : memref<6400xf32, #tpu.memory_space<vmem>>) target_semaphore(%run_scoped3A : memref<!tpu.dma_semaphore, #tpu.memory_space<semaphore_mem>>)
      %dma_wait3A_152 = arith.constant 0 : i32
      %dma_wait3A_153 = tpu.memref_slice %arg11[%dma_wait3A_152] : memref<6416xf32, #tpu.memory_space<vmem>> -> memref<6400xf32, #tpu.memory_space<vmem>>
      %dma_wait3A_154 = tpu.memref_slice %arg3[%mul3A_2] : memref<204800xf32, #tpu.memory_space<hbm>> -> memref<6400xf32, #tpu.memory_space<hbm>>
      %dma_wait3A_155 = arith.constant 0 : i32
      %dma_wait3A_156 = tpu.memref_slice %arg11[%dma_wait3A_155] : memref<6416xf32, #tpu.memory_space<vmem>> -> memref<6400xf32, #tpu.memory_space<vmem>>
      %dma_wait3A_157 = tpu.memref_slice %arg3[%mul3A_2] : memref<204800xf32, #tpu.memory_space<hbm>> -> memref<6400xf32, #tpu.memory_space<hbm>>
      tpu.wait_dma2 semaphore(%run_scoped3A : memref<!tpu.dma_semaphore, #tpu.memory_space<semaphore_mem>>) src(%dma_wait3A_157 : memref<6400xf32, #tpu.memory_space<hbm>>) dst(%dma_wait3A_156 : memref<6400xf32, #tpu.memory_space<vmem>>)
      tpu.yield
    }) : () -> ()
    %get3A = arith.constant 0 : index
    %get3A_5 = tpu.vector_load %arg14[%get3A] {strides = array<i32>} : memref<128xf32, #tpu.memory_space<vmem>>, vector<16xf32>,
    %get3A_6 = arith.constant 16 : index
    %get3A_7 = tpu.vector_load %arg14[%get3A_6] {strides = array<i32>} : memref<128xf32, #tpu.memory_space<vmem>>, vector<16xf32>,
    %get3A_8 = arith.constant 32 : index
    %get3A_9 = tpu.vector_load %arg14[%get3A_8] {strides = array<i32>} : memref<128xf32, #tpu.memory_space<vmem>>, vector<16xf32>,
    %get3A_10 = arith.constant 48 : index
    %get3A_11 = tpu.vector_load %arg14[%get3A_10] {strides = array<i32>} : memref<128xf32, #tpu.memory_space<vmem>>, vector<16xf32>,
    %get3A_12 = arith.constant 64 : index
    %get3A_13 = tpu.vector_load %arg14[%get3A_12] {strides = array<i32>} : memref<128xf32, #tpu.memory_space<vmem>>, vector<16xf32>,
    %get3A_14 = arith.constant 80 : index
    %get3A_15 = tpu.vector_load %arg14[%get3A_14] {strides = array<i32>} : memref<128xf32, #tpu.memory_space<vmem>>, vector<16xf32>,
    %get3A_16 = arith.constant 96 : index
    %get3A_17 = tpu.vector_load %arg14[%get3A_16] {strides = array<i32>} : memref<128xf32, #tpu.memory_space<vmem>>, vector<16xf32>,
    %get3A_18 = arith.constant 112 : index
    %get3A_19 = tpu.vector_load %arg14[%get3A_18] {strides = array<i32>} : memref<128xf32, #tpu.memory_space<vmem>>, vector<16xf32>,
    %get3A_20 = arith.constant 0 : index
    %get3A_21 = tpu.vector_load %arg15[%get3A_20] {strides = array<i32>} : memref<128xf32, #tpu.memory_space<vmem>>, vector<16xf32>,
    %get3A_22 = arith.constant 16 : index
    %get3A_23 = tpu.vector_load %arg15[%get3A_22] {strides = array<i32>} : memref<128xf32, #tpu.memory_space<vmem>>, vector<16xf32>,
    %get3A_24 = arith.constant 32 : index
    %get3A_25 = tpu.vector_load %arg15[%get3A_24] {strides = array<i32>} : memref<128xf32, #tpu.memory_space<vmem>>, vector<16xf32>,
    %get3A_26 = arith.constant 48 : index
    %get3A_27 = tpu.vector_load %arg15[%get3A_26] {strides = array<i32>} : memref<128xf32, #tpu.memory_space<vmem>>, vector<16xf32>,
    %get3A_28 = arith.constant 64 : index
    %get3A_29 = tpu.vector_load %arg15[%get3A_28] {strides = array<i32>} : memref<128xf32, #tpu.memory_space<vmem>>, vector<16xf32>,
    %get3A_30 = arith.constant 80 : index
    %get3A_31 = tpu.vector_load %arg15[%get3A_30] {strides = array<i32>} : memref<128xf32, #tpu.memory_space<vmem>>, vector<16xf32>,
    %get3A_32 = arith.constant 96 : index
    %get3A_33 = tpu.vector_load %arg15[%get3A_32] {strides = array<i32>} : memref<128xf32, #tpu.memory_space<vmem>>, vector<16xf32>,
    %get3A_34 = arith.constant 112 : index
    %get3A_35 = tpu.vector_load %arg15[%get3A_34] {strides = array<i32>} : memref<128xf32, #tpu.memory_space<vmem>>, vector<16xf32>,
    %get3A_36 = arith.constant 0 : i32
    %get3A_37 = arith.index_cast %get3A_36 : i32 to index
    %get3A_38 = arith.constant 0 : index
    %get3A_39 = tpu.vector_load %arg13[%get3A_37, %get3A_38] {strides = array<i32>} : memref<2x128xf32, #tpu.memory_space<vmem>>, vector<16xf32>,
    %get3A_40 = arith.constant 0 : i32
    %get3A_41 = arith.index_cast %get3A_40 : i32 to index
    %get3A_42 = arith.constant 16 : index
    %get3A_43 = tpu.vector_load %arg13[%get3A_41, %get3A_42] {strides = array<i32>} : memref<2x128xf32, #tpu.memory_space<vmem>>, vector<16xf32>,
    %get3A_44 = arith.constant 0 : i32
    %get3A_45 = arith.index_cast %get3A_44 : i32 to index
    %get3A_46 = arith.constant 32 : index
    %get3A_47 = tpu.vector_load %arg13[%get3A_45, %get3A_46] {strides = array<i32>} : memref<2x128xf32, #tpu.memory_space<vmem>>, vector<16xf32>,
    %get3A_48 = arith.constant 0 : i32
    %get3A_49 = arith.index_cast %get3A_48 : i32 to index
    %get3A_50 = arith.constant 48 : index
    %get3A_51 = tpu.vector_load %arg13[%get3A_49, %get3A_50] {strides = array<i32>} : memref<2x128xf32, #tpu.memory_space<vmem>>, vector<16xf32>,
    %get3A_52 = arith.constant 0 : i32
    %get3A_53 = arith.index_cast %get3A_52 : i32 to index
    %get3A_54 = arith.constant 64 : index
    %get3A_55 = tpu.vector_load %arg13[%get3A_53, %get3A_54] {strides = array<i32>} : memref<2x128xf32, #tpu.memory_space<vmem>>, vector<16xf32>,
    %get3A_56 = arith.constant 0 : i32
    %get3A_57 = arith.index_cast %get3A_56 : i32 to index
    %get3A_58 = arith.constant 80 : index
    %get3A_59 = tpu.vector_load %arg13[%get3A_57, %get3A_58] {strides = array<i32>} : memref<2x128xf32, #tpu.memory_space<vmem>>, vector<16xf32>,
    %get3A_60 = arith.constant 0 : i32
    %get3A_61 = arith.index_cast %get3A_60 : i32 to index
    %get3A_62 = arith.constant 96 : index
    %get3A_63 = tpu.vector_load %arg13[%get3A_61, %get3A_62] {strides = array<i32>} : memref<2x128xf32, #tpu.memory_space<vmem>>, vector<16xf32>,
    %get3A_64 = arith.constant 0 : i32
    %get3A_65 = arith.index_cast %get3A_64 : i32 to index
    %get3A_66 = arith.constant 112 : index
    %get3A_67 = tpu.vector_load %arg13[%get3A_65, %get3A_66] {strides = array<i32>} : memref<2x128xf32, #tpu.memory_space<vmem>>, vector<16xf32>,
    %get3A_68 = arith.constant 1 : i32
    %get3A_69 = arith.index_cast %get3A_68 : i32 to index
    %get3A_70 = arith.constant 0 : index
    %get3A_71 = tpu.vector_load %arg13[%get3A_69, %get3A_70] {strides = array<i32>} : memref<2x128xf32, #tpu.memory_space<vmem>>, vector<16xf32>,
    %sub3A = arith.subf %get3A_71, %get3A_39 : vector<16xf32>
    %get3A_72 = arith.constant 1 : i32
    %get3A_73 = arith.index_cast %get3A_72 : i32 to index
    %get3A_74 = arith.constant 16 : index
    %get3A_75 = tpu.vector_load %arg13[%get3A_73, %get3A_74] {strides = array<i32>} : memref<2x128xf32, #tpu.memory_space<vmem>>, vector<16xf32>,
    %sub3A_76 = arith.subf %get3A_75, %get3A_43 : vector<16xf32>
    %get3A_77 = arith.constant 1 : i32
    %get3A_78 = arith.index_cast %get3A_77 : i32 to index
    %get3A_79 = arith.constant 32 : index
    %get3A_80 = tpu.vector_load %arg13[%get3A_78, %get3A_79] {strides = array<i32>} : memref<2x128xf32, #tpu.memory_space<vmem>>, vector<16xf32>,
    %sub3A_81 = arith.subf %get3A_80, %get3A_47 : vector<16xf32>
    %get3A_82 = arith.constant 1 : i32
    %get3A_83 = arith.index_cast %get3A_82 : i32 to index
    %get3A_84 = arith.constant 48 : index
    %get3A_85 = tpu.vector_load %arg13[%get3A_83, %get3A_84] {strides = array<i32>} : memref<2x128xf32, #tpu.memory_space<vmem>>, vector<16xf32>,
    %sub3A_86 = arith.subf %get3A_85, %get3A_51 : vector<16xf32>
    %get3A_87 = arith.constant 1 : i32
    %get3A_88 = arith.index_cast %get3A_87 : i32 to index
    %get3A_89 = arith.constant 64 : index
    %get3A_90 = tpu.vector_load %arg13[%get3A_88, %get3A_89] {strides = array<i32>} : memref<2x128xf32, #tpu.memory_space<vmem>>, vector<16xf32>,
    %sub3A_91 = arith.subf %get3A_90, %get3A_55 : vector<16xf32>
    %get3A_92 = arith.constant 1 : i32
    %get3A_93 = arith.index_cast %get3A_92 : i32 to index
    %get3A_94 = arith.constant 80 : index
    %get3A_95 = tpu.vector_load %arg13[%get3A_93, %get3A_94] {strides = array<i32>} : memref<2x128xf32, #tpu.memory_space<vmem>>, vector<16xf32>,
    %sub3A_96 = arith.subf %get3A_95, %get3A_59 : vector<16xf32>
    %get3A_97 = arith.constant 1 : i32
    %get3A_98 = arith.index_cast %get3A_97 : i32 to index
    %get3A_99 = arith.constant 96 : index
    %get3A_100 = tpu.vector_load %arg13[%get3A_98, %get3A_99] {strides = array<i32>} : memref<2x128xf32, #tpu.memory_space<vmem>>, vector<16xf32>,
    %sub3A_101 = arith.subf %get3A_100, %get3A_63 : vector<16xf32>
    %get3A_102 = arith.constant 1 : i32
    %get3A_103 = arith.index_cast %get3A_102 : i32 to index
    %get3A_104 = arith.constant 112 : index
    %get3A_105 = tpu.vector_load %arg13[%get3A_103, %get3A_104] {strides = array<i32>} : memref<2x128xf32, #tpu.memory_space<vmem>>, vector<16xf32>,
    %sub3A_106 = arith.subf %get3A_105, %get3A_67 : vector<16xf32>
    %iota3A = tpu.iota {dimensions = array<i32: 0>} : vector<16xi32>
    %eq3A = arith.constant 0 : i32
    %eq3A_107 = vector.broadcast %eq3A : i32 to vector<16xi32>
    %eq3A_108 = arith.cmpi eq, %iota3A, %eq3A_107 : vector<16xi32>
    %convert_element_type3A = arith.extui %eq3A_108 : vector<16xi1> to vector<16xi32>
    %convert_element_type3A_109 = arith.sitofp %convert_element_type3A : vector<16xi32> to vector<16xf32>
    %scan3A = arith.constant 0 : i32
    %scan3A_110 = arith.constant 0 : i32
    %scan3A_111 = arith.constant 200 : i32
    %scan3A_112 = arith.addi %scan3A_110, %scan3A_111 : i32
    %scan3A_113 = arith.constant 2 : i32
    scf.for %scan3A_146 = %scan3A_110 to %scan3A_112 step %scan3A_113  : i32 {
      %get3A_147 = arith.index_cast %scan3A_146 : i32 to index
      %get3A_148 = arith.constant 0 : index
      %get3A_149 = tpu.vector_load %arg12[%get3A_147, %get3A_148] {strides = array<i32>} : memref<200x128xf32, #tpu.memory_space<vmem>>, vector<16xf32>,
      %add3A_150 = arith.addf %get3A_149, %get3A_39 : vector<16xf32>
      %swap3A = arith.index_cast %scan3A_146 : i32 to index
      %swap3A_151 = arith.constant 0 : index
      %swap3A_152 = tpu.vector_load %arg12[%swap3A, %swap3A_151] {strides = array<i32>} : memref<200x128xf32, #tpu.memory_space<vmem>>, vector<16xf32>,
      tpu.vector_store %arg12[%swap3A, %swap3A_151], %add3A_150 {strides = array<i32>} : memref<200x128xf32, #tpu.memory_space<vmem>>, vector<16xf32>,
      %get3A_153 = arith.index_cast %scan3A_146 : i32 to index
      %get3A_154 = arith.constant 16 : index
      %get3A_155 = tpu.vector_load %arg12[%get3A_153, %get3A_154] {strides = array<i32>} : memref<200x128xf32, #tpu.memory_space<vmem>>, vector<16xf32>,
      %add3A_156 = arith.addf %get3A_155, %get3A_43 : vector<16xf32>
      %swap3A_157 = arith.index_cast %scan3A_146 : i32 to index
      %swap3A_158 = arith.constant 16 : index
      %swap3A_159 = tpu.vector_load %arg12[%swap3A_157, %swap3A_158] {strides = array<i32>} : memref<200x128xf32, #tpu.memory_space<vmem>>, vector<16xf32>,
      tpu.vector_store %arg12[%swap3A_157, %swap3A_158], %add3A_156 {strides = array<i32>} : memref<200x128xf32, #tpu.memory_space<vmem>>, vector<16xf32>,
      %get3A_160 = arith.index_cast %scan3A_146 : i32 to index
      %get3A_161 = arith.constant 32 : index
      %get3A_162 = tpu.vector_load %arg12[%get3A_160, %get3A_161] {strides = array<i32>} : memref<200x128xf32, #tpu.memory_space<vmem>>, vector<16xf32>,
      %add3A_163 = arith.addf %get3A_162, %get3A_47 : vector<16xf32>
      %swap3A_164 = arith.index_cast %scan3A_146 : i32 to index
      %swap3A_165 = arith.constant 32 : index
      %swap3A_166 = tpu.vector_load %arg12[%swap3A_164, %swap3A_165] {strides = array<i32>} : memref<200x128xf32, #tpu.memory_space<vmem>>, vector<16xf32>,
      tpu.vector_store %arg12[%swap3A_164, %swap3A_165], %add3A_163 {strides = array<i32>} : memref<200x128xf32, #tpu.memory_space<vmem>>, vector<16xf32>,
      %get3A_167 = arith.index_cast %scan3A_146 : i32 to index
      %get3A_168 = arith.constant 48 : index
      %get3A_169 = tpu.vector_load %arg12[%get3A_167, %get3A_168] {strides = array<i32>} : memref<200x128xf32, #tpu.memory_space<vmem>>, vector<16xf32>,
      %add3A_170 = arith.addf %get3A_169, %get3A_51 : vector<16xf32>
      %swap3A_171 = arith.index_cast %scan3A_146 : i32 to index
      %swap3A_172 = arith.constant 48 : index
      %swap3A_173 = tpu.vector_load %arg12[%swap3A_171, %swap3A_172] {strides = array<i32>} : memref<200x128xf32, #tpu.memory_space<vmem>>, vector<16xf32>,
      tpu.vector_store %arg12[%swap3A_171, %swap3A_172], %add3A_170 {strides = array<i32>} : memref<200x128xf32, #tpu.memory_space<vmem>>, vector<16xf32>,
      %get3A_174 = arith.index_cast %scan3A_146 : i32 to index
      %get3A_175 = arith.constant 64 : index
      %get3A_176 = tpu.vector_load %arg12[%get3A_174, %get3A_175] {strides = array<i32>} : memref<200x128xf32, #tpu.memory_space<vmem>>, vector<16xf32>,
      %add3A_177 = arith.addf %get3A_176, %get3A_55 : vector<16xf32>
      %swap3A_178 = arith.index_cast %scan3A_146 : i32 to index
      %swap3A_179 = arith.constant 64 : index
      %swap3A_180 = tpu.vector_load %arg12[%swap3A_178, %swap3A_179] {strides = array<i32>} : memref<200x128xf32, #tpu.memory_space<vmem>>, vector<16xf32>,
      tpu.vector_store %arg12[%swap3A_178, %swap3A_179], %add3A_177 {strides = array<i32>} : memref<200x128xf32, #tpu.memory_space<vmem>>, vector<16xf32>,
      %get3A_181 = arith.index_cast %scan3A_146 : i32 to index
      %get3A_182 = arith.constant 80 : index
      %get3A_183 = tpu.vector_load %arg12[%get3A_181, %get3A_182] {strides = array<i32>} : memref<200x128xf32, #tpu.memory_space<vmem>>, vector<16xf32>,
      %add3A_184 = arith.addf %get3A_183, %get3A_59 : vector<16xf32>
      %swap3A_185 = arith.index_cast %scan3A_146 : i32 to index
      %swap3A_186 = arith.constant 80 : index
      %swap3A_187 = tpu.vector_load %arg12[%swap3A_185, %swap3A_186] {strides = array<i32>} : memref<200x128xf32, #tpu.memory_space<vmem>>, vector<16xf32>,
      tpu.vector_store %arg12[%swap3A_185, %swap3A_186], %add3A_184 {strides = array<i32>} : memref<200x128xf32, #tpu.memory_space<vmem>>, vector<16xf32>,
      %get3A_188 = arith.index_cast %scan3A_146 : i32 to index
      %get3A_189 = arith.constant 96 : index
      %get3A_190 = tpu.vector_load %arg12[%get3A_188, %get3A_189] {strides = array<i32>} : memref<200x128xf32, #tpu.memory_space<vmem>>, vector<16xf32>,
      %add3A_191 = arith.addf %get3A_190, %get3A_63 : vector<16xf32>
      %swap3A_192 = arith.index_cast %scan3A_146 : i32 to index
      %swap3A_193 = arith.constant 96 : index
      %swap3A_194 = tpu.vector_load %arg12[%swap3A_192, %swap3A_193] {strides = array<i32>} : memref<200x128xf32, #tpu.memory_space<vmem>>, vector<16xf32>,
      tpu.vector_store %arg12[%swap3A_192, %swap3A_193], %add3A_191 {strides = array<i32>} : memref<200x128xf32, #tpu.memory_space<vmem>>, vector<16xf32>,
      %get3A_195 = arith.index_cast %scan3A_146 : i32 to index
      %get3A_196 = arith.constant 112 : index
      %get3A_197 = tpu.vector_load %arg12[%get3A_195, %get3A_196] {strides = array<i32>} : memref<200x128xf32, #tpu.memory_space<vmem>>, vector<16xf32>,
      %add3A_198 = arith.addf %get3A_197, %get3A_67 : vector<16xf32>
      %swap3A_199 = arith.index_cast %scan3A_146 : i32 to index
      %swap3A_200 = arith.constant 112 : index
      %swap3A_201 = tpu.vector_load %arg12[%swap3A_199, %swap3A_200] {strides = array<i32>} : memref<200x128xf32, #tpu.memory_space<vmem>>, vector<16xf32>,
      tpu.vector_store %arg12[%swap3A_199, %swap3A_200], %add3A_198 {strides = array<i32>} : memref<200x128xf32, #tpu.memory_space<vmem>>, vector<16xf32>,
      %scan3A_202 = arith.constant 1 : i32
      %scan3A_203 = arith.addi %scan3A_146, %scan3A_202 : i32
      %get3A_204 = arith.index_cast %scan3A_203 : i32 to index
      %get3A_205 = arith.constant 0 : index
      %get3A_206 = tpu.vector_load %arg12[%get3A_204, %get3A_205] {strides = array<i32>} : memref<200x128xf32, #tpu.memory_space<vmem>>, vector<16xf32>,
      %add3A_207 = arith.addf %get3A_206, %get3A_39 : vector<16xf32>
      %swap3A_208 = arith.index_cast %scan3A_203 : i32 to index
      %swap3A_209 = arith.constant 0 : index
      %swap3A_210 = tpu.vector_load %arg12[%swap3A_208, %swap3A_209] {strides = array<i32>} : memref<200x128xf32, #tpu.memory_space<vmem>>, vector<16xf32>,
      tpu.vector_store %arg12[%swap3A_208, %swap3A_209], %add3A_207 {strides = array<i32>} : memref<200x128xf32, #tpu.memory_space<vmem>>, vector<16xf32>,
      %get3A_211 = arith.index_cast %scan3A_203 : i32 to index
      %get3A_212 = arith.constant 16 : index
      %get3A_213 = tpu.vector_load %arg12[%get3A_211, %get3A_212] {strides = array<i32>} : memref<200x128xf32, #tpu.memory_space<vmem>>, vector<16xf32>,
      %add3A_214 = arith.addf %get3A_213, %get3A_43 : vector<16xf32>
      %swap3A_215 = arith.index_cast %scan3A_203 : i32 to index
      %swap3A_216 = arith.constant 16 : index
      %swap3A_217 = tpu.vector_load %arg12[%swap3A_215, %swap3A_216] {strides = array<i32>} : memref<200x128xf32, #tpu.memory_space<vmem>>, vector<16xf32>,
      tpu.vector_store %arg12[%swap3A_215, %swap3A_216], %add3A_214 {strides = array<i32>} : memref<200x128xf32, #tpu.memory_space<vmem>>, vector<16xf32>,
      %get3A_218 = arith.index_cast %scan3A_203 : i32 to index
      %get3A_219 = arith.constant 32 : index
      %get3A_220 = tpu.vector_load %arg12[%get3A_218, %get3A_219] {strides = array<i32>} : memref<200x128xf32, #tpu.memory_space<vmem>>, vector<16xf32>,
      %add3A_221 = arith.addf %get3A_220, %get3A_47 : vector<16xf32>
      %swap3A_222 = arith.index_cast %scan3A_203 : i32 to index
      %swap3A_223 = arith.constant 32 : index
      %swap3A_224 = tpu.vector_load %arg12[%swap3A_222, %swap3A_223] {strides = array<i32>} : memref<200x128xf32, #tpu.memory_space<vmem>>, vector<16xf32>,
      tpu.vector_store %arg12[%swap3A_222, %swap3A_223], %add3A_221 {strides = array<i32>} : memref<200x128xf32, #tpu.memory_space<vmem>>, vector<16xf32>,
      %get3A_225 = arith.index_cast %scan3A_203 : i32 to index
      %get3A_226 = arith.constant 48 : index
      %get3A_227 = tpu.vector_load %arg12[%get3A_225, %get3A_226] {strides = array<i32>} : memref<200x128xf32, #tpu.memory_space<vmem>>, vector<16xf32>,
      %add3A_228 = arith.addf %get3A_227, %get3A_51 : vector<16xf32>
      %swap3A_229 = arith.index_cast %scan3A_203 : i32 to index
      %swap3A_230 = arith.constant 48 : index
      %swap3A_231 = tpu.vector_load %arg12[%swap3A_229, %swap3A_230] {strides = array<i32>} : memref<200x128xf32, #tpu.memory_space<vmem>>, vector<16xf32>,
      tpu.vector_store %arg12[%swap3A_229, %swap3A_230], %add3A_228 {strides = array<i32>} : memref<200x128xf32, #tpu.memory_space<vmem>>, vector<16xf32>,
      %get3A_232 = arith.index_cast %scan3A_203 : i32 to index
      %get3A_233 = arith.constant 64 : index
      %get3A_234 = tpu.vector_load %arg12[%get3A_232, %get3A_233] {strides = array<i32>} : memref<200x128xf32, #tpu.memory_space<vmem>>, vector<16xf32>,
      %add3A_235 = arith.addf %get3A_234, %get3A_55 : vector<16xf32>
      %swap3A_236 = arith.index_cast %scan3A_203 : i32 to index
      %swap3A_237 = arith.constant 64 : index
      %swap3A_238 = tpu.vector_load %arg12[%swap3A_236, %swap3A_237] {strides = array<i32>} : memref<200x128xf32, #tpu.memory_space<vmem>>, vector<16xf32>,
      tpu.vector_store %arg12[%swap3A_236, %swap3A_237], %add3A_235 {strides = array<i32>} : memref<200x128xf32, #tpu.memory_space<vmem>>, vector<16xf32>,
      %get3A_239 = arith.index_cast %scan3A_203 : i32 to index
      %get3A_240 = arith.constant 80 : index
      %get3A_241 = tpu.vector_load %arg12[%get3A_239, %get3A_240] {strides = array<i32>} : memref<200x128xf32, #tpu.memory_space<vmem>>, vector<16xf32>,
      %add3A_242 = arith.addf %get3A_241, %get3A_59 : vector<16xf32>
      %swap3A_243 = arith.index_cast %scan3A_203 : i32 to index
      %swap3A_244 = arith.constant 80 : index
      %swap3A_245 = tpu.vector_load %arg12[%swap3A_243, %swap3A_244] {strides = array<i32>} : memref<200x128xf32, #tpu.memory_space<vmem>>, vector<16xf32>,
      tpu.vector_store %arg12[%swap3A_243, %swap3A_244], %add3A_242 {strides = array<i32>} : memref<200x128xf32, #tpu.memory_space<vmem>>, vector<16xf32>,
      %get3A_246 = arith.index_cast %scan3A_203 : i32 to index
      %get3A_247 = arith.constant 96 : index
      %get3A_248 = tpu.vector_load %arg12[%get3A_246, %get3A_247] {strides = array<i32>} : memref<200x128xf32, #tpu.memory_space<vmem>>, vector<16xf32>,
      %add3A_249 = arith.addf %get3A_248, %get3A_63 : vector<16xf32>
      %swap3A_250 = arith.index_cast %scan3A_203 : i32 to index
      %swap3A_251 = arith.constant 96 : index
      %swap3A_252 = tpu.vector_load %arg12[%swap3A_250, %swap3A_251] {strides = array<i32>} : memref<200x128xf32, #tpu.memory_space<vmem>>, vector<16xf32>,
      tpu.vector_store %arg12[%swap3A_250, %swap3A_251], %add3A_249 {strides = array<i32>} : memref<200x128xf32, #tpu.memory_space<vmem>>, vector<16xf32>,
      %get3A_253 = arith.index_cast %scan3A_203 : i32 to index
      %get3A_254 = arith.constant 112 : index
      %get3A_255 = tpu.vector_load %arg12[%get3A_253, %get3A_254] {strides = array<i32>} : memref<200x128xf32, #tpu.memory_space<vmem>>, vector<16xf32>,
      %add3A_256 = arith.addf %get3A_255, %get3A_67 : vector<16xf32>
      %swap3A_257 = arith.index_cast %scan3A_203 : i32 to index
      %swap3A_258 = arith.constant 112 : index
      %swap3A_259 = tpu.vector_load %arg12[%swap3A_257, %swap3A_258] {strides = array<i32>} : memref<200x128xf32, #tpu.memory_space<vmem>>, vector<16xf32>,
      tpu.vector_store %arg12[%swap3A_257, %swap3A_258], %add3A_256 {strides = array<i32>} : memref<200x128xf32, #tpu.memory_space<vmem>>, vector<16xf32>,
    }
    %scan3A_114 = arith.constant 200 : i32
    %dma_start3A = arith.constant 0 : i32
    %dma_start3A_115 = arith.constant 0 : i32
    %dma_start3A_116 = tpu.memref_slice %arg10[%dma_start3A, %dma_start3A_115] : memref<64x100xi32, #tpu.memory_space<vmem>> -> memref<1x100xi32, #tpu.memory_space<vmem>>
    %dma_start3A_117 = tpu.memref_squeeze %dma_start3A_116 : memref<1x100xi32, #tpu.memory_space<vmem>> -> memref<100xi32, #tpu.memory_space<vmem>>
    %dma_start3A_118 = arith.constant 0 : i32
    %dma_start3A_119 = arith.constant 0 : i32
    %dma_start3A_120 = tpu.memref_slice %arg4[%dma_start3A_118, %dma_start3A_119] : memref<100000x128xf32, #tpu.memory_space<hbm>> -> memref<100000x128xf32, #tpu.memory_space<hbm>>
    tpu.enqueue_indirect_dma source(%dma_start3A_120 : memref<100000x128xf32, #tpu.memory_space<hbm>>) target(%arg16 : memref<100x128xf32, #tpu.memory_space<vmem>>) offsets(%dma_start3A_117 : memref<100xi32, #tpu.memory_space<vmem>>) semaphore(%arg20 : memref<!tpu.dma_semaphore, #tpu.memory_space<semaphore_mem>>)
    %dma_start3A_121 = arith.constant 1 : i32
    %dma_start3A_122 = arith.constant 0 : i32
    %dma_start3A_123 = tpu.memref_slice %arg10[%dma_start3A_121, %dma_start3A_122] : memref<64x100xi32, #tpu.memory_space<vmem>> -> memref<1x100xi32, #tpu.memory_space<vmem>>
    %dma_start3A_124 = tpu.memref_squeeze %dma_start3A_123 : memref<1x100xi32, #tpu.memory_space<vmem>> -> memref<100xi32, #tpu.memory_space<vmem>>
    %dma_start3A_125 = arith.constant 0 : i32
    %dma_start3A_126 = arith.constant 0 : i32
    %dma_start3A_127 = tpu.memref_slice %arg4[%dma_start3A_125, %dma_start3A_126] : memref<100000x128xf32, #tpu.memory_space<hbm>> -> memref<100000x128xf32, #tpu.memory_space<hbm>>
    tpu.enqueue_indirect_dma source(%dma_start3A_127 : memref<100000x128xf32, #tpu.memory_space<hbm>>) target(%arg17 : memref<100x128xf32, #tpu.memory_space<vmem>>) offsets(%dma_start3A_124 : memref<100xi32, #tpu.memory_space<vmem>>) semaphore(%arg21 : memref<!tpu.dma_semaphore, #tpu.memory_space<semaphore_mem>>)
    %dma_start3A_128 = arith.constant 2 : i32
    %dma_start3A_129 = arith.constant 0 : i32
    %dma_start3A_130 = tpu.memref_slice %arg10[%dma_start3A_128, %dma_start3A_129] : memref<64x100xi32, #tpu.memory_space<vmem>> -> memref<1x100xi32, #tpu.memory_space<vmem>>
    %dma_start3A_131 = tpu.memref_squeeze %dma_start3A_130 : memref<1x100xi32, #tpu.memory_space<vmem>> -> memref<100xi32, #tpu.memory_space<vmem>>
    %dma_start3A_132 = arith.constant 0 : i32
    %dma_start3A_133 = arith.constant 0 : i32
    %dma_start3A_134 = tpu.memref_slice %arg4[%dma_start3A_132, %dma_start3A_133] : memref<100000x128xf32, #tpu.memory_space<hbm>> -> memref<100000x128xf32, #tpu.memory_space<hbm>>
    tpu.enqueue_indirect_dma source(%dma_start3A_134 : memref<100000x128xf32, #tpu.memory_space<hbm>>) target(%arg18 : memref<100x128xf32, #tpu.memory_space<vmem>>) offsets(%dma_start3A_131 : memref<100xi32, #tpu.memory_space<vmem>>) semaphore(%arg22 : memref<!tpu.dma_semaphore, #tpu.memory_space<semaphore_mem>>)
    %scan3A_135 = arith.constant 0 : i32
    %scan3A_136 = arith.constant 0 : i32
    %scan3A_137 = arith.constant 16 : i32
    %scan3A_138 = arith.addi %scan3A_136, %scan3A_137 : i32
    %scan3A_139 = arith.constant 1 : i32
    scf.for %scan3A_146 = %scan3A_136 to %scan3A_138 step %scan3A_139  : i32 {
      %mul3A_147 = arith.constant 4 : i32
      %mul3A_148 = arith.muli %scan3A_146, %mul3A_147 : i32
      %add3A_149 = arith.constant 0 : i32
      %add3A_150 = arith.addi %mul3A_148, %add3A_149 : i32
      %mul3A_151 = arith.constant 100 : i32
      %mul3A_152 = arith.muli %add3A_150, %mul3A_151 : i32
      %dma_wait3A_153 = arith.constant 0 : i32
      %dma_wait3A_154 = arith.constant 0 : i32
      %dma_wait3A_155 = tpu.memref_slice %arg10[%dma_wait3A_153, %dma_wait3A_154] : memref<64x100xi32, #tpu.memory_space<vmem>> -> memref<1x100xi32, #tpu.memory_space<vmem>>
      %dma_wait3A_156 = tpu.memref_squeeze %dma_wait3A_155 : memref<1x100xi32, #tpu.memory_space<vmem>> -> memref<100xi32, #tpu.memory_space<vmem>>
      %dma_wait3A_157 = arith.constant 0 : i32
      %dma_wait3A_158 = arith.constant 0 : i32
      %dma_wait3A_159 = tpu.memref_slice %arg4[%dma_wait3A_157, %dma_wait3A_158] : memref<100000x128xf32, #tpu.memory_space<hbm>> -> memref<100000x128xf32, #tpu.memory_space<hbm>>
      tpu.wait_indirect_dma semaphore(%arg20 : memref<!tpu.dma_semaphore, #tpu.memory_space<semaphore_mem>>) src(%dma_wait3A_159 : memref<100000x128xf32, #tpu.memory_space<hbm>>) dst(%arg16 : memref<100x128xf32, #tpu.memory_space<vmem>>)
      %add3A_160 = arith.constant 0 : i32
      %add3A_161 = arith.addi %mul3A_152, %add3A_160 : i32
      %get3A_162 = arith.index_cast %add3A_161 : i32 to index
      %get3A_163 = tpu.vector_load %arg11[%get3A_162] {strides = array<i32>} : memref<6416xf32, #tpu.memory_space<vmem>>, vector<16xf32>,
      %mul3A_164 = arith.mulf %get3A_163, %convert_element_type3A_109 : vector<16xf32>
      %broadcast_in_dim3A = arith.constant true
      %broadcast_in_dim3A_165 = vector.broadcast %broadcast_in_dim3A : i1 to vector<16xi1>
      %masked_cumsum3A = tpu.scan <sum>, %mul3A_164 masked %broadcast_in_dim3A_165 : vector<16xf32>, vector<16xi1> -> vector<16xf32>
      %get3A_166 = arith.constant 0 : i32
      %get3A_167 = arith.index_cast %get3A_166 : i32 to index
      %get3A_168 = arith.constant 0 : index
      %get3A_169 = tpu.vector_load %arg16[%get3A_167, %get3A_168] {strides = array<i32>} : memref<100x128xf32, #tpu.memory_space<vmem>>, vector<16xf32>,
      %get3A_170 = arith.constant 0 : i32
      %get3A_171 = arith.index_cast %get3A_170 : i32 to index
      %get3A_172 = arith.constant 0 : index
      %get3A_173 = tpu.vector_load %arg12[%get3A_171, %get3A_172] {strides = array<i32>} : memref<200x128xf32, #tpu.memory_space<vmem>>, vector<16xf32>,
      %add3A_174 = arith.addf %get3A_169, %get3A_173 : vector<16xf32>
      %mul3A_175 = arith.mulf %masked_cumsum3A, %sub3A : vector<16xf32>
      %add3A_176 = arith.addf %add3A_174, %mul3A_175 : vector<16xf32>
      %swap3A = arith.constant 0 : i32
      %swap3A_177 = arith.index_cast %swap3A : i32 to index
      %swap3A_178 = arith.constant 0 : index
      %swap3A_179 = tpu.vector_load %arg16[%swap3A_177, %swap3A_178] {strides = array<i32>} : memref<100x128xf32, #tpu.memory_space<vmem>>, vector<16xf32>,
      tpu.vector_store %arg16[%swap3A_177, %swap3A_178], %add3A_176 {strides = array<i32>} : memref<100x128xf32, #tpu.memory_space<vmem>>, vector<16xf32>,
      %mul3A_180 = arith.mulf %add3A_176, %add3A_176 : vector<16xf32>
      %get3A_181 = arith.constant 0 : i32
      %get3A_182 = arith.index_cast %get3A_181 : i32 to index
      %get3A_183 = arith.constant 16 : index
      %get3A_184 = tpu.vector_load %arg16[%get3A_182, %get3A_183] {strides = array<i32>} : memref<100x128xf32, #tpu.memory_space<vmem>>, vector<16xf32>,
      %get3A_185 = arith.constant 0 : i32
      %get3A_186 = arith.index_cast %get3A_185 : i32 to index
      %get3A_187 = arith.constant 16 : index
      %get3A_188 = tpu.vector_load %arg12[%get3A_186, %get3A_187] {strides = array<i32>} : memref<200x128xf32, #tpu.memory_space<vmem>>, vector<16xf32>,
      %add3A_189 = arith.addf %get3A_184, %get3A_188 : vector<16xf32>
      %mul3A_190 = arith.mulf %masked_cumsum3A, %sub3A_76 : vector<16xf32>
      %add3A_191 = arith.addf %add3A_189, %mul3A_190 : vector<16xf32>
      %swap3A_192 = arith.constant 0 : i32
      %swap3A_193 = arith.index_cast %swap3A_192 : i32 to index
      %swap3A_194 = arith.constant 16 : index
      %swap3A_195 = tpu.vector_load %arg16[%swap3A_193, %swap3A_194] {strides = array<i32>} : memref<100x128xf32, #tpu.memory_space<vmem>>, vector<16xf32>,
      tpu.vector_store %arg16[%swap3A_193, %swap3A_194], %add3A_191 {strides = array<i32>} : memref<100x128xf32, #tpu.memory_space<vmem>>, vector<16xf32>,
      %add3A_196 = arith.addf %add3A_176, %add3A_191 : vector<16xf32>
      %mul3A_197 = arith.mulf %add3A_191, %add3A_191 : vector<16xf32>
      %add3A_198 = arith.addf %mul3A_180, %mul3A_197 : vector<16xf32>
      %get3A_199 = arith.constant 0 : i32
      %get3A_200 = arith.index_cast %get3A_199 : i32 to index
      %get3A_201 = arith.constant 32 : index
      %get3A_202 = tpu.vector_load %arg16[%get3A_200, %get3A_201] {strides = array<i32>} : memref<100x128xf32, #tpu.memory_space<vmem>>, vector<16xf32>,
      %get3A_203 = arith.constant 0 : i32
      %get3A_204 = arith.index_cast %get3A_203 : i32 to index
      %get3A_205 = arith.constant 32 : index
      %get3A_206 = tpu.vector_load %arg12[%get3A_204, %get3A_205] {strides = array<i32>} : memref<200x128xf32, #tpu.memory_space<vmem>>, vector<16xf32>,
      %add3A_207 = arith.addf %get3A_202, %get3A_206 : vector<16xf32>
      %mul3A_208 = arith.mulf %masked_cumsum3A, %sub3A_81 : vector<16xf32>
      %add3A_209 = arith.addf %add3A_207, %mul3A_208 : vector<16xf32>
      %swap3A_210 = arith.constant 0 : i32
      %swap3A_211 = arith.index_cast %swap3A_210 : i32 to index
      %swap3A_212 = arith.constant 32 : index
      %swap3A_213 = tpu.vector_load %arg16[%swap3A_211, %swap3A_212] {strides = array<i32>} : memref<100x128xf32, #tpu.memory_space<vmem>>, vector<16xf32>,
      tpu.vector_store %arg16[%swap3A_211, %swap3A_212], %add3A_209 {strides = array<i32>} : memref<100x128xf32, #tpu.memory_space<vmem>>, vector<16xf32>,
      %add3A_214 = arith.addf %add3A_196, %add3A_209 : vector<16xf32>
      %mul3A_215 = arith.mulf %add3A_209, %add3A_209 : vector<16xf32>
      %add3A_216 = arith.addf %add3A_198, %mul3A_215 : vector<16xf32>
      %get3A_217 = arith.constant 0 : i32
      %get3A_218 = arith.index_cast %get3A_217 : i32 to index
      %get3A_219 = arith.constant 48 : index
      %get3A_220 = tpu.vector_load %arg16[%get3A_218, %get3A_219] {strides = array<i32>} : memref<100x128xf32, #tpu.memory_space<vmem>>, vector<16xf32>,
      %get3A_221 = arith.constant 0 : i32
      %get3A_222 = arith.index_cast %get3A_221 : i32 to index
      %get3A_223 = arith.constant 48 : index
      %get3A_224 = tpu.vector_load %arg12[%get3A_222, %get3A_223] {strides = array<i32>} : memref<200x128xf32, #tpu.memory_space<vmem>>, vector<16xf32>,
      %add3A_225 = arith.addf %get3A_220, %get3A_224 : vector<16xf32>
      %mul3A_226 = arith.mulf %masked_cumsum3A, %sub3A_86 : vector<16xf32>
      %add3A_227 = arith.addf %add3A_225, %mul3A_226 : vector<16xf32>
      %swap3A_228 = arith.constant 0 : i32
      %swap3A_229 = arith.index_cast %swap3A_228 : i32 to index
      %swap3A_230 = arith.constant 48 : index
      %swap3A_231 = tpu.vector_load %arg16[%swap3A_229, %swap3A_230] {strides = array<i32>} : memref<100x128xf32, #tpu.memory_space<vmem>>, vector<16xf32>,
      tpu.vector_store %arg16[%swap3A_229, %swap3A_230], %add3A_227 {strides = array<i32>} : memref<100x128xf32, #tpu.memory_space<vmem>>, vector<16xf32>,
      %add3A_232 = arith.addf %add3A_214, %add3A_227 : vector<16xf32>
      %mul3A_233 = arith.mulf %add3A_227, %add3A_227 : vector<16xf32>
      %add3A_234 = arith.addf %add3A_216, %mul3A_233 : vector<16xf32>
      %get3A_235 = arith.constant 0 : i32
      %get3A_236 = arith.index_cast %get3A_235 : i32 to index
      %get3A_237 = arith.constant 64 : index
      %get3A_238 = tpu.vector_load %arg16[%get3A_236, %get3A_237] {strides = array<i32>} : memref<100x128xf32, #tpu.memory_space<vmem>>, vector<16xf32>,
      %get3A_239 = arith.constant 0 : i32
      %get3A_240 = arith.index_cast %get3A_239 : i32 to index
      %get3A_241 = arith.constant 64 : index
      %get3A_242 = tpu.vector_load %arg12[%get3A_240, %get3A_241] {strides = array<i32>} : memref<200x128xf32, #tpu.memory_space<vmem>>, vector<16xf32>,
      %add3A_243 = arith.addf %get3A_238, %get3A_242 : vector<16xf32>
      %mul3A_244 = arith.mulf %masked_cumsum3A, %sub3A_91 : vector<16xf32>
      %add3A_245 = arith.addf %add3A_243, %mul3A_244 : vector<16xf32>
      %swap3A_246 = arith.constant 0 : i32
      %swap3A_247 = arith.index_cast %swap3A_246 : i32 to index
      %swap3A_248 = arith.constant 64 : index
      %swap3A_249 = tpu.vector_load %arg16[%swap3A_247, %swap3A_248] {strides = array<i32>} : memref<100x128xf32, #tpu.memory_space<vmem>>, vector<16xf32>,
      tpu.vector_store %arg16[%swap3A_247, %swap3A_248], %add3A_245 {strides = array<i32>} : memref<100x128xf32, #tpu.memory_space<vmem>>, vector<16xf32>,
      %add3A_250 = arith.addf %add3A_232, %add3A_245 : vector<16xf32>
      %mul3A_251 = arith.mulf %add3A_245, %add3A_245 : vector<16xf32>
      %add3A_252 = arith.addf %add3A_234, %mul3A_251 : vector<16xf32>
      %get3A_253 = arith.constant 0 : i32
      %get3A_254 = arith.index_cast %get3A_253 : i32 to index
      %get3A_255 = arith.constant 80 : index
      %get3A_256 = tpu.vector_load %arg16[%get3A_254, %get3A_255] {strides = array<i32>} : memref<100x128xf32, #tpu.memory_space<vmem>>, vector<16xf32>,
      %get3A_257 = arith.constant 0 : i32
      %get3A_258 = arith.index_cast %get3A_257 : i32 to index
      %get3A_259 = arith.constant 80 : index
      %get3A_260 = tpu.vector_load %arg12[%get3A_258, %get3A_259] {strides = array<i32>} : memref<200x128xf32, #tpu.memory_space<vmem>>, vector<16xf32>,
      %add3A_261 = arith.addf %get3A_256, %get3A_260 : vector<16xf32>
      %mul3A_262 = arith.mulf %masked_cumsum3A, %sub3A_96 : vector<16xf32>
      %add3A_263 = arith.addf %add3A_261, %mul3A_262 : vector<16xf32>
      %swap3A_264 = arith.constant 0 : i32
      %swap3A_265 = arith.index_cast %swap3A_264 : i32 to index
      %swap3A_266 = arith.constant 80 : index
      %swap3A_267 = tpu.vector_load %arg16[%swap3A_265, %swap3A_266] {strides = array<i32>} : memref<100x128xf32, #tpu.memory_space<vmem>>, vector<16xf32>,
      tpu.vector_store %arg16[%swap3A_265, %swap3A_266], %add3A_263 {strides = array<i32>} : memref<100x128xf32, #tpu.memory_space<vmem>>, vector<16xf32>,
      %add3A_268 = arith.addf %add3A_250, %add3A_263 : vector<16xf32>
      %mul3A_269 = arith.mulf %add3A_263, %add3A_263 : vector<16xf32>
      %add3A_270 = arith.addf %add3A_252, %mul3A_269 : vector<16xf32>
      %get3A_271 = arith.constant 0 : i32
      %get3A_272 = arith.index_cast %get3A_271 : i32 to index
      %get3A_273 = arith.constant 96 : index
      %get3A_274 = tpu.vector_load %arg16[%get3A_272, %get3A_273] {strides = array<i32>} : memref<100x128xf32, #tpu.memory_space<vmem>>, vector<16xf32>,
      %get3A_275 = arith.constant 0 : i32
      %get3A_276 = arith.index_cast %get3A_275 : i32 to index
      %get3A_277 = arith.constant 96 : index
      %get3A_278 = tpu.vector_load %arg12[%get3A_276, %get3A_277] {strides = array<i32>} : memref<200x128xf32, #tpu.memory_space<vmem>>, vector<16xf32>,
      %add3A_279 = arith.addf %get3A_274, %get3A_278 : vector<16xf32>
      %mul3A_280 = arith.mulf %masked_cumsum3A, %sub3A_101 : vector<16xf32>
      %add3A_281 = arith.addf %add3A_279, %mul3A_280 : vector<16xf32>
      %swap3A_282 = arith.constant 0 : i32
      %swap3A_283 = arith.index_cast %swap3A_282 : i32 to index
      %swap3A_284 = arith.constant 96 : index
      %swap3A_285 = tpu.vector_load %arg16[%swap3A_283, %swap3A_284] {strides = array<i32>} : memref<100x128xf32, #tpu.memory_space<vmem>>, vector<16xf32>,
      tpu.vector_store %arg16[%swap3A_283, %swap3A_284], %add3A_281 {strides = array<i32>} : memref<100x128xf32, #tpu.memory_space<vmem>>, vector<16xf32>,
      %add3A_286 = arith.addf %add3A_268, %add3A_281 : vector<16xf32>
      %mul3A_287 = arith.mulf %add3A_281, %add3A_281 : vector<16xf32>
      %add3A_288 = arith.addf %add3A_270, %mul3A_287 : vector<16xf32>
      %get3A_289 = arith.constant 0 : i32
      %get3A_290 = arith.index_cast %get3A_289 : i32 to index
      %get3A_291 = arith.constant 112 : index
      %get3A_292 = tpu.vector_load %arg16[%get3A_290, %get3A_291] {strides = array<i32>} : memref<100x128xf32, #tpu.memory_space<vmem>>, vector<16xf32>,
      %get3A_293 = arith.constant 0 : i32
      %get3A_294 = arith.index_cast %get3A_293 : i32 to index
      %get3A_295 = arith.constant 112 : index
      %get3A_296 = tpu.vector_load %arg12[%get3A_294, %get3A_295] {strides = array<i32>} : memref<200x128xf32, #tpu.memory_space<vmem>>, vector<16xf32>,
      %add3A_297 = arith.addf %get3A_292, %get3A_296 : vector<16xf32>
      %mul3A_298 = arith.mulf %masked_cumsum3A, %sub3A_106 : vector<16xf32>
      %add3A_299 = arith.addf %add3A_297, %mul3A_298 : vector<16xf32>
      %swap3A_300 = arith.constant 0 : i32
      %swap3A_301 = arith.index_cast %swap3A_300 : i32 to index
      %swap3A_302 = arith.constant 112 : index
      %swap3A_303 = tpu.vector_load %arg16[%swap3A_301, %swap3A_302] {strides = array<i32>} : memref<100x128xf32, #tpu.memory_space<vmem>>, vector<16xf32>,
      tpu.vector_store %arg16[%swap3A_301, %swap3A_302], %add3A_299 {strides = array<i32>} : memref<100x128xf32, #tpu.memory_space<vmem>>, vector<16xf32>,
      %add3A_304 = arith.addf %add3A_286, %add3A_299 : vector<16xf32>
      %mul3A_305 = arith.mulf %add3A_299, %add3A_299 : vector<16xf32>
      %add3A_306 = arith.addf %add3A_288, %mul3A_305 : vector<16xf32>
      %scan3A_307 = arith.constant 1 : i32
      %scan3A_308 = arith.constant 99 : i32
      %scan3A_309 = arith.addi %scan3A_307, %scan3A_308 : i32
      %scan3A_310 = arith.constant 1 : i32
      %scan3A_311:2 = scf.for %scan3A_1482 = %scan3A_307 to %scan3A_309 step %scan3A_310 iter_args(%scan3A_1483 = %add3A_304, %scan3A_1484 = %add3A_306) -> (vector<16xf32>, vector<16xf32>)  : i32 {
        %add3A_1485 = arith.addi %mul3A_152, %scan3A_1482 : i32
        %get3A_1486 = arith.index_cast %add3A_1485 : i32 to index
        %get3A_1487 = tpu.vector_load %arg11[%get3A_1486] {strides = array<i32>} : memref<6416xf32, #tpu.memory_space<vmem>>, vector<16xf32>,
        %mul3A_1488 = arith.mulf %get3A_1487, %convert_element_type3A_109 : vector<16xf32>
        %broadcast_in_dim3A_1489 = arith.constant true
        %broadcast_in_dim3A_1490 = vector.broadcast %broadcast_in_dim3A_1489 : i1 to vector<16xi1>
        %masked_cumsum3A_1491 = tpu.scan <sum>, %mul3A_1488 masked %broadcast_in_dim3A_1490 : vector<16xf32>, vector<16xi1> -> vector<16xf32>
        %get3A_1492 = arith.index_cast %scan3A_1482 : i32 to index
        %get3A_1493 = arith.constant 0 : index
        %get3A_1494 = tpu.vector_load %arg16[%get3A_1492, %get3A_1493] {strides = array<i32>} : memref<100x128xf32, #tpu.memory_space<vmem>>, vector<16xf32>,
        %add3A_1495 = arith.constant 0 : i32
        %add3A_1496 = arith.addi %add3A_1495, %scan3A_1482 : i32
        %get3A_1497 = arith.index_cast %add3A_1496 : i32 to index
        %get3A_1498 = arith.constant 0 : index
        %get3A_1499 = tpu.vector_load %arg12[%get3A_1497, %get3A_1498] {strides = array<i32>} : memref<200x128xf32, #tpu.memory_space<vmem>>, vector<16xf32>,
        %add3A_1500 = arith.addf %get3A_1494, %get3A_1499 : vector<16xf32>
        %mul3A_1501 = arith.mulf %masked_cumsum3A_1491, %sub3A : vector<16xf32>
        %add3A_1502 = arith.addf %add3A_1500, %mul3A_1501 : vector<16xf32>
        %swap3A_1503 = arith.index_cast %scan3A_1482 : i32 to index
        %swap3A_1504 = arith.constant 0 : index
        %swap3A_1505 = tpu.vector_load %arg16[%swap3A_1503, %swap3A_1504] {strides = array<i32>} : memref<100x128xf32, #tpu.memory_space<vmem>>, vector<16xf32>,
        tpu.vector_store %arg16[%swap3A_1503, %swap3A_1504], %add3A_1502 {strides = array<i32>} : memref<100x128xf32, #tpu.memory_space<vmem>>, vector<16xf32>,
        %mul3A_1506 = arith.mulf %add3A_1502, %add3A_1502 : vector<16xf32>
        %get3A_1507 = arith.index_cast %scan3A_1482 : i32 to index
        %get3A_1508 = arith.constant 16 : index
        %get3A_1509 = tpu.vector_load %arg16[%get3A_1507, %get3A_1508] {strides = array<i32>} : memref<100x128xf32, #tpu.memory_space<vmem>>, vector<16xf32>,
        %add3A_1510 = arith.constant 0 : i32
        %add3A_1511 = arith.addi %add3A_1510, %scan3A_1482 : i32
        %get3A_1512 = arith.index_cast %add3A_1511 : i32 to index
        %get3A_1513 = arith.constant 16 : index
        %get3A_1514 = tpu.vector_load %arg12[%get3A_1512, %get3A_1513] {strides = array<i32>} : memref<200x128xf32, #tpu.memory_space<vmem>>, vector<16xf32>,
        %add3A_1515 = arith.addf %get3A_1509, %get3A_1514 : vector<16xf32>
        %mul3A_1516 = arith.mulf %masked_cumsum3A_1491, %sub3A_76 : vector<16xf32>
        %add3A_1517 = arith.addf %add3A_1515, %mul3A_1516 : vector<16xf32>
        %swap3A_1518 = arith.index_cast %scan3A_1482 : i32 to index
        %swap3A_1519 = arith.constant 16 : index
        %swap3A_1520 = tpu.vector_load %arg16[%swap3A_1518, %swap3A_1519] {strides = array<i32>} : memref<100x128xf32, #tpu.memory_space<vmem>>, vector<16xf32>,
        tpu.vector_store %arg16[%swap3A_1518, %swap3A_1519], %add3A_1517 {strides = array<i32>} : memref<100x128xf32, #tpu.memory_space<vmem>>, vector<16xf32>,
        %add3A_1521 = arith.addf %add3A_1502, %add3A_1517 : vector<16xf32>
        %mul3A_1522 = arith.mulf %add3A_1517, %add3A_1517 : vector<16xf32>
        %add3A_1523 = arith.addf %mul3A_1506, %mul3A_1522 : vector<16xf32>
        %get3A_1524 = arith.index_cast %scan3A_1482 : i32 to index
        %get3A_1525 = arith.constant 32 : index
        %get3A_1526 = tpu.vector_load %arg16[%get3A_1524, %get3A_1525] {strides = array<i32>} : memref<100x128xf32, #tpu.memory_space<vmem>>, vector<16xf32>,
        %add3A_1527 = arith.constant 0 : i32
        %add3A_1528 = arith.addi %add3A_1527, %scan3A_1482 : i32
        %get3A_1529 = arith.index_cast %add3A_1528 : i32 to index
        %get3A_1530 = arith.constant 32 : index
        %get3A_1531 = tpu.vector_load %arg12[%get3A_1529, %get3A_1530] {strides = array<i32>} : memref<200x128xf32, #tpu.memory_space<vmem>>, vector<16xf32>,
        %add3A_1532 = arith.addf %get3A_1526, %get3A_1531 : vector<16xf32>
        %mul3A_1533 = arith.mulf %masked_cumsum3A_1491, %sub3A_81 : vector<16xf32>
        %add3A_1534 = arith.addf %add3A_1532, %mul3A_1533 : vector<16xf32>
        %swap3A_1535 = arith.index_cast %scan3A_1482 : i32 to index
        %swap3A_1536 = arith.constant 32 : index
        %swap3A_1537 = tpu.vector_load %arg16[%swap3A_1535, %swap3A_1536] {strides = array<i32>} : memref<100x128xf32, #tpu.memory_space<vmem>>, vector<16xf32>,
        tpu.vector_store %arg16[%swap3A_1535, %swap3A_1536], %add3A_1534 {strides = array<i32>} : memref<100x128xf32, #tpu.memory_space<vmem>>, vector<16xf32>,
        %add3A_1538 = arith.addf %add3A_1521, %add3A_1534 : vector<16xf32>
        %mul3A_1539 = arith.mulf %add3A_1534, %add3A_1534 : vector<16xf32>
        %add3A_1540 = arith.addf %add3A_1523, %mul3A_1539 : vector<16xf32>
        %get3A_1541 = arith.index_cast %scan3A_1482 : i32 to index
        %get3A_1542 = arith.constant 48 : index
        %get3A_1543 = tpu.vector_load %arg16[%get3A_1541, %get3A_1542] {strides = array<i32>} : memref<100x128xf32, #tpu.memory_space<vmem>>, vector<16xf32>,
        %add3A_1544 = arith.constant 0 : i32
        %add3A_1545 = arith.addi %add3A_1544, %scan3A_1482 : i32
        %get3A_1546 = arith.index_cast %add3A_1545 : i32 to index
        %get3A_1547 = arith.constant 48 : index
        %get3A_1548 = tpu.vector_load %arg12[%get3A_1546, %get3A_1547] {strides = array<i32>} : memref<200x128xf32, #tpu.memory_space<vmem>>, vector<16xf32>,
        %add3A_1549 = arith.addf %get3A_1543, %get3A_1548 : vector<16xf32>
        %mul3A_1550 = arith.mulf %masked_cumsum3A_1491, %sub3A_86 : vector<16xf32>
        %add3A_1551 = arith.addf %add3A_1549, %mul3A_1550 : vector<16xf32>
        %swap3A_1552 = arith.index_cast %scan3A_1482 : i32 to index
        %swap3A_1553 = arith.constant 48 : index
        %swap3A_1554 = tpu.vector_load %arg16[%swap3A_1552, %swap3A_1553] {strides = array<i32>} : memref<100x128xf32, #tpu.memory_space<vmem>>, vector<16xf32>,
        tpu.vector_store %arg16[%swap3A_1552, %swap3A_1553], %add3A_1551 {strides = array<i32>} : memref<100x128xf32, #tpu.memory_space<vmem>>, vector<16xf32>,
        %add3A_1555 = arith.addf %add3A_1538, %add3A_1551 : vector<16xf32>
        %mul3A_1556 = arith.mulf %add3A_1551, %add3A_1551 : vector<16xf32>
        %add3A_1557 = arith.addf %add3A_1540, %mul3A_1556 : vector<16xf32>
        %get3A_1558 = arith.index_cast %scan3A_1482 : i32 to index
        %get3A_1559 = arith.constant 64 : index
        %get3A_1560 = tpu.vector_load %arg16[%get3A_1558, %get3A_1559] {strides = array<i32>} : memref<100x128xf32, #tpu.memory_space<vmem>>, vector<16xf32>,
        %add3A_1561 = arith.constant 0 : i32
        %add3A_1562 = arith.addi %add3A_1561, %scan3A_1482 : i32
        %get3A_1563 = arith.index_cast %add3A_1562 : i32 to index
        %get3A_1564 = arith.constant 64 : index
        %get3A_1565 = tpu.vector_load %arg12[%get3A_1563, %get3A_1564] {strides = array<i32>} : memref<200x128xf32, #tpu.memory_space<vmem>>, vector<16xf32>,
        %add3A_1566 = arith.addf %get3A_1560, %get3A_1565 : vector<16xf32>
        %mul3A_1567 = arith.mulf %masked_cumsum3A_1491, %sub3A_91 : vector<16xf32>
        %add3A_1568 = arith.addf %add3A_1566, %mul3A_1567 : vector<16xf32>
        %swap3A_1569 = arith.index_cast %scan3A_1482 : i32 to index
        %swap3A_1570 = arith.constant 64 : index
        %swap3A_1571 = tpu.vector_load %arg16[%swap3A_1569, %swap3A_1570] {strides = array<i32>} : memref<100x128xf32, #tpu.memory_space<vmem>>, vector<16xf32>,
        tpu.vector_store %arg16[%swap3A_1569, %swap3A_1570], %add3A_1568 {strides = array<i32>} : memref<100x128xf32, #tpu.memory_space<vmem>>, vector<16xf32>,
        %add3A_1572 = arith.addf %add3A_1555, %add3A_1568 : vector<16xf32>
        %mul3A_1573 = arith.mulf %add3A_1568, %add3A_1568 : vector<16xf32>
        %add3A_1574 = arith.addf %add3A_1557, %mul3A_1573 : vector<16xf32>
        %get3A_1575 = arith.index_cast %scan3A_1482 : i32 to index
        %get3A_1576 = arith.constant 80 : index
        %get3A_1577 = tpu.vector_load %arg16[%get3A_1575, %get3A_1576] {strides = array<i32>} : memref<100x128xf32, #tpu.memory_space<vmem>>, vector<16xf32>,
        %add3A_1578 = arith.constant 0 : i32
        %add3A_1579 = arith.addi %add3A_1578, %scan3A_1482 : i32
        %get3A_1580 = arith.index_cast %add3A_1579 : i32 to index
        %get3A_1581 = arith.constant 80 : index
        %get3A_1582 = tpu.vector_load %arg12[%get3A_1580, %get3A_1581] {strides = array<i32>} : memref<200x128xf32, #tpu.memory_space<vmem>>, vector<16xf32>,
        %add3A_1583 = arith.addf %get3A_1577, %get3A_1582 : vector<16xf32>
        %mul3A_1584 = arith.mulf %masked_cumsum3A_1491, %sub3A_96 : vector<16xf32>
        %add3A_1585 = arith.addf %add3A_1583, %mul3A_1584 : vector<16xf32>
        %swap3A_1586 = arith.index_cast %scan3A_1482 : i32 to index
        %swap3A_1587 = arith.constant 80 : index
        %swap3A_1588 = tpu.vector_load %arg16[%swap3A_1586, %swap3A_1587] {strides = array<i32>} : memref<100x128xf32, #tpu.memory_space<vmem>>, vector<16xf32>,
        tpu.vector_store %arg16[%swap3A_1586, %swap3A_1587], %add3A_1585 {strides = array<i32>} : memref<100x128xf32, #tpu.memory_space<vmem>>, vector<16xf32>,
        %add3A_1589 = arith.addf %add3A_1572, %add3A_1585 : vector<16xf32>
        %mul3A_1590 = arith.mulf %add3A_1585, %add3A_1585 : vector<16xf32>
        %add3A_1591 = arith.addf %add3A_1574, %mul3A_1590 : vector<16xf32>
        %get3A_1592 = arith.index_cast %scan3A_1482 : i32 to index
        %get3A_1593 = arith.constant 96 : index
        %get3A_1594 = tpu.vector_load %arg16[%get3A_1592, %get3A_1593] {strides = array<i32>} : memref<100x128xf32, #tpu.memory_space<vmem>>, vector<16xf32>,
        %add3A_1595 = arith.constant 0 : i32
        %add3A_1596 = arith.addi %add3A_1595, %scan3A_1482 : i32
        %get3A_1597 = arith.index_cast %add3A_1596 : i32 to index
        %get3A_1598 = arith.constant 96 : index
        %get3A_1599 = tpu.vector_load %arg12[%get3A_1597, %get3A_1598] {strides = array<i32>} : memref<200x128xf32, #tpu.memory_space<vmem>>, vector<16xf32>,
        %add3A_1600 = arith.addf %get3A_1594, %get3A_1599 : vector<16xf32>
        %mul3A_1601 = arith.mulf %masked_cumsum3A_1491, %sub3A_101 : vector<16xf32>
        %add3A_1602 = arith.addf %add3A_1600, %mul3A_1601 : vector<16xf32>
        %swap3A_1603 = arith.index_cast %scan3A_1482 : i32 to index
        %swap3A_1604 = arith.constant 96 : index
        %swap3A_1605 = tpu.vector_load %arg16[%swap3A_1603, %swap3A_1604] {strides = array<i32>} : memref<100x128xf32, #tpu.memory_space<vmem>>, vector<16xf32>,
        tpu.vector_store %arg16[%swap3A_1603, %swap3A_1604], %add3A_1602 {strides = array<i32>} : memref<100x128xf32, #tpu.memory_space<vmem>>, vector<16xf32>,
        %add3A_1606 = arith.addf %add3A_1589, %add3A_1602 : vector<16xf32>
        %mul3A_1607 = arith.mulf %add3A_1602, %add3A_1602 : vector<16xf32>
        %add3A_1608 = arith.addf %add3A_1591, %mul3A_1607 : vector<16xf32>
        %get3A_1609 = arith.index_cast %scan3A_1482 : i32 to index
        %get3A_1610 = arith.constant 112 : index
        %get3A_1611 = tpu.vector_load %arg16[%get3A_1609, %get3A_1610] {strides = array<i32>} : memref<100x128xf32, #tpu.memory_space<vmem>>, vector<16xf32>,
        %add3A_1612 = arith.constant 0 : i32
        %add3A_1613 = arith.addi %add3A_1612, %scan3A_1482 : i32
        %get3A_1614 = arith.index_cast %add3A_1613 : i32 to index
        %get3A_1615 = arith.constant 112 : index
        %get3A_1616 = tpu.vector_load %arg12[%get3A_1614, %get3A_1615] {strides = array<i32>} : memref<200x128xf32, #tpu.memory_space<vmem>>, vector<16xf32>,
        %add3A_1617 = arith.addf %get3A_1611, %get3A_1616 : vector<16xf32>
        %mul3A_1618 = arith.mulf %masked_cumsum3A_1491, %sub3A_106 : vector<16xf32>
        %add3A_1619 = arith.addf %add3A_1617, %mul3A_1618 : vector<16xf32>
        %swap3A_1620 = arith.index_cast %scan3A_1482 : i32 to index
        %swap3A_1621 = arith.constant 112 : index
        %swap3A_1622 = tpu.vector_load %arg16[%swap3A_1620, %swap3A_1621] {strides = array<i32>} : memref<100x128xf32, #tpu.memory_space<vmem>>, vector<16xf32>,
        tpu.vector_store %arg16[%swap3A_1620, %swap3A_1621], %add3A_1619 {strides = array<i32>} : memref<100x128xf32, #tpu.memory_space<vmem>>, vector<16xf32>,
        %add3A_1623 = arith.addf %add3A_1606, %add3A_1619 : vector<16xf32>
        %mul3A_1624 = arith.mulf %add3A_1619, %add3A_1619 : vector<16xf32>
        %add3A_1625 = arith.addf %add3A_1608, %mul3A_1624 : vector<16xf32>
        %sub3A_1626 = arith.constant 1 : i32
        %sub3A_1627 = arith.subi %scan3A_1482, %sub3A_1626 : i32
        %broadcast_in_dim3A_1628 = arith.constant true
        %broadcast_in_dim3A_1629 = vector.broadcast %broadcast_in_dim3A_1628 : i1 to vector<16xi1>
        %masked_cumsum3A_1630 = tpu.scan <sum>, %scan3A_1483 masked %broadcast_in_dim3A_1629 : vector<16xf32>, vector<16xi1> -> vector<16xf32>
        %rev3A_1631 = arith.constant 15 : i32
        %rev3A_1632 = vector.broadcast %rev3A_1631 : i32 to vector<16xi32>
        %rev3A_1633 = tpu.iota {dimensions = array<i32: 0>} : vector<16xi32>
        %rev3A_1634 = arith.subi %rev3A_1632, %rev3A_1633 : vector<16xi32>
        %rev3A_1635 = tpu.dynamic_gather %masked_cumsum3A_1630[%rev3A_1634] in [0] : vector<16xf32>, vector<16xi32> -> vector<16xf32>
        %mul3A_1636 = arith.mulf %rev3A_1635, %convert_element_type3A_109 : vector<16xf32>
        %broadcast_in_dim3A_1637 = arith.constant true
        %broadcast_in_dim3A_1638 = vector.broadcast %broadcast_in_dim3A_1637 : i1 to vector<16xi1>
        %masked_cumsum3A_1639 = tpu.scan <sum>, %mul3A_1636 masked %broadcast_in_dim3A_1638 : vector<16xf32>, vector<16xi1> -> vector<16xf32>
        %mul3A_1640 = arith.constant 7.812500e-03 : f32
        %mul3A_1641 = vector.broadcast %mul3A_1640 : f32 to vector<16xf32>
        %mul3A_1642 = arith.mulf %masked_cumsum3A_1639, %mul3A_1641 : vector<16xf32>
        %broadcast_in_dim3A_1643 = arith.constant true
        %broadcast_in_dim3A_1644 = vector.broadcast %broadcast_in_dim3A_1643 : i1 to vector<16xi1>
        %masked_cumsum3A_1645 = tpu.scan <sum>, %scan3A_1484 masked %broadcast_in_dim3A_1644 : vector<16xf32>, vector<16xi1> -> vector<16xf32>
        %rev3A_1646 = arith.constant 15 : i32
        %rev3A_1647 = vector.broadcast %rev3A_1646 : i32 to vector<16xi32>
        %rev3A_1648 = tpu.iota {dimensions = array<i32: 0>} : vector<16xi32>
        %rev3A_1649 = arith.subi %rev3A_1647, %rev3A_1648 : vector<16xi32>
        %rev3A_1650 = tpu.dynamic_gather %masked_cumsum3A_1645[%rev3A_1649] in [0] : vector<16xf32>, vector<16xi32> -> vector<16xf32>
        %mul3A_1651 = arith.mulf %rev3A_1650, %convert_element_type3A_109 : vector<16xf32>
        %broadcast_in_dim3A_1652 = arith.constant true
        %broadcast_in_dim3A_1653 = vector.broadcast %broadcast_in_dim3A_1652 : i1 to vector<16xi1>
        %masked_cumsum3A_1654 = tpu.scan <sum>, %mul3A_1651 masked %broadcast_in_dim3A_1653 : vector<16xf32>, vector<16xi1> -> vector<16xf32>
        %mul3A_1655 = arith.constant 7.812500e-03 : f32
        %mul3A_1656 = vector.broadcast %mul3A_1655 : f32 to vector<16xf32>
        %mul3A_1657 = arith.mulf %masked_cumsum3A_1654, %mul3A_1656 : vector<16xf32>
        %mul3A_1658 = arith.mulf %mul3A_1642, %mul3A_1642 : vector<16xf32>
        %sub3A_1659 = arith.subf %mul3A_1657, %mul3A_1658 : vector<16xf32>
        %add3A_1660 = arith.constant 9.99999974E-6 : f32
        %add3A_1661 = vector.broadcast %add3A_1660 : f32 to vector<16xf32>
        %add3A_1662 = arith.addf %sub3A_1659, %add3A_1661 : vector<16xf32>
        %mul3A_1663 = arith.constant 5.000000e-01 : f32
        %mul3A_1664 = vector.broadcast %mul3A_1663 : f32 to vector<16xf32>
        %mul3A_1665 = arith.mulf %mul3A_1664, %add3A_1662 : vector<16xf32>
        %bitcast3A_1666 = vector.bitcast %add3A_1662 : vector<16xf32> to vector<16xi32>
        %shift_right_arithmetic3A_1667 = arith.constant 1 : i32
        %shift_right_arithmetic3A_1668 = vector.broadcast %shift_right_arithmetic3A_1667 : i32 to vector<16xi32>
        %shift_right_arithmetic3A_1669 = arith.shrsi %bitcast3A_1666, %shift_right_arithmetic3A_1668 : vector<16xi32>
        %sub3A_1670 = arith.constant 1597463007 : i32
        %sub3A_1671 = vector.broadcast %sub3A_1670 : i32 to vector<16xi32>
        %sub3A_1672 = arith.subi %sub3A_1671, %shift_right_arithmetic3A_1669 : vector<16xi32>
        %bitcast3A_1673 = vector.bitcast %sub3A_1672 : vector<16xi32> to vector<16xf32>
        %mul3A_1674 = arith.mulf %mul3A_1665, %bitcast3A_1673 : vector<16xf32>
        %mul3A_1675 = arith.mulf %mul3A_1674, %bitcast3A_1673 : vector<16xf32>
        %sub3A_1676 = arith.constant 1.500000e+00 : f32
        %sub3A_1677 = vector.broadcast %sub3A_1676 : f32 to vector<16xf32>
        %sub3A_1678 = arith.subf %sub3A_1677, %mul3A_1675 : vector<16xf32>
        %mul3A_1679 = arith.mulf %bitcast3A_1673, %sub3A_1678 : vector<16xf32>
        %get3A_1680 = arith.index_cast %sub3A_1627 : i32 to index
        %get3A_1681 = arith.constant 0 : index
        %get3A_1682 = tpu.vector_load %arg16[%get3A_1680, %get3A_1681] {strides = array<i32>} : memref<100x128xf32, #tpu.memory_space<vmem>>, vector<16xf32>,
        %sub3A_1683 = arith.subf %get3A_1682, %mul3A_1642 : vector<16xf32>
        %mul3A_1684 = arith.mulf %sub3A_1683, %mul3A_1679 : vector<16xf32>
        %mul3A_1685 = arith.mulf %mul3A_1684, %get3A_5 : vector<16xf32>
        %add3A_1686 = arith.addf %mul3A_1685, %get3A_21 : vector<16xf32>
        %swap3A_1687 = arith.index_cast %sub3A_1627 : i32 to index
        %swap3A_1688 = arith.constant 0 : index
        %swap3A_1689 = tpu.vector_load %arg16[%swap3A_1687, %swap3A_1688] {strides = array<i32>} : memref<100x128xf32, #tpu.memory_space<vmem>>, vector<16xf32>,
        tpu.vector_store %arg16[%swap3A_1687, %swap3A_1688], %add3A_1686 {strides = array<i32>} : memref<100x128xf32, #tpu.memory_space<vmem>>, vector<16xf32>,
        %get3A_1690 = arith.index_cast %sub3A_1627 : i32 to index
        %get3A_1691 = arith.constant 16 : index
        %get3A_1692 = tpu.vector_load %arg16[%get3A_1690, %get3A_1691] {strides = array<i32>} : memref<100x128xf32, #tpu.memory_space<vmem>>, vector<16xf32>,
        %sub3A_1693 = arith.subf %get3A_1692, %mul3A_1642 : vector<16xf32>
        %mul3A_1694 = arith.mulf %sub3A_1693, %mul3A_1679 : vector<16xf32>
        %mul3A_1695 = arith.mulf %mul3A_1694, %get3A_7 : vector<16xf32>
        %add3A_1696 = arith.addf %mul3A_1695, %get3A_23 : vector<16xf32>
        %swap3A_1697 = arith.index_cast %sub3A_1627 : i32 to index
        %swap3A_1698 = arith.constant 16 : index
        %swap3A_1699 = tpu.vector_load %arg16[%swap3A_1697, %swap3A_1698] {strides = array<i32>} : memref<100x128xf32, #tpu.memory_space<vmem>>, vector<16xf32>,
        tpu.vector_store %arg16[%swap3A_1697, %swap3A_1698], %add3A_1696 {strides = array<i32>} : memref<100x128xf32, #tpu.memory_space<vmem>>, vector<16xf32>,
        %get3A_1700 = arith.index_cast %sub3A_1627 : i32 to index
        %get3A_1701 = arith.constant 32 : index
        %get3A_1702 = tpu.vector_load %arg16[%get3A_1700, %get3A_1701] {strides = array<i32>} : memref<100x128xf32, #tpu.memory_space<vmem>>, vector<16xf32>,
        %sub3A_1703 = arith.subf %get3A_1702, %mul3A_1642 : vector<16xf32>
        %mul3A_1704 = arith.mulf %sub3A_1703, %mul3A_1679 : vector<16xf32>
        %mul3A_1705 = arith.mulf %mul3A_1704, %get3A_9 : vector<16xf32>
        %add3A_1706 = arith.addf %mul3A_1705, %get3A_25 : vector<16xf32>
        %swap3A_1707 = arith.index_cast %sub3A_1627 : i32 to index
        %swap3A_1708 = arith.constant 32 : index
        %swap3A_1709 = tpu.vector_load %arg16[%swap3A_1707, %swap3A_1708] {strides = array<i32>} : memref<100x128xf32, #tpu.memory_space<vmem>>, vector<16xf32>,
        tpu.vector_store %arg16[%swap3A_1707, %swap3A_1708], %add3A_1706 {strides = array<i32>} : memref<100x128xf32, #tpu.memory_space<vmem>>, vector<16xf32>,
        %get3A_1710 = arith.index_cast %sub3A_1627 : i32 to index
        %get3A_1711 = arith.constant 48 : index
        %get3A_1712 = tpu.vector_load %arg16[%get3A_1710, %get3A_1711] {strides = array<i32>} : memref<100x128xf32, #tpu.memory_space<vmem>>, vector<16xf32>,
        %sub3A_1713 = arith.subf %get3A_1712, %mul3A_1642 : vector<16xf32>
        %mul3A_1714 = arith.mulf %sub3A_1713, %mul3A_1679 : vector<16xf32>
        %mul3A_1715 = arith.mulf %mul3A_1714, %get3A_11 : vector<16xf32>
        %add3A_1716 = arith.addf %mul3A_1715, %get3A_27 : vector<16xf32>
        %swap3A_1717 = arith.index_cast %sub3A_1627 : i32 to index
        %swap3A_1718 = arith.constant 48 : index
        %swap3A_1719 = tpu.vector_load %arg16[%swap3A_1717, %swap3A_1718] {strides = array<i32>} : memref<100x128xf32, #tpu.memory_space<vmem>>, vector<16xf32>,
        tpu.vector_store %arg16[%swap3A_1717, %swap3A_1718], %add3A_1716 {strides = array<i32>} : memref<100x128xf32, #tpu.memory_space<vmem>>, vector<16xf32>,
        %get3A_1720 = arith.index_cast %sub3A_1627 : i32 to index
        %get3A_1721 = arith.constant 64 : index
        %get3A_1722 = tpu.vector_load %arg16[%get3A_1720, %get3A_1721] {strides = array<i32>} : memref<100x128xf32, #tpu.memory_space<vmem>>, vector<16xf32>,
        %sub3A_1723 = arith.subf %get3A_1722, %mul3A_1642 : vector<16xf32>
        %mul3A_1724 = arith.mulf %sub3A_1723, %mul3A_1679 : vector<16xf32>
        %mul3A_1725 = arith.mulf %mul3A_1724, %get3A_13 : vector<16xf32>
        %add3A_1726 = arith.addf %mul3A_1725, %get3A_29 : vector<16xf32>
        %swap3A_1727 = arith.index_cast %sub3A_1627 : i32 to index
        %swap3A_1728 = arith.constant 64 : index
        %swap3A_1729 = tpu.vector_load %arg16[%swap3A_1727, %swap3A_1728] {strides = array<i32>} : memref<100x128xf32, #tpu.memory_space<vmem>>, vector<16xf32>,
        tpu.vector_store %arg16[%swap3A_1727, %swap3A_1728], %add3A_1726 {strides = array<i32>} : memref<100x128xf32, #tpu.memory_space<vmem>>, vector<16xf32>,
        %get3A_1730 = arith.index_cast %sub3A_1627 : i32 to index
        %get3A_1731 = arith.constant 80 : index
        %get3A_1732 = tpu.vector_load %arg16[%get3A_1730, %get3A_1731] {strides = array<i32>} : memref<100x128xf32, #tpu.memory_space<vmem>>, vector<16xf32>,
        %sub3A_1733 = arith.subf %get3A_1732, %mul3A_1642 : vector<16xf32>
        %mul3A_1734 = arith.mulf %sub3A_1733, %mul3A_1679 : vector<16xf32>
        %mul3A_1735 = arith.mulf %mul3A_1734, %get3A_15 : vector<16xf32>
        %add3A_1736 = arith.addf %mul3A_1735, %get3A_31 : vector<16xf32>
        %swap3A_1737 = arith.index_cast %sub3A_1627 : i32 to index
        %swap3A_1738 = arith.constant 80 : index
        %swap3A_1739 = tpu.vector_load %arg16[%swap3A_1737, %swap3A_1738] {strides = array<i32>} : memref<100x128xf32, #tpu.memory_space<vmem>>, vector<16xf32>,
        tpu.vector_store %arg16[%swap3A_1737, %swap3A_1738], %add3A_1736 {strides = array<i32>} : memref<100x128xf32, #tpu.memory_space<vmem>>, vector<16xf32>,
        %get3A_1740 = arith.index_cast %sub3A_1627 : i32 to index
        %get3A_1741 = arith.constant 96 : index
        %get3A_1742 = tpu.vector_load %arg16[%get3A_1740, %get3A_1741] {strides = array<i32>} : memref<100x128xf32, #tpu.memory_space<vmem>>, vector<16xf32>,
        %sub3A_1743 = arith.subf %get3A_1742, %mul3A_1642 : vector<16xf32>
        %mul3A_1744 = arith.mulf %sub3A_1743, %mul3A_1679 : vector<16xf32>
        %mul3A_1745 = arith.mulf %mul3A_1744, %get3A_17 : vector<16xf32>
        %add3A_1746 = arith.addf %mul3A_1745, %get3A_33 : vector<16xf32>
        %swap3A_1747 = arith.index_cast %sub3A_1627 : i32 to index
        %swap3A_1748 = arith.constant 96 : index
        %swap3A_1749 = tpu.vector_load %arg16[%swap3A_1747, %swap3A_1748] {strides = array<i32>} : memref<100x128xf32, #tpu.memory_space<vmem>>, vector<16xf32>,
        tpu.vector_store %arg16[%swap3A_1747, %swap3A_1748], %add3A_1746 {strides = array<i32>} : memref<100x128xf32, #tpu.memory_space<vmem>>, vector<16xf32>,
        %get3A_1750 = arith.index_cast %sub3A_1627 : i32 to index
        %get3A_1751 = arith.constant 112 : index
        %get3A_1752 = tpu.vector_load %arg16[%get3A_1750, %get3A_1751] {strides = array<i32>} : memref<100x128xf32, #tpu.memory_space<vmem>>, vector<16xf32>,
        %sub3A_1753 = arith.subf %get3A_1752, %mul3A_1642 : vector<16xf32>
        %mul3A_1754 = arith.mulf %sub3A_1753, %mul3A_1679 : vector<16xf32>
        %mul3A_1755 = arith.mulf %mul3A_1754, %get3A_19 : vector<16xf32>
        %add3A_1756 = arith.addf %mul3A_1755, %get3A_35 : vector<16xf32>
        %swap3A_1757 = arith.index_cast %sub3A_1627 : i32 to index
        %swap3A_1758 = arith.constant 112 : index
        %swap3A_1759 = tpu.vector_load %arg16[%swap3A_1757, %swap3A_1758] {strides = array<i32>} : memref<100x128xf32, #tpu.memory_space<vmem>>, vector<16xf32>,
        tpu.vector_store %arg16[%swap3A_1757, %swap3A_1758], %add3A_1756 {strides = array<i32>} : memref<100x128xf32, #tpu.memory_space<vmem>>, vector<16xf32>,
        scf.yield %add3A_1623, %add3A_1625 : vector<16xf32>, vector<16xf32>
      }
      %scan3A_312 = arith.constant 99 : i32
      %broadcast_in_dim3A_313 = arith.constant true
      %broadcast_in_dim3A_314 = vector.broadcast %broadcast_in_dim3A_313 : i1 to vector<16xi1>
      %masked_cumsum3A_315 = tpu.scan <sum>, %scan3A_311#0 masked %broadcast_in_dim3A_314 : vector<16xf32>, vector<16xi1> -> vector<16xf32>
      %rev3A = arith.constant 15 : i32
      %rev3A_316 = vector.broadcast %rev3A : i32 to vector<16xi32>
      %rev3A_317 = tpu.iota {dimensions = array<i32: 0>} : vector<16xi32>
      %rev3A_318 = arith.subi %rev3A_316, %rev3A_317 : vector<16xi32>
      %rev3A_319 = tpu.dynamic_gather %masked_cumsum3A_315[%rev3A_318] in [0] : vector<16xf32>, vector<16xi32> -> vector<16xf32>
      %mul3A_320 = arith.mulf %rev3A_319, %convert_element_type3A_109 : vector<16xf32>
      %broadcast_in_dim3A_321 = arith.constant true
      %broadcast_in_dim3A_322 = vector.broadcast %broadcast_in_dim3A_321 : i1 to vector<16xi1>
      %masked_cumsum3A_323 = tpu.scan <sum>, %mul3A_320 masked %broadcast_in_dim3A_322 : vector<16xf32>, vector<16xi1> -> vector<16xf32>
      %mul3A_324 = arith.constant 7.812500e-03 : f32
      %mul3A_325 = vector.broadcast %mul3A_324 : f32 to vector<16xf32>
      %mul3A_326 = arith.mulf %masked_cumsum3A_323, %mul3A_325 : vector<16xf32>
      %broadcast_in_dim3A_327 = arith.constant true
      %broadcast_in_dim3A_328 = vector.broadcast %broadcast_in_dim3A_327 : i1 to vector<16xi1>
      %masked_cumsum3A_329 = tpu.scan <sum>, %scan3A_311#1 masked %broadcast_in_dim3A_328 : vector<16xf32>, vector<16xi1> -> vector<16xf32>
      %rev3A_330 = arith.constant 15 : i32
      %rev3A_331 = vector.broadcast %rev3A_330 : i32 to vector<16xi32>
      %rev3A_332 = tpu.iota {dimensions = array<i32: 0>} : vector<16xi32>
      %rev3A_333 = arith.subi %rev3A_331, %rev3A_332 : vector<16xi32>
      %rev3A_334 = tpu.dynamic_gather %masked_cumsum3A_329[%rev3A_333] in [0] : vector<16xf32>, vector<16xi32> -> vector<16xf32>
      %mul3A_335 = arith.mulf %rev3A_334, %convert_element_type3A_109 : vector<16xf32>
      %broadcast_in_dim3A_336 = arith.constant true
      %broadcast_in_dim3A_337 = vector.broadcast %broadcast_in_dim3A_336 : i1 to vector<16xi1>
      %masked_cumsum3A_338 = tpu.scan <sum>, %mul3A_335 masked %broadcast_in_dim3A_337 : vector<16xf32>, vector<16xi1> -> vector<16xf32>
      %mul3A_339 = arith.constant 7.812500e-03 : f32
      %mul3A_340 = vector.broadcast %mul3A_339 : f32 to vector<16xf32>
      %mul3A_341 = arith.mulf %masked_cumsum3A_338, %mul3A_340 : vector<16xf32>
      %mul3A_342 = arith.mulf %mul3A_326, %mul3A_326 : vector<16xf32>
      %sub3A_343 = arith.subf %mul3A_341, %mul3A_342 : vector<16xf32>
      %add3A_344 = arith.constant 9.99999974E-6 : f32
      %add3A_345 = vector.broadcast %add3A_344 : f32 to vector<16xf32>
      %add3A_346 = arith.addf %sub3A_343, %add3A_345 : vector<16xf32>
      %mul3A_347 = arith.constant 5.000000e-01 : f32
      %mul3A_348 = vector.broadcast %mul3A_347 : f32 to vector<16xf32>
      %mul3A_349 = arith.mulf %mul3A_348, %add3A_346 : vector<16xf32>
      %bitcast3A = vector.bitcast %add3A_346 : vector<16xf32> to vector<16xi32>
      %shift_right_arithmetic3A = arith.constant 1 : i32
      %shift_right_arithmetic3A_350 = vector.broadcast %shift_right_arithmetic3A : i32 to vector<16xi32>
      %shift_right_arithmetic3A_351 = arith.shrsi %bitcast3A, %shift_right_arithmetic3A_350 : vector<16xi32>
      %sub3A_352 = arith.constant 1597463007 : i32
      %sub3A_353 = vector.broadcast %sub3A_352 : i32 to vector<16xi32>
      %sub3A_354 = arith.subi %sub3A_353, %shift_right_arithmetic3A_351 : vector<16xi32>
      %bitcast3A_355 = vector.bitcast %sub3A_354 : vector<16xi32> to vector<16xf32>
      %mul3A_356 = arith.mulf %mul3A_349, %bitcast3A_355 : vector<16xf32>
      %mul3A_357 = arith.mulf %mul3A_356, %bitcast3A_355 : vector<16xf32>
      %sub3A_358 = arith.constant 1.500000e+00 : f32
      %sub3A_359 = vector.broadcast %sub3A_358 : f32 to vector<16xf32>
      %sub3A_360 = arith.subf %sub3A_359, %mul3A_357 : vector<16xf32>
      %mul3A_361 = arith.mulf %bitcast3A_355, %sub3A_360 : vector<16xf32>
      %get3A_362 = arith.constant 99 : i32
      %get3A_363 = arith.index_cast %get3A_362 : i32 to index
      %get3A_364 = arith.constant 0 : index
      %get3A_365 = tpu.vector_load %arg16[%get3A_363, %get3A_364] {strides = array<i32>} : memref<100x128xf32, #tpu.memory_space<vmem>>, vector<16xf32>,
      %sub3A_366 = arith.subf %get3A_365, %mul3A_326 : vector<16xf32>
      %mul3A_367 = arith.mulf %sub3A_366, %mul3A_361 : vector<16xf32>
      %mul3A_368 = arith.mulf %mul3A_367, %get3A_5 : vector<16xf32>
      %add3A_369 = arith.addf %mul3A_368, %get3A_21 : vector<16xf32>
      %swap3A_370 = arith.constant 99 : i32
      %swap3A_371 = arith.index_cast %swap3A_370 : i32 to index
      %swap3A_372 = arith.constant 0 : index
      %swap3A_373 = tpu.vector_load %arg16[%swap3A_371, %swap3A_372] {strides = array<i32>} : memref<100x128xf32, #tpu.memory_space<vmem>>, vector<16xf32>,
      tpu.vector_store %arg16[%swap3A_371, %swap3A_372], %add3A_369 {strides = array<i32>} : memref<100x128xf32, #tpu.memory_space<vmem>>, vector<16xf32>,
      %get3A_374 = arith.constant 99 : i32
      %get3A_375 = arith.index_cast %get3A_374 : i32 to index
      %get3A_376 = arith.constant 16 : index
      %get3A_377 = tpu.vector_load %arg16[%get3A_375, %get3A_376] {strides = array<i32>} : memref<100x128xf32, #tpu.memory_space<vmem>>, vector<16xf32>,
      %sub3A_378 = arith.subf %get3A_377, %mul3A_326 : vector<16xf32>
      %mul3A_379 = arith.mulf %sub3A_378, %mul3A_361 : vector<16xf32>
      %mul3A_380 = arith.mulf %mul3A_379, %get3A_7 : vector<16xf32>
      %add3A_381 = arith.addf %mul3A_380, %get3A_23 : vector<16xf32>
      %swap3A_382 = arith.constant 99 : i32
      %swap3A_383 = arith.index_cast %swap3A_382 : i32 to index
      %swap3A_384 = arith.constant 16 : index
      %swap3A_385 = tpu.vector_load %arg16[%swap3A_383, %swap3A_384] {strides = array<i32>} : memref<100x128xf32, #tpu.memory_space<vmem>>, vector<16xf32>,
      tpu.vector_store %arg16[%swap3A_383, %swap3A_384], %add3A_381 {strides = array<i32>} : memref<100x128xf32, #tpu.memory_space<vmem>>, vector<16xf32>,
      %get3A_386 = arith.constant 99 : i32
      %get3A_387 = arith.index_cast %get3A_386 : i32 to index
      %get3A_388 = arith.constant 32 : index
      %get3A_389 = tpu.vector_load %arg16[%get3A_387, %get3A_388] {strides = array<i32>} : memref<100x128xf32, #tpu.memory_space<vmem>>, vector<16xf32>,
      %sub3A_390 = arith.subf %get3A_389, %mul3A_326 : vector<16xf32>
      %mul3A_391 = arith.mulf %sub3A_390, %mul3A_361 : vector<16xf32>
      %mul3A_392 = arith.mulf %mul3A_391, %get3A_9 : vector<16xf32>
      %add3A_393 = arith.addf %mul3A_392, %get3A_25 : vector<16xf32>
      %swap3A_394 = arith.constant 99 : i32
      %swap3A_395 = arith.index_cast %swap3A_394 : i32 to index
      %swap3A_396 = arith.constant 32 : index
      %swap3A_397 = tpu.vector_load %arg16[%swap3A_395, %swap3A_396] {strides = array<i32>} : memref<100x128xf32, #tpu.memory_space<vmem>>, vector<16xf32>,
      tpu.vector_store %arg16[%swap3A_395, %swap3A_396], %add3A_393 {strides = array<i32>} : memref<100x128xf32, #tpu.memory_space<vmem>>, vector<16xf32>,
      %get3A_398 = arith.constant 99 : i32
      %get3A_399 = arith.index_cast %get3A_398 : i32 to index
      %get3A_400 = arith.constant 48 : index
      %get3A_401 = tpu.vector_load %arg16[%get3A_399, %get3A_400] {strides = array<i32>} : memref<100x128xf32, #tpu.memory_space<vmem>>, vector<16xf32>,
      %sub3A_402 = arith.subf %get3A_401, %mul3A_326 : vector<16xf32>
      %mul3A_403 = arith.mulf %sub3A_402, %mul3A_361 : vector<16xf32>
      %mul3A_404 = arith.mulf %mul3A_403, %get3A_11 : vector<16xf32>
      %add3A_405 = arith.addf %mul3A_404, %get3A_27 : vector<16xf32>
      %swap3A_406 = arith.constant 99 : i32
      %swap3A_407 = arith.index_cast %swap3A_406 : i32 to index
      %swap3A_408 = arith.constant 48 : index
      %swap3A_409 = tpu.vector_load %arg16[%swap3A_407, %swap3A_408] {strides = array<i32>} : memref<100x128xf32, #tpu.memory_space<vmem>>, vector<16xf32>,
      tpu.vector_store %arg16[%swap3A_407, %swap3A_408], %add3A_405 {strides = array<i32>} : memref<100x128xf32, #tpu.memory_space<vmem>>, vector<16xf32>,
      %get3A_410 = arith.constant 99 : i32
      %get3A_411 = arith.index_cast %get3A_410 : i32 to index
      %get3A_412 = arith.constant 64 : index
      %get3A_413 = tpu.vector_load %arg16[%get3A_411, %get3A_412] {strides = array<i32>} : memref<100x128xf32, #tpu.memory_space<vmem>>, vector<16xf32>,
      %sub3A_414 = arith.subf %get3A_413, %mul3A_326 : vector<16xf32>
      %mul3A_415 = arith.mulf %sub3A_414, %mul3A_361 : vector<16xf32>
      %mul3A_416 = arith.mulf %mul3A_415, %get3A_13 : vector<16xf32>
      %add3A_417 = arith.addf %mul3A_416, %get3A_29 : vector<16xf32>
      %swap3A_418 = arith.constant 99 : i32
      %swap3A_419 = arith.index_cast %swap3A_418 : i32 to index
      %swap3A_420 = arith.constant 64 : index
      %swap3A_421 = tpu.vector_load %arg16[%swap3A_419, %swap3A_420] {strides = array<i32>} : memref<100x128xf32, #tpu.memory_space<vmem>>, vector<16xf32>,
      tpu.vector_store %arg16[%swap3A_419, %swap3A_420], %add3A_417 {strides = array<i32>} : memref<100x128xf32, #tpu.memory_space<vmem>>, vector<16xf32>,
      %get3A_422 = arith.constant 99 : i32
      %get3A_423 = arith.index_cast %get3A_422 : i32 to index
      %get3A_424 = arith.constant 80 : index
      %get3A_425 = tpu.vector_load %arg16[%get3A_423, %get3A_424] {strides = array<i32>} : memref<100x128xf32, #tpu.memory_space<vmem>>, vector<16xf32>,
      %sub3A_426 = arith.subf %get3A_425, %mul3A_326 : vector<16xf32>
      %mul3A_427 = arith.mulf %sub3A_426, %mul3A_361 : vector<16xf32>
      %mul3A_428 = arith.mulf %mul3A_427, %get3A_15 : vector<16xf32>
      %add3A_429 = arith.addf %mul3A_428, %get3A_31 : vector<16xf32>
      %swap3A_430 = arith.constant 99 : i32
      %swap3A_431 = arith.index_cast %swap3A_430 : i32 to index
      %swap3A_432 = arith.constant 80 : index
      %swap3A_433 = tpu.vector_load %arg16[%swap3A_431, %swap3A_432] {strides = array<i32>} : memref<100x128xf32, #tpu.memory_space<vmem>>, vector<16xf32>,
      tpu.vector_store %arg16[%swap3A_431, %swap3A_432], %add3A_429 {strides = array<i32>} : memref<100x128xf32, #tpu.memory_space<vmem>>, vector<16xf32>,
      %get3A_434 = arith.constant 99 : i32
      %get3A_435 = arith.index_cast %get3A_434 : i32 to index
      %get3A_436 = arith.constant 96 : index
      %get3A_437 = tpu.vector_load %arg16[%get3A_435, %get3A_436] {strides = array<i32>} : memref<100x128xf32, #tpu.memory_space<vmem>>, vector<16xf32>,
      %sub3A_438 = arith.subf %get3A_437, %mul3A_326 : vector<16xf32>
      %mul3A_439 = arith.mulf %sub3A_438, %mul3A_361 : vector<16xf32>
      %mul3A_440 = arith.mulf %mul3A_439, %get3A_17 : vector<16xf32>
      %add3A_441 = arith.addf %mul3A_440, %get3A_33 : vector<16xf32>
      %swap3A_442 = arith.constant 99 : i32
      %swap3A_443 = arith.index_cast %swap3A_442 : i32 to index
      %swap3A_444 = arith.constant 96 : index
      %swap3A_445 = tpu.vector_load %arg16[%swap3A_443, %swap3A_444] {strides = array<i32>} : memref<100x128xf32, #tpu.memory_space<vmem>>, vector<16xf32>,
      tpu.vector_store %arg16[%swap3A_443, %swap3A_444], %add3A_441 {strides = array<i32>} : memref<100x128xf32, #tpu.memory_space<vmem>>, vector<16xf32>,
      %get3A_446 = arith.constant 99 : i32
      %get3A_447 = arith.index_cast %get3A_446 : i32 to index
      %get3A_448 = arith.constant 112 : index
      %get3A_449 = tpu.vector_load %arg16[%get3A_447, %get3A_448] {strides = array<i32>} : memref<100x128xf32, #tpu.memory_space<vmem>>, vector<16xf32>,
      %sub3A_450 = arith.subf %get3A_449, %mul3A_326 : vector<16xf32>
      %mul3A_451 = arith.mulf %sub3A_450, %mul3A_361 : vector<16xf32>
      %mul3A_452 = arith.mulf %mul3A_451, %get3A_19 : vector<16xf32>
      %add3A_453 = arith.addf %mul3A_452, %get3A_35 : vector<16xf32>
      %swap3A_454 = arith.constant 99 : i32
      %swap3A_455 = arith.index_cast %swap3A_454 : i32 to index
      %swap3A_456 = arith.constant 112 : index
      %swap3A_457 = tpu.vector_load %arg16[%swap3A_455, %swap3A_456] {strides = array<i32>} : memref<100x128xf32, #tpu.memory_space<vmem>>, vector<16xf32>,
      tpu.vector_store %arg16[%swap3A_455, %swap3A_456], %add3A_453 {strides = array<i32>} : memref<100x128xf32, #tpu.memory_space<vmem>>, vector<16xf32>,
      %ge3A = arith.constant 1 : i32
      %ge3A_458 = arith.cmpi sge, %scan3A_146, %ge3A : i32
      %convert_element_type3A_459 = arith.extui %ge3A_458 : i1 to i32
      %cond3A = arith.constant 0 : i32
      %cond3A_460 = arith.cmpi ne, %convert_element_type3A_459, %cond3A : i32
      scf.if %cond3A_460 {
        %dma_wait3A_1482 = arith.constant 0 : i32
        %dma_wait3A_1483 = arith.constant 0 : i32
        %dma_wait3A_1484 = tpu.memref_slice %arg9[%dma_wait3A_1482, %dma_wait3A_1483] : memref<204800x128xf32, #tpu.memory_space<hbm>> -> memref<100x128xf32, #tpu.memory_space<hbm>>
        %dma_wait3A_1485 = arith.constant 0 : i32
        %dma_wait3A_1486 = arith.constant 0 : i32
        %dma_wait3A_1487 = tpu.memref_slice %arg9[%dma_wait3A_1485, %dma_wait3A_1486] : memref<204800x128xf32, #tpu.memory_space<hbm>> -> memref<100x128xf32, #tpu.memory_space<hbm>>
        tpu.wait_dma2 semaphore(%arg27 : memref<!tpu.dma_semaphore, #tpu.memory_space<semaphore_mem>>) src(%arg19 : memref<100x128xf32, #tpu.memory_space<vmem>>) dst(%dma_wait3A_1487 : memref<100x128xf32, #tpu.memory_space<hbm>>)
      } else {
      }
      %add3A_461 = arith.constant 4 : i32
      %add3A_462 = arith.addi %add3A_150, %add3A_461 : i32
      %sub3A_463 = arith.constant 1 : i32
      %sub3A_464 = arith.subi %add3A_462, %sub3A_463 : i32
      %dma_start3A_465 = arith.constant 0 : i32
      %dma_start3A_466 = tpu.memref_slice %arg10[%sub3A_464, %dma_start3A_465] : memref<64x100xi32, #tpu.memory_space<vmem>> -> memref<1x100xi32, #tpu.memory_space<vmem>>
      %dma_start3A_467 = tpu.memref_squeeze %dma_start3A_466 : memref<1x100xi32, #tpu.memory_space<vmem>> -> memref<100xi32, #tpu.memory_space<vmem>>
      %dma_start3A_468 = arith.constant 0 : i32
      %dma_start3A_469 = arith.constant 0 : i32
      %dma_start3A_470 = tpu.memref_slice %arg4[%dma_start3A_468, %dma_start3A_469] : memref<100000x128xf32, #tpu.memory_space<hbm>> -> memref<100000x128xf32, #tpu.memory_space<hbm>>
      tpu.enqueue_indirect_dma source(%dma_start3A_470 : memref<100000x128xf32, #tpu.memory_space<hbm>>) target(%arg19 : memref<100x128xf32, #tpu.memory_space<vmem>>) offsets(%dma_start3A_467 : memref<100xi32, #tpu.memory_space<vmem>>) semaphore(%arg23 : memref<!tpu.dma_semaphore, #tpu.memory_space<semaphore_mem>>)
      %mul3A_471 = arith.constant 100 : i32
      %mul3A_472 = arith.muli %add3A_150, %mul3A_471 : i32
      %add3A_473 = arith.addi %mul3A_2, %mul3A_472 : i32
      %dma_start3A_474 = arith.constant 0 : i32
      %dma_start3A_475 = tpu.memref_slice %arg9[%add3A_473, %dma_start3A_474] : memref<204800x128xf32, #tpu.memory_space<hbm>> -> memref<100x128xf32, #tpu.memory_space<hbm>>
      %dma_start3A_476 = arith.constant 0 : i32
      %dma_start3A_477 = tpu.memref_slice %arg9[%add3A_473, %dma_start3A_476] : memref<204800x128xf32, #tpu.memory_space<hbm>> -> memref<100x128xf32, #tpu.memory_space<hbm>>
      tpu.enqueue_dma source(%arg16 : memref<100x128xf32, #tpu.memory_space<vmem>>) target(%dma_start3A_477 : memref<100x128xf32, #tpu.memory_space<hbm>>) target_semaphore(%arg24 : memref<!tpu.dma_semaphore, #tpu.memory_space<semaphore_mem>>)
      %mul3A_478 = arith.constant 4 : i32
      %mul3A_479 = arith.muli %scan3A_146, %mul3A_478 : i32
      %add3A_480 = arith.constant 1 : i32
      %add3A_481 = arith.addi %mul3A_479, %add3A_480 : i32
      %mul3A_482 = arith.constant 100 : i32
      %mul3A_483 = arith.muli %add3A_481, %mul3A_482 : i32
      %dma_wait3A_484 = arith.constant 0 : i32
      %dma_wait3A_485 = arith.constant 0 : i32
      %dma_wait3A_486 = tpu.memref_slice %arg10[%dma_wait3A_484, %dma_wait3A_485] : memref<64x100xi32, #tpu.memory_space<vmem>> -> memref<1x100xi32, #tpu.memory_space<vmem>>
      %dma_wait3A_487 = tpu.memref_squeeze %dma_wait3A_486 : memref<1x100xi32, #tpu.memory_space<vmem>> -> memref<100xi32, #tpu.memory_space<vmem>>
      %dma_wait3A_488 = arith.constant 0 : i32
      %dma_wait3A_489 = arith.constant 0 : i32
      %dma_wait3A_490 = tpu.memref_slice %arg4[%dma_wait3A_488, %dma_wait3A_489] : memref<100000x128xf32, #tpu.memory_space<hbm>> -> memref<100000x128xf32, #tpu.memory_space<hbm>>
      tpu.wait_indirect_dma semaphore(%arg21 : memref<!tpu.dma_semaphore, #tpu.memory_space<semaphore_mem>>) src(%dma_wait3A_490 : memref<100000x128xf32, #tpu.memory_space<hbm>>) dst(%arg17 : memref<100x128xf32, #tpu.memory_space<vmem>>)
      %add3A_491 = arith.constant 0 : i32
      %add3A_492 = arith.addi %mul3A_483, %add3A_491 : i32
      %get3A_493 = arith.index_cast %add3A_492 : i32 to index
      %get3A_494 = tpu.vector_load %arg11[%get3A_493] {strides = array<i32>} : memref<6416xf32, #tpu.memory_space<vmem>>, vector<16xf32>,
      %mul3A_495 = arith.mulf %get3A_494, %convert_element_type3A_109 : vector<16xf32>
      %broadcast_in_dim3A_496 = arith.constant true
      %broadcast_in_dim3A_497 = vector.broadcast %broadcast_in_dim3A_496 : i1 to vector<16xi1>
      %masked_cumsum3A_498 = tpu.scan <sum>, %mul3A_495 masked %broadcast_in_dim3A_497 : vector<16xf32>, vector<16xi1> -> vector<16xf32>
      %get3A_499 = arith.constant 0 : i32
      %get3A_500 = arith.index_cast %get3A_499 : i32 to index
      %get3A_501 = arith.constant 0 : index
      %get3A_502 = tpu.vector_load %arg17[%get3A_500, %get3A_501] {strides = array<i32>} : memref<100x128xf32, #tpu.memory_space<vmem>>, vector<16xf32>,
      %get3A_503 = arith.constant 100 : i32
      %get3A_504 = arith.index_cast %get3A_503 : i32 to index
      %get3A_505 = arith.constant 0 : index
      %get3A_506 = tpu.vector_load %arg12[%get3A_504, %get3A_505] {strides = array<i32>} : memref<200x128xf32, #tpu.memory_space<vmem>>, vector<16xf32>,
      %add3A_507 = arith.addf %get3A_502, %get3A_506 : vector<16xf32>
      %mul3A_508 = arith.mulf %masked_cumsum3A_498, %sub3A : vector<16xf32>
      %add3A_509 = arith.addf %add3A_507, %mul3A_508 : vector<16xf32>
      %swap3A_510 = arith.constant 0 : i32
      %swap3A_511 = arith.index_cast %swap3A_510 : i32 to index
      %swap3A_512 = arith.constant 0 : index
      %swap3A_513 = tpu.vector_load %arg17[%swap3A_511, %swap3A_512] {strides = array<i32>} : memref<100x128xf32, #tpu.memory_space<vmem>>, vector<16xf32>,
      tpu.vector_store %arg17[%swap3A_511, %swap3A_512], %add3A_509 {strides = array<i32>} : memref<100x128xf32, #tpu.memory_space<vmem>>, vector<16xf32>,
      %mul3A_514 = arith.mulf %add3A_509, %add3A_509 : vector<16xf32>
      %get3A_515 = arith.constant 0 : i32
      %get3A_516 = arith.index_cast %get3A_515 : i32 to index
      %get3A_517 = arith.constant 16 : index
      %get3A_518 = tpu.vector_load %arg17[%get3A_516, %get3A_517] {strides = array<i32>} : memref<100x128xf32, #tpu.memory_space<vmem>>, vector<16xf32>,
      %get3A_519 = arith.constant 100 : i32
      %get3A_520 = arith.index_cast %get3A_519 : i32 to index
      %get3A_521 = arith.constant 16 : index
      %get3A_522 = tpu.vector_load %arg12[%get3A_520, %get3A_521] {strides = array<i32>} : memref<200x128xf32, #tpu.memory_space<vmem>>, vector<16xf32>,
      %add3A_523 = arith.addf %get3A_518, %get3A_522 : vector<16xf32>
      %mul3A_524 = arith.mulf %masked_cumsum3A_498, %sub3A_76 : vector<16xf32>
      %add3A_525 = arith.addf %add3A_523, %mul3A_524 : vector<16xf32>
      %swap3A_526 = arith.constant 0 : i32
      %swap3A_527 = arith.index_cast %swap3A_526 : i32 to index
      %swap3A_528 = arith.constant 16 : index
      %swap3A_529 = tpu.vector_load %arg17[%swap3A_527, %swap3A_528] {strides = array<i32>} : memref<100x128xf32, #tpu.memory_space<vmem>>, vector<16xf32>,
      tpu.vector_store %arg17[%swap3A_527, %swap3A_528], %add3A_525 {strides = array<i32>} : memref<100x128xf32, #tpu.memory_space<vmem>>, vector<16xf32>,
      %add3A_530 = arith.addf %add3A_509, %add3A_525 : vector<16xf32>
      %mul3A_531 = arith.mulf %add3A_525, %add3A_525 : vector<16xf32>
      %add3A_532 = arith.addf %mul3A_514, %mul3A_531 : vector<16xf32>
      %get3A_533 = arith.constant 0 : i32
      %get3A_534 = arith.index_cast %get3A_533 : i32 to index
      %get3A_535 = arith.constant 32 : index
      %get3A_536 = tpu.vector_load %arg17[%get3A_534, %get3A_535] {strides = array<i32>} : memref<100x128xf32, #tpu.memory_space<vmem>>, vector<16xf32>,
      %get3A_537 = arith.constant 100 : i32
      %get3A_538 = arith.index_cast %get3A_537 : i32 to index
      %get3A_539 = arith.constant 32 : index
      %get3A_540 = tpu.vector_load %arg12[%get3A_538, %get3A_539] {strides = array<i32>} : memref<200x128xf32, #tpu.memory_space<vmem>>, vector<16xf32>,
      %add3A_541 = arith.addf %get3A_536, %get3A_540 : vector<16xf32>
      %mul3A_542 = arith.mulf %masked_cumsum3A_498, %sub3A_81 : vector<16xf32>
      %add3A_543 = arith.addf %add3A_541, %mul3A_542 : vector<16xf32>
      %swap3A_544 = arith.constant 0 : i32
      %swap3A_545 = arith.index_cast %swap3A_544 : i32 to index
      %swap3A_546 = arith.constant 32 : index
      %swap3A_547 = tpu.vector_load %arg17[%swap3A_545, %swap3A_546] {strides = array<i32>} : memref<100x128xf32, #tpu.memory_space<vmem>>, vector<16xf32>,
      tpu.vector_store %arg17[%swap3A_545, %swap3A_546], %add3A_543 {strides = array<i32>} : memref<100x128xf32, #tpu.memory_space<vmem>>, vector<16xf32>,
      %add3A_548 = arith.addf %add3A_530, %add3A_543 : vector<16xf32>
      %mul3A_549 = arith.mulf %add3A_543, %add3A_543 : vector<16xf32>
      %add3A_550 = arith.addf %add3A_532, %mul3A_549 : vector<16xf32>
      %get3A_551 = arith.constant 0 : i32
      %get3A_552 = arith.index_cast %get3A_551 : i32 to index
      %get3A_553 = arith.constant 48 : index
      %get3A_554 = tpu.vector_load %arg17[%get3A_552, %get3A_553] {strides = array<i32>} : memref<100x128xf32, #tpu.memory_space<vmem>>, vector<16xf32>,
      %get3A_555 = arith.constant 100 : i32
      %get3A_556 = arith.index_cast %get3A_555 : i32 to index
      %get3A_557 = arith.constant 48 : index
      %get3A_558 = tpu.vector_load %arg12[%get3A_556, %get3A_557] {strides = array<i32>} : memref<200x128xf32, #tpu.memory_space<vmem>>, vector<16xf32>,
      %add3A_559 = arith.addf %get3A_554, %get3A_558 : vector<16xf32>
      %mul3A_560 = arith.mulf %masked_cumsum3A_498, %sub3A_86 : vector<16xf32>
      %add3A_561 = arith.addf %add3A_559, %mul3A_560 : vector<16xf32>
      %swap3A_562 = arith.constant 0 : i32
      %swap3A_563 = arith.index_cast %swap3A_562 : i32 to index
      %swap3A_564 = arith.constant 48 : index
      %swap3A_565 = tpu.vector_load %arg17[%swap3A_563, %swap3A_564] {strides = array<i32>} : memref<100x128xf32, #tpu.memory_space<vmem>>, vector<16xf32>,
      tpu.vector_store %arg17[%swap3A_563, %swap3A_564], %add3A_561 {strides = array<i32>} : memref<100x128xf32, #tpu.memory_space<vmem>>, vector<16xf32>,
      %add3A_566 = arith.addf %add3A_548, %add3A_561 : vector<16xf32>
      %mul3A_567 = arith.mulf %add3A_561, %add3A_561 : vector<16xf32>
      %add3A_568 = arith.addf %add3A_550, %mul3A_567 : vector<16xf32>
      %get3A_569 = arith.constant 0 : i32
      %get3A_570 = arith.index_cast %get3A_569 : i32 to index
      %get3A_571 = arith.constant 64 : index
      %get3A_572 = tpu.vector_load %arg17[%get3A_570, %get3A_571] {strides = array<i32>} : memref<100x128xf32, #tpu.memory_space<vmem>>, vector<16xf32>,
      %get3A_573 = arith.constant 100 : i32
      %get3A_574 = arith.index_cast %get3A_573 : i32 to index
      %get3A_575 = arith.constant 64 : index
      %get3A_576 = tpu.vector_load %arg12[%get3A_574, %get3A_575] {strides = array<i32>} : memref<200x128xf32, #tpu.memory_space<vmem>>, vector<16xf32>,
      %add3A_577 = arith.addf %get3A_572, %get3A_576 : vector<16xf32>
      %mul3A_578 = arith.mulf %masked_cumsum3A_498, %sub3A_91 : vector<16xf32>
      %add3A_579 = arith.addf %add3A_577, %mul3A_578 : vector<16xf32>
      %swap3A_580 = arith.constant 0 : i32
      %swap3A_581 = arith.index_cast %swap3A_580 : i32 to index
      %swap3A_582 = arith.constant 64 : index
      %swap3A_583 = tpu.vector_load %arg17[%swap3A_581, %swap3A_582] {strides = array<i32>} : memref<100x128xf32, #tpu.memory_space<vmem>>, vector<16xf32>,
      tpu.vector_store %arg17[%swap3A_581, %swap3A_582], %add3A_579 {strides = array<i32>} : memref<100x128xf32, #tpu.memory_space<vmem>>, vector<16xf32>,
      %add3A_584 = arith.addf %add3A_566, %add3A_579 : vector<16xf32>
      %mul3A_585 = arith.mulf %add3A_579, %add3A_579 : vector<16xf32>
      %add3A_586 = arith.addf %add3A_568, %mul3A_585 : vector<16xf32>
      %get3A_587 = arith.constant 0 : i32
      %get3A_588 = arith.index_cast %get3A_587 : i32 to index
      %get3A_589 = arith.constant 80 : index
      %get3A_590 = tpu.vector_load %arg17[%get3A_588, %get3A_589] {strides = array<i32>} : memref<100x128xf32, #tpu.memory_space<vmem>>, vector<16xf32>,
      %get3A_591 = arith.constant 100 : i32
      %get3A_592 = arith.index_cast %get3A_591 : i32 to index
      %get3A_593 = arith.constant 80 : index
      %get3A_594 = tpu.vector_load %arg12[%get3A_592, %get3A_593] {strides = array<i32>} : memref<200x128xf32, #tpu.memory_space<vmem>>, vector<16xf32>,
      %add3A_595 = arith.addf %get3A_590, %get3A_594 : vector<16xf32>
      %mul3A_596 = arith.mulf %masked_cumsum3A_498, %sub3A_96 : vector<16xf32>
      %add3A_597 = arith.addf %add3A_595, %mul3A_596 : vector<16xf32>
      %swap3A_598 = arith.constant 0 : i32
      %swap3A_599 = arith.index_cast %swap3A_598 : i32 to index
      %swap3A_600 = arith.constant 80 : index
      %swap3A_601 = tpu.vector_load %arg17[%swap3A_599, %swap3A_600] {strides = array<i32>} : memref<100x128xf32, #tpu.memory_space<vmem>>, vector<16xf32>,
      tpu.vector_store %arg17[%swap3A_599, %swap3A_600], %add3A_597 {strides = array<i32>} : memref<100x128xf32, #tpu.memory_space<vmem>>, vector<16xf32>,
      %add3A_602 = arith.addf %add3A_584, %add3A_597 : vector<16xf32>
      %mul3A_603 = arith.mulf %add3A_597, %add3A_597 : vector<16xf32>
      %add3A_604 = arith.addf %add3A_586, %mul3A_603 : vector<16xf32>
      %get3A_605 = arith.constant 0 : i32
      %get3A_606 = arith.index_cast %get3A_605 : i32 to index
      %get3A_607 = arith.constant 96 : index
      %get3A_608 = tpu.vector_load %arg17[%get3A_606, %get3A_607] {strides = array<i32>} : memref<100x128xf32, #tpu.memory_space<vmem>>, vector<16xf32>,
      %get3A_609 = arith.constant 100 : i32
      %get3A_610 = arith.index_cast %get3A_609 : i32 to index
      %get3A_611 = arith.constant 96 : index
      %get3A_612 = tpu.vector_load %arg12[%get3A_610, %get3A_611] {strides = array<i32>} : memref<200x128xf32, #tpu.memory_space<vmem>>, vector<16xf32>,
      %add3A_613 = arith.addf %get3A_608, %get3A_612 : vector<16xf32>
      %mul3A_614 = arith.mulf %masked_cumsum3A_498, %sub3A_101 : vector<16xf32>
      %add3A_615 = arith.addf %add3A_613, %mul3A_614 : vector<16xf32>
      %swap3A_616 = arith.constant 0 : i32
      %swap3A_617 = arith.index_cast %swap3A_616 : i32 to index
      %swap3A_618 = arith.constant 96 : index
      %swap3A_619 = tpu.vector_load %arg17[%swap3A_617, %swap3A_618] {strides = array<i32>} : memref<100x128xf32, #tpu.memory_space<vmem>>, vector<16xf32>,
      tpu.vector_store %arg17[%swap3A_617, %swap3A_618], %add3A_615 {strides = array<i32>} : memref<100x128xf32, #tpu.memory_space<vmem>>, vector<16xf32>,
      %add3A_620 = arith.addf %add3A_602, %add3A_615 : vector<16xf32>
      %mul3A_621 = arith.mulf %add3A_615, %add3A_615 : vector<16xf32>
      %add3A_622 = arith.addf %add3A_604, %mul3A_621 : vector<16xf32>
      %get3A_623 = arith.constant 0 : i32
      %get3A_624 = arith.index_cast %get3A_623 : i32 to index
      %get3A_625 = arith.constant 112 : index
      %get3A_626 = tpu.vector_load %arg17[%get3A_624, %get3A_625] {strides = array<i32>} : memref<100x128xf32, #tpu.memory_space<vmem>>, vector<16xf32>,
      %get3A_627 = arith.constant 100 : i32
      %get3A_628 = arith.index_cast %get3A_627 : i32 to index
      %get3A_629 = arith.constant 112 : index
      %get3A_630 = tpu.vector_load %arg12[%get3A_628, %get3A_629] {strides = array<i32>} : memref<200x128xf32, #tpu.memory_space<vmem>>, vector<16xf32>,
      %add3A_631 = arith.addf %get3A_626, %get3A_630 : vector<16xf32>
      %mul3A_632 = arith.mulf %masked_cumsum3A_498, %sub3A_106 : vector<16xf32>
      %add3A_633 = arith.addf %add3A_631, %mul3A_632 : vector<16xf32>
      %swap3A_634 = arith.constant 0 : i32
      %swap3A_635 = arith.index_cast %swap3A_634 : i32 to index
      %swap3A_636 = arith.constant 112 : index
      %swap3A_637 = tpu.vector_load %arg17[%swap3A_635, %swap3A_636] {strides = array<i32>} : memref<100x128xf32, #tpu.memory_space<vmem>>, vector<16xf32>,
      tpu.vector_store %arg17[%swap3A_635, %swap3A_636], %add3A_633 {strides = array<i32>} : memref<100x128xf32, #tpu.memory_space<vmem>>, vector<16xf32>,
      %add3A_638 = arith.addf %add3A_620, %add3A_633 : vector<16xf32>
      %mul3A_639 = arith.mulf %add3A_633, %add3A_633 : vector<16xf32>
      %add3A_640 = arith.addf %add3A_622, %mul3A_639 : vector<16xf32>
      %scan3A_641 = arith.constant 1 : i32
      %scan3A_642 = arith.constant 99 : i32
      %scan3A_643 = arith.addi %scan3A_641, %scan3A_642 : i32
      %scan3A_644 = arith.constant 1 : i32
      %scan3A_645:2 = scf.for %scan3A_1482 = %scan3A_641 to %scan3A_643 step %scan3A_644 iter_args(%scan3A_1483 = %add3A_638, %scan3A_1484 = %add3A_640) -> (vector<16xf32>, vector<16xf32>)  : i32 {
        %add3A_1485 = arith.addi %mul3A_483, %scan3A_1482 : i32
        %get3A_1486 = arith.index_cast %add3A_1485 : i32 to index
        %get3A_1487 = tpu.vector_load %arg11[%get3A_1486] {strides = array<i32>} : memref<6416xf32, #tpu.memory_space<vmem>>, vector<16xf32>,
        %mul3A_1488 = arith.mulf %get3A_1487, %convert_element_type3A_109 : vector<16xf32>
        %broadcast_in_dim3A_1489 = arith.constant true
        %broadcast_in_dim3A_1490 = vector.broadcast %broadcast_in_dim3A_1489 : i1 to vector<16xi1>
        %masked_cumsum3A_1491 = tpu.scan <sum>, %mul3A_1488 masked %broadcast_in_dim3A_1490 : vector<16xf32>, vector<16xi1> -> vector<16xf32>
        %get3A_1492 = arith.index_cast %scan3A_1482 : i32 to index
        %get3A_1493 = arith.constant 0 : index
        %get3A_1494 = tpu.vector_load %arg17[%get3A_1492, %get3A_1493] {strides = array<i32>} : memref<100x128xf32, #tpu.memory_space<vmem>>, vector<16xf32>,
        %add3A_1495 = arith.constant 100 : i32
        %add3A_1496 = arith.addi %add3A_1495, %scan3A_1482 : i32
        %get3A_1497 = arith.index_cast %add3A_1496 : i32 to index
        %get3A_1498 = arith.constant 0 : index
        %get3A_1499 = tpu.vector_load %arg12[%get3A_1497, %get3A_1498] {strides = array<i32>} : memref<200x128xf32, #tpu.memory_space<vmem>>, vector<16xf32>,
        %add3A_1500 = arith.addf %get3A_1494, %get3A_1499 : vector<16xf32>
        %mul3A_1501 = arith.mulf %masked_cumsum3A_1491, %sub3A : vector<16xf32>
        %add3A_1502 = arith.addf %add3A_1500, %mul3A_1501 : vector<16xf32>
        %swap3A_1503 = arith.index_cast %scan3A_1482 : i32 to index
        %swap3A_1504 = arith.constant 0 : index
        %swap3A_1505 = tpu.vector_load %arg17[%swap3A_1503, %swap3A_1504] {strides = array<i32>} : memref<100x128xf32, #tpu.memory_space<vmem>>, vector<16xf32>,
        tpu.vector_store %arg17[%swap3A_1503, %swap3A_1504], %add3A_1502 {strides = array<i32>} : memref<100x128xf32, #tpu.memory_space<vmem>>, vector<16xf32>,
        %mul3A_1506 = arith.mulf %add3A_1502, %add3A_1502 : vector<16xf32>
        %get3A_1507 = arith.index_cast %scan3A_1482 : i32 to index
        %get3A_1508 = arith.constant 16 : index
        %get3A_1509 = tpu.vector_load %arg17[%get3A_1507, %get3A_1508] {strides = array<i32>} : memref<100x128xf32, #tpu.memory_space<vmem>>, vector<16xf32>,
        %add3A_1510 = arith.constant 100 : i32
        %add3A_1511 = arith.addi %add3A_1510, %scan3A_1482 : i32
        %get3A_1512 = arith.index_cast %add3A_1511 : i32 to index
        %get3A_1513 = arith.constant 16 : index
        %get3A_1514 = tpu.vector_load %arg12[%get3A_1512, %get3A_1513] {strides = array<i32>} : memref<200x128xf32, #tpu.memory_space<vmem>>, vector<16xf32>,
        %add3A_1515 = arith.addf %get3A_1509, %get3A_1514 : vector<16xf32>
        %mul3A_1516 = arith.mulf %masked_cumsum3A_1491, %sub3A_76 : vector<16xf32>
        %add3A_1517 = arith.addf %add3A_1515, %mul3A_1516 : vector<16xf32>
        %swap3A_1518 = arith.index_cast %scan3A_1482 : i32 to index
        %swap3A_1519 = arith.constant 16 : index
        %swap3A_1520 = tpu.vector_load %arg17[%swap3A_1518, %swap3A_1519] {strides = array<i32>} : memref<100x128xf32, #tpu.memory_space<vmem>>, vector<16xf32>,
        tpu.vector_store %arg17[%swap3A_1518, %swap3A_1519], %add3A_1517 {strides = array<i32>} : memref<100x128xf32, #tpu.memory_space<vmem>>, vector<16xf32>,
        %add3A_1521 = arith.addf %add3A_1502, %add3A_1517 : vector<16xf32>
        %mul3A_1522 = arith.mulf %add3A_1517, %add3A_1517 : vector<16xf32>
        %add3A_1523 = arith.addf %mul3A_1506, %mul3A_1522 : vector<16xf32>
        %get3A_1524 = arith.index_cast %scan3A_1482 : i32 to index
        %get3A_1525 = arith.constant 32 : index
        %get3A_1526 = tpu.vector_load %arg17[%get3A_1524, %get3A_1525] {strides = array<i32>} : memref<100x128xf32, #tpu.memory_space<vmem>>, vector<16xf32>,
        %add3A_1527 = arith.constant 100 : i32
        %add3A_1528 = arith.addi %add3A_1527, %scan3A_1482 : i32
        %get3A_1529 = arith.index_cast %add3A_1528 : i32 to index
        %get3A_1530 = arith.constant 32 : index
        %get3A_1531 = tpu.vector_load %arg12[%get3A_1529, %get3A_1530] {strides = array<i32>} : memref<200x128xf32, #tpu.memory_space<vmem>>, vector<16xf32>,
        %add3A_1532 = arith.addf %get3A_1526, %get3A_1531 : vector<16xf32>
        %mul3A_1533 = arith.mulf %masked_cumsum3A_1491, %sub3A_81 : vector<16xf32>
        %add3A_1534 = arith.addf %add3A_1532, %mul3A_1533 : vector<16xf32>
        %swap3A_1535 = arith.index_cast %scan3A_1482 : i32 to index
        %swap3A_1536 = arith.constant 32 : index
        %swap3A_1537 = tpu.vector_load %arg17[%swap3A_1535, %swap3A_1536] {strides = array<i32>} : memref<100x128xf32, #tpu.memory_space<vmem>>, vector<16xf32>,
        tpu.vector_store %arg17[%swap3A_1535, %swap3A_1536], %add3A_1534 {strides = array<i32>} : memref<100x128xf32, #tpu.memory_space<vmem>>, vector<16xf32>,
        %add3A_1538 = arith.addf %add3A_1521, %add3A_1534 : vector<16xf32>
        %mul3A_1539 = arith.mulf %add3A_1534, %add3A_1534 : vector<16xf32>
        %add3A_1540 = arith.addf %add3A_1523, %mul3A_1539 : vector<16xf32>
        %get3A_1541 = arith.index_cast %scan3A_1482 : i32 to index
        %get3A_1542 = arith.constant 48 : index
        %get3A_1543 = tpu.vector_load %arg17[%get3A_1541, %get3A_1542] {strides = array<i32>} : memref<100x128xf32, #tpu.memory_space<vmem>>, vector<16xf32>,
        %add3A_1544 = arith.constant 100 : i32
        %add3A_1545 = arith.addi %add3A_1544, %scan3A_1482 : i32
        %get3A_1546 = arith.index_cast %add3A_1545 : i32 to index
        %get3A_1547 = arith.constant 48 : index
        %get3A_1548 = tpu.vector_load %arg12[%get3A_1546, %get3A_1547] {strides = array<i32>} : memref<200x128xf32, #tpu.memory_space<vmem>>, vector<16xf32>,
        %add3A_1549 = arith.addf %get3A_1543, %get3A_1548 : vector<16xf32>
        %mul3A_1550 = arith.mulf %masked_cumsum3A_1491, %sub3A_86 : vector<16xf32>
        %add3A_1551 = arith.addf %add3A_1549, %mul3A_1550 : vector<16xf32>
        %swap3A_1552 = arith.index_cast %scan3A_1482 : i32 to index
        %swap3A_1553 = arith.constant 48 : index
        %swap3A_1554 = tpu.vector_load %arg17[%swap3A_1552, %swap3A_1553] {strides = array<i32>} : memref<100x128xf32, #tpu.memory_space<vmem>>, vector<16xf32>,
        tpu.vector_store %arg17[%swap3A_1552, %swap3A_1553], %add3A_1551 {strides = array<i32>} : memref<100x128xf32, #tpu.memory_space<vmem>>, vector<16xf32>,
        %add3A_1555 = arith.addf %add3A_1538, %add3A_1551 : vector<16xf32>
        %mul3A_1556 = arith.mulf %add3A_1551, %add3A_1551 : vector<16xf32>
        %add3A_1557 = arith.addf %add3A_1540, %mul3A_1556 : vector<16xf32>
        %get3A_1558 = arith.index_cast %scan3A_1482 : i32 to index
        %get3A_1559 = arith.constant 64 : index
        %get3A_1560 = tpu.vector_load %arg17[%get3A_1558, %get3A_1559] {strides = array<i32>} : memref<100x128xf32, #tpu.memory_space<vmem>>, vector<16xf32>,
        %add3A_1561 = arith.constant 100 : i32
        %add3A_1562 = arith.addi %add3A_1561, %scan3A_1482 : i32
        %get3A_1563 = arith.index_cast %add3A_1562 : i32 to index
        %get3A_1564 = arith.constant 64 : index
        %get3A_1565 = tpu.vector_load %arg12[%get3A_1563, %get3A_1564] {strides = array<i32>} : memref<200x128xf32, #tpu.memory_space<vmem>>, vector<16xf32>,
        %add3A_1566 = arith.addf %get3A_1560, %get3A_1565 : vector<16xf32>
        %mul3A_1567 = arith.mulf %masked_cumsum3A_1491, %sub3A_91 : vector<16xf32>
        %add3A_1568 = arith.addf %add3A_1566, %mul3A_1567 : vector<16xf32>
        %swap3A_1569 = arith.index_cast %scan3A_1482 : i32 to index
        %swap3A_1570 = arith.constant 64 : index
        %swap3A_1571 = tpu.vector_load %arg17[%swap3A_1569, %swap3A_1570] {strides = array<i32>} : memref<100x128xf32, #tpu.memory_space<vmem>>, vector<16xf32>,
        tpu.vector_store %arg17[%swap3A_1569, %swap3A_1570], %add3A_1568 {strides = array<i32>} : memref<100x128xf32, #tpu.memory_space<vmem>>, vector<16xf32>,
        %add3A_1572 = arith.addf %add3A_1555, %add3A_1568 : vector<16xf32>
        %mul3A_1573 = arith.mulf %add3A_1568, %add3A_1568 : vector<16xf32>
        %add3A_1574 = arith.addf %add3A_1557, %mul3A_1573 : vector<16xf32>
        %get3A_1575 = arith.index_cast %scan3A_1482 : i32 to index
        %get3A_1576 = arith.constant 80 : index
        %get3A_1577 = tpu.vector_load %arg17[%get3A_1575, %get3A_1576] {strides = array<i32>} : memref<100x128xf32, #tpu.memory_space<vmem>>, vector<16xf32>,
        %add3A_1578 = arith.constant 100 : i32
        %add3A_1579 = arith.addi %add3A_1578, %scan3A_1482 : i32
        %get3A_1580 = arith.index_cast %add3A_1579 : i32 to index
        %get3A_1581 = arith.constant 80 : index
        %get3A_1582 = tpu.vector_load %arg12[%get3A_1580, %get3A_1581] {strides = array<i32>} : memref<200x128xf32, #tpu.memory_space<vmem>>, vector<16xf32>,
        %add3A_1583 = arith.addf %get3A_1577, %get3A_1582 : vector<16xf32>
        %mul3A_1584 = arith.mulf %masked_cumsum3A_1491, %sub3A_96 : vector<16xf32>
        %add3A_1585 = arith.addf %add3A_1583, %mul3A_1584 : vector<16xf32>
        %swap3A_1586 = arith.index_cast %scan3A_1482 : i32 to index
        %swap3A_1587 = arith.constant 80 : index
        %swap3A_1588 = tpu.vector_load %arg17[%swap3A_1586, %swap3A_1587] {strides = array<i32>} : memref<100x128xf32, #tpu.memory_space<vmem>>, vector<16xf32>,
        tpu.vector_store %arg17[%swap3A_1586, %swap3A_1587], %add3A_1585 {strides = array<i32>} : memref<100x128xf32, #tpu.memory_space<vmem>>, vector<16xf32>,
        %add3A_1589 = arith.addf %add3A_1572, %add3A_1585 : vector<16xf32>
        %mul3A_1590 = arith.mulf %add3A_1585, %add3A_1585 : vector<16xf32>
        %add3A_1591 = arith.addf %add3A_1574, %mul3A_1590 : vector<16xf32>
        %get3A_1592 = arith.index_cast %scan3A_1482 : i32 to index
        %get3A_1593 = arith.constant 96 : index
        %get3A_1594 = tpu.vector_load %arg17[%get3A_1592, %get3A_1593] {strides = array<i32>} : memref<100x128xf32, #tpu.memory_space<vmem>>, vector<16xf32>,
        %add3A_1595 = arith.constant 100 : i32
        %add3A_1596 = arith.addi %add3A_1595, %scan3A_1482 : i32
        %get3A_1597 = arith.index_cast %add3A_1596 : i32 to index
        %get3A_1598 = arith.constant 96 : index
        %get3A_1599 = tpu.vector_load %arg12[%get3A_1597, %get3A_1598] {strides = array<i32>} : memref<200x128xf32, #tpu.memory_space<vmem>>, vector<16xf32>,
        %add3A_1600 = arith.addf %get3A_1594, %get3A_1599 : vector<16xf32>
        %mul3A_1601 = arith.mulf %masked_cumsum3A_1491, %sub3A_101 : vector<16xf32>
        %add3A_1602 = arith.addf %add3A_1600, %mul3A_1601 : vector<16xf32>
        %swap3A_1603 = arith.index_cast %scan3A_1482 : i32 to index
        %swap3A_1604 = arith.constant 96 : index
        %swap3A_1605 = tpu.vector_load %arg17[%swap3A_1603, %swap3A_1604] {strides = array<i32>} : memref<100x128xf32, #tpu.memory_space<vmem>>, vector<16xf32>,
        tpu.vector_store %arg17[%swap3A_1603, %swap3A_1604], %add3A_1602 {strides = array<i32>} : memref<100x128xf32, #tpu.memory_space<vmem>>, vector<16xf32>,
        %add3A_1606 = arith.addf %add3A_1589, %add3A_1602 : vector<16xf32>
        %mul3A_1607 = arith.mulf %add3A_1602, %add3A_1602 : vector<16xf32>
        %add3A_1608 = arith.addf %add3A_1591, %mul3A_1607 : vector<16xf32>
        %get3A_1609 = arith.index_cast %scan3A_1482 : i32 to index
        %get3A_1610 = arith.constant 112 : index
        %get3A_1611 = tpu.vector_load %arg17[%get3A_1609, %get3A_1610] {strides = array<i32>} : memref<100x128xf32, #tpu.memory_space<vmem>>, vector<16xf32>,
        %add3A_1612 = arith.constant 100 : i32
        %add3A_1613 = arith.addi %add3A_1612, %scan3A_1482 : i32
        %get3A_1614 = arith.index_cast %add3A_1613 : i32 to index
        %get3A_1615 = arith.constant 112 : index
        %get3A_1616 = tpu.vector_load %arg12[%get3A_1614, %get3A_1615] {strides = array<i32>} : memref<200x128xf32, #tpu.memory_space<vmem>>, vector<16xf32>,
        %add3A_1617 = arith.addf %get3A_1611, %get3A_1616 : vector<16xf32>
        %mul3A_1618 = arith.mulf %masked_cumsum3A_1491, %sub3A_106 : vector<16xf32>
        %add3A_1619 = arith.addf %add3A_1617, %mul3A_1618 : vector<16xf32>
        %swap3A_1620 = arith.index_cast %scan3A_1482 : i32 to index
        %swap3A_1621 = arith.constant 112 : index
        %swap3A_1622 = tpu.vector_load %arg17[%swap3A_1620, %swap3A_1621] {strides = array<i32>} : memref<100x128xf32, #tpu.memory_space<vmem>>, vector<16xf32>,
        tpu.vector_store %arg17[%swap3A_1620, %swap3A_1621], %add3A_1619 {strides = array<i32>} : memref<100x128xf32, #tpu.memory_space<vmem>>, vector<16xf32>,
        %add3A_1623 = arith.addf %add3A_1606, %add3A_1619 : vector<16xf32>
        %mul3A_1624 = arith.mulf %add3A_1619, %add3A_1619 : vector<16xf32>
        %add3A_1625 = arith.addf %add3A_1608, %mul3A_1624 : vector<16xf32>
        %sub3A_1626 = arith.constant 1 : i32
        %sub3A_1627 = arith.subi %scan3A_1482, %sub3A_1626 : i32
        %broadcast_in_dim3A_1628 = arith.constant true
        %broadcast_in_dim3A_1629 = vector.broadcast %broadcast_in_dim3A_1628 : i1 to vector<16xi1>
        %masked_cumsum3A_1630 = tpu.scan <sum>, %scan3A_1483 masked %broadcast_in_dim3A_1629 : vector<16xf32>, vector<16xi1> -> vector<16xf32>
        %rev3A_1631 = arith.constant 15 : i32
        %rev3A_1632 = vector.broadcast %rev3A_1631 : i32 to vector<16xi32>
        %rev3A_1633 = tpu.iota {dimensions = array<i32: 0>} : vector<16xi32>
        %rev3A_1634 = arith.subi %rev3A_1632, %rev3A_1633 : vector<16xi32>
        %rev3A_1635 = tpu.dynamic_gather %masked_cumsum3A_1630[%rev3A_1634] in [0] : vector<16xf32>, vector<16xi32> -> vector<16xf32>
        %mul3A_1636 = arith.mulf %rev3A_1635, %convert_element_type3A_109 : vector<16xf32>
        %broadcast_in_dim3A_1637 = arith.constant true
        %broadcast_in_dim3A_1638 = vector.broadcast %broadcast_in_dim3A_1637 : i1 to vector<16xi1>
        %masked_cumsum3A_1639 = tpu.scan <sum>, %mul3A_1636 masked %broadcast_in_dim3A_1638 : vector<16xf32>, vector<16xi1> -> vector<16xf32>
        %mul3A_1640 = arith.constant 7.812500e-03 : f32
        %mul3A_1641 = vector.broadcast %mul3A_1640 : f32 to vector<16xf32>
        %mul3A_1642 = arith.mulf %masked_cumsum3A_1639, %mul3A_1641 : vector<16xf32>
        %broadcast_in_dim3A_1643 = arith.constant true
        %broadcast_in_dim3A_1644 = vector.broadcast %broadcast_in_dim3A_1643 : i1 to vector<16xi1>
        %masked_cumsum3A_1645 = tpu.scan <sum>, %scan3A_1484 masked %broadcast_in_dim3A_1644 : vector<16xf32>, vector<16xi1> -> vector<16xf32>
        %rev3A_1646 = arith.constant 15 : i32
        %rev3A_1647 = vector.broadcast %rev3A_1646 : i32 to vector<16xi32>
        %rev3A_1648 = tpu.iota {dimensions = array<i32: 0>} : vector<16xi32>
        %rev3A_1649 = arith.subi %rev3A_1647, %rev3A_1648 : vector<16xi32>
        %rev3A_1650 = tpu.dynamic_gather %masked_cumsum3A_1645[%rev3A_1649] in [0] : vector<16xf32>, vector<16xi32> -> vector<16xf32>
        %mul3A_1651 = arith.mulf %rev3A_1650, %convert_element_type3A_109 : vector<16xf32>
        %broadcast_in_dim3A_1652 = arith.constant true
        %broadcast_in_dim3A_1653 = vector.broadcast %broadcast_in_dim3A_1652 : i1 to vector<16xi1>
        %masked_cumsum3A_1654 = tpu.scan <sum>, %mul3A_1651 masked %broadcast_in_dim3A_1653 : vector<16xf32>, vector<16xi1> -> vector<16xf32>
        %mul3A_1655 = arith.constant 7.812500e-03 : f32
        %mul3A_1656 = vector.broadcast %mul3A_1655 : f32 to vector<16xf32>
        %mul3A_1657 = arith.mulf %masked_cumsum3A_1654, %mul3A_1656 : vector<16xf32>
        %mul3A_1658 = arith.mulf %mul3A_1642, %mul3A_1642 : vector<16xf32>
        %sub3A_1659 = arith.subf %mul3A_1657, %mul3A_1658 : vector<16xf32>
        %add3A_1660 = arith.constant 9.99999974E-6 : f32
        %add3A_1661 = vector.broadcast %add3A_1660 : f32 to vector<16xf32>
        %add3A_1662 = arith.addf %sub3A_1659, %add3A_1661 : vector<16xf32>
        %mul3A_1663 = arith.constant 5.000000e-01 : f32
        %mul3A_1664 = vector.broadcast %mul3A_1663 : f32 to vector<16xf32>
        %mul3A_1665 = arith.mulf %mul3A_1664, %add3A_1662 : vector<16xf32>
        %bitcast3A_1666 = vector.bitcast %add3A_1662 : vector<16xf32> to vector<16xi32>
        %shift_right_arithmetic3A_1667 = arith.constant 1 : i32
        %shift_right_arithmetic3A_1668 = vector.broadcast %shift_right_arithmetic3A_1667 : i32 to vector<16xi32>
        %shift_right_arithmetic3A_1669 = arith.shrsi %bitcast3A_1666, %shift_right_arithmetic3A_1668 : vector<16xi32>
        %sub3A_1670 = arith.constant 1597463007 : i32
        %sub3A_1671 = vector.broadcast %sub3A_1670 : i32 to vector<16xi32>
        %sub3A_1672 = arith.subi %sub3A_1671, %shift_right_arithmetic3A_1669 : vector<16xi32>
        %bitcast3A_1673 = vector.bitcast %sub3A_1672 : vector<16xi32> to vector<16xf32>
        %mul3A_1674 = arith.mulf %mul3A_1665, %bitcast3A_1673 : vector<16xf32>
        %mul3A_1675 = arith.mulf %mul3A_1674, %bitcast3A_1673 : vector<16xf32>
        %sub3A_1676 = arith.constant 1.500000e+00 : f32
        %sub3A_1677 = vector.broadcast %sub3A_1676 : f32 to vector<16xf32>
        %sub3A_1678 = arith.subf %sub3A_1677, %mul3A_1675 : vector<16xf32>
        %mul3A_1679 = arith.mulf %bitcast3A_1673, %sub3A_1678 : vector<16xf32>
        %get3A_1680 = arith.index_cast %sub3A_1627 : i32 to index
        %get3A_1681 = arith.constant 0 : index
        %get3A_1682 = tpu.vector_load %arg17[%get3A_1680, %get3A_1681] {strides = array<i32>} : memref<100x128xf32, #tpu.memory_space<vmem>>, vector<16xf32>,
        %sub3A_1683 = arith.subf %get3A_1682, %mul3A_1642 : vector<16xf32>
        %mul3A_1684 = arith.mulf %sub3A_1683, %mul3A_1679 : vector<16xf32>
        %mul3A_1685 = arith.mulf %mul3A_1684, %get3A_5 : vector<16xf32>
        %add3A_1686 = arith.addf %mul3A_1685, %get3A_21 : vector<16xf32>
        %swap3A_1687 = arith.index_cast %sub3A_1627 : i32 to index
        %swap3A_1688 = arith.constant 0 : index
        %swap3A_1689 = tpu.vector_load %arg17[%swap3A_1687, %swap3A_1688] {strides = array<i32>} : memref<100x128xf32, #tpu.memory_space<vmem>>, vector<16xf32>,
        tpu.vector_store %arg17[%swap3A_1687, %swap3A_1688], %add3A_1686 {strides = array<i32>} : memref<100x128xf32, #tpu.memory_space<vmem>>, vector<16xf32>,
        %get3A_1690 = arith.index_cast %sub3A_1627 : i32 to index
        %get3A_1691 = arith.constant 16 : index
        %get3A_1692 = tpu.vector_load %arg17[%get3A_1690, %get3A_1691] {strides = array<i32>} : memref<100x128xf32, #tpu.memory_space<vmem>>, vector<16xf32>,
        %sub3A_1693 = arith.subf %get3A_1692, %mul3A_1642 : vector<16xf32>
        %mul3A_1694 = arith.mulf %sub3A_1693, %mul3A_1679 : vector<16xf32>
        %mul3A_1695 = arith.mulf %mul3A_1694, %get3A_7 : vector<16xf32>
        %add3A_1696 = arith.addf %mul3A_1695, %get3A_23 : vector<16xf32>
        %swap3A_1697 = arith.index_cast %sub3A_1627 : i32 to index
        %swap3A_1698 = arith.constant 16 : index
        %swap3A_1699 = tpu.vector_load %arg17[%swap3A_1697, %swap3A_1698] {strides = array<i32>} : memref<100x128xf32, #tpu.memory_space<vmem>>, vector<16xf32>,
        tpu.vector_store %arg17[%swap3A_1697, %swap3A_1698], %add3A_1696 {strides = array<i32>} : memref<100x128xf32, #tpu.memory_space<vmem>>, vector<16xf32>,
        %get3A_1700 = arith.index_cast %sub3A_1627 : i32 to index
        %get3A_1701 = arith.constant 32 : index
        %get3A_1702 = tpu.vector_load %arg17[%get3A_1700, %get3A_1701] {strides = array<i32>} : memref<100x128xf32, #tpu.memory_space<vmem>>, vector<16xf32>,
        %sub3A_1703 = arith.subf %get3A_1702, %mul3A_1642 : vector<16xf32>
        %mul3A_1704 = arith.mulf %sub3A_1703, %mul3A_1679 : vector<16xf32>
        %mul3A_1705 = arith.mulf %mul3A_1704, %get3A_9 : vector<16xf32>
        %add3A_1706 = arith.addf %mul3A_1705, %get3A_25 : vector<16xf32>
        %swap3A_1707 = arith.index_cast %sub3A_1627 : i32 to index
        %swap3A_1708 = arith.constant 32 : index
        %swap3A_1709 = tpu.vector_load %arg17[%swap3A_1707, %swap3A_1708] {strides = array<i32>} : memref<100x128xf32, #tpu.memory_space<vmem>>, vector<16xf32>,
        tpu.vector_store %arg17[%swap3A_1707, %swap3A_1708], %add3A_1706 {strides = array<i32>} : memref<100x128xf32, #tpu.memory_space<vmem>>, vector<16xf32>,
        %get3A_1710 = arith.index_cast %sub3A_1627 : i32 to index
        %get3A_1711 = arith.constant 48 : index
        %get3A_1712 = tpu.vector_load %arg17[%get3A_1710, %get3A_1711] {strides = array<i32>} : memref<100x128xf32, #tpu.memory_space<vmem>>, vector<16xf32>,
        %sub3A_1713 = arith.subf %get3A_1712, %mul3A_1642 : vector<16xf32>
        %mul3A_1714 = arith.mulf %sub3A_1713, %mul3A_1679 : vector<16xf32>
        %mul3A_1715 = arith.mulf %mul3A_1714, %get3A_11 : vector<16xf32>
        %add3A_1716 = arith.addf %mul3A_1715, %get3A_27 : vector<16xf32>
        %swap3A_1717 = arith.index_cast %sub3A_1627 : i32 to index
        %swap3A_1718 = arith.constant 48 : index
        %swap3A_1719 = tpu.vector_load %arg17[%swap3A_1717, %swap3A_1718] {strides = array<i32>} : memref<100x128xf32, #tpu.memory_space<vmem>>, vector<16xf32>,
        tpu.vector_store %arg17[%swap3A_1717, %swap3A_1718], %add3A_1716 {strides = array<i32>} : memref<100x128xf32, #tpu.memory_space<vmem>>, vector<16xf32>,
        %get3A_1720 = arith.index_cast %sub3A_1627 : i32 to index
        %get3A_1721 = arith.constant 64 : index
        %get3A_1722 = tpu.vector_load %arg17[%get3A_1720, %get3A_1721] {strides = array<i32>} : memref<100x128xf32, #tpu.memory_space<vmem>>, vector<16xf32>,
        %sub3A_1723 = arith.subf %get3A_1722, %mul3A_1642 : vector<16xf32>
        %mul3A_1724 = arith.mulf %sub3A_1723, %mul3A_1679 : vector<16xf32>
        %mul3A_1725 = arith.mulf %mul3A_1724, %get3A_13 : vector<16xf32>
        %add3A_1726 = arith.addf %mul3A_1725, %get3A_29 : vector<16xf32>
        %swap3A_1727 = arith.index_cast %sub3A_1627 : i32 to index
        %swap3A_1728 = arith.constant 64 : index
        %swap3A_1729 = tpu.vector_load %arg17[%swap3A_1727, %swap3A_1728] {strides = array<i32>} : memref<100x128xf32, #tpu.memory_space<vmem>>, vector<16xf32>,
        tpu.vector_store %arg17[%swap3A_1727, %swap3A_1728], %add3A_1726 {strides = array<i32>} : memref<100x128xf32, #tpu.memory_space<vmem>>, vector<16xf32>,
        %get3A_1730 = arith.index_cast %sub3A_1627 : i32 to index
        %get3A_1731 = arith.constant 80 : index
        %get3A_1732 = tpu.vector_load %arg17[%get3A_1730, %get3A_1731] {strides = array<i32>} : memref<100x128xf32, #tpu.memory_space<vmem>>, vector<16xf32>,
        %sub3A_1733 = arith.subf %get3A_1732, %mul3A_1642 : vector<16xf32>
        %mul3A_1734 = arith.mulf %sub3A_1733, %mul3A_1679 : vector<16xf32>
        %mul3A_1735 = arith.mulf %mul3A_1734, %get3A_15 : vector<16xf32>
        %add3A_1736 = arith.addf %mul3A_1735, %get3A_31 : vector<16xf32>
        %swap3A_1737 = arith.index_cast %sub3A_1627 : i32 to index
        %swap3A_1738 = arith.constant 80 : index
        %swap3A_1739 = tpu.vector_load %arg17[%swap3A_1737, %swap3A_1738] {strides = array<i32>} : memref<100x128xf32, #tpu.memory_space<vmem>>, vector<16xf32>,
        tpu.vector_store %arg17[%swap3A_1737, %swap3A_1738], %add3A_1736 {strides = array<i32>} : memref<100x128xf32, #tpu.memory_space<vmem>>, vector<16xf32>,
        %get3A_1740 = arith.index_cast %sub3A_1627 : i32 to index
        %get3A_1741 = arith.constant 96 : index
        %get3A_1742 = tpu.vector_load %arg17[%get3A_1740, %get3A_1741] {strides = array<i32>} : memref<100x128xf32, #tpu.memory_space<vmem>>, vector<16xf32>,
        %sub3A_1743 = arith.subf %get3A_1742, %mul3A_1642 : vector<16xf32>
        %mul3A_1744 = arith.mulf %sub3A_1743, %mul3A_1679 : vector<16xf32>
        %mul3A_1745 = arith.mulf %mul3A_1744, %get3A_17 : vector<16xf32>
        %add3A_1746 = arith.addf %mul3A_1745, %get3A_33 : vector<16xf32>
        %swap3A_1747 = arith.index_cast %sub3A_1627 : i32 to index
        %swap3A_1748 = arith.constant 96 : index
        %swap3A_1749 = tpu.vector_load %arg17[%swap3A_1747, %swap3A_1748] {strides = array<i32>} : memref<100x128xf32, #tpu.memory_space<vmem>>, vector<16xf32>,
        tpu.vector_store %arg17[%swap3A_1747, %swap3A_1748], %add3A_1746 {strides = array<i32>} : memref<100x128xf32, #tpu.memory_space<vmem>>, vector<16xf32>,
        %get3A_1750 = arith.index_cast %sub3A_1627 : i32 to index
        %get3A_1751 = arith.constant 112 : index
        %get3A_1752 = tpu.vector_load %arg17[%get3A_1750, %get3A_1751] {strides = array<i32>} : memref<100x128xf32, #tpu.memory_space<vmem>>, vector<16xf32>,
        %sub3A_1753 = arith.subf %get3A_1752, %mul3A_1642 : vector<16xf32>
        %mul3A_1754 = arith.mulf %sub3A_1753, %mul3A_1679 : vector<16xf32>
        %mul3A_1755 = arith.mulf %mul3A_1754, %get3A_19 : vector<16xf32>
        %add3A_1756 = arith.addf %mul3A_1755, %get3A_35 : vector<16xf32>
        %swap3A_1757 = arith.index_cast %sub3A_1627 : i32 to index
        %swap3A_1758 = arith.constant 112 : index
        %swap3A_1759 = tpu.vector_load %arg17[%swap3A_1757, %swap3A_1758] {strides = array<i32>} : memref<100x128xf32, #tpu.memory_space<vmem>>, vector<16xf32>,
        tpu.vector_store %arg17[%swap3A_1757, %swap3A_1758], %add3A_1756 {strides = array<i32>} : memref<100x128xf32, #tpu.memory_space<vmem>>, vector<16xf32>,
        scf.yield %add3A_1623, %add3A_1625 : vector<16xf32>, vector<16xf32>
      }
      %scan3A_646 = arith.constant 99 : i32
      %broadcast_in_dim3A_647 = arith.constant true
      %broadcast_in_dim3A_648 = vector.broadcast %broadcast_in_dim3A_647 : i1 to vector<16xi1>
      %masked_cumsum3A_649 = tpu.scan <sum>, %scan3A_645#0 masked %broadcast_in_dim3A_648 : vector<16xf32>, vector<16xi1> -> vector<16xf32>
      %rev3A_650 = arith.constant 15 : i32
      %rev3A_651 = vector.broadcast %rev3A_650 : i32 to vector<16xi32>
      %rev3A_652 = tpu.iota {dimensions = array<i32: 0>} : vector<16xi32>
      %rev3A_653 = arith.subi %rev3A_651, %rev3A_652 : vector<16xi32>
      %rev3A_654 = tpu.dynamic_gather %masked_cumsum3A_649[%rev3A_653] in [0] : vector<16xf32>, vector<16xi32> -> vector<16xf32>
      %mul3A_655 = arith.mulf %rev3A_654, %convert_element_type3A_109 : vector<16xf32>
      %broadcast_in_dim3A_656 = arith.constant true
      %broadcast_in_dim3A_657 = vector.broadcast %broadcast_in_dim3A_656 : i1 to vector<16xi1>
      %masked_cumsum3A_658 = tpu.scan <sum>, %mul3A_655 masked %broadcast_in_dim3A_657 : vector<16xf32>, vector<16xi1> -> vector<16xf32>
      %mul3A_659 = arith.constant 7.812500e-03 : f32
      %mul3A_660 = vector.broadcast %mul3A_659 : f32 to vector<16xf32>
      %mul3A_661 = arith.mulf %masked_cumsum3A_658, %mul3A_660 : vector<16xf32>
      %broadcast_in_dim3A_662 = arith.constant true
      %broadcast_in_dim3A_663 = vector.broadcast %broadcast_in_dim3A_662 : i1 to vector<16xi1>
      %masked_cumsum3A_664 = tpu.scan <sum>, %scan3A_645#1 masked %broadcast_in_dim3A_663 : vector<16xf32>, vector<16xi1> -> vector<16xf32>
      %rev3A_665 = arith.constant 15 : i32
      %rev3A_666 = vector.broadcast %rev3A_665 : i32 to vector<16xi32>
      %rev3A_667 = tpu.iota {dimensions = array<i32: 0>} : vector<16xi32>
      %rev3A_668 = arith.subi %rev3A_666, %rev3A_667 : vector<16xi32>
      %rev3A_669 = tpu.dynamic_gather %masked_cumsum3A_664[%rev3A_668] in [0] : vector<16xf32>, vector<16xi32> -> vector<16xf32>
      %mul3A_670 = arith.mulf %rev3A_669, %convert_element_type3A_109 : vector<16xf32>
      %broadcast_in_dim3A_671 = arith.constant true
      %broadcast_in_dim3A_672 = vector.broadcast %broadcast_in_dim3A_671 : i1 to vector<16xi1>
      %masked_cumsum3A_673 = tpu.scan <sum>, %mul3A_670 masked %broadcast_in_dim3A_672 : vector<16xf32>, vector<16xi1> -> vector<16xf32>
      %mul3A_674 = arith.constant 7.812500e-03 : f32
      %mul3A_675 = vector.broadcast %mul3A_674 : f32 to vector<16xf32>
      %mul3A_676 = arith.mulf %masked_cumsum3A_673, %mul3A_675 : vector<16xf32>
      %mul3A_677 = arith.mulf %mul3A_661, %mul3A_661 : vector<16xf32>
      %sub3A_678 = arith.subf %mul3A_676, %mul3A_677 : vector<16xf32>
      %add3A_679 = arith.constant 9.99999974E-6 : f32
      %add3A_680 = vector.broadcast %add3A_679 : f32 to vector<16xf32>
      %add3A_681 = arith.addf %sub3A_678, %add3A_680 : vector<16xf32>
      %mul3A_682 = arith.constant 5.000000e-01 : f32
      %mul3A_683 = vector.broadcast %mul3A_682 : f32 to vector<16xf32>
      %mul3A_684 = arith.mulf %mul3A_683, %add3A_681 : vector<16xf32>
      %bitcast3A_685 = vector.bitcast %add3A_681 : vector<16xf32> to vector<16xi32>
      %shift_right_arithmetic3A_686 = arith.constant 1 : i32
      %shift_right_arithmetic3A_687 = vector.broadcast %shift_right_arithmetic3A_686 : i32 to vector<16xi32>
      %shift_right_arithmetic3A_688 = arith.shrsi %bitcast3A_685, %shift_right_arithmetic3A_687 : vector<16xi32>
      %sub3A_689 = arith.constant 1597463007 : i32
      %sub3A_690 = vector.broadcast %sub3A_689 : i32 to vector<16xi32>
      %sub3A_691 = arith.subi %sub3A_690, %shift_right_arithmetic3A_688 : vector<16xi32>
      %bitcast3A_692 = vector.bitcast %sub3A_691 : vector<16xi32> to vector<16xf32>
      %mul3A_693 = arith.mulf %mul3A_684, %bitcast3A_692 : vector<16xf32>
      %mul3A_694 = arith.mulf %mul3A_693, %bitcast3A_692 : vector<16xf32>
      %sub3A_695 = arith.constant 1.500000e+00 : f32
      %sub3A_696 = vector.broadcast %sub3A_695 : f32 to vector<16xf32>
      %sub3A_697 = arith.subf %sub3A_696, %mul3A_694 : vector<16xf32>
      %mul3A_698 = arith.mulf %bitcast3A_692, %sub3A_697 : vector<16xf32>
      %get3A_699 = arith.constant 99 : i32
      %get3A_700 = arith.index_cast %get3A_699 : i32 to index
      %get3A_701 = arith.constant 0 : index
      %get3A_702 = tpu.vector_load %arg17[%get3A_700, %get3A_701] {strides = array<i32>} : memref<100x128xf32, #tpu.memory_space<vmem>>, vector<16xf32>,
      %sub3A_703 = arith.subf %get3A_702, %mul3A_661 : vector<16xf32>
      %mul3A_704 = arith.mulf %sub3A_703, %mul3A_698 : vector<16xf32>
      %mul3A_705 = arith.mulf %mul3A_704, %get3A_5 : vector<16xf32>
      %add3A_706 = arith.addf %mul3A_705, %get3A_21 : vector<16xf32>
      %swap3A_707 = arith.constant 99 : i32
      %swap3A_708 = arith.index_cast %swap3A_707 : i32 to index
      %swap3A_709 = arith.constant 0 : index
      %swap3A_710 = tpu.vector_load %arg17[%swap3A_708, %swap3A_709] {strides = array<i32>} : memref<100x128xf32, #tpu.memory_space<vmem>>, vector<16xf32>,
      tpu.vector_store %arg17[%swap3A_708, %swap3A_709], %add3A_706 {strides = array<i32>} : memref<100x128xf32, #tpu.memory_space<vmem>>, vector<16xf32>,
      %get3A_711 = arith.constant 99 : i32
      %get3A_712 = arith.index_cast %get3A_711 : i32 to index
      %get3A_713 = arith.constant 16 : index
      %get3A_714 = tpu.vector_load %arg17[%get3A_712, %get3A_713] {strides = array<i32>} : memref<100x128xf32, #tpu.memory_space<vmem>>, vector<16xf32>,
      %sub3A_715 = arith.subf %get3A_714, %mul3A_661 : vector<16xf32>
      %mul3A_716 = arith.mulf %sub3A_715, %mul3A_698 : vector<16xf32>
      %mul3A_717 = arith.mulf %mul3A_716, %get3A_7 : vector<16xf32>
      %add3A_718 = arith.addf %mul3A_717, %get3A_23 : vector<16xf32>
      %swap3A_719 = arith.constant 99 : i32
      %swap3A_720 = arith.index_cast %swap3A_719 : i32 to index
      %swap3A_721 = arith.constant 16 : index
      %swap3A_722 = tpu.vector_load %arg17[%swap3A_720, %swap3A_721] {strides = array<i32>} : memref<100x128xf32, #tpu.memory_space<vmem>>, vector<16xf32>,
      tpu.vector_store %arg17[%swap3A_720, %swap3A_721], %add3A_718 {strides = array<i32>} : memref<100x128xf32, #tpu.memory_space<vmem>>, vector<16xf32>,
      %get3A_723 = arith.constant 99 : i32
      %get3A_724 = arith.index_cast %get3A_723 : i32 to index
      %get3A_725 = arith.constant 32 : index
      %get3A_726 = tpu.vector_load %arg17[%get3A_724, %get3A_725] {strides = array<i32>} : memref<100x128xf32, #tpu.memory_space<vmem>>, vector<16xf32>,
      %sub3A_727 = arith.subf %get3A_726, %mul3A_661 : vector<16xf32>
      %mul3A_728 = arith.mulf %sub3A_727, %mul3A_698 : vector<16xf32>
      %mul3A_729 = arith.mulf %mul3A_728, %get3A_9 : vector<16xf32>
      %add3A_730 = arith.addf %mul3A_729, %get3A_25 : vector<16xf32>
      %swap3A_731 = arith.constant 99 : i32
      %swap3A_732 = arith.index_cast %swap3A_731 : i32 to index
      %swap3A_733 = arith.constant 32 : index
      %swap3A_734 = tpu.vector_load %arg17[%swap3A_732, %swap3A_733] {strides = array<i32>} : memref<100x128xf32, #tpu.memory_space<vmem>>, vector<16xf32>,
      tpu.vector_store %arg17[%swap3A_732, %swap3A_733], %add3A_730 {strides = array<i32>} : memref<100x128xf32, #tpu.memory_space<vmem>>, vector<16xf32>,
      %get3A_735 = arith.constant 99 : i32
      %get3A_736 = arith.index_cast %get3A_735 : i32 to index
      %get3A_737 = arith.constant 48 : index
      %get3A_738 = tpu.vector_load %arg17[%get3A_736, %get3A_737] {strides = array<i32>} : memref<100x128xf32, #tpu.memory_space<vmem>>, vector<16xf32>,
      %sub3A_739 = arith.subf %get3A_738, %mul3A_661 : vector<16xf32>
      %mul3A_740 = arith.mulf %sub3A_739, %mul3A_698 : vector<16xf32>
      %mul3A_741 = arith.mulf %mul3A_740, %get3A_11 : vector<16xf32>
      %add3A_742 = arith.addf %mul3A_741, %get3A_27 : vector<16xf32>
      %swap3A_743 = arith.constant 99 : i32
      %swap3A_744 = arith.index_cast %swap3A_743 : i32 to index
      %swap3A_745 = arith.constant 48 : index
      %swap3A_746 = tpu.vector_load %arg17[%swap3A_744, %swap3A_745] {strides = array<i32>} : memref<100x128xf32, #tpu.memory_space<vmem>>, vector<16xf32>,
      tpu.vector_store %arg17[%swap3A_744, %swap3A_745], %add3A_742 {strides = array<i32>} : memref<100x128xf32, #tpu.memory_space<vmem>>, vector<16xf32>,
      %get3A_747 = arith.constant 99 : i32
      %get3A_748 = arith.index_cast %get3A_747 : i32 to index
      %get3A_749 = arith.constant 64 : index
      %get3A_750 = tpu.vector_load %arg17[%get3A_748, %get3A_749] {strides = array<i32>} : memref<100x128xf32, #tpu.memory_space<vmem>>, vector<16xf32>,
      %sub3A_751 = arith.subf %get3A_750, %mul3A_661 : vector<16xf32>
      %mul3A_752 = arith.mulf %sub3A_751, %mul3A_698 : vector<16xf32>
      %mul3A_753 = arith.mulf %mul3A_752, %get3A_13 : vector<16xf32>
      %add3A_754 = arith.addf %mul3A_753, %get3A_29 : vector<16xf32>
      %swap3A_755 = arith.constant 99 : i32
      %swap3A_756 = arith.index_cast %swap3A_755 : i32 to index
      %swap3A_757 = arith.constant 64 : index
      %swap3A_758 = tpu.vector_load %arg17[%swap3A_756, %swap3A_757] {strides = array<i32>} : memref<100x128xf32, #tpu.memory_space<vmem>>, vector<16xf32>,
      tpu.vector_store %arg17[%swap3A_756, %swap3A_757], %add3A_754 {strides = array<i32>} : memref<100x128xf32, #tpu.memory_space<vmem>>, vector<16xf32>,
      %get3A_759 = arith.constant 99 : i32
      %get3A_760 = arith.index_cast %get3A_759 : i32 to index
      %get3A_761 = arith.constant 80 : index
      %get3A_762 = tpu.vector_load %arg17[%get3A_760, %get3A_761] {strides = array<i32>} : memref<100x128xf32, #tpu.memory_space<vmem>>, vector<16xf32>,
      %sub3A_763 = arith.subf %get3A_762, %mul3A_661 : vector<16xf32>
      %mul3A_764 = arith.mulf %sub3A_763, %mul3A_698 : vector<16xf32>
      %mul3A_765 = arith.mulf %mul3A_764, %get3A_15 : vector<16xf32>
      %add3A_766 = arith.addf %mul3A_765, %get3A_31 : vector<16xf32>
      %swap3A_767 = arith.constant 99 : i32
      %swap3A_768 = arith.index_cast %swap3A_767 : i32 to index
      %swap3A_769 = arith.constant 80 : index
      %swap3A_770 = tpu.vector_load %arg17[%swap3A_768, %swap3A_769] {strides = array<i32>} : memref<100x128xf32, #tpu.memory_space<vmem>>, vector<16xf32>,
      tpu.vector_store %arg17[%swap3A_768, %swap3A_769], %add3A_766 {strides = array<i32>} : memref<100x128xf32, #tpu.memory_space<vmem>>, vector<16xf32>,
      %get3A_771 = arith.constant 99 : i32
      %get3A_772 = arith.index_cast %get3A_771 : i32 to index
      %get3A_773 = arith.constant 96 : index
      %get3A_774 = tpu.vector_load %arg17[%get3A_772, %get3A_773] {strides = array<i32>} : memref<100x128xf32, #tpu.memory_space<vmem>>, vector<16xf32>,
      %sub3A_775 = arith.subf %get3A_774, %mul3A_661 : vector<16xf32>
      %mul3A_776 = arith.mulf %sub3A_775, %mul3A_698 : vector<16xf32>
      %mul3A_777 = arith.mulf %mul3A_776, %get3A_17 : vector<16xf32>
      %add3A_778 = arith.addf %mul3A_777, %get3A_33 : vector<16xf32>
      %swap3A_779 = arith.constant 99 : i32
      %swap3A_780 = arith.index_cast %swap3A_779 : i32 to index
      %swap3A_781 = arith.constant 96 : index
      %swap3A_782 = tpu.vector_load %arg17[%swap3A_780, %swap3A_781] {strides = array<i32>} : memref<100x128xf32, #tpu.memory_space<vmem>>, vector<16xf32>,
      tpu.vector_store %arg17[%swap3A_780, %swap3A_781], %add3A_778 {strides = array<i32>} : memref<100x128xf32, #tpu.memory_space<vmem>>, vector<16xf32>,
      %get3A_783 = arith.constant 99 : i32
      %get3A_784 = arith.index_cast %get3A_783 : i32 to index
      %get3A_785 = arith.constant 112 : index
      %get3A_786 = tpu.vector_load %arg17[%get3A_784, %get3A_785] {strides = array<i32>} : memref<100x128xf32, #tpu.memory_space<vmem>>, vector<16xf32>,
      %sub3A_787 = arith.subf %get3A_786, %mul3A_661 : vector<16xf32>
      %mul3A_788 = arith.mulf %sub3A_787, %mul3A_698 : vector<16xf32>
      %mul3A_789 = arith.mulf %mul3A_788, %get3A_19 : vector<16xf32>
      %add3A_790 = arith.addf %mul3A_789, %get3A_35 : vector<16xf32>
      %swap3A_791 = arith.constant 99 : i32
      %swap3A_792 = arith.index_cast %swap3A_791 : i32 to index
      %swap3A_793 = arith.constant 112 : index
      %swap3A_794 = tpu.vector_load %arg17[%swap3A_792, %swap3A_793] {strides = array<i32>} : memref<100x128xf32, #tpu.memory_space<vmem>>, vector<16xf32>,
      tpu.vector_store %arg17[%swap3A_792, %swap3A_793], %add3A_790 {strides = array<i32>} : memref<100x128xf32, #tpu.memory_space<vmem>>, vector<16xf32>,
      %dma_wait3A_795 = arith.constant 0 : i32
      %dma_wait3A_796 = arith.constant 0 : i32
      %dma_wait3A_797 = tpu.memref_slice %arg9[%dma_wait3A_795, %dma_wait3A_796] : memref<204800x128xf32, #tpu.memory_space<hbm>> -> memref<100x128xf32, #tpu.memory_space<hbm>>
      %dma_wait3A_798 = arith.constant 0 : i32
      %dma_wait3A_799 = arith.constant 0 : i32
      %dma_wait3A_800 = tpu.memref_slice %arg9[%dma_wait3A_798, %dma_wait3A_799] : memref<204800x128xf32, #tpu.memory_space<hbm>> -> memref<100x128xf32, #tpu.memory_space<hbm>>
      tpu.wait_dma2 semaphore(%arg24 : memref<!tpu.dma_semaphore, #tpu.memory_space<semaphore_mem>>) src(%arg16 : memref<100x128xf32, #tpu.memory_space<vmem>>) dst(%dma_wait3A_800 : memref<100x128xf32, #tpu.memory_space<hbm>>)
      %lt3A = arith.constant 15 : i32
      %lt3A_801 = arith.cmpi slt, %scan3A_146, %lt3A : i32
      %convert_element_type3A_802 = arith.extui %lt3A_801 : i1 to i32
      %cond3A_803 = arith.constant 0 : i32
      %cond3A_804 = arith.cmpi ne, %convert_element_type3A_802, %cond3A_803 : i32
      scf.if %cond3A_804 {
        %add3A_1482 = arith.constant 4 : i32
        %add3A_1483 = arith.addi %add3A_481, %add3A_1482 : i32
        %sub3A_1484 = arith.constant 1 : i32
        %sub3A_1485 = arith.subi %add3A_1483, %sub3A_1484 : i32
        %dma_start3A_1486 = arith.constant 0 : i32
        %dma_start3A_1487 = tpu.memref_slice %arg10[%sub3A_1485, %dma_start3A_1486] : memref<64x100xi32, #tpu.memory_space<vmem>> -> memref<1x100xi32, #tpu.memory_space<vmem>>
        %dma_start3A_1488 = tpu.memref_squeeze %dma_start3A_1487 : memref<1x100xi32, #tpu.memory_space<vmem>> -> memref<100xi32, #tpu.memory_space<vmem>>
        %dma_start3A_1489 = arith.constant 0 : i32
        %dma_start3A_1490 = arith.constant 0 : i32
        %dma_start3A_1491 = tpu.memref_slice %arg4[%dma_start3A_1489, %dma_start3A_1490] : memref<100000x128xf32, #tpu.memory_space<hbm>> -> memref<100000x128xf32, #tpu.memory_space<hbm>>
        tpu.enqueue_indirect_dma source(%dma_start3A_1491 : memref<100000x128xf32, #tpu.memory_space<hbm>>) target(%arg16 : memref<100x128xf32, #tpu.memory_space<vmem>>) offsets(%dma_start3A_1488 : memref<100xi32, #tpu.memory_space<vmem>>) semaphore(%arg20 : memref<!tpu.dma_semaphore, #tpu.memory_space<semaphore_mem>>)
      } else {
      }
      %mul3A_805 = arith.constant 100 : i32
      %mul3A_806 = arith.muli %add3A_481, %mul3A_805 : i32
      %add3A_807 = arith.addi %mul3A_2, %mul3A_806 : i32
      %dma_start3A_808 = arith.constant 0 : i32
      %dma_start3A_809 = tpu.memref_slice %arg9[%add3A_807, %dma_start3A_808] : memref<204800x128xf32, #tpu.memory_space<hbm>> -> memref<100x128xf32, #tpu.memory_space<hbm>>
      %dma_start3A_810 = arith.constant 0 : i32
      %dma_start3A_811 = tpu.memref_slice %arg9[%add3A_807, %dma_start3A_810] : memref<204800x128xf32, #tpu.memory_space<hbm>> -> memref<100x128xf32, #tpu.memory_space<hbm>>
      tpu.enqueue_dma source(%arg17 : memref<100x128xf32, #tpu.memory_space<vmem>>) target(%dma_start3A_811 : memref<100x128xf32, #tpu.memory_space<hbm>>) target_semaphore(%arg25 : memref<!tpu.dma_semaphore, #tpu.memory_space<semaphore_mem>>)
      %mul3A_812 = arith.constant 4 : i32
      %mul3A_813 = arith.muli %scan3A_146, %mul3A_812 : i32
      %add3A_814 = arith.constant 2 : i32
      %add3A_815 = arith.addi %mul3A_813, %add3A_814 : i32
      %mul3A_816 = arith.constant 100 : i32
      %mul3A_817 = arith.muli %add3A_815, %mul3A_816 : i32
      %dma_wait3A_818 = arith.constant 0 : i32
      %dma_wait3A_819 = arith.constant 0 : i32
      %dma_wait3A_820 = tpu.memref_slice %arg10[%dma_wait3A_818, %dma_wait3A_819] : memref<64x100xi32, #tpu.memory_space<vmem>> -> memref<1x100xi32, #tpu.memory_space<vmem>>
      %dma_wait3A_821 = tpu.memref_squeeze %dma_wait3A_820 : memref<1x100xi32, #tpu.memory_space<vmem>> -> memref<100xi32, #tpu.memory_space<vmem>>
      %dma_wait3A_822 = arith.constant 0 : i32
      %dma_wait3A_823 = arith.constant 0 : i32
      %dma_wait3A_824 = tpu.memref_slice %arg4[%dma_wait3A_822, %dma_wait3A_823] : memref<100000x128xf32, #tpu.memory_space<hbm>> -> memref<100000x128xf32, #tpu.memory_space<hbm>>
      tpu.wait_indirect_dma semaphore(%arg22 : memref<!tpu.dma_semaphore, #tpu.memory_space<semaphore_mem>>) src(%dma_wait3A_824 : memref<100000x128xf32, #tpu.memory_space<hbm>>) dst(%arg18 : memref<100x128xf32, #tpu.memory_space<vmem>>)
      %add3A_825 = arith.constant 0 : i32
      %add3A_826 = arith.addi %mul3A_817, %add3A_825 : i32
      %get3A_827 = arith.index_cast %add3A_826 : i32 to index
      %get3A_828 = tpu.vector_load %arg11[%get3A_827] {strides = array<i32>} : memref<6416xf32, #tpu.memory_space<vmem>>, vector<16xf32>,
      %mul3A_829 = arith.mulf %get3A_828, %convert_element_type3A_109 : vector<16xf32>
      %broadcast_in_dim3A_830 = arith.constant true
      %broadcast_in_dim3A_831 = vector.broadcast %broadcast_in_dim3A_830 : i1 to vector<16xi1>
      %masked_cumsum3A_832 = tpu.scan <sum>, %mul3A_829 masked %broadcast_in_dim3A_831 : vector<16xf32>, vector<16xi1> -> vector<16xf32>
      %get3A_833 = arith.constant 0 : i32
      %get3A_834 = arith.index_cast %get3A_833 : i32 to index
      %get3A_835 = arith.constant 0 : index
      %get3A_836 = tpu.vector_load %arg18[%get3A_834, %get3A_835] {strides = array<i32>} : memref<100x128xf32, #tpu.memory_space<vmem>>, vector<16xf32>,
      %get3A_837 = arith.constant 0 : i32
      %get3A_838 = arith.index_cast %get3A_837 : i32 to index
      %get3A_839 = arith.constant 0 : index
      %get3A_840 = tpu.vector_load %arg12[%get3A_838, %get3A_839] {strides = array<i32>} : memref<200x128xf32, #tpu.memory_space<vmem>>, vector<16xf32>,
      %add3A_841 = arith.addf %get3A_836, %get3A_840 : vector<16xf32>
      %mul3A_842 = arith.mulf %masked_cumsum3A_832, %sub3A : vector<16xf32>
      %add3A_843 = arith.addf %add3A_841, %mul3A_842 : vector<16xf32>
      %swap3A_844 = arith.constant 0 : i32
      %swap3A_845 = arith.index_cast %swap3A_844 : i32 to index
      %swap3A_846 = arith.constant 0 : index
      %swap3A_847 = tpu.vector_load %arg18[%swap3A_845, %swap3A_846] {strides = array<i32>} : memref<100x128xf32, #tpu.memory_space<vmem>>, vector<16xf32>,
      tpu.vector_store %arg18[%swap3A_845, %swap3A_846], %add3A_843 {strides = array<i32>} : memref<100x128xf32, #tpu.memory_space<vmem>>, vector<16xf32>,
      %mul3A_848 = arith.mulf %add3A_843, %add3A_843 : vector<16xf32>
      %get3A_849 = arith.constant 0 : i32
      %get3A_850 = arith.index_cast %get3A_849 : i32 to index
      %get3A_851 = arith.constant 16 : index
      %get3A_852 = tpu.vector_load %arg18[%get3A_850, %get3A_851] {strides = array<i32>} : memref<100x128xf32, #tpu.memory_space<vmem>>, vector<16xf32>,
      %get3A_853 = arith.constant 0 : i32
      %get3A_854 = arith.index_cast %get3A_853 : i32 to index
      %get3A_855 = arith.constant 16 : index
      %get3A_856 = tpu.vector_load %arg12[%get3A_854, %get3A_855] {strides = array<i32>} : memref<200x128xf32, #tpu.memory_space<vmem>>, vector<16xf32>,
      %add3A_857 = arith.addf %get3A_852, %get3A_856 : vector<16xf32>
      %mul3A_858 = arith.mulf %masked_cumsum3A_832, %sub3A_76 : vector<16xf32>
      %add3A_859 = arith.addf %add3A_857, %mul3A_858 : vector<16xf32>
      %swap3A_860 = arith.constant 0 : i32
      %swap3A_861 = arith.index_cast %swap3A_860 : i32 to index
      %swap3A_862 = arith.constant 16 : index
      %swap3A_863 = tpu.vector_load %arg18[%swap3A_861, %swap3A_862] {strides = array<i32>} : memref<100x128xf32, #tpu.memory_space<vmem>>, vector<16xf32>,
      tpu.vector_store %arg18[%swap3A_861, %swap3A_862], %add3A_859 {strides = array<i32>} : memref<100x128xf32, #tpu.memory_space<vmem>>, vector<16xf32>,
      %add3A_864 = arith.addf %add3A_843, %add3A_859 : vector<16xf32>
      %mul3A_865 = arith.mulf %add3A_859, %add3A_859 : vector<16xf32>
      %add3A_866 = arith.addf %mul3A_848, %mul3A_865 : vector<16xf32>
      %get3A_867 = arith.constant 0 : i32
      %get3A_868 = arith.index_cast %get3A_867 : i32 to index
      %get3A_869 = arith.constant 32 : index
      %get3A_870 = tpu.vector_load %arg18[%get3A_868, %get3A_869] {strides = array<i32>} : memref<100x128xf32, #tpu.memory_space<vmem>>, vector<16xf32>,
      %get3A_871 = arith.constant 0 : i32
      %get3A_872 = arith.index_cast %get3A_871 : i32 to index
      %get3A_873 = arith.constant 32 : index
      %get3A_874 = tpu.vector_load %arg12[%get3A_872, %get3A_873] {strides = array<i32>} : memref<200x128xf32, #tpu.memory_space<vmem>>, vector<16xf32>,
      %add3A_875 = arith.addf %get3A_870, %get3A_874 : vector<16xf32>
      %mul3A_876 = arith.mulf %masked_cumsum3A_832, %sub3A_81 : vector<16xf32>
      %add3A_877 = arith.addf %add3A_875, %mul3A_876 : vector<16xf32>
      %swap3A_878 = arith.constant 0 : i32
      %swap3A_879 = arith.index_cast %swap3A_878 : i32 to index
      %swap3A_880 = arith.constant 32 : index
      %swap3A_881 = tpu.vector_load %arg18[%swap3A_879, %swap3A_880] {strides = array<i32>} : memref<100x128xf32, #tpu.memory_space<vmem>>, vector<16xf32>,
      tpu.vector_store %arg18[%swap3A_879, %swap3A_880], %add3A_877 {strides = array<i32>} : memref<100x128xf32, #tpu.memory_space<vmem>>, vector<16xf32>,
      %add3A_882 = arith.addf %add3A_864, %add3A_877 : vector<16xf32>
      %mul3A_883 = arith.mulf %add3A_877, %add3A_877 : vector<16xf32>
      %add3A_884 = arith.addf %add3A_866, %mul3A_883 : vector<16xf32>
      %get3A_885 = arith.constant 0 : i32
      %get3A_886 = arith.index_cast %get3A_885 : i32 to index
      %get3A_887 = arith.constant 48 : index
      %get3A_888 = tpu.vector_load %arg18[%get3A_886, %get3A_887] {strides = array<i32>} : memref<100x128xf32, #tpu.memory_space<vmem>>, vector<16xf32>,
      %get3A_889 = arith.constant 0 : i32
      %get3A_890 = arith.index_cast %get3A_889 : i32 to index
      %get3A_891 = arith.constant 48 : index
      %get3A_892 = tpu.vector_load %arg12[%get3A_890, %get3A_891] {strides = array<i32>} : memref<200x128xf32, #tpu.memory_space<vmem>>, vector<16xf32>,
      %add3A_893 = arith.addf %get3A_888, %get3A_892 : vector<16xf32>
      %mul3A_894 = arith.mulf %masked_cumsum3A_832, %sub3A_86 : vector<16xf32>
      %add3A_895 = arith.addf %add3A_893, %mul3A_894 : vector<16xf32>
      %swap3A_896 = arith.constant 0 : i32
      %swap3A_897 = arith.index_cast %swap3A_896 : i32 to index
      %swap3A_898 = arith.constant 48 : index
      %swap3A_899 = tpu.vector_load %arg18[%swap3A_897, %swap3A_898] {strides = array<i32>} : memref<100x128xf32, #tpu.memory_space<vmem>>, vector<16xf32>,
      tpu.vector_store %arg18[%swap3A_897, %swap3A_898], %add3A_895 {strides = array<i32>} : memref<100x128xf32, #tpu.memory_space<vmem>>, vector<16xf32>,
      %add3A_900 = arith.addf %add3A_882, %add3A_895 : vector<16xf32>
      %mul3A_901 = arith.mulf %add3A_895, %add3A_895 : vector<16xf32>
      %add3A_902 = arith.addf %add3A_884, %mul3A_901 : vector<16xf32>
      %get3A_903 = arith.constant 0 : i32
      %get3A_904 = arith.index_cast %get3A_903 : i32 to index
      %get3A_905 = arith.constant 64 : index
      %get3A_906 = tpu.vector_load %arg18[%get3A_904, %get3A_905] {strides = array<i32>} : memref<100x128xf32, #tpu.memory_space<vmem>>, vector<16xf32>,
      %get3A_907 = arith.constant 0 : i32
      %get3A_908 = arith.index_cast %get3A_907 : i32 to index
      %get3A_909 = arith.constant 64 : index
      %get3A_910 = tpu.vector_load %arg12[%get3A_908, %get3A_909] {strides = array<i32>} : memref<200x128xf32, #tpu.memory_space<vmem>>, vector<16xf32>,
      %add3A_911 = arith.addf %get3A_906, %get3A_910 : vector<16xf32>
      %mul3A_912 = arith.mulf %masked_cumsum3A_832, %sub3A_91 : vector<16xf32>
      %add3A_913 = arith.addf %add3A_911, %mul3A_912 : vector<16xf32>
      %swap3A_914 = arith.constant 0 : i32
      %swap3A_915 = arith.index_cast %swap3A_914 : i32 to index
      %swap3A_916 = arith.constant 64 : index
      %swap3A_917 = tpu.vector_load %arg18[%swap3A_915, %swap3A_916] {strides = array<i32>} : memref<100x128xf32, #tpu.memory_space<vmem>>, vector<16xf32>,
      tpu.vector_store %arg18[%swap3A_915, %swap3A_916], %add3A_913 {strides = array<i32>} : memref<100x128xf32, #tpu.memory_space<vmem>>, vector<16xf32>,
      %add3A_918 = arith.addf %add3A_900, %add3A_913 : vector<16xf32>
      %mul3A_919 = arith.mulf %add3A_913, %add3A_913 : vector<16xf32>
      %add3A_920 = arith.addf %add3A_902, %mul3A_919 : vector<16xf32>
      %get3A_921 = arith.constant 0 : i32
      %get3A_922 = arith.index_cast %get3A_921 : i32 to index
      %get3A_923 = arith.constant 80 : index
      %get3A_924 = tpu.vector_load %arg18[%get3A_922, %get3A_923] {strides = array<i32>} : memref<100x128xf32, #tpu.memory_space<vmem>>, vector<16xf32>,
      %get3A_925 = arith.constant 0 : i32
      %get3A_926 = arith.index_cast %get3A_925 : i32 to index
      %get3A_927 = arith.constant 80 : index
      %get3A_928 = tpu.vector_load %arg12[%get3A_926, %get3A_927] {strides = array<i32>} : memref<200x128xf32, #tpu.memory_space<vmem>>, vector<16xf32>,
      %add3A_929 = arith.addf %get3A_924, %get3A_928 : vector<16xf32>
      %mul3A_930 = arith.mulf %masked_cumsum3A_832, %sub3A_96 : vector<16xf32>
      %add3A_931 = arith.addf %add3A_929, %mul3A_930 : vector<16xf32>
      %swap3A_932 = arith.constant 0 : i32
      %swap3A_933 = arith.index_cast %swap3A_932 : i32 to index
      %swap3A_934 = arith.constant 80 : index
      %swap3A_935 = tpu.vector_load %arg18[%swap3A_933, %swap3A_934] {strides = array<i32>} : memref<100x128xf32, #tpu.memory_space<vmem>>, vector<16xf32>,
      tpu.vector_store %arg18[%swap3A_933, %swap3A_934], %add3A_931 {strides = array<i32>} : memref<100x128xf32, #tpu.memory_space<vmem>>, vector<16xf32>,
      %add3A_936 = arith.addf %add3A_918, %add3A_931 : vector<16xf32>
      %mul3A_937 = arith.mulf %add3A_931, %add3A_931 : vector<16xf32>
      %add3A_938 = arith.addf %add3A_920, %mul3A_937 : vector<16xf32>
      %get3A_939 = arith.constant 0 : i32
      %get3A_940 = arith.index_cast %get3A_939 : i32 to index
      %get3A_941 = arith.constant 96 : index
      %get3A_942 = tpu.vector_load %arg18[%get3A_940, %get3A_941] {strides = array<i32>} : memref<100x128xf32, #tpu.memory_space<vmem>>, vector<16xf32>,
      %get3A_943 = arith.constant 0 : i32
      %get3A_944 = arith.index_cast %get3A_943 : i32 to index
      %get3A_945 = arith.constant 96 : index
      %get3A_946 = tpu.vector_load %arg12[%get3A_944, %get3A_945] {strides = array<i32>} : memref<200x128xf32, #tpu.memory_space<vmem>>, vector<16xf32>,
      %add3A_947 = arith.addf %get3A_942, %get3A_946 : vector<16xf32>
      %mul3A_948 = arith.mulf %masked_cumsum3A_832, %sub3A_101 : vector<16xf32>
      %add3A_949 = arith.addf %add3A_947, %mul3A_948 : vector<16xf32>
      %swap3A_950 = arith.constant 0 : i32
      %swap3A_951 = arith.index_cast %swap3A_950 : i32 to index
      %swap3A_952 = arith.constant 96 : index
      %swap3A_953 = tpu.vector_load %arg18[%swap3A_951, %swap3A_952] {strides = array<i32>} : memref<100x128xf32, #tpu.memory_space<vmem>>, vector<16xf32>,
      tpu.vector_store %arg18[%swap3A_951, %swap3A_952], %add3A_949 {strides = array<i32>} : memref<100x128xf32, #tpu.memory_space<vmem>>, vector<16xf32>,
      %add3A_954 = arith.addf %add3A_936, %add3A_949 : vector<16xf32>
      %mul3A_955 = arith.mulf %add3A_949, %add3A_949 : vector<16xf32>
      %add3A_956 = arith.addf %add3A_938, %mul3A_955 : vector<16xf32>
      %get3A_957 = arith.constant 0 : i32
      %get3A_958 = arith.index_cast %get3A_957 : i32 to index
      %get3A_959 = arith.constant 112 : index
      %get3A_960 = tpu.vector_load %arg18[%get3A_958, %get3A_959] {strides = array<i32>} : memref<100x128xf32, #tpu.memory_space<vmem>>, vector<16xf32>,
      %get3A_961 = arith.constant 0 : i32
      %get3A_962 = arith.index_cast %get3A_961 : i32 to index
      %get3A_963 = arith.constant 112 : index
      %get3A_964 = tpu.vector_load %arg12[%get3A_962, %get3A_963] {strides = array<i32>} : memref<200x128xf32, #tpu.memory_space<vmem>>, vector<16xf32>,
      %add3A_965 = arith.addf %get3A_960, %get3A_964 : vector<16xf32>
      %mul3A_966 = arith.mulf %masked_cumsum3A_832, %sub3A_106 : vector<16xf32>
      %add3A_967 = arith.addf %add3A_965, %mul3A_966 : vector<16xf32>
      %swap3A_968 = arith.constant 0 : i32
      %swap3A_969 = arith.index_cast %swap3A_968 : i32 to index
      %swap3A_970 = arith.constant 112 : index
      %swap3A_971 = tpu.vector_load %arg18[%swap3A_969, %swap3A_970] {strides = array<i32>} : memref<100x128xf32, #tpu.memory_space<vmem>>, vector<16xf32>,
      tpu.vector_store %arg18[%swap3A_969, %swap3A_970], %add3A_967 {strides = array<i32>} : memref<100x128xf32, #tpu.memory_space<vmem>>, vector<16xf32>,
      %add3A_972 = arith.addf %add3A_954, %add3A_967 : vector<16xf32>
      %mul3A_973 = arith.mulf %add3A_967, %add3A_967 : vector<16xf32>
      %add3A_974 = arith.addf %add3A_956, %mul3A_973 : vector<16xf32>
      %scan3A_975 = arith.constant 1 : i32
      %scan3A_976 = arith.constant 99 : i32
      %scan3A_977 = arith.addi %scan3A_975, %scan3A_976 : i32
      %scan3A_978 = arith.constant 1 : i32
      %scan3A_979:2 = scf.for %scan3A_1482 = %scan3A_975 to %scan3A_977 step %scan3A_978 iter_args(%scan3A_1483 = %add3A_972, %scan3A_1484 = %add3A_974) -> (vector<16xf32>, vector<16xf32>)  : i32 {
        %add3A_1485 = arith.addi %mul3A_817, %scan3A_1482 : i32
        %get3A_1486 = arith.index_cast %add3A_1485 : i32 to index
        %get3A_1487 = tpu.vector_load %arg11[%get3A_1486] {strides = array<i32>} : memref<6416xf32, #tpu.memory_space<vmem>>, vector<16xf32>,
        %mul3A_1488 = arith.mulf %get3A_1487, %convert_element_type3A_109 : vector<16xf32>
        %broadcast_in_dim3A_1489 = arith.constant true
        %broadcast_in_dim3A_1490 = vector.broadcast %broadcast_in_dim3A_1489 : i1 to vector<16xi1>
        %masked_cumsum3A_1491 = tpu.scan <sum>, %mul3A_1488 masked %broadcast_in_dim3A_1490 : vector<16xf32>, vector<16xi1> -> vector<16xf32>
        %get3A_1492 = arith.index_cast %scan3A_1482 : i32 to index
        %get3A_1493 = arith.constant 0 : index
        %get3A_1494 = tpu.vector_load %arg18[%get3A_1492, %get3A_1493] {strides = array<i32>} : memref<100x128xf32, #tpu.memory_space<vmem>>, vector<16xf32>,
        %add3A_1495 = arith.constant 0 : i32
        %add3A_1496 = arith.addi %add3A_1495, %scan3A_1482 : i32
        %get3A_1497 = arith.index_cast %add3A_1496 : i32 to index
        %get3A_1498 = arith.constant 0 : index
        %get3A_1499 = tpu.vector_load %arg12[%get3A_1497, %get3A_1498] {strides = array<i32>} : memref<200x128xf32, #tpu.memory_space<vmem>>, vector<16xf32>,
        %add3A_1500 = arith.addf %get3A_1494, %get3A_1499 : vector<16xf32>
        %mul3A_1501 = arith.mulf %masked_cumsum3A_1491, %sub3A : vector<16xf32>
        %add3A_1502 = arith.addf %add3A_1500, %mul3A_1501 : vector<16xf32>
        %swap3A_1503 = arith.index_cast %scan3A_1482 : i32 to index
        %swap3A_1504 = arith.constant 0 : index
        %swap3A_1505 = tpu.vector_load %arg18[%swap3A_1503, %swap3A_1504] {strides = array<i32>} : memref<100x128xf32, #tpu.memory_space<vmem>>, vector<16xf32>,
        tpu.vector_store %arg18[%swap3A_1503, %swap3A_1504], %add3A_1502 {strides = array<i32>} : memref<100x128xf32, #tpu.memory_space<vmem>>, vector<16xf32>,
        %mul3A_1506 = arith.mulf %add3A_1502, %add3A_1502 : vector<16xf32>
        %get3A_1507 = arith.index_cast %scan3A_1482 : i32 to index
        %get3A_1508 = arith.constant 16 : index
        %get3A_1509 = tpu.vector_load %arg18[%get3A_1507, %get3A_1508] {strides = array<i32>} : memref<100x128xf32, #tpu.memory_space<vmem>>, vector<16xf32>,
        %add3A_1510 = arith.constant 0 : i32
        %add3A_1511 = arith.addi %add3A_1510, %scan3A_1482 : i32
        %get3A_1512 = arith.index_cast %add3A_1511 : i32 to index
        %get3A_1513 = arith.constant 16 : index
        %get3A_1514 = tpu.vector_load %arg12[%get3A_1512, %get3A_1513] {strides = array<i32>} : memref<200x128xf32, #tpu.memory_space<vmem>>, vector<16xf32>,
        %add3A_1515 = arith.addf %get3A_1509, %get3A_1514 : vector<16xf32>
        %mul3A_1516 = arith.mulf %masked_cumsum3A_1491, %sub3A_76 : vector<16xf32>
        %add3A_1517 = arith.addf %add3A_1515, %mul3A_1516 : vector<16xf32>
        %swap3A_1518 = arith.index_cast %scan3A_1482 : i32 to index
        %swap3A_1519 = arith.constant 16 : index
        %swap3A_1520 = tpu.vector_load %arg18[%swap3A_1518, %swap3A_1519] {strides = array<i32>} : memref<100x128xf32, #tpu.memory_space<vmem>>, vector<16xf32>,
        tpu.vector_store %arg18[%swap3A_1518, %swap3A_1519], %add3A_1517 {strides = array<i32>} : memref<100x128xf32, #tpu.memory_space<vmem>>, vector<16xf32>,
        %add3A_1521 = arith.addf %add3A_1502, %add3A_1517 : vector<16xf32>
        %mul3A_1522 = arith.mulf %add3A_1517, %add3A_1517 : vector<16xf32>
        %add3A_1523 = arith.addf %mul3A_1506, %mul3A_1522 : vector<16xf32>
        %get3A_1524 = arith.index_cast %scan3A_1482 : i32 to index
        %get3A_1525 = arith.constant 32 : index
        %get3A_1526 = tpu.vector_load %arg18[%get3A_1524, %get3A_1525] {strides = array<i32>} : memref<100x128xf32, #tpu.memory_space<vmem>>, vector<16xf32>,
        %add3A_1527 = arith.constant 0 : i32
        %add3A_1528 = arith.addi %add3A_1527, %scan3A_1482 : i32
        %get3A_1529 = arith.index_cast %add3A_1528 : i32 to index
        %get3A_1530 = arith.constant 32 : index
        %get3A_1531 = tpu.vector_load %arg12[%get3A_1529, %get3A_1530] {strides = array<i32>} : memref<200x128xf32, #tpu.memory_space<vmem>>, vector<16xf32>,
        %add3A_1532 = arith.addf %get3A_1526, %get3A_1531 : vector<16xf32>
        %mul3A_1533 = arith.mulf %masked_cumsum3A_1491, %sub3A_81 : vector<16xf32>
        %add3A_1534 = arith.addf %add3A_1532, %mul3A_1533 : vector<16xf32>
        %swap3A_1535 = arith.index_cast %scan3A_1482 : i32 to index
        %swap3A_1536 = arith.constant 32 : index
        %swap3A_1537 = tpu.vector_load %arg18[%swap3A_1535, %swap3A_1536] {strides = array<i32>} : memref<100x128xf32, #tpu.memory_space<vmem>>, vector<16xf32>,
        tpu.vector_store %arg18[%swap3A_1535, %swap3A_1536], %add3A_1534 {strides = array<i32>} : memref<100x128xf32, #tpu.memory_space<vmem>>, vector<16xf32>,
        %add3A_1538 = arith.addf %add3A_1521, %add3A_1534 : vector<16xf32>
        %mul3A_1539 = arith.mulf %add3A_1534, %add3A_1534 : vector<16xf32>
        %add3A_1540 = arith.addf %add3A_1523, %mul3A_1539 : vector<16xf32>
        %get3A_1541 = arith.index_cast %scan3A_1482 : i32 to index
        %get3A_1542 = arith.constant 48 : index
        %get3A_1543 = tpu.vector_load %arg18[%get3A_1541, %get3A_1542] {strides = array<i32>} : memref<100x128xf32, #tpu.memory_space<vmem>>, vector<16xf32>,
        %add3A_1544 = arith.constant 0 : i32
        %add3A_1545 = arith.addi %add3A_1544, %scan3A_1482 : i32
        %get3A_1546 = arith.index_cast %add3A_1545 : i32 to index
        %get3A_1547 = arith.constant 48 : index
        %get3A_1548 = tpu.vector_load %arg12[%get3A_1546, %get3A_1547] {strides = array<i32>} : memref<200x128xf32, #tpu.memory_space<vmem>>, vector<16xf32>,
        %add3A_1549 = arith.addf %get3A_1543, %get3A_1548 : vector<16xf32>
        %mul3A_1550 = arith.mulf %masked_cumsum3A_1491, %sub3A_86 : vector<16xf32>
        %add3A_1551 = arith.addf %add3A_1549, %mul3A_1550 : vector<16xf32>
        %swap3A_1552 = arith.index_cast %scan3A_1482 : i32 to index
        %swap3A_1553 = arith.constant 48 : index
        %swap3A_1554 = tpu.vector_load %arg18[%swap3A_1552, %swap3A_1553] {strides = array<i32>} : memref<100x128xf32, #tpu.memory_space<vmem>>, vector<16xf32>,
        tpu.vector_store %arg18[%swap3A_1552, %swap3A_1553], %add3A_1551 {strides = array<i32>} : memref<100x128xf32, #tpu.memory_space<vmem>>, vector<16xf32>,
        %add3A_1555 = arith.addf %add3A_1538, %add3A_1551 : vector<16xf32>
        %mul3A_1556 = arith.mulf %add3A_1551, %add3A_1551 : vector<16xf32>
        %add3A_1557 = arith.addf %add3A_1540, %mul3A_1556 : vector<16xf32>
        %get3A_1558 = arith.index_cast %scan3A_1482 : i32 to index
        %get3A_1559 = arith.constant 64 : index
        %get3A_1560 = tpu.vector_load %arg18[%get3A_1558, %get3A_1559] {strides = array<i32>} : memref<100x128xf32, #tpu.memory_space<vmem>>, vector<16xf32>,
        %add3A_1561 = arith.constant 0 : i32
        %add3A_1562 = arith.addi %add3A_1561, %scan3A_1482 : i32
        %get3A_1563 = arith.index_cast %add3A_1562 : i32 to index
        %get3A_1564 = arith.constant 64 : index
        %get3A_1565 = tpu.vector_load %arg12[%get3A_1563, %get3A_1564] {strides = array<i32>} : memref<200x128xf32, #tpu.memory_space<vmem>>, vector<16xf32>,
        %add3A_1566 = arith.addf %get3A_1560, %get3A_1565 : vector<16xf32>
        %mul3A_1567 = arith.mulf %masked_cumsum3A_1491, %sub3A_91 : vector<16xf32>
        %add3A_1568 = arith.addf %add3A_1566, %mul3A_1567 : vector<16xf32>
        %swap3A_1569 = arith.index_cast %scan3A_1482 : i32 to index
        %swap3A_1570 = arith.constant 64 : index
        %swap3A_1571 = tpu.vector_load %arg18[%swap3A_1569, %swap3A_1570] {strides = array<i32>} : memref<100x128xf32, #tpu.memory_space<vmem>>, vector<16xf32>,
        tpu.vector_store %arg18[%swap3A_1569, %swap3A_1570], %add3A_1568 {strides = array<i32>} : memref<100x128xf32, #tpu.memory_space<vmem>>, vector<16xf32>,
        %add3A_1572 = arith.addf %add3A_1555, %add3A_1568 : vector<16xf32>
        %mul3A_1573 = arith.mulf %add3A_1568, %add3A_1568 : vector<16xf32>
        %add3A_1574 = arith.addf %add3A_1557, %mul3A_1573 : vector<16xf32>
        %get3A_1575 = arith.index_cast %scan3A_1482 : i32 to index
        %get3A_1576 = arith.constant 80 : index
        %get3A_1577 = tpu.vector_load %arg18[%get3A_1575, %get3A_1576] {strides = array<i32>} : memref<100x128xf32, #tpu.memory_space<vmem>>, vector<16xf32>,
        %add3A_1578 = arith.constant 0 : i32
        %add3A_1579 = arith.addi %add3A_1578, %scan3A_1482 : i32
        %get3A_1580 = arith.index_cast %add3A_1579 : i32 to index
        %get3A_1581 = arith.constant 80 : index
        %get3A_1582 = tpu.vector_load %arg12[%get3A_1580, %get3A_1581] {strides = array<i32>} : memref<200x128xf32, #tpu.memory_space<vmem>>, vector<16xf32>,
        %add3A_1583 = arith.addf %get3A_1577, %get3A_1582 : vector<16xf32>
        %mul3A_1584 = arith.mulf %masked_cumsum3A_1491, %sub3A_96 : vector<16xf32>
        %add3A_1585 = arith.addf %add3A_1583, %mul3A_1584 : vector<16xf32>
        %swap3A_1586 = arith.index_cast %scan3A_1482 : i32 to index
        %swap3A_1587 = arith.constant 80 : index
        %swap3A_1588 = tpu.vector_load %arg18[%swap3A_1586, %swap3A_1587] {strides = array<i32>} : memref<100x128xf32, #tpu.memory_space<vmem>>, vector<16xf32>,
        tpu.vector_store %arg18[%swap3A_1586, %swap3A_1587], %add3A_1585 {strides = array<i32>} : memref<100x128xf32, #tpu.memory_space<vmem>>, vector<16xf32>,
        %add3A_1589 = arith.addf %add3A_1572, %add3A_1585 : vector<16xf32>
        %mul3A_1590 = arith.mulf %add3A_1585, %add3A_1585 : vector<16xf32>
        %add3A_1591 = arith.addf %add3A_1574, %mul3A_1590 : vector<16xf32>
        %get3A_1592 = arith.index_cast %scan3A_1482 : i32 to index
        %get3A_1593 = arith.constant 96 : index
        %get3A_1594 = tpu.vector_load %arg18[%get3A_1592, %get3A_1593] {strides = array<i32>} : memref<100x128xf32, #tpu.memory_space<vmem>>, vector<16xf32>,
        %add3A_1595 = arith.constant 0 : i32
        %add3A_1596 = arith.addi %add3A_1595, %scan3A_1482 : i32
        %get3A_1597 = arith.index_cast %add3A_1596 : i32 to index
        %get3A_1598 = arith.constant 96 : index
        %get3A_1599 = tpu.vector_load %arg12[%get3A_1597, %get3A_1598] {strides = array<i32>} : memref<200x128xf32, #tpu.memory_space<vmem>>, vector<16xf32>,
        %add3A_1600 = arith.addf %get3A_1594, %get3A_1599 : vector<16xf32>
        %mul3A_1601 = arith.mulf %masked_cumsum3A_1491, %sub3A_101 : vector<16xf32>
        %add3A_1602 = arith.addf %add3A_1600, %mul3A_1601 : vector<16xf32>
        %swap3A_1603 = arith.index_cast %scan3A_1482 : i32 to index
        %swap3A_1604 = arith.constant 96 : index
        %swap3A_1605 = tpu.vector_load %arg18[%swap3A_1603, %swap3A_1604] {strides = array<i32>} : memref<100x128xf32, #tpu.memory_space<vmem>>, vector<16xf32>,
        tpu.vector_store %arg18[%swap3A_1603, %swap3A_1604], %add3A_1602 {strides = array<i32>} : memref<100x128xf32, #tpu.memory_space<vmem>>, vector<16xf32>,
        %add3A_1606 = arith.addf %add3A_1589, %add3A_1602 : vector<16xf32>
        %mul3A_1607 = arith.mulf %add3A_1602, %add3A_1602 : vector<16xf32>
        %add3A_1608 = arith.addf %add3A_1591, %mul3A_1607 : vector<16xf32>
        %get3A_1609 = arith.index_cast %scan3A_1482 : i32 to index
        %get3A_1610 = arith.constant 112 : index
        %get3A_1611 = tpu.vector_load %arg18[%get3A_1609, %get3A_1610] {strides = array<i32>} : memref<100x128xf32, #tpu.memory_space<vmem>>, vector<16xf32>,
        %add3A_1612 = arith.constant 0 : i32
        %add3A_1613 = arith.addi %add3A_1612, %scan3A_1482 : i32
        %get3A_1614 = arith.index_cast %add3A_1613 : i32 to index
        %get3A_1615 = arith.constant 112 : index
        %get3A_1616 = tpu.vector_load %arg12[%get3A_1614, %get3A_1615] {strides = array<i32>} : memref<200x128xf32, #tpu.memory_space<vmem>>, vector<16xf32>,
        %add3A_1617 = arith.addf %get3A_1611, %get3A_1616 : vector<16xf32>
        %mul3A_1618 = arith.mulf %masked_cumsum3A_1491, %sub3A_106 : vector<16xf32>
        %add3A_1619 = arith.addf %add3A_1617, %mul3A_1618 : vector<16xf32>
        %swap3A_1620 = arith.index_cast %scan3A_1482 : i32 to index
        %swap3A_1621 = arith.constant 112 : index
        %swap3A_1622 = tpu.vector_load %arg18[%swap3A_1620, %swap3A_1621] {strides = array<i32>} : memref<100x128xf32, #tpu.memory_space<vmem>>, vector<16xf32>,
        tpu.vector_store %arg18[%swap3A_1620, %swap3A_1621], %add3A_1619 {strides = array<i32>} : memref<100x128xf32, #tpu.memory_space<vmem>>, vector<16xf32>,
        %add3A_1623 = arith.addf %add3A_1606, %add3A_1619 : vector<16xf32>
        %mul3A_1624 = arith.mulf %add3A_1619, %add3A_1619 : vector<16xf32>
        %add3A_1625 = arith.addf %add3A_1608, %mul3A_1624 : vector<16xf32>
        %sub3A_1626 = arith.constant 1 : i32
        %sub3A_1627 = arith.subi %scan3A_1482, %sub3A_1626 : i32
        %broadcast_in_dim3A_1628 = arith.constant true
        %broadcast_in_dim3A_1629 = vector.broadcast %broadcast_in_dim3A_1628 : i1 to vector<16xi1>
        %masked_cumsum3A_1630 = tpu.scan <sum>, %scan3A_1483 masked %broadcast_in_dim3A_1629 : vector<16xf32>, vector<16xi1> -> vector<16xf32>
        %rev3A_1631 = arith.constant 15 : i32
        %rev3A_1632 = vector.broadcast %rev3A_1631 : i32 to vector<16xi32>
        %rev3A_1633 = tpu.iota {dimensions = array<i32: 0>} : vector<16xi32>
        %rev3A_1634 = arith.subi %rev3A_1632, %rev3A_1633 : vector<16xi32>
        %rev3A_1635 = tpu.dynamic_gather %masked_cumsum3A_1630[%rev3A_1634] in [0] : vector<16xf32>, vector<16xi32> -> vector<16xf32>
        %mul3A_1636 = arith.mulf %rev3A_1635, %convert_element_type3A_109 : vector<16xf32>
        %broadcast_in_dim3A_1637 = arith.constant true
        %broadcast_in_dim3A_1638 = vector.broadcast %broadcast_in_dim3A_1637 : i1 to vector<16xi1>
        %masked_cumsum3A_1639 = tpu.scan <sum>, %mul3A_1636 masked %broadcast_in_dim3A_1638 : vector<16xf32>, vector<16xi1> -> vector<16xf32>
        %mul3A_1640 = arith.constant 7.812500e-03 : f32
        %mul3A_1641 = vector.broadcast %mul3A_1640 : f32 to vector<16xf32>
        %mul3A_1642 = arith.mulf %masked_cumsum3A_1639, %mul3A_1641 : vector<16xf32>
        %broadcast_in_dim3A_1643 = arith.constant true
        %broadcast_in_dim3A_1644 = vector.broadcast %broadcast_in_dim3A_1643 : i1 to vector<16xi1>
        %masked_cumsum3A_1645 = tpu.scan <sum>, %scan3A_1484 masked %broadcast_in_dim3A_1644 : vector<16xf32>, vector<16xi1> -> vector<16xf32>
        %rev3A_1646 = arith.constant 15 : i32
        %rev3A_1647 = vector.broadcast %rev3A_1646 : i32 to vector<16xi32>
        %rev3A_1648 = tpu.iota {dimensions = array<i32: 0>} : vector<16xi32>
        %rev3A_1649 = arith.subi %rev3A_1647, %rev3A_1648 : vector<16xi32>
        %rev3A_1650 = tpu.dynamic_gather %masked_cumsum3A_1645[%rev3A_1649] in [0] : vector<16xf32>, vector<16xi32> -> vector<16xf32>
        %mul3A_1651 = arith.mulf %rev3A_1650, %convert_element_type3A_109 : vector<16xf32>
        %broadcast_in_dim3A_1652 = arith.constant true
        %broadcast_in_dim3A_1653 = vector.broadcast %broadcast_in_dim3A_1652 : i1 to vector<16xi1>
        %masked_cumsum3A_1654 = tpu.scan <sum>, %mul3A_1651 masked %broadcast_in_dim3A_1653 : vector<16xf32>, vector<16xi1> -> vector<16xf32>
        %mul3A_1655 = arith.constant 7.812500e-03 : f32
        %mul3A_1656 = vector.broadcast %mul3A_1655 : f32 to vector<16xf32>
        %mul3A_1657 = arith.mulf %masked_cumsum3A_1654, %mul3A_1656 : vector<16xf32>
        %mul3A_1658 = arith.mulf %mul3A_1642, %mul3A_1642 : vector<16xf32>
        %sub3A_1659 = arith.subf %mul3A_1657, %mul3A_1658 : vector<16xf32>
        %add3A_1660 = arith.constant 9.99999974E-6 : f32
        %add3A_1661 = vector.broadcast %add3A_1660 : f32 to vector<16xf32>
        %add3A_1662 = arith.addf %sub3A_1659, %add3A_1661 : vector<16xf32>
        %mul3A_1663 = arith.constant 5.000000e-01 : f32
        %mul3A_1664 = vector.broadcast %mul3A_1663 : f32 to vector<16xf32>
        %mul3A_1665 = arith.mulf %mul3A_1664, %add3A_1662 : vector<16xf32>
        %bitcast3A_1666 = vector.bitcast %add3A_1662 : vector<16xf32> to vector<16xi32>
        %shift_right_arithmetic3A_1667 = arith.constant 1 : i32
        %shift_right_arithmetic3A_1668 = vector.broadcast %shift_right_arithmetic3A_1667 : i32 to vector<16xi32>
        %shift_right_arithmetic3A_1669 = arith.shrsi %bitcast3A_1666, %shift_right_arithmetic3A_1668 : vector<16xi32>
        %sub3A_1670 = arith.constant 1597463007 : i32
        %sub3A_1671 = vector.broadcast %sub3A_1670 : i32 to vector<16xi32>
        %sub3A_1672 = arith.subi %sub3A_1671, %shift_right_arithmetic3A_1669 : vector<16xi32>
        %bitcast3A_1673 = vector.bitcast %sub3A_1672 : vector<16xi32> to vector<16xf32>
        %mul3A_1674 = arith.mulf %mul3A_1665, %bitcast3A_1673 : vector<16xf32>
        %mul3A_1675 = arith.mulf %mul3A_1674, %bitcast3A_1673 : vector<16xf32>
        %sub3A_1676 = arith.constant 1.500000e+00 : f32
        %sub3A_1677 = vector.broadcast %sub3A_1676 : f32 to vector<16xf32>
        %sub3A_1678 = arith.subf %sub3A_1677, %mul3A_1675 : vector<16xf32>
        %mul3A_1679 = arith.mulf %bitcast3A_1673, %sub3A_1678 : vector<16xf32>
        %get3A_1680 = arith.index_cast %sub3A_1627 : i32 to index
        %get3A_1681 = arith.constant 0 : index
        %get3A_1682 = tpu.vector_load %arg18[%get3A_1680, %get3A_1681] {strides = array<i32>} : memref<100x128xf32, #tpu.memory_space<vmem>>, vector<16xf32>,
        %sub3A_1683 = arith.subf %get3A_1682, %mul3A_1642 : vector<16xf32>
        %mul3A_1684 = arith.mulf %sub3A_1683, %mul3A_1679 : vector<16xf32>
        %mul3A_1685 = arith.mulf %mul3A_1684, %get3A_5 : vector<16xf32>
        %add3A_1686 = arith.addf %mul3A_1685, %get3A_21 : vector<16xf32>
        %swap3A_1687 = arith.index_cast %sub3A_1627 : i32 to index
        %swap3A_1688 = arith.constant 0 : index
        %swap3A_1689 = tpu.vector_load %arg18[%swap3A_1687, %swap3A_1688] {strides = array<i32>} : memref<100x128xf32, #tpu.memory_space<vmem>>, vector<16xf32>,
        tpu.vector_store %arg18[%swap3A_1687, %swap3A_1688], %add3A_1686 {strides = array<i32>} : memref<100x128xf32, #tpu.memory_space<vmem>>, vector<16xf32>,
        %get3A_1690 = arith.index_cast %sub3A_1627 : i32 to index
        %get3A_1691 = arith.constant 16 : index
        %get3A_1692 = tpu.vector_load %arg18[%get3A_1690, %get3A_1691] {strides = array<i32>} : memref<100x128xf32, #tpu.memory_space<vmem>>, vector<16xf32>,
        %sub3A_1693 = arith.subf %get3A_1692, %mul3A_1642 : vector<16xf32>
        %mul3A_1694 = arith.mulf %sub3A_1693, %mul3A_1679 : vector<16xf32>
        %mul3A_1695 = arith.mulf %mul3A_1694, %get3A_7 : vector<16xf32>
        %add3A_1696 = arith.addf %mul3A_1695, %get3A_23 : vector<16xf32>
        %swap3A_1697 = arith.index_cast %sub3A_1627 : i32 to index
        %swap3A_1698 = arith.constant 16 : index
        %swap3A_1699 = tpu.vector_load %arg18[%swap3A_1697, %swap3A_1698] {strides = array<i32>} : memref<100x128xf32, #tpu.memory_space<vmem>>, vector<16xf32>,
        tpu.vector_store %arg18[%swap3A_1697, %swap3A_1698], %add3A_1696 {strides = array<i32>} : memref<100x128xf32, #tpu.memory_space<vmem>>, vector<16xf32>,
        %get3A_1700 = arith.index_cast %sub3A_1627 : i32 to index
        %get3A_1701 = arith.constant 32 : index
        %get3A_1702 = tpu.vector_load %arg18[%get3A_1700, %get3A_1701] {strides = array<i32>} : memref<100x128xf32, #tpu.memory_space<vmem>>, vector<16xf32>,
        %sub3A_1703 = arith.subf %get3A_1702, %mul3A_1642 : vector<16xf32>
        %mul3A_1704 = arith.mulf %sub3A_1703, %mul3A_1679 : vector<16xf32>
        %mul3A_1705 = arith.mulf %mul3A_1704, %get3A_9 : vector<16xf32>
        %add3A_1706 = arith.addf %mul3A_1705, %get3A_25 : vector<16xf32>
        %swap3A_1707 = arith.index_cast %sub3A_1627 : i32 to index
        %swap3A_1708 = arith.constant 32 : index
        %swap3A_1709 = tpu.vector_load %arg18[%swap3A_1707, %swap3A_1708] {strides = array<i32>} : memref<100x128xf32, #tpu.memory_space<vmem>>, vector<16xf32>,
        tpu.vector_store %arg18[%swap3A_1707, %swap3A_1708], %add3A_1706 {strides = array<i32>} : memref<100x128xf32, #tpu.memory_space<vmem>>, vector<16xf32>,
        %get3A_1710 = arith.index_cast %sub3A_1627 : i32 to index
        %get3A_1711 = arith.constant 48 : index
        %get3A_1712 = tpu.vector_load %arg18[%get3A_1710, %get3A_1711] {strides = array<i32>} : memref<100x128xf32, #tpu.memory_space<vmem>>, vector<16xf32>,
        %sub3A_1713 = arith.subf %get3A_1712, %mul3A_1642 : vector<16xf32>
        %mul3A_1714 = arith.mulf %sub3A_1713, %mul3A_1679 : vector<16xf32>
        %mul3A_1715 = arith.mulf %mul3A_1714, %get3A_11 : vector<16xf32>
        %add3A_1716 = arith.addf %mul3A_1715, %get3A_27 : vector<16xf32>
        %swap3A_1717 = arith.index_cast %sub3A_1627 : i32 to index
        %swap3A_1718 = arith.constant 48 : index
        %swap3A_1719 = tpu.vector_load %arg18[%swap3A_1717, %swap3A_1718] {strides = array<i32>} : memref<100x128xf32, #tpu.memory_space<vmem>>, vector<16xf32>,
        tpu.vector_store %arg18[%swap3A_1717, %swap3A_1718], %add3A_1716 {strides = array<i32>} : memref<100x128xf32, #tpu.memory_space<vmem>>, vector<16xf32>,
        %get3A_1720 = arith.index_cast %sub3A_1627 : i32 to index
        %get3A_1721 = arith.constant 64 : index
        %get3A_1722 = tpu.vector_load %arg18[%get3A_1720, %get3A_1721] {strides = array<i32>} : memref<100x128xf32, #tpu.memory_space<vmem>>, vector<16xf32>,
        %sub3A_1723 = arith.subf %get3A_1722, %mul3A_1642 : vector<16xf32>
        %mul3A_1724 = arith.mulf %sub3A_1723, %mul3A_1679 : vector<16xf32>
        %mul3A_1725 = arith.mulf %mul3A_1724, %get3A_13 : vector<16xf32>
        %add3A_1726 = arith.addf %mul3A_1725, %get3A_29 : vector<16xf32>
        %swap3A_1727 = arith.index_cast %sub3A_1627 : i32 to index
        %swap3A_1728 = arith.constant 64 : index
        %swap3A_1729 = tpu.vector_load %arg18[%swap3A_1727, %swap3A_1728] {strides = array<i32>} : memref<100x128xf32, #tpu.memory_space<vmem>>, vector<16xf32>,
        tpu.vector_store %arg18[%swap3A_1727, %swap3A_1728], %add3A_1726 {strides = array<i32>} : memref<100x128xf32, #tpu.memory_space<vmem>>, vector<16xf32>,
        %get3A_1730 = arith.index_cast %sub3A_1627 : i32 to index
        %get3A_1731 = arith.constant 80 : index
        %get3A_1732 = tpu.vector_load %arg18[%get3A_1730, %get3A_1731] {strides = array<i32>} : memref<100x128xf32, #tpu.memory_space<vmem>>, vector<16xf32>,
        %sub3A_1733 = arith.subf %get3A_1732, %mul3A_1642 : vector<16xf32>
        %mul3A_1734 = arith.mulf %sub3A_1733, %mul3A_1679 : vector<16xf32>
        %mul3A_1735 = arith.mulf %mul3A_1734, %get3A_15 : vector<16xf32>
        %add3A_1736 = arith.addf %mul3A_1735, %get3A_31 : vector<16xf32>
        %swap3A_1737 = arith.index_cast %sub3A_1627 : i32 to index
        %swap3A_1738 = arith.constant 80 : index
        %swap3A_1739 = tpu.vector_load %arg18[%swap3A_1737, %swap3A_1738] {strides = array<i32>} : memref<100x128xf32, #tpu.memory_space<vmem>>, vector<16xf32>,
        tpu.vector_store %arg18[%swap3A_1737, %swap3A_1738], %add3A_1736 {strides = array<i32>} : memref<100x128xf32, #tpu.memory_space<vmem>>, vector<16xf32>,
        %get3A_1740 = arith.index_cast %sub3A_1627 : i32 to index
        %get3A_1741 = arith.constant 96 : index
        %get3A_1742 = tpu.vector_load %arg18[%get3A_1740, %get3A_1741] {strides = array<i32>} : memref<100x128xf32, #tpu.memory_space<vmem>>, vector<16xf32>,
        %sub3A_1743 = arith.subf %get3A_1742, %mul3A_1642 : vector<16xf32>
        %mul3A_1744 = arith.mulf %sub3A_1743, %mul3A_1679 : vector<16xf32>
        %mul3A_1745 = arith.mulf %mul3A_1744, %get3A_17 : vector<16xf32>
        %add3A_1746 = arith.addf %mul3A_1745, %get3A_33 : vector<16xf32>
        %swap3A_1747 = arith.index_cast %sub3A_1627 : i32 to index
        %swap3A_1748 = arith.constant 96 : index
        %swap3A_1749 = tpu.vector_load %arg18[%swap3A_1747, %swap3A_1748] {strides = array<i32>} : memref<100x128xf32, #tpu.memory_space<vmem>>, vector<16xf32>,
        tpu.vector_store %arg18[%swap3A_1747, %swap3A_1748], %add3A_1746 {strides = array<i32>} : memref<100x128xf32, #tpu.memory_space<vmem>>, vector<16xf32>,
        %get3A_1750 = arith.index_cast %sub3A_1627 : i32 to index
        %get3A_1751 = arith.constant 112 : index
        %get3A_1752 = tpu.vector_load %arg18[%get3A_1750, %get3A_1751] {strides = array<i32>} : memref<100x128xf32, #tpu.memory_space<vmem>>, vector<16xf32>,
        %sub3A_1753 = arith.subf %get3A_1752, %mul3A_1642 : vector<16xf32>
        %mul3A_1754 = arith.mulf %sub3A_1753, %mul3A_1679 : vector<16xf32>
        %mul3A_1755 = arith.mulf %mul3A_1754, %get3A_19 : vector<16xf32>
        %add3A_1756 = arith.addf %mul3A_1755, %get3A_35 : vector<16xf32>
        %swap3A_1757 = arith.index_cast %sub3A_1627 : i32 to index
        %swap3A_1758 = arith.constant 112 : index
        %swap3A_1759 = tpu.vector_load %arg18[%swap3A_1757, %swap3A_1758] {strides = array<i32>} : memref<100x128xf32, #tpu.memory_space<vmem>>, vector<16xf32>,
        tpu.vector_store %arg18[%swap3A_1757, %swap3A_1758], %add3A_1756 {strides = array<i32>} : memref<100x128xf32, #tpu.memory_space<vmem>>, vector<16xf32>,
        scf.yield %add3A_1623, %add3A_1625 : vector<16xf32>, vector<16xf32>
      }
      %scan3A_980 = arith.constant 99 : i32
      %broadcast_in_dim3A_981 = arith.constant true
      %broadcast_in_dim3A_982 = vector.broadcast %broadcast_in_dim3A_981 : i1 to vector<16xi1>
      %masked_cumsum3A_983 = tpu.scan <sum>, %scan3A_979#0 masked %broadcast_in_dim3A_982 : vector<16xf32>, vector<16xi1> -> vector<16xf32>
      %rev3A_984 = arith.constant 15 : i32
      %rev3A_985 = vector.broadcast %rev3A_984 : i32 to vector<16xi32>
      %rev3A_986 = tpu.iota {dimensions = array<i32: 0>} : vector<16xi32>
      %rev3A_987 = arith.subi %rev3A_985, %rev3A_986 : vector<16xi32>
      %rev3A_988 = tpu.dynamic_gather %masked_cumsum3A_983[%rev3A_987] in [0] : vector<16xf32>, vector<16xi32> -> vector<16xf32>
      %mul3A_989 = arith.mulf %rev3A_988, %convert_element_type3A_109 : vector<16xf32>
      %broadcast_in_dim3A_990 = arith.constant true
      %broadcast_in_dim3A_991 = vector.broadcast %broadcast_in_dim3A_990 : i1 to vector<16xi1>
      %masked_cumsum3A_992 = tpu.scan <sum>, %mul3A_989 masked %broadcast_in_dim3A_991 : vector<16xf32>, vector<16xi1> -> vector<16xf32>
      %mul3A_993 = arith.constant 7.812500e-03 : f32
      %mul3A_994 = vector.broadcast %mul3A_993 : f32 to vector<16xf32>
      %mul3A_995 = arith.mulf %masked_cumsum3A_992, %mul3A_994 : vector<16xf32>
      %broadcast_in_dim3A_996 = arith.constant true
      %broadcast_in_dim3A_997 = vector.broadcast %broadcast_in_dim3A_996 : i1 to vector<16xi1>
      %masked_cumsum3A_998 = tpu.scan <sum>, %scan3A_979#1 masked %broadcast_in_dim3A_997 : vector<16xf32>, vector<16xi1> -> vector<16xf32>
      %rev3A_999 = arith.constant 15 : i32
      %rev3A_1000 = vector.broadcast %rev3A_999 : i32 to vector<16xi32>
      %rev3A_1001 = tpu.iota {dimensions = array<i32: 0>} : vector<16xi32>
      %rev3A_1002 = arith.subi %rev3A_1000, %rev3A_1001 : vector<16xi32>
      %rev3A_1003 = tpu.dynamic_gather %masked_cumsum3A_998[%rev3A_1002] in [0] : vector<16xf32>, vector<16xi32> -> vector<16xf32>
      %mul3A_1004 = arith.mulf %rev3A_1003, %convert_element_type3A_109 : vector<16xf32>
      %broadcast_in_dim3A_1005 = arith.constant true
      %broadcast_in_dim3A_1006 = vector.broadcast %broadcast_in_dim3A_1005 : i1 to vector<16xi1>
      %masked_cumsum3A_1007 = tpu.scan <sum>, %mul3A_1004 masked %broadcast_in_dim3A_1006 : vector<16xf32>, vector<16xi1> -> vector<16xf32>
      %mul3A_1008 = arith.constant 7.812500e-03 : f32
      %mul3A_1009 = vector.broadcast %mul3A_1008 : f32 to vector<16xf32>
      %mul3A_1010 = arith.mulf %masked_cumsum3A_1007, %mul3A_1009 : vector<16xf32>
      %mul3A_1011 = arith.mulf %mul3A_995, %mul3A_995 : vector<16xf32>
      %sub3A_1012 = arith.subf %mul3A_1010, %mul3A_1011 : vector<16xf32>
      %add3A_1013 = arith.constant 9.99999974E-6 : f32
      %add3A_1014 = vector.broadcast %add3A_1013 : f32 to vector<16xf32>
      %add3A_1015 = arith.addf %sub3A_1012, %add3A_1014 : vector<16xf32>
      %mul3A_1016 = arith.constant 5.000000e-01 : f32
      %mul3A_1017 = vector.broadcast %mul3A_1016 : f32 to vector<16xf32>
      %mul3A_1018 = arith.mulf %mul3A_1017, %add3A_1015 : vector<16xf32>
      %bitcast3A_1019 = vector.bitcast %add3A_1015 : vector<16xf32> to vector<16xi32>
      %shift_right_arithmetic3A_1020 = arith.constant 1 : i32
      %shift_right_arithmetic3A_1021 = vector.broadcast %shift_right_arithmetic3A_1020 : i32 to vector<16xi32>
      %shift_right_arithmetic3A_1022 = arith.shrsi %bitcast3A_1019, %shift_right_arithmetic3A_1021 : vector<16xi32>
      %sub3A_1023 = arith.constant 1597463007 : i32
      %sub3A_1024 = vector.broadcast %sub3A_1023 : i32 to vector<16xi32>
      %sub3A_1025 = arith.subi %sub3A_1024, %shift_right_arithmetic3A_1022 : vector<16xi32>
      %bitcast3A_1026 = vector.bitcast %sub3A_1025 : vector<16xi32> to vector<16xf32>
      %mul3A_1027 = arith.mulf %mul3A_1018, %bitcast3A_1026 : vector<16xf32>
      %mul3A_1028 = arith.mulf %mul3A_1027, %bitcast3A_1026 : vector<16xf32>
      %sub3A_1029 = arith.constant 1.500000e+00 : f32
      %sub3A_1030 = vector.broadcast %sub3A_1029 : f32 to vector<16xf32>
      %sub3A_1031 = arith.subf %sub3A_1030, %mul3A_1028 : vector<16xf32>
      %mul3A_1032 = arith.mulf %bitcast3A_1026, %sub3A_1031 : vector<16xf32>
      %get3A_1033 = arith.constant 99 : i32
      %get3A_1034 = arith.index_cast %get3A_1033 : i32 to index
      %get3A_1035 = arith.constant 0 : index
      %get3A_1036 = tpu.vector_load %arg18[%get3A_1034, %get3A_1035] {strides = array<i32>} : memref<100x128xf32, #tpu.memory_space<vmem>>, vector<16xf32>,
      %sub3A_1037 = arith.subf %get3A_1036, %mul3A_995 : vector<16xf32>
      %mul3A_1038 = arith.mulf %sub3A_1037, %mul3A_1032 : vector<16xf32>
      %mul3A_1039 = arith.mulf %mul3A_1038, %get3A_5 : vector<16xf32>
      %add3A_1040 = arith.addf %mul3A_1039, %get3A_21 : vector<16xf32>
      %swap3A_1041 = arith.constant 99 : i32
      %swap3A_1042 = arith.index_cast %swap3A_1041 : i32 to index
      %swap3A_1043 = arith.constant 0 : index
      %swap3A_1044 = tpu.vector_load %arg18[%swap3A_1042, %swap3A_1043] {strides = array<i32>} : memref<100x128xf32, #tpu.memory_space<vmem>>, vector<16xf32>,
      tpu.vector_store %arg18[%swap3A_1042, %swap3A_1043], %add3A_1040 {strides = array<i32>} : memref<100x128xf32, #tpu.memory_space<vmem>>, vector<16xf32>,
      %get3A_1045 = arith.constant 99 : i32
      %get3A_1046 = arith.index_cast %get3A_1045 : i32 to index
      %get3A_1047 = arith.constant 16 : index
      %get3A_1048 = tpu.vector_load %arg18[%get3A_1046, %get3A_1047] {strides = array<i32>} : memref<100x128xf32, #tpu.memory_space<vmem>>, vector<16xf32>,
      %sub3A_1049 = arith.subf %get3A_1048, %mul3A_995 : vector<16xf32>
      %mul3A_1050 = arith.mulf %sub3A_1049, %mul3A_1032 : vector<16xf32>
      %mul3A_1051 = arith.mulf %mul3A_1050, %get3A_7 : vector<16xf32>
      %add3A_1052 = arith.addf %mul3A_1051, %get3A_23 : vector<16xf32>
      %swap3A_1053 = arith.constant 99 : i32
      %swap3A_1054 = arith.index_cast %swap3A_1053 : i32 to index
      %swap3A_1055 = arith.constant 16 : index
      %swap3A_1056 = tpu.vector_load %arg18[%swap3A_1054, %swap3A_1055] {strides = array<i32>} : memref<100x128xf32, #tpu.memory_space<vmem>>, vector<16xf32>,
      tpu.vector_store %arg18[%swap3A_1054, %swap3A_1055], %add3A_1052 {strides = array<i32>} : memref<100x128xf32, #tpu.memory_space<vmem>>, vector<16xf32>,
      %get3A_1057 = arith.constant 99 : i32
      %get3A_1058 = arith.index_cast %get3A_1057 : i32 to index
      %get3A_1059 = arith.constant 32 : index
      %get3A_1060 = tpu.vector_load %arg18[%get3A_1058, %get3A_1059] {strides = array<i32>} : memref<100x128xf32, #tpu.memory_space<vmem>>, vector<16xf32>,
      %sub3A_1061 = arith.subf %get3A_1060, %mul3A_995 : vector<16xf32>
      %mul3A_1062 = arith.mulf %sub3A_1061, %mul3A_1032 : vector<16xf32>
      %mul3A_1063 = arith.mulf %mul3A_1062, %get3A_9 : vector<16xf32>
      %add3A_1064 = arith.addf %mul3A_1063, %get3A_25 : vector<16xf32>
      %swap3A_1065 = arith.constant 99 : i32
      %swap3A_1066 = arith.index_cast %swap3A_1065 : i32 to index
      %swap3A_1067 = arith.constant 32 : index
      %swap3A_1068 = tpu.vector_load %arg18[%swap3A_1066, %swap3A_1067] {strides = array<i32>} : memref<100x128xf32, #tpu.memory_space<vmem>>, vector<16xf32>,
      tpu.vector_store %arg18[%swap3A_1066, %swap3A_1067], %add3A_1064 {strides = array<i32>} : memref<100x128xf32, #tpu.memory_space<vmem>>, vector<16xf32>,
      %get3A_1069 = arith.constant 99 : i32
      %get3A_1070 = arith.index_cast %get3A_1069 : i32 to index
      %get3A_1071 = arith.constant 48 : index
      %get3A_1072 = tpu.vector_load %arg18[%get3A_1070, %get3A_1071] {strides = array<i32>} : memref<100x128xf32, #tpu.memory_space<vmem>>, vector<16xf32>,
      %sub3A_1073 = arith.subf %get3A_1072, %mul3A_995 : vector<16xf32>
      %mul3A_1074 = arith.mulf %sub3A_1073, %mul3A_1032 : vector<16xf32>
      %mul3A_1075 = arith.mulf %mul3A_1074, %get3A_11 : vector<16xf32>
      %add3A_1076 = arith.addf %mul3A_1075, %get3A_27 : vector<16xf32>
      %swap3A_1077 = arith.constant 99 : i32
      %swap3A_1078 = arith.index_cast %swap3A_1077 : i32 to index
      %swap3A_1079 = arith.constant 48 : index
      %swap3A_1080 = tpu.vector_load %arg18[%swap3A_1078, %swap3A_1079] {strides = array<i32>} : memref<100x128xf32, #tpu.memory_space<vmem>>, vector<16xf32>,
      tpu.vector_store %arg18[%swap3A_1078, %swap3A_1079], %add3A_1076 {strides = array<i32>} : memref<100x128xf32, #tpu.memory_space<vmem>>, vector<16xf32>,
      %get3A_1081 = arith.constant 99 : i32
      %get3A_1082 = arith.index_cast %get3A_1081 : i32 to index
      %get3A_1083 = arith.constant 64 : index
      %get3A_1084 = tpu.vector_load %arg18[%get3A_1082, %get3A_1083] {strides = array<i32>} : memref<100x128xf32, #tpu.memory_space<vmem>>, vector<16xf32>,
      %sub3A_1085 = arith.subf %get3A_1084, %mul3A_995 : vector<16xf32>
      %mul3A_1086 = arith.mulf %sub3A_1085, %mul3A_1032 : vector<16xf32>
      %mul3A_1087 = arith.mulf %mul3A_1086, %get3A_13 : vector<16xf32>
      %add3A_1088 = arith.addf %mul3A_1087, %get3A_29 : vector<16xf32>
      %swap3A_1089 = arith.constant 99 : i32
      %swap3A_1090 = arith.index_cast %swap3A_1089 : i32 to index
      %swap3A_1091 = arith.constant 64 : index
      %swap3A_1092 = tpu.vector_load %arg18[%swap3A_1090, %swap3A_1091] {strides = array<i32>} : memref<100x128xf32, #tpu.memory_space<vmem>>, vector<16xf32>,
      tpu.vector_store %arg18[%swap3A_1090, %swap3A_1091], %add3A_1088 {strides = array<i32>} : memref<100x128xf32, #tpu.memory_space<vmem>>, vector<16xf32>,
      %get3A_1093 = arith.constant 99 : i32
      %get3A_1094 = arith.index_cast %get3A_1093 : i32 to index
      %get3A_1095 = arith.constant 80 : index
      %get3A_1096 = tpu.vector_load %arg18[%get3A_1094, %get3A_1095] {strides = array<i32>} : memref<100x128xf32, #tpu.memory_space<vmem>>, vector<16xf32>,
      %sub3A_1097 = arith.subf %get3A_1096, %mul3A_995 : vector<16xf32>
      %mul3A_1098 = arith.mulf %sub3A_1097, %mul3A_1032 : vector<16xf32>
      %mul3A_1099 = arith.mulf %mul3A_1098, %get3A_15 : vector<16xf32>
      %add3A_1100 = arith.addf %mul3A_1099, %get3A_31 : vector<16xf32>
      %swap3A_1101 = arith.constant 99 : i32
      %swap3A_1102 = arith.index_cast %swap3A_1101 : i32 to index
      %swap3A_1103 = arith.constant 80 : index
      %swap3A_1104 = tpu.vector_load %arg18[%swap3A_1102, %swap3A_1103] {strides = array<i32>} : memref<100x128xf32, #tpu.memory_space<vmem>>, vector<16xf32>,
      tpu.vector_store %arg18[%swap3A_1102, %swap3A_1103], %add3A_1100 {strides = array<i32>} : memref<100x128xf32, #tpu.memory_space<vmem>>, vector<16xf32>,
      %get3A_1105 = arith.constant 99 : i32
      %get3A_1106 = arith.index_cast %get3A_1105 : i32 to index
      %get3A_1107 = arith.constant 96 : index
      %get3A_1108 = tpu.vector_load %arg18[%get3A_1106, %get3A_1107] {strides = array<i32>} : memref<100x128xf32, #tpu.memory_space<vmem>>, vector<16xf32>,
      %sub3A_1109 = arith.subf %get3A_1108, %mul3A_995 : vector<16xf32>
      %mul3A_1110 = arith.mulf %sub3A_1109, %mul3A_1032 : vector<16xf32>
      %mul3A_1111 = arith.mulf %mul3A_1110, %get3A_17 : vector<16xf32>
      %add3A_1112 = arith.addf %mul3A_1111, %get3A_33 : vector<16xf32>
      %swap3A_1113 = arith.constant 99 : i32
      %swap3A_1114 = arith.index_cast %swap3A_1113 : i32 to index
      %swap3A_1115 = arith.constant 96 : index
      %swap3A_1116 = tpu.vector_load %arg18[%swap3A_1114, %swap3A_1115] {strides = array<i32>} : memref<100x128xf32, #tpu.memory_space<vmem>>, vector<16xf32>,
      tpu.vector_store %arg18[%swap3A_1114, %swap3A_1115], %add3A_1112 {strides = array<i32>} : memref<100x128xf32, #tpu.memory_space<vmem>>, vector<16xf32>,
      %get3A_1117 = arith.constant 99 : i32
      %get3A_1118 = arith.index_cast %get3A_1117 : i32 to index
      %get3A_1119 = arith.constant 112 : index
      %get3A_1120 = tpu.vector_load %arg18[%get3A_1118, %get3A_1119] {strides = array<i32>} : memref<100x128xf32, #tpu.memory_space<vmem>>, vector<16xf32>,
      %sub3A_1121 = arith.subf %get3A_1120, %mul3A_995 : vector<16xf32>
      %mul3A_1122 = arith.mulf %sub3A_1121, %mul3A_1032 : vector<16xf32>
      %mul3A_1123 = arith.mulf %mul3A_1122, %get3A_19 : vector<16xf32>
      %add3A_1124 = arith.addf %mul3A_1123, %get3A_35 : vector<16xf32>
      %swap3A_1125 = arith.constant 99 : i32
      %swap3A_1126 = arith.index_cast %swap3A_1125 : i32 to index
      %swap3A_1127 = arith.constant 112 : index
      %swap3A_1128 = tpu.vector_load %arg18[%swap3A_1126, %swap3A_1127] {strides = array<i32>} : memref<100x128xf32, #tpu.memory_space<vmem>>, vector<16xf32>,
      tpu.vector_store %arg18[%swap3A_1126, %swap3A_1127], %add3A_1124 {strides = array<i32>} : memref<100x128xf32, #tpu.memory_space<vmem>>, vector<16xf32>,
      %dma_wait3A_1129 = arith.constant 0 : i32
      %dma_wait3A_1130 = arith.constant 0 : i32
      %dma_wait3A_1131 = tpu.memref_slice %arg9[%dma_wait3A_1129, %dma_wait3A_1130] : memref<204800x128xf32, #tpu.memory_space<hbm>> -> memref<100x128xf32, #tpu.memory_space<hbm>>
      %dma_wait3A_1132 = arith.constant 0 : i32
      %dma_wait3A_1133 = arith.constant 0 : i32
      %dma_wait3A_1134 = tpu.memref_slice %arg9[%dma_wait3A_1132, %dma_wait3A_1133] : memref<204800x128xf32, #tpu.memory_space<hbm>> -> memref<100x128xf32, #tpu.memory_space<hbm>>
      tpu.wait_dma2 semaphore(%arg25 : memref<!tpu.dma_semaphore, #tpu.memory_space<semaphore_mem>>) src(%arg17 : memref<100x128xf32, #tpu.memory_space<vmem>>) dst(%dma_wait3A_1134 : memref<100x128xf32, #tpu.memory_space<hbm>>)
      %lt3A_1135 = arith.constant 15 : i32
      %lt3A_1136 = arith.cmpi slt, %scan3A_146, %lt3A_1135 : i32
      %convert_element_type3A_1137 = arith.extui %lt3A_1136 : i1 to i32
      %cond3A_1138 = arith.constant 0 : i32
      %cond3A_1139 = arith.cmpi ne, %convert_element_type3A_1137, %cond3A_1138 : i32
      scf.if %cond3A_1139 {
        %add3A_1482 = arith.constant 4 : i32
        %add3A_1483 = arith.addi %add3A_815, %add3A_1482 : i32
        %sub3A_1484 = arith.constant 1 : i32
        %sub3A_1485 = arith.subi %add3A_1483, %sub3A_1484 : i32
        %dma_start3A_1486 = arith.constant 0 : i32
        %dma_start3A_1487 = tpu.memref_slice %arg10[%sub3A_1485, %dma_start3A_1486] : memref<64x100xi32, #tpu.memory_space<vmem>> -> memref<1x100xi32, #tpu.memory_space<vmem>>
        %dma_start3A_1488 = tpu.memref_squeeze %dma_start3A_1487 : memref<1x100xi32, #tpu.memory_space<vmem>> -> memref<100xi32, #tpu.memory_space<vmem>>
        %dma_start3A_1489 = arith.constant 0 : i32
        %dma_start3A_1490 = arith.constant 0 : i32
        %dma_start3A_1491 = tpu.memref_slice %arg4[%dma_start3A_1489, %dma_start3A_1490] : memref<100000x128xf32, #tpu.memory_space<hbm>> -> memref<100000x128xf32, #tpu.memory_space<hbm>>
        tpu.enqueue_indirect_dma source(%dma_start3A_1491 : memref<100000x128xf32, #tpu.memory_space<hbm>>) target(%arg17 : memref<100x128xf32, #tpu.memory_space<vmem>>) offsets(%dma_start3A_1488 : memref<100xi32, #tpu.memory_space<vmem>>) semaphore(%arg21 : memref<!tpu.dma_semaphore, #tpu.memory_space<semaphore_mem>>)
      } else {
      }
      %mul3A_1140 = arith.constant 100 : i32
      %mul3A_1141 = arith.muli %add3A_815, %mul3A_1140 : i32
      %add3A_1142 = arith.addi %mul3A_2, %mul3A_1141 : i32
      %dma_start3A_1143 = arith.constant 0 : i32
      %dma_start3A_1144 = tpu.memref_slice %arg9[%add3A_1142, %dma_start3A_1143] : memref<204800x128xf32, #tpu.memory_space<hbm>> -> memref<100x128xf32, #tpu.memory_space<hbm>>
      %dma_start3A_1145 = arith.constant 0 : i32
      %dma_start3A_1146 = tpu.memref_slice %arg9[%add3A_1142, %dma_start3A_1145] : memref<204800x128xf32, #tpu.memory_space<hbm>> -> memref<100x128xf32, #tpu.memory_space<hbm>>
      tpu.enqueue_dma source(%arg18 : memref<100x128xf32, #tpu.memory_space<vmem>>) target(%dma_start3A_1146 : memref<100x128xf32, #tpu.memory_space<hbm>>) target_semaphore(%arg26 : memref<!tpu.dma_semaphore, #tpu.memory_space<semaphore_mem>>)
      %mul3A_1147 = arith.constant 4 : i32
      %mul3A_1148 = arith.muli %scan3A_146, %mul3A_1147 : i32
      %add3A_1149 = arith.constant 3 : i32
      %add3A_1150 = arith.addi %mul3A_1148, %add3A_1149 : i32
      %mul3A_1151 = arith.constant 100 : i32
      %mul3A_1152 = arith.muli %add3A_1150, %mul3A_1151 : i32
      %dma_wait3A_1153 = arith.constant 0 : i32
      %dma_wait3A_1154 = arith.constant 0 : i32
      %dma_wait3A_1155 = tpu.memref_slice %arg10[%dma_wait3A_1153, %dma_wait3A_1154] : memref<64x100xi32, #tpu.memory_space<vmem>> -> memref<1x100xi32, #tpu.memory_space<vmem>>
      %dma_wait3A_1156 = tpu.memref_squeeze %dma_wait3A_1155 : memref<1x100xi32, #tpu.memory_space<vmem>> -> memref<100xi32, #tpu.memory_space<vmem>>
      %dma_wait3A_1157 = arith.constant 0 : i32
      %dma_wait3A_1158 = arith.constant 0 : i32
      %dma_wait3A_1159 = tpu.memref_slice %arg4[%dma_wait3A_1157, %dma_wait3A_1158] : memref<100000x128xf32, #tpu.memory_space<hbm>> -> memref<100000x128xf32, #tpu.memory_space<hbm>>
      tpu.wait_indirect_dma semaphore(%arg23 : memref<!tpu.dma_semaphore, #tpu.memory_space<semaphore_mem>>) src(%dma_wait3A_1159 : memref<100000x128xf32, #tpu.memory_space<hbm>>) dst(%arg19 : memref<100x128xf32, #tpu.memory_space<vmem>>)
      %add3A_1160 = arith.constant 0 : i32
      %add3A_1161 = arith.addi %mul3A_1152, %add3A_1160 : i32
      %get3A_1162 = arith.index_cast %add3A_1161 : i32 to index
      %get3A_1163 = tpu.vector_load %arg11[%get3A_1162] {strides = array<i32>} : memref<6416xf32, #tpu.memory_space<vmem>>, vector<16xf32>,
      %mul3A_1164 = arith.mulf %get3A_1163, %convert_element_type3A_109 : vector<16xf32>
      %broadcast_in_dim3A_1165 = arith.constant true
      %broadcast_in_dim3A_1166 = vector.broadcast %broadcast_in_dim3A_1165 : i1 to vector<16xi1>
      %masked_cumsum3A_1167 = tpu.scan <sum>, %mul3A_1164 masked %broadcast_in_dim3A_1166 : vector<16xf32>, vector<16xi1> -> vector<16xf32>
      %get3A_1168 = arith.constant 0 : i32
      %get3A_1169 = arith.index_cast %get3A_1168 : i32 to index
      %get3A_1170 = arith.constant 0 : index
      %get3A_1171 = tpu.vector_load %arg19[%get3A_1169, %get3A_1170] {strides = array<i32>} : memref<100x128xf32, #tpu.memory_space<vmem>>, vector<16xf32>,
      %get3A_1172 = arith.constant 100 : i32
      %get3A_1173 = arith.index_cast %get3A_1172 : i32 to index
      %get3A_1174 = arith.constant 0 : index
      %get3A_1175 = tpu.vector_load %arg12[%get3A_1173, %get3A_1174] {strides = array<i32>} : memref<200x128xf32, #tpu.memory_space<vmem>>, vector<16xf32>,
      %add3A_1176 = arith.addf %get3A_1171, %get3A_1175 : vector<16xf32>
      %mul3A_1177 = arith.mulf %masked_cumsum3A_1167, %sub3A : vector<16xf32>
      %add3A_1178 = arith.addf %add3A_1176, %mul3A_1177 : vector<16xf32>
      %swap3A_1179 = arith.constant 0 : i32
      %swap3A_1180 = arith.index_cast %swap3A_1179 : i32 to index
      %swap3A_1181 = arith.constant 0 : index
      %swap3A_1182 = tpu.vector_load %arg19[%swap3A_1180, %swap3A_1181] {strides = array<i32>} : memref<100x128xf32, #tpu.memory_space<vmem>>, vector<16xf32>,
      tpu.vector_store %arg19[%swap3A_1180, %swap3A_1181], %add3A_1178 {strides = array<i32>} : memref<100x128xf32, #tpu.memory_space<vmem>>, vector<16xf32>,
      %mul3A_1183 = arith.mulf %add3A_1178, %add3A_1178 : vector<16xf32>
      %get3A_1184 = arith.constant 0 : i32
      %get3A_1185 = arith.index_cast %get3A_1184 : i32 to index
      %get3A_1186 = arith.constant 16 : index
      %get3A_1187 = tpu.vector_load %arg19[%get3A_1185, %get3A_1186] {strides = array<i32>} : memref<100x128xf32, #tpu.memory_space<vmem>>, vector<16xf32>,
      %get3A_1188 = arith.constant 100 : i32
      %get3A_1189 = arith.index_cast %get3A_1188 : i32 to index
      %get3A_1190 = arith.constant 16 : index
      %get3A_1191 = tpu.vector_load %arg12[%get3A_1189, %get3A_1190] {strides = array<i32>} : memref<200x128xf32, #tpu.memory_space<vmem>>, vector<16xf32>,
      %add3A_1192 = arith.addf %get3A_1187, %get3A_1191 : vector<16xf32>
      %mul3A_1193 = arith.mulf %masked_cumsum3A_1167, %sub3A_76 : vector<16xf32>
      %add3A_1194 = arith.addf %add3A_1192, %mul3A_1193 : vector<16xf32>
      %swap3A_1195 = arith.constant 0 : i32
      %swap3A_1196 = arith.index_cast %swap3A_1195 : i32 to index
      %swap3A_1197 = arith.constant 16 : index
      %swap3A_1198 = tpu.vector_load %arg19[%swap3A_1196, %swap3A_1197] {strides = array<i32>} : memref<100x128xf32, #tpu.memory_space<vmem>>, vector<16xf32>,
      tpu.vector_store %arg19[%swap3A_1196, %swap3A_1197], %add3A_1194 {strides = array<i32>} : memref<100x128xf32, #tpu.memory_space<vmem>>, vector<16xf32>,
      %add3A_1199 = arith.addf %add3A_1178, %add3A_1194 : vector<16xf32>
      %mul3A_1200 = arith.mulf %add3A_1194, %add3A_1194 : vector<16xf32>
      %add3A_1201 = arith.addf %mul3A_1183, %mul3A_1200 : vector<16xf32>
      %get3A_1202 = arith.constant 0 : i32
      %get3A_1203 = arith.index_cast %get3A_1202 : i32 to index
      %get3A_1204 = arith.constant 32 : index
      %get3A_1205 = tpu.vector_load %arg19[%get3A_1203, %get3A_1204] {strides = array<i32>} : memref<100x128xf32, #tpu.memory_space<vmem>>, vector<16xf32>,
      %get3A_1206 = arith.constant 100 : i32
      %get3A_1207 = arith.index_cast %get3A_1206 : i32 to index
      %get3A_1208 = arith.constant 32 : index
      %get3A_1209 = tpu.vector_load %arg12[%get3A_1207, %get3A_1208] {strides = array<i32>} : memref<200x128xf32, #tpu.memory_space<vmem>>, vector<16xf32>,
      %add3A_1210 = arith.addf %get3A_1205, %get3A_1209 : vector<16xf32>
      %mul3A_1211 = arith.mulf %masked_cumsum3A_1167, %sub3A_81 : vector<16xf32>
      %add3A_1212 = arith.addf %add3A_1210, %mul3A_1211 : vector<16xf32>
      %swap3A_1213 = arith.constant 0 : i32
      %swap3A_1214 = arith.index_cast %swap3A_1213 : i32 to index
      %swap3A_1215 = arith.constant 32 : index
      %swap3A_1216 = tpu.vector_load %arg19[%swap3A_1214, %swap3A_1215] {strides = array<i32>} : memref<100x128xf32, #tpu.memory_space<vmem>>, vector<16xf32>,
      tpu.vector_store %arg19[%swap3A_1214, %swap3A_1215], %add3A_1212 {strides = array<i32>} : memref<100x128xf32, #tpu.memory_space<vmem>>, vector<16xf32>,
      %add3A_1217 = arith.addf %add3A_1199, %add3A_1212 : vector<16xf32>
      %mul3A_1218 = arith.mulf %add3A_1212, %add3A_1212 : vector<16xf32>
      %add3A_1219 = arith.addf %add3A_1201, %mul3A_1218 : vector<16xf32>
      %get3A_1220 = arith.constant 0 : i32
      %get3A_1221 = arith.index_cast %get3A_1220 : i32 to index
      %get3A_1222 = arith.constant 48 : index
      %get3A_1223 = tpu.vector_load %arg19[%get3A_1221, %get3A_1222] {strides = array<i32>} : memref<100x128xf32, #tpu.memory_space<vmem>>, vector<16xf32>,
      %get3A_1224 = arith.constant 100 : i32
      %get3A_1225 = arith.index_cast %get3A_1224 : i32 to index
      %get3A_1226 = arith.constant 48 : index
      %get3A_1227 = tpu.vector_load %arg12[%get3A_1225, %get3A_1226] {strides = array<i32>} : memref<200x128xf32, #tpu.memory_space<vmem>>, vector<16xf32>,
      %add3A_1228 = arith.addf %get3A_1223, %get3A_1227 : vector<16xf32>
      %mul3A_1229 = arith.mulf %masked_cumsum3A_1167, %sub3A_86 : vector<16xf32>
      %add3A_1230 = arith.addf %add3A_1228, %mul3A_1229 : vector<16xf32>
      %swap3A_1231 = arith.constant 0 : i32
      %swap3A_1232 = arith.index_cast %swap3A_1231 : i32 to index
      %swap3A_1233 = arith.constant 48 : index
      %swap3A_1234 = tpu.vector_load %arg19[%swap3A_1232, %swap3A_1233] {strides = array<i32>} : memref<100x128xf32, #tpu.memory_space<vmem>>, vector<16xf32>,
      tpu.vector_store %arg19[%swap3A_1232, %swap3A_1233], %add3A_1230 {strides = array<i32>} : memref<100x128xf32, #tpu.memory_space<vmem>>, vector<16xf32>,
      %add3A_1235 = arith.addf %add3A_1217, %add3A_1230 : vector<16xf32>
      %mul3A_1236 = arith.mulf %add3A_1230, %add3A_1230 : vector<16xf32>
      %add3A_1237 = arith.addf %add3A_1219, %mul3A_1236 : vector<16xf32>
      %get3A_1238 = arith.constant 0 : i32
      %get3A_1239 = arith.index_cast %get3A_1238 : i32 to index
      %get3A_1240 = arith.constant 64 : index
      %get3A_1241 = tpu.vector_load %arg19[%get3A_1239, %get3A_1240] {strides = array<i32>} : memref<100x128xf32, #tpu.memory_space<vmem>>, vector<16xf32>,
      %get3A_1242 = arith.constant 100 : i32
      %get3A_1243 = arith.index_cast %get3A_1242 : i32 to index
      %get3A_1244 = arith.constant 64 : index
      %get3A_1245 = tpu.vector_load %arg12[%get3A_1243, %get3A_1244] {strides = array<i32>} : memref<200x128xf32, #tpu.memory_space<vmem>>, vector<16xf32>,
      %add3A_1246 = arith.addf %get3A_1241, %get3A_1245 : vector<16xf32>
      %mul3A_1247 = arith.mulf %masked_cumsum3A_1167, %sub3A_91 : vector<16xf32>
      %add3A_1248 = arith.addf %add3A_1246, %mul3A_1247 : vector<16xf32>
      %swap3A_1249 = arith.constant 0 : i32
      %swap3A_1250 = arith.index_cast %swap3A_1249 : i32 to index
      %swap3A_1251 = arith.constant 64 : index
      %swap3A_1252 = tpu.vector_load %arg19[%swap3A_1250, %swap3A_1251] {strides = array<i32>} : memref<100x128xf32, #tpu.memory_space<vmem>>, vector<16xf32>,
      tpu.vector_store %arg19[%swap3A_1250, %swap3A_1251], %add3A_1248 {strides = array<i32>} : memref<100x128xf32, #tpu.memory_space<vmem>>, vector<16xf32>,
      %add3A_1253 = arith.addf %add3A_1235, %add3A_1248 : vector<16xf32>
      %mul3A_1254 = arith.mulf %add3A_1248, %add3A_1248 : vector<16xf32>
      %add3A_1255 = arith.addf %add3A_1237, %mul3A_1254 : vector<16xf32>
      %get3A_1256 = arith.constant 0 : i32
      %get3A_1257 = arith.index_cast %get3A_1256 : i32 to index
      %get3A_1258 = arith.constant 80 : index
      %get3A_1259 = tpu.vector_load %arg19[%get3A_1257, %get3A_1258] {strides = array<i32>} : memref<100x128xf32, #tpu.memory_space<vmem>>, vector<16xf32>,
      %get3A_1260 = arith.constant 100 : i32
      %get3A_1261 = arith.index_cast %get3A_1260 : i32 to index
      %get3A_1262 = arith.constant 80 : index
      %get3A_1263 = tpu.vector_load %arg12[%get3A_1261, %get3A_1262] {strides = array<i32>} : memref<200x128xf32, #tpu.memory_space<vmem>>, vector<16xf32>,
      %add3A_1264 = arith.addf %get3A_1259, %get3A_1263 : vector<16xf32>
      %mul3A_1265 = arith.mulf %masked_cumsum3A_1167, %sub3A_96 : vector<16xf32>
      %add3A_1266 = arith.addf %add3A_1264, %mul3A_1265 : vector<16xf32>
      %swap3A_1267 = arith.constant 0 : i32
      %swap3A_1268 = arith.index_cast %swap3A_1267 : i32 to index
      %swap3A_1269 = arith.constant 80 : index
      %swap3A_1270 = tpu.vector_load %arg19[%swap3A_1268, %swap3A_1269] {strides = array<i32>} : memref<100x128xf32, #tpu.memory_space<vmem>>, vector<16xf32>,
      tpu.vector_store %arg19[%swap3A_1268, %swap3A_1269], %add3A_1266 {strides = array<i32>} : memref<100x128xf32, #tpu.memory_space<vmem>>, vector<16xf32>,
      %add3A_1271 = arith.addf %add3A_1253, %add3A_1266 : vector<16xf32>
      %mul3A_1272 = arith.mulf %add3A_1266, %add3A_1266 : vector<16xf32>
      %add3A_1273 = arith.addf %add3A_1255, %mul3A_1272 : vector<16xf32>
      %get3A_1274 = arith.constant 0 : i32
      %get3A_1275 = arith.index_cast %get3A_1274 : i32 to index
      %get3A_1276 = arith.constant 96 : index
      %get3A_1277 = tpu.vector_load %arg19[%get3A_1275, %get3A_1276] {strides = array<i32>} : memref<100x128xf32, #tpu.memory_space<vmem>>, vector<16xf32>,
      %get3A_1278 = arith.constant 100 : i32
      %get3A_1279 = arith.index_cast %get3A_1278 : i32 to index
      %get3A_1280 = arith.constant 96 : index
      %get3A_1281 = tpu.vector_load %arg12[%get3A_1279, %get3A_1280] {strides = array<i32>} : memref<200x128xf32, #tpu.memory_space<vmem>>, vector<16xf32>,
      %add3A_1282 = arith.addf %get3A_1277, %get3A_1281 : vector<16xf32>
      %mul3A_1283 = arith.mulf %masked_cumsum3A_1167, %sub3A_101 : vector<16xf32>
      %add3A_1284 = arith.addf %add3A_1282, %mul3A_1283 : vector<16xf32>
      %swap3A_1285 = arith.constant 0 : i32
      %swap3A_1286 = arith.index_cast %swap3A_1285 : i32 to index
      %swap3A_1287 = arith.constant 96 : index
      %swap3A_1288 = tpu.vector_load %arg19[%swap3A_1286, %swap3A_1287] {strides = array<i32>} : memref<100x128xf32, #tpu.memory_space<vmem>>, vector<16xf32>,
      tpu.vector_store %arg19[%swap3A_1286, %swap3A_1287], %add3A_1284 {strides = array<i32>} : memref<100x128xf32, #tpu.memory_space<vmem>>, vector<16xf32>,
      %add3A_1289 = arith.addf %add3A_1271, %add3A_1284 : vector<16xf32>
      %mul3A_1290 = arith.mulf %add3A_1284, %add3A_1284 : vector<16xf32>
      %add3A_1291 = arith.addf %add3A_1273, %mul3A_1290 : vector<16xf32>
      %get3A_1292 = arith.constant 0 : i32
      %get3A_1293 = arith.index_cast %get3A_1292 : i32 to index
      %get3A_1294 = arith.constant 112 : index
      %get3A_1295 = tpu.vector_load %arg19[%get3A_1293, %get3A_1294] {strides = array<i32>} : memref<100x128xf32, #tpu.memory_space<vmem>>, vector<16xf32>,
      %get3A_1296 = arith.constant 100 : i32
      %get3A_1297 = arith.index_cast %get3A_1296 : i32 to index
      %get3A_1298 = arith.constant 112 : index
      %get3A_1299 = tpu.vector_load %arg12[%get3A_1297, %get3A_1298] {strides = array<i32>} : memref<200x128xf32, #tpu.memory_space<vmem>>, vector<16xf32>,
      %add3A_1300 = arith.addf %get3A_1295, %get3A_1299 : vector<16xf32>
      %mul3A_1301 = arith.mulf %masked_cumsum3A_1167, %sub3A_106 : vector<16xf32>
      %add3A_1302 = arith.addf %add3A_1300, %mul3A_1301 : vector<16xf32>
      %swap3A_1303 = arith.constant 0 : i32
      %swap3A_1304 = arith.index_cast %swap3A_1303 : i32 to index
      %swap3A_1305 = arith.constant 112 : index
      %swap3A_1306 = tpu.vector_load %arg19[%swap3A_1304, %swap3A_1305] {strides = array<i32>} : memref<100x128xf32, #tpu.memory_space<vmem>>, vector<16xf32>,
      tpu.vector_store %arg19[%swap3A_1304, %swap3A_1305], %add3A_1302 {strides = array<i32>} : memref<100x128xf32, #tpu.memory_space<vmem>>, vector<16xf32>,
      %add3A_1307 = arith.addf %add3A_1289, %add3A_1302 : vector<16xf32>
      %mul3A_1308 = arith.mulf %add3A_1302, %add3A_1302 : vector<16xf32>
      %add3A_1309 = arith.addf %add3A_1291, %mul3A_1308 : vector<16xf32>
      %scan3A_1310 = arith.constant 1 : i32
      %scan3A_1311 = arith.constant 99 : i32
      %scan3A_1312 = arith.addi %scan3A_1310, %scan3A_1311 : i32
      %scan3A_1313 = arith.constant 1 : i32
      %scan3A_1314:2 = scf.for %scan3A_1482 = %scan3A_1310 to %scan3A_1312 step %scan3A_1313 iter_args(%scan3A_1483 = %add3A_1307, %scan3A_1484 = %add3A_1309) -> (vector<16xf32>, vector<16xf32>)  : i32 {
        %add3A_1485 = arith.addi %mul3A_1152, %scan3A_1482 : i32
        %get3A_1486 = arith.index_cast %add3A_1485 : i32 to index
        %get3A_1487 = tpu.vector_load %arg11[%get3A_1486] {strides = array<i32>} : memref<6416xf32, #tpu.memory_space<vmem>>, vector<16xf32>,
        %mul3A_1488 = arith.mulf %get3A_1487, %convert_element_type3A_109 : vector<16xf32>
        %broadcast_in_dim3A_1489 = arith.constant true
        %broadcast_in_dim3A_1490 = vector.broadcast %broadcast_in_dim3A_1489 : i1 to vector<16xi1>
        %masked_cumsum3A_1491 = tpu.scan <sum>, %mul3A_1488 masked %broadcast_in_dim3A_1490 : vector<16xf32>, vector<16xi1> -> vector<16xf32>
        %get3A_1492 = arith.index_cast %scan3A_1482 : i32 to index
        %get3A_1493 = arith.constant 0 : index
        %get3A_1494 = tpu.vector_load %arg19[%get3A_1492, %get3A_1493] {strides = array<i32>} : memref<100x128xf32, #tpu.memory_space<vmem>>, vector<16xf32>,
        %add3A_1495 = arith.constant 100 : i32
        %add3A_1496 = arith.addi %add3A_1495, %scan3A_1482 : i32
        %get3A_1497 = arith.index_cast %add3A_1496 : i32 to index
        %get3A_1498 = arith.constant 0 : index
        %get3A_1499 = tpu.vector_load %arg12[%get3A_1497, %get3A_1498] {strides = array<i32>} : memref<200x128xf32, #tpu.memory_space<vmem>>, vector<16xf32>,
        %add3A_1500 = arith.addf %get3A_1494, %get3A_1499 : vector<16xf32>
        %mul3A_1501 = arith.mulf %masked_cumsum3A_1491, %sub3A : vector<16xf32>
        %add3A_1502 = arith.addf %add3A_1500, %mul3A_1501 : vector<16xf32>
        %swap3A_1503 = arith.index_cast %scan3A_1482 : i32 to index
        %swap3A_1504 = arith.constant 0 : index
        %swap3A_1505 = tpu.vector_load %arg19[%swap3A_1503, %swap3A_1504] {strides = array<i32>} : memref<100x128xf32, #tpu.memory_space<vmem>>, vector<16xf32>,
        tpu.vector_store %arg19[%swap3A_1503, %swap3A_1504], %add3A_1502 {strides = array<i32>} : memref<100x128xf32, #tpu.memory_space<vmem>>, vector<16xf32>,
        %mul3A_1506 = arith.mulf %add3A_1502, %add3A_1502 : vector<16xf32>
        %get3A_1507 = arith.index_cast %scan3A_1482 : i32 to index
        %get3A_1508 = arith.constant 16 : index
        %get3A_1509 = tpu.vector_load %arg19[%get3A_1507, %get3A_1508] {strides = array<i32>} : memref<100x128xf32, #tpu.memory_space<vmem>>, vector<16xf32>,
        %add3A_1510 = arith.constant 100 : i32
        %add3A_1511 = arith.addi %add3A_1510, %scan3A_1482 : i32
        %get3A_1512 = arith.index_cast %add3A_1511 : i32 to index
        %get3A_1513 = arith.constant 16 : index
        %get3A_1514 = tpu.vector_load %arg12[%get3A_1512, %get3A_1513] {strides = array<i32>} : memref<200x128xf32, #tpu.memory_space<vmem>>, vector<16xf32>,
        %add3A_1515 = arith.addf %get3A_1509, %get3A_1514 : vector<16xf32>
        %mul3A_1516 = arith.mulf %masked_cumsum3A_1491, %sub3A_76 : vector<16xf32>
        %add3A_1517 = arith.addf %add3A_1515, %mul3A_1516 : vector<16xf32>
        %swap3A_1518 = arith.index_cast %scan3A_1482 : i32 to index
        %swap3A_1519 = arith.constant 16 : index
        %swap3A_1520 = tpu.vector_load %arg19[%swap3A_1518, %swap3A_1519] {strides = array<i32>} : memref<100x128xf32, #tpu.memory_space<vmem>>, vector<16xf32>,
        tpu.vector_store %arg19[%swap3A_1518, %swap3A_1519], %add3A_1517 {strides = array<i32>} : memref<100x128xf32, #tpu.memory_space<vmem>>, vector<16xf32>,
        %add3A_1521 = arith.addf %add3A_1502, %add3A_1517 : vector<16xf32>
        %mul3A_1522 = arith.mulf %add3A_1517, %add3A_1517 : vector<16xf32>
        %add3A_1523 = arith.addf %mul3A_1506, %mul3A_1522 : vector<16xf32>
        %get3A_1524 = arith.index_cast %scan3A_1482 : i32 to index
        %get3A_1525 = arith.constant 32 : index
        %get3A_1526 = tpu.vector_load %arg19[%get3A_1524, %get3A_1525] {strides = array<i32>} : memref<100x128xf32, #tpu.memory_space<vmem>>, vector<16xf32>,
        %add3A_1527 = arith.constant 100 : i32
        %add3A_1528 = arith.addi %add3A_1527, %scan3A_1482 : i32
        %get3A_1529 = arith.index_cast %add3A_1528 : i32 to index
        %get3A_1530 = arith.constant 32 : index
        %get3A_1531 = tpu.vector_load %arg12[%get3A_1529, %get3A_1530] {strides = array<i32>} : memref<200x128xf32, #tpu.memory_space<vmem>>, vector<16xf32>,
        %add3A_1532 = arith.addf %get3A_1526, %get3A_1531 : vector<16xf32>
        %mul3A_1533 = arith.mulf %masked_cumsum3A_1491, %sub3A_81 : vector<16xf32>
        %add3A_1534 = arith.addf %add3A_1532, %mul3A_1533 : vector<16xf32>
        %swap3A_1535 = arith.index_cast %scan3A_1482 : i32 to index
        %swap3A_1536 = arith.constant 32 : index
        %swap3A_1537 = tpu.vector_load %arg19[%swap3A_1535, %swap3A_1536] {strides = array<i32>} : memref<100x128xf32, #tpu.memory_space<vmem>>, vector<16xf32>,
        tpu.vector_store %arg19[%swap3A_1535, %swap3A_1536], %add3A_1534 {strides = array<i32>} : memref<100x128xf32, #tpu.memory_space<vmem>>, vector<16xf32>,
        %add3A_1538 = arith.addf %add3A_1521, %add3A_1534 : vector<16xf32>
        %mul3A_1539 = arith.mulf %add3A_1534, %add3A_1534 : vector<16xf32>
        %add3A_1540 = arith.addf %add3A_1523, %mul3A_1539 : vector<16xf32>
        %get3A_1541 = arith.index_cast %scan3A_1482 : i32 to index
        %get3A_1542 = arith.constant 48 : index
        %get3A_1543 = tpu.vector_load %arg19[%get3A_1541, %get3A_1542] {strides = array<i32>} : memref<100x128xf32, #tpu.memory_space<vmem>>, vector<16xf32>,
        %add3A_1544 = arith.constant 100 : i32
        %add3A_1545 = arith.addi %add3A_1544, %scan3A_1482 : i32
        %get3A_1546 = arith.index_cast %add3A_1545 : i32 to index
        %get3A_1547 = arith.constant 48 : index
        %get3A_1548 = tpu.vector_load %arg12[%get3A_1546, %get3A_1547] {strides = array<i32>} : memref<200x128xf32, #tpu.memory_space<vmem>>, vector<16xf32>,
        %add3A_1549 = arith.addf %get3A_1543, %get3A_1548 : vector<16xf32>
        %mul3A_1550 = arith.mulf %masked_cumsum3A_1491, %sub3A_86 : vector<16xf32>
        %add3A_1551 = arith.addf %add3A_1549, %mul3A_1550 : vector<16xf32>
        %swap3A_1552 = arith.index_cast %scan3A_1482 : i32 to index
        %swap3A_1553 = arith.constant 48 : index
        %swap3A_1554 = tpu.vector_load %arg19[%swap3A_1552, %swap3A_1553] {strides = array<i32>} : memref<100x128xf32, #tpu.memory_space<vmem>>, vector<16xf32>,
        tpu.vector_store %arg19[%swap3A_1552, %swap3A_1553], %add3A_1551 {strides = array<i32>} : memref<100x128xf32, #tpu.memory_space<vmem>>, vector<16xf32>,
        %add3A_1555 = arith.addf %add3A_1538, %add3A_1551 : vector<16xf32>
        %mul3A_1556 = arith.mulf %add3A_1551, %add3A_1551 : vector<16xf32>
        %add3A_1557 = arith.addf %add3A_1540, %mul3A_1556 : vector<16xf32>
        %get3A_1558 = arith.index_cast %scan3A_1482 : i32 to index
        %get3A_1559 = arith.constant 64 : index
        %get3A_1560 = tpu.vector_load %arg19[%get3A_1558, %get3A_1559] {strides = array<i32>} : memref<100x128xf32, #tpu.memory_space<vmem>>, vector<16xf32>,
        %add3A_1561 = arith.constant 100 : i32
        %add3A_1562 = arith.addi %add3A_1561, %scan3A_1482 : i32
        %get3A_1563 = arith.index_cast %add3A_1562 : i32 to index
        %get3A_1564 = arith.constant 64 : index
        %get3A_1565 = tpu.vector_load %arg12[%get3A_1563, %get3A_1564] {strides = array<i32>} : memref<200x128xf32, #tpu.memory_space<vmem>>, vector<16xf32>,
        %add3A_1566 = arith.addf %get3A_1560, %get3A_1565 : vector<16xf32>
        %mul3A_1567 = arith.mulf %masked_cumsum3A_1491, %sub3A_91 : vector<16xf32>
        %add3A_1568 = arith.addf %add3A_1566, %mul3A_1567 : vector<16xf32>
        %swap3A_1569 = arith.index_cast %scan3A_1482 : i32 to index
        %swap3A_1570 = arith.constant 64 : index
        %swap3A_1571 = tpu.vector_load %arg19[%swap3A_1569, %swap3A_1570] {strides = array<i32>} : memref<100x128xf32, #tpu.memory_space<vmem>>, vector<16xf32>,
        tpu.vector_store %arg19[%swap3A_1569, %swap3A_1570], %add3A_1568 {strides = array<i32>} : memref<100x128xf32, #tpu.memory_space<vmem>>, vector<16xf32>,
        %add3A_1572 = arith.addf %add3A_1555, %add3A_1568 : vector<16xf32>
        %mul3A_1573 = arith.mulf %add3A_1568, %add3A_1568 : vector<16xf32>
        %add3A_1574 = arith.addf %add3A_1557, %mul3A_1573 : vector<16xf32>
        %get3A_1575 = arith.index_cast %scan3A_1482 : i32 to index
        %get3A_1576 = arith.constant 80 : index
        %get3A_1577 = tpu.vector_load %arg19[%get3A_1575, %get3A_1576] {strides = array<i32>} : memref<100x128xf32, #tpu.memory_space<vmem>>, vector<16xf32>,
        %add3A_1578 = arith.constant 100 : i32
        %add3A_1579 = arith.addi %add3A_1578, %scan3A_1482 : i32
        %get3A_1580 = arith.index_cast %add3A_1579 : i32 to index
        %get3A_1581 = arith.constant 80 : index
        %get3A_1582 = tpu.vector_load %arg12[%get3A_1580, %get3A_1581] {strides = array<i32>} : memref<200x128xf32, #tpu.memory_space<vmem>>, vector<16xf32>,
        %add3A_1583 = arith.addf %get3A_1577, %get3A_1582 : vector<16xf32>
        %mul3A_1584 = arith.mulf %masked_cumsum3A_1491, %sub3A_96 : vector<16xf32>
        %add3A_1585 = arith.addf %add3A_1583, %mul3A_1584 : vector<16xf32>
        %swap3A_1586 = arith.index_cast %scan3A_1482 : i32 to index
        %swap3A_1587 = arith.constant 80 : index
        %swap3A_1588 = tpu.vector_load %arg19[%swap3A_1586, %swap3A_1587] {strides = array<i32>} : memref<100x128xf32, #tpu.memory_space<vmem>>, vector<16xf32>,
        tpu.vector_store %arg19[%swap3A_1586, %swap3A_1587], %add3A_1585 {strides = array<i32>} : memref<100x128xf32, #tpu.memory_space<vmem>>, vector<16xf32>,
        %add3A_1589 = arith.addf %add3A_1572, %add3A_1585 : vector<16xf32>
        %mul3A_1590 = arith.mulf %add3A_1585, %add3A_1585 : vector<16xf32>
        %add3A_1591 = arith.addf %add3A_1574, %mul3A_1590 : vector<16xf32>
        %get3A_1592 = arith.index_cast %scan3A_1482 : i32 to index
        %get3A_1593 = arith.constant 96 : index
        %get3A_1594 = tpu.vector_load %arg19[%get3A_1592, %get3A_1593] {strides = array<i32>} : memref<100x128xf32, #tpu.memory_space<vmem>>, vector<16xf32>,
        %add3A_1595 = arith.constant 100 : i32
        %add3A_1596 = arith.addi %add3A_1595, %scan3A_1482 : i32
        %get3A_1597 = arith.index_cast %add3A_1596 : i32 to index
        %get3A_1598 = arith.constant 96 : index
        %get3A_1599 = tpu.vector_load %arg12[%get3A_1597, %get3A_1598] {strides = array<i32>} : memref<200x128xf32, #tpu.memory_space<vmem>>, vector<16xf32>,
        %add3A_1600 = arith.addf %get3A_1594, %get3A_1599 : vector<16xf32>
        %mul3A_1601 = arith.mulf %masked_cumsum3A_1491, %sub3A_101 : vector<16xf32>
        %add3A_1602 = arith.addf %add3A_1600, %mul3A_1601 : vector<16xf32>
        %swap3A_1603 = arith.index_cast %scan3A_1482 : i32 to index
        %swap3A_1604 = arith.constant 96 : index
        %swap3A_1605 = tpu.vector_load %arg19[%swap3A_1603, %swap3A_1604] {strides = array<i32>} : memref<100x128xf32, #tpu.memory_space<vmem>>, vector<16xf32>,
        tpu.vector_store %arg19[%swap3A_1603, %swap3A_1604], %add3A_1602 {strides = array<i32>} : memref<100x128xf32, #tpu.memory_space<vmem>>, vector<16xf32>,
        %add3A_1606 = arith.addf %add3A_1589, %add3A_1602 : vector<16xf32>
        %mul3A_1607 = arith.mulf %add3A_1602, %add3A_1602 : vector<16xf32>
        %add3A_1608 = arith.addf %add3A_1591, %mul3A_1607 : vector<16xf32>
        %get3A_1609 = arith.index_cast %scan3A_1482 : i32 to index
        %get3A_1610 = arith.constant 112 : index
        %get3A_1611 = tpu.vector_load %arg19[%get3A_1609, %get3A_1610] {strides = array<i32>} : memref<100x128xf32, #tpu.memory_space<vmem>>, vector<16xf32>,
        %add3A_1612 = arith.constant 100 : i32
        %add3A_1613 = arith.addi %add3A_1612, %scan3A_1482 : i32
        %get3A_1614 = arith.index_cast %add3A_1613 : i32 to index
        %get3A_1615 = arith.constant 112 : index
        %get3A_1616 = tpu.vector_load %arg12[%get3A_1614, %get3A_1615] {strides = array<i32>} : memref<200x128xf32, #tpu.memory_space<vmem>>, vector<16xf32>,
        %add3A_1617 = arith.addf %get3A_1611, %get3A_1616 : vector<16xf32>
        %mul3A_1618 = arith.mulf %masked_cumsum3A_1491, %sub3A_106 : vector<16xf32>
        %add3A_1619 = arith.addf %add3A_1617, %mul3A_1618 : vector<16xf32>
        %swap3A_1620 = arith.index_cast %scan3A_1482 : i32 to index
        %swap3A_1621 = arith.constant 112 : index
        %swap3A_1622 = tpu.vector_load %arg19[%swap3A_1620, %swap3A_1621] {strides = array<i32>} : memref<100x128xf32, #tpu.memory_space<vmem>>, vector<16xf32>,
        tpu.vector_store %arg19[%swap3A_1620, %swap3A_1621], %add3A_1619 {strides = array<i32>} : memref<100x128xf32, #tpu.memory_space<vmem>>, vector<16xf32>,
        %add3A_1623 = arith.addf %add3A_1606, %add3A_1619 : vector<16xf32>
        %mul3A_1624 = arith.mulf %add3A_1619, %add3A_1619 : vector<16xf32>
        %add3A_1625 = arith.addf %add3A_1608, %mul3A_1624 : vector<16xf32>
        %sub3A_1626 = arith.constant 1 : i32
        %sub3A_1627 = arith.subi %scan3A_1482, %sub3A_1626 : i32
        %broadcast_in_dim3A_1628 = arith.constant true
        %broadcast_in_dim3A_1629 = vector.broadcast %broadcast_in_dim3A_1628 : i1 to vector<16xi1>
        %masked_cumsum3A_1630 = tpu.scan <sum>, %scan3A_1483 masked %broadcast_in_dim3A_1629 : vector<16xf32>, vector<16xi1> -> vector<16xf32>
        %rev3A_1631 = arith.constant 15 : i32
        %rev3A_1632 = vector.broadcast %rev3A_1631 : i32 to vector<16xi32>
        %rev3A_1633 = tpu.iota {dimensions = array<i32: 0>} : vector<16xi32>
        %rev3A_1634 = arith.subi %rev3A_1632, %rev3A_1633 : vector<16xi32>
        %rev3A_1635 = tpu.dynamic_gather %masked_cumsum3A_1630[%rev3A_1634] in [0] : vector<16xf32>, vector<16xi32> -> vector<16xf32>
        %mul3A_1636 = arith.mulf %rev3A_1635, %convert_element_type3A_109 : vector<16xf32>
        %broadcast_in_dim3A_1637 = arith.constant true
        %broadcast_in_dim3A_1638 = vector.broadcast %broadcast_in_dim3A_1637 : i1 to vector<16xi1>
        %masked_cumsum3A_1639 = tpu.scan <sum>, %mul3A_1636 masked %broadcast_in_dim3A_1638 : vector<16xf32>, vector<16xi1> -> vector<16xf32>
        %mul3A_1640 = arith.constant 7.812500e-03 : f32
        %mul3A_1641 = vector.broadcast %mul3A_1640 : f32 to vector<16xf32>
        %mul3A_1642 = arith.mulf %masked_cumsum3A_1639, %mul3A_1641 : vector<16xf32>
        %broadcast_in_dim3A_1643 = arith.constant true
        %broadcast_in_dim3A_1644 = vector.broadcast %broadcast_in_dim3A_1643 : i1 to vector<16xi1>
        %masked_cumsum3A_1645 = tpu.scan <sum>, %scan3A_1484 masked %broadcast_in_dim3A_1644 : vector<16xf32>, vector<16xi1> -> vector<16xf32>
        %rev3A_1646 = arith.constant 15 : i32
        %rev3A_1647 = vector.broadcast %rev3A_1646 : i32 to vector<16xi32>
        %rev3A_1648 = tpu.iota {dimensions = array<i32: 0>} : vector<16xi32>
        %rev3A_1649 = arith.subi %rev3A_1647, %rev3A_1648 : vector<16xi32>
        %rev3A_1650 = tpu.dynamic_gather %masked_cumsum3A_1645[%rev3A_1649] in [0] : vector<16xf32>, vector<16xi32> -> vector<16xf32>
        %mul3A_1651 = arith.mulf %rev3A_1650, %convert_element_type3A_109 : vector<16xf32>
        %broadcast_in_dim3A_1652 = arith.constant true
        %broadcast_in_dim3A_1653 = vector.broadcast %broadcast_in_dim3A_1652 : i1 to vector<16xi1>
        %masked_cumsum3A_1654 = tpu.scan <sum>, %mul3A_1651 masked %broadcast_in_dim3A_1653 : vector<16xf32>, vector<16xi1> -> vector<16xf32>
        %mul3A_1655 = arith.constant 7.812500e-03 : f32
        %mul3A_1656 = vector.broadcast %mul3A_1655 : f32 to vector<16xf32>
        %mul3A_1657 = arith.mulf %masked_cumsum3A_1654, %mul3A_1656 : vector<16xf32>
        %mul3A_1658 = arith.mulf %mul3A_1642, %mul3A_1642 : vector<16xf32>
        %sub3A_1659 = arith.subf %mul3A_1657, %mul3A_1658 : vector<16xf32>
        %add3A_1660 = arith.constant 9.99999974E-6 : f32
        %add3A_1661 = vector.broadcast %add3A_1660 : f32 to vector<16xf32>
        %add3A_1662 = arith.addf %sub3A_1659, %add3A_1661 : vector<16xf32>
        %mul3A_1663 = arith.constant 5.000000e-01 : f32
        %mul3A_1664 = vector.broadcast %mul3A_1663 : f32 to vector<16xf32>
        %mul3A_1665 = arith.mulf %mul3A_1664, %add3A_1662 : vector<16xf32>
        %bitcast3A_1666 = vector.bitcast %add3A_1662 : vector<16xf32> to vector<16xi32>
        %shift_right_arithmetic3A_1667 = arith.constant 1 : i32
        %shift_right_arithmetic3A_1668 = vector.broadcast %shift_right_arithmetic3A_1667 : i32 to vector<16xi32>
        %shift_right_arithmetic3A_1669 = arith.shrsi %bitcast3A_1666, %shift_right_arithmetic3A_1668 : vector<16xi32>
        %sub3A_1670 = arith.constant 1597463007 : i32
        %sub3A_1671 = vector.broadcast %sub3A_1670 : i32 to vector<16xi32>
        %sub3A_1672 = arith.subi %sub3A_1671, %shift_right_arithmetic3A_1669 : vector<16xi32>
        %bitcast3A_1673 = vector.bitcast %sub3A_1672 : vector<16xi32> to vector<16xf32>
        %mul3A_1674 = arith.mulf %mul3A_1665, %bitcast3A_1673 : vector<16xf32>
        %mul3A_1675 = arith.mulf %mul3A_1674, %bitcast3A_1673 : vector<16xf32>
        %sub3A_1676 = arith.constant 1.500000e+00 : f32
        %sub3A_1677 = vector.broadcast %sub3A_1676 : f32 to vector<16xf32>
        %sub3A_1678 = arith.subf %sub3A_1677, %mul3A_1675 : vector<16xf32>
        %mul3A_1679 = arith.mulf %bitcast3A_1673, %sub3A_1678 : vector<16xf32>
        %get3A_1680 = arith.index_cast %sub3A_1627 : i32 to index
        %get3A_1681 = arith.constant 0 : index
        %get3A_1682 = tpu.vector_load %arg19[%get3A_1680, %get3A_1681] {strides = array<i32>} : memref<100x128xf32, #tpu.memory_space<vmem>>, vector<16xf32>,
        %sub3A_1683 = arith.subf %get3A_1682, %mul3A_1642 : vector<16xf32>
        %mul3A_1684 = arith.mulf %sub3A_1683, %mul3A_1679 : vector<16xf32>
        %mul3A_1685 = arith.mulf %mul3A_1684, %get3A_5 : vector<16xf32>
        %add3A_1686 = arith.addf %mul3A_1685, %get3A_21 : vector<16xf32>
        %swap3A_1687 = arith.index_cast %sub3A_1627 : i32 to index
        %swap3A_1688 = arith.constant 0 : index
        %swap3A_1689 = tpu.vector_load %arg19[%swap3A_1687, %swap3A_1688] {strides = array<i32>} : memref<100x128xf32, #tpu.memory_space<vmem>>, vector<16xf32>,
        tpu.vector_store %arg19[%swap3A_1687, %swap3A_1688], %add3A_1686 {strides = array<i32>} : memref<100x128xf32, #tpu.memory_space<vmem>>, vector<16xf32>,
        %get3A_1690 = arith.index_cast %sub3A_1627 : i32 to index
        %get3A_1691 = arith.constant 16 : index
        %get3A_1692 = tpu.vector_load %arg19[%get3A_1690, %get3A_1691] {strides = array<i32>} : memref<100x128xf32, #tpu.memory_space<vmem>>, vector<16xf32>,
        %sub3A_1693 = arith.subf %get3A_1692, %mul3A_1642 : vector<16xf32>
        %mul3A_1694 = arith.mulf %sub3A_1693, %mul3A_1679 : vector<16xf32>
        %mul3A_1695 = arith.mulf %mul3A_1694, %get3A_7 : vector<16xf32>
        %add3A_1696 = arith.addf %mul3A_1695, %get3A_23 : vector<16xf32>
        %swap3A_1697 = arith.index_cast %sub3A_1627 : i32 to index
        %swap3A_1698 = arith.constant 16 : index
        %swap3A_1699 = tpu.vector_load %arg19[%swap3A_1697, %swap3A_1698] {strides = array<i32>} : memref<100x128xf32, #tpu.memory_space<vmem>>, vector<16xf32>,
        tpu.vector_store %arg19[%swap3A_1697, %swap3A_1698], %add3A_1696 {strides = array<i32>} : memref<100x128xf32, #tpu.memory_space<vmem>>, vector<16xf32>,
        %get3A_1700 = arith.index_cast %sub3A_1627 : i32 to index
        %get3A_1701 = arith.constant 32 : index
        %get3A_1702 = tpu.vector_load %arg19[%get3A_1700, %get3A_1701] {strides = array<i32>} : memref<100x128xf32, #tpu.memory_space<vmem>>, vector<16xf32>,
        %sub3A_1703 = arith.subf %get3A_1702, %mul3A_1642 : vector<16xf32>
        %mul3A_1704 = arith.mulf %sub3A_1703, %mul3A_1679 : vector<16xf32>
        %mul3A_1705 = arith.mulf %mul3A_1704, %get3A_9 : vector<16xf32>
        %add3A_1706 = arith.addf %mul3A_1705, %get3A_25 : vector<16xf32>
        %swap3A_1707 = arith.index_cast %sub3A_1627 : i32 to index
        %swap3A_1708 = arith.constant 32 : index
        %swap3A_1709 = tpu.vector_load %arg19[%swap3A_1707, %swap3A_1708] {strides = array<i32>} : memref<100x128xf32, #tpu.memory_space<vmem>>, vector<16xf32>,
        tpu.vector_store %arg19[%swap3A_1707, %swap3A_1708], %add3A_1706 {strides = array<i32>} : memref<100x128xf32, #tpu.memory_space<vmem>>, vector<16xf32>,
        %get3A_1710 = arith.index_cast %sub3A_1627 : i32 to index
        %get3A_1711 = arith.constant 48 : index
        %get3A_1712 = tpu.vector_load %arg19[%get3A_1710, %get3A_1711] {strides = array<i32>} : memref<100x128xf32, #tpu.memory_space<vmem>>, vector<16xf32>,
        %sub3A_1713 = arith.subf %get3A_1712, %mul3A_1642 : vector<16xf32>
        %mul3A_1714 = arith.mulf %sub3A_1713, %mul3A_1679 : vector<16xf32>
        %mul3A_1715 = arith.mulf %mul3A_1714, %get3A_11 : vector<16xf32>
        %add3A_1716 = arith.addf %mul3A_1715, %get3A_27 : vector<16xf32>
        %swap3A_1717 = arith.index_cast %sub3A_1627 : i32 to index
        %swap3A_1718 = arith.constant 48 : index
        %swap3A_1719 = tpu.vector_load %arg19[%swap3A_1717, %swap3A_1718] {strides = array<i32>} : memref<100x128xf32, #tpu.memory_space<vmem>>, vector<16xf32>,
        tpu.vector_store %arg19[%swap3A_1717, %swap3A_1718], %add3A_1716 {strides = array<i32>} : memref<100x128xf32, #tpu.memory_space<vmem>>, vector<16xf32>,
        %get3A_1720 = arith.index_cast %sub3A_1627 : i32 to index
        %get3A_1721 = arith.constant 64 : index
        %get3A_1722 = tpu.vector_load %arg19[%get3A_1720, %get3A_1721] {strides = array<i32>} : memref<100x128xf32, #tpu.memory_space<vmem>>, vector<16xf32>,
        %sub3A_1723 = arith.subf %get3A_1722, %mul3A_1642 : vector<16xf32>
        %mul3A_1724 = arith.mulf %sub3A_1723, %mul3A_1679 : vector<16xf32>
        %mul3A_1725 = arith.mulf %mul3A_1724, %get3A_13 : vector<16xf32>
        %add3A_1726 = arith.addf %mul3A_1725, %get3A_29 : vector<16xf32>
        %swap3A_1727 = arith.index_cast %sub3A_1627 : i32 to index
        %swap3A_1728 = arith.constant 64 : index
        %swap3A_1729 = tpu.vector_load %arg19[%swap3A_1727, %swap3A_1728] {strides = array<i32>} : memref<100x128xf32, #tpu.memory_space<vmem>>, vector<16xf32>,
        tpu.vector_store %arg19[%swap3A_1727, %swap3A_1728], %add3A_1726 {strides = array<i32>} : memref<100x128xf32, #tpu.memory_space<vmem>>, vector<16xf32>,
        %get3A_1730 = arith.index_cast %sub3A_1627 : i32 to index
        %get3A_1731 = arith.constant 80 : index
        %get3A_1732 = tpu.vector_load %arg19[%get3A_1730, %get3A_1731] {strides = array<i32>} : memref<100x128xf32, #tpu.memory_space<vmem>>, vector<16xf32>,
        %sub3A_1733 = arith.subf %get3A_1732, %mul3A_1642 : vector<16xf32>
        %mul3A_1734 = arith.mulf %sub3A_1733, %mul3A_1679 : vector<16xf32>
        %mul3A_1735 = arith.mulf %mul3A_1734, %get3A_15 : vector<16xf32>
        %add3A_1736 = arith.addf %mul3A_1735, %get3A_31 : vector<16xf32>
        %swap3A_1737 = arith.index_cast %sub3A_1627 : i32 to index
        %swap3A_1738 = arith.constant 80 : index
        %swap3A_1739 = tpu.vector_load %arg19[%swap3A_1737, %swap3A_1738] {strides = array<i32>} : memref<100x128xf32, #tpu.memory_space<vmem>>, vector<16xf32>,
        tpu.vector_store %arg19[%swap3A_1737, %swap3A_1738], %add3A_1736 {strides = array<i32>} : memref<100x128xf32, #tpu.memory_space<vmem>>, vector<16xf32>,
        %get3A_1740 = arith.index_cast %sub3A_1627 : i32 to index
        %get3A_1741 = arith.constant 96 : index
        %get3A_1742 = tpu.vector_load %arg19[%get3A_1740, %get3A_1741] {strides = array<i32>} : memref<100x128xf32, #tpu.memory_space<vmem>>, vector<16xf32>,
        %sub3A_1743 = arith.subf %get3A_1742, %mul3A_1642 : vector<16xf32>
        %mul3A_1744 = arith.mulf %sub3A_1743, %mul3A_1679 : vector<16xf32>
        %mul3A_1745 = arith.mulf %mul3A_1744, %get3A_17 : vector<16xf32>
        %add3A_1746 = arith.addf %mul3A_1745, %get3A_33 : vector<16xf32>
        %swap3A_1747 = arith.index_cast %sub3A_1627 : i32 to index
        %swap3A_1748 = arith.constant 96 : index
        %swap3A_1749 = tpu.vector_load %arg19[%swap3A_1747, %swap3A_1748] {strides = array<i32>} : memref<100x128xf32, #tpu.memory_space<vmem>>, vector<16xf32>,
        tpu.vector_store %arg19[%swap3A_1747, %swap3A_1748], %add3A_1746 {strides = array<i32>} : memref<100x128xf32, #tpu.memory_space<vmem>>, vector<16xf32>,
        %get3A_1750 = arith.index_cast %sub3A_1627 : i32 to index
        %get3A_1751 = arith.constant 112 : index
        %get3A_1752 = tpu.vector_load %arg19[%get3A_1750, %get3A_1751] {strides = array<i32>} : memref<100x128xf32, #tpu.memory_space<vmem>>, vector<16xf32>,
        %sub3A_1753 = arith.subf %get3A_1752, %mul3A_1642 : vector<16xf32>
        %mul3A_1754 = arith.mulf %sub3A_1753, %mul3A_1679 : vector<16xf32>
        %mul3A_1755 = arith.mulf %mul3A_1754, %get3A_19 : vector<16xf32>
        %add3A_1756 = arith.addf %mul3A_1755, %get3A_35 : vector<16xf32>
        %swap3A_1757 = arith.index_cast %sub3A_1627 : i32 to index
        %swap3A_1758 = arith.constant 112 : index
        %swap3A_1759 = tpu.vector_load %arg19[%swap3A_1757, %swap3A_1758] {strides = array<i32>} : memref<100x128xf32, #tpu.memory_space<vmem>>, vector<16xf32>,
        tpu.vector_store %arg19[%swap3A_1757, %swap3A_1758], %add3A_1756 {strides = array<i32>} : memref<100x128xf32, #tpu.memory_space<vmem>>, vector<16xf32>,
        scf.yield %add3A_1623, %add3A_1625 : vector<16xf32>, vector<16xf32>
      }
      %scan3A_1315 = arith.constant 99 : i32
      %broadcast_in_dim3A_1316 = arith.constant true
      %broadcast_in_dim3A_1317 = vector.broadcast %broadcast_in_dim3A_1316 : i1 to vector<16xi1>
      %masked_cumsum3A_1318 = tpu.scan <sum>, %scan3A_1314#0 masked %broadcast_in_dim3A_1317 : vector<16xf32>, vector<16xi1> -> vector<16xf32>
      %rev3A_1319 = arith.constant 15 : i32
      %rev3A_1320 = vector.broadcast %rev3A_1319 : i32 to vector<16xi32>
      %rev3A_1321 = tpu.iota {dimensions = array<i32: 0>} : vector<16xi32>
      %rev3A_1322 = arith.subi %rev3A_1320, %rev3A_1321 : vector<16xi32>
      %rev3A_1323 = tpu.dynamic_gather %masked_cumsum3A_1318[%rev3A_1322] in [0] : vector<16xf32>, vector<16xi32> -> vector<16xf32>
      %mul3A_1324 = arith.mulf %rev3A_1323, %convert_element_type3A_109 : vector<16xf32>
      %broadcast_in_dim3A_1325 = arith.constant true
      %broadcast_in_dim3A_1326 = vector.broadcast %broadcast_in_dim3A_1325 : i1 to vector<16xi1>
      %masked_cumsum3A_1327 = tpu.scan <sum>, %mul3A_1324 masked %broadcast_in_dim3A_1326 : vector<16xf32>, vector<16xi1> -> vector<16xf32>
      %mul3A_1328 = arith.constant 7.812500e-03 : f32
      %mul3A_1329 = vector.broadcast %mul3A_1328 : f32 to vector<16xf32>
      %mul3A_1330 = arith.mulf %masked_cumsum3A_1327, %mul3A_1329 : vector<16xf32>
      %broadcast_in_dim3A_1331 = arith.constant true
      %broadcast_in_dim3A_1332 = vector.broadcast %broadcast_in_dim3A_1331 : i1 to vector<16xi1>
      %masked_cumsum3A_1333 = tpu.scan <sum>, %scan3A_1314#1 masked %broadcast_in_dim3A_1332 : vector<16xf32>, vector<16xi1> -> vector<16xf32>
      %rev3A_1334 = arith.constant 15 : i32
      %rev3A_1335 = vector.broadcast %rev3A_1334 : i32 to vector<16xi32>
      %rev3A_1336 = tpu.iota {dimensions = array<i32: 0>} : vector<16xi32>
      %rev3A_1337 = arith.subi %rev3A_1335, %rev3A_1336 : vector<16xi32>
      %rev3A_1338 = tpu.dynamic_gather %masked_cumsum3A_1333[%rev3A_1337] in [0] : vector<16xf32>, vector<16xi32> -> vector<16xf32>
      %mul3A_1339 = arith.mulf %rev3A_1338, %convert_element_type3A_109 : vector<16xf32>
      %broadcast_in_dim3A_1340 = arith.constant true
      %broadcast_in_dim3A_1341 = vector.broadcast %broadcast_in_dim3A_1340 : i1 to vector<16xi1>
      %masked_cumsum3A_1342 = tpu.scan <sum>, %mul3A_1339 masked %broadcast_in_dim3A_1341 : vector<16xf32>, vector<16xi1> -> vector<16xf32>
      %mul3A_1343 = arith.constant 7.812500e-03 : f32
      %mul3A_1344 = vector.broadcast %mul3A_1343 : f32 to vector<16xf32>
      %mul3A_1345 = arith.mulf %masked_cumsum3A_1342, %mul3A_1344 : vector<16xf32>
      %mul3A_1346 = arith.mulf %mul3A_1330, %mul3A_1330 : vector<16xf32>
      %sub3A_1347 = arith.subf %mul3A_1345, %mul3A_1346 : vector<16xf32>
      %add3A_1348 = arith.constant 9.99999974E-6 : f32
      %add3A_1349 = vector.broadcast %add3A_1348 : f32 to vector<16xf32>
      %add3A_1350 = arith.addf %sub3A_1347, %add3A_1349 : vector<16xf32>
      %mul3A_1351 = arith.constant 5.000000e-01 : f32
      %mul3A_1352 = vector.broadcast %mul3A_1351 : f32 to vector<16xf32>
      %mul3A_1353 = arith.mulf %mul3A_1352, %add3A_1350 : vector<16xf32>
      %bitcast3A_1354 = vector.bitcast %add3A_1350 : vector<16xf32> to vector<16xi32>
      %shift_right_arithmetic3A_1355 = arith.constant 1 : i32
      %shift_right_arithmetic3A_1356 = vector.broadcast %shift_right_arithmetic3A_1355 : i32 to vector<16xi32>
      %shift_right_arithmetic3A_1357 = arith.shrsi %bitcast3A_1354, %shift_right_arithmetic3A_1356 : vector<16xi32>
      %sub3A_1358 = arith.constant 1597463007 : i32
      %sub3A_1359 = vector.broadcast %sub3A_1358 : i32 to vector<16xi32>
      %sub3A_1360 = arith.subi %sub3A_1359, %shift_right_arithmetic3A_1357 : vector<16xi32>
      %bitcast3A_1361 = vector.bitcast %sub3A_1360 : vector<16xi32> to vector<16xf32>
      %mul3A_1362 = arith.mulf %mul3A_1353, %bitcast3A_1361 : vector<16xf32>
      %mul3A_1363 = arith.mulf %mul3A_1362, %bitcast3A_1361 : vector<16xf32>
      %sub3A_1364 = arith.constant 1.500000e+00 : f32
      %sub3A_1365 = vector.broadcast %sub3A_1364 : f32 to vector<16xf32>
      %sub3A_1366 = arith.subf %sub3A_1365, %mul3A_1363 : vector<16xf32>
      %mul3A_1367 = arith.mulf %bitcast3A_1361, %sub3A_1366 : vector<16xf32>
      %get3A_1368 = arith.constant 99 : i32
      %get3A_1369 = arith.index_cast %get3A_1368 : i32 to index
      %get3A_1370 = arith.constant 0 : index
      %get3A_1371 = tpu.vector_load %arg19[%get3A_1369, %get3A_1370] {strides = array<i32>} : memref<100x128xf32, #tpu.memory_space<vmem>>, vector<16xf32>,
      %sub3A_1372 = arith.subf %get3A_1371, %mul3A_1330 : vector<16xf32>
      %mul3A_1373 = arith.mulf %sub3A_1372, %mul3A_1367 : vector<16xf32>
      %mul3A_1374 = arith.mulf %mul3A_1373, %get3A_5 : vector<16xf32>
      %add3A_1375 = arith.addf %mul3A_1374, %get3A_21 : vector<16xf32>
      %swap3A_1376 = arith.constant 99 : i32
      %swap3A_1377 = arith.index_cast %swap3A_1376 : i32 to index
      %swap3A_1378 = arith.constant 0 : index
      %swap3A_1379 = tpu.vector_load %arg19[%swap3A_1377, %swap3A_1378] {strides = array<i32>} : memref<100x128xf32, #tpu.memory_space<vmem>>, vector<16xf32>,
      tpu.vector_store %arg19[%swap3A_1377, %swap3A_1378], %add3A_1375 {strides = array<i32>} : memref<100x128xf32, #tpu.memory_space<vmem>>, vector<16xf32>,
      %get3A_1380 = arith.constant 99 : i32
      %get3A_1381 = arith.index_cast %get3A_1380 : i32 to index
      %get3A_1382 = arith.constant 16 : index
      %get3A_1383 = tpu.vector_load %arg19[%get3A_1381, %get3A_1382] {strides = array<i32>} : memref<100x128xf32, #tpu.memory_space<vmem>>, vector<16xf32>,
      %sub3A_1384 = arith.subf %get3A_1383, %mul3A_1330 : vector<16xf32>
      %mul3A_1385 = arith.mulf %sub3A_1384, %mul3A_1367 : vector<16xf32>
      %mul3A_1386 = arith.mulf %mul3A_1385, %get3A_7 : vector<16xf32>
      %add3A_1387 = arith.addf %mul3A_1386, %get3A_23 : vector<16xf32>
      %swap3A_1388 = arith.constant 99 : i32
      %swap3A_1389 = arith.index_cast %swap3A_1388 : i32 to index
      %swap3A_1390 = arith.constant 16 : index
      %swap3A_1391 = tpu.vector_load %arg19[%swap3A_1389, %swap3A_1390] {strides = array<i32>} : memref<100x128xf32, #tpu.memory_space<vmem>>, vector<16xf32>,
      tpu.vector_store %arg19[%swap3A_1389, %swap3A_1390], %add3A_1387 {strides = array<i32>} : memref<100x128xf32, #tpu.memory_space<vmem>>, vector<16xf32>,
      %get3A_1392 = arith.constant 99 : i32
      %get3A_1393 = arith.index_cast %get3A_1392 : i32 to index
      %get3A_1394 = arith.constant 32 : index
      %get3A_1395 = tpu.vector_load %arg19[%get3A_1393, %get3A_1394] {strides = array<i32>} : memref<100x128xf32, #tpu.memory_space<vmem>>, vector<16xf32>,
      %sub3A_1396 = arith.subf %get3A_1395, %mul3A_1330 : vector<16xf32>
      %mul3A_1397 = arith.mulf %sub3A_1396, %mul3A_1367 : vector<16xf32>
      %mul3A_1398 = arith.mulf %mul3A_1397, %get3A_9 : vector<16xf32>
      %add3A_1399 = arith.addf %mul3A_1398, %get3A_25 : vector<16xf32>
      %swap3A_1400 = arith.constant 99 : i32
      %swap3A_1401 = arith.index_cast %swap3A_1400 : i32 to index
      %swap3A_1402 = arith.constant 32 : index
      %swap3A_1403 = tpu.vector_load %arg19[%swap3A_1401, %swap3A_1402] {strides = array<i32>} : memref<100x128xf32, #tpu.memory_space<vmem>>, vector<16xf32>,
      tpu.vector_store %arg19[%swap3A_1401, %swap3A_1402], %add3A_1399 {strides = array<i32>} : memref<100x128xf32, #tpu.memory_space<vmem>>, vector<16xf32>,
      %get3A_1404 = arith.constant 99 : i32
      %get3A_1405 = arith.index_cast %get3A_1404 : i32 to index
      %get3A_1406 = arith.constant 48 : index
      %get3A_1407 = tpu.vector_load %arg19[%get3A_1405, %get3A_1406] {strides = array<i32>} : memref<100x128xf32, #tpu.memory_space<vmem>>, vector<16xf32>,
      %sub3A_1408 = arith.subf %get3A_1407, %mul3A_1330 : vector<16xf32>
      %mul3A_1409 = arith.mulf %sub3A_1408, %mul3A_1367 : vector<16xf32>
      %mul3A_1410 = arith.mulf %mul3A_1409, %get3A_11 : vector<16xf32>
      %add3A_1411 = arith.addf %mul3A_1410, %get3A_27 : vector<16xf32>
      %swap3A_1412 = arith.constant 99 : i32
      %swap3A_1413 = arith.index_cast %swap3A_1412 : i32 to index
      %swap3A_1414 = arith.constant 48 : index
      %swap3A_1415 = tpu.vector_load %arg19[%swap3A_1413, %swap3A_1414] {strides = array<i32>} : memref<100x128xf32, #tpu.memory_space<vmem>>, vector<16xf32>,
      tpu.vector_store %arg19[%swap3A_1413, %swap3A_1414], %add3A_1411 {strides = array<i32>} : memref<100x128xf32, #tpu.memory_space<vmem>>, vector<16xf32>,
      %get3A_1416 = arith.constant 99 : i32
      %get3A_1417 = arith.index_cast %get3A_1416 : i32 to index
      %get3A_1418 = arith.constant 64 : index
      %get3A_1419 = tpu.vector_load %arg19[%get3A_1417, %get3A_1418] {strides = array<i32>} : memref<100x128xf32, #tpu.memory_space<vmem>>, vector<16xf32>,
      %sub3A_1420 = arith.subf %get3A_1419, %mul3A_1330 : vector<16xf32>
      %mul3A_1421 = arith.mulf %sub3A_1420, %mul3A_1367 : vector<16xf32>
      %mul3A_1422 = arith.mulf %mul3A_1421, %get3A_13 : vector<16xf32>
      %add3A_1423 = arith.addf %mul3A_1422, %get3A_29 : vector<16xf32>
      %swap3A_1424 = arith.constant 99 : i32
      %swap3A_1425 = arith.index_cast %swap3A_1424 : i32 to index
      %swap3A_1426 = arith.constant 64 : index
      %swap3A_1427 = tpu.vector_load %arg19[%swap3A_1425, %swap3A_1426] {strides = array<i32>} : memref<100x128xf32, #tpu.memory_space<vmem>>, vector<16xf32>,
      tpu.vector_store %arg19[%swap3A_1425, %swap3A_1426], %add3A_1423 {strides = array<i32>} : memref<100x128xf32, #tpu.memory_space<vmem>>, vector<16xf32>,
      %get3A_1428 = arith.constant 99 : i32
      %get3A_1429 = arith.index_cast %get3A_1428 : i32 to index
      %get3A_1430 = arith.constant 80 : index
      %get3A_1431 = tpu.vector_load %arg19[%get3A_1429, %get3A_1430] {strides = array<i32>} : memref<100x128xf32, #tpu.memory_space<vmem>>, vector<16xf32>,
      %sub3A_1432 = arith.subf %get3A_1431, %mul3A_1330 : vector<16xf32>
      %mul3A_1433 = arith.mulf %sub3A_1432, %mul3A_1367 : vector<16xf32>
      %mul3A_1434 = arith.mulf %mul3A_1433, %get3A_15 : vector<16xf32>
      %add3A_1435 = arith.addf %mul3A_1434, %get3A_31 : vector<16xf32>
      %swap3A_1436 = arith.constant 99 : i32
      %swap3A_1437 = arith.index_cast %swap3A_1436 : i32 to index
      %swap3A_1438 = arith.constant 80 : index
      %swap3A_1439 = tpu.vector_load %arg19[%swap3A_1437, %swap3A_1438] {strides = array<i32>} : memref<100x128xf32, #tpu.memory_space<vmem>>, vector<16xf32>,
      tpu.vector_store %arg19[%swap3A_1437, %swap3A_1438], %add3A_1435 {strides = array<i32>} : memref<100x128xf32, #tpu.memory_space<vmem>>, vector<16xf32>,
      %get3A_1440 = arith.constant 99 : i32
      %get3A_1441 = arith.index_cast %get3A_1440 : i32 to index
      %get3A_1442 = arith.constant 96 : index
      %get3A_1443 = tpu.vector_load %arg19[%get3A_1441, %get3A_1442] {strides = array<i32>} : memref<100x128xf32, #tpu.memory_space<vmem>>, vector<16xf32>,
      %sub3A_1444 = arith.subf %get3A_1443, %mul3A_1330 : vector<16xf32>
      %mul3A_1445 = arith.mulf %sub3A_1444, %mul3A_1367 : vector<16xf32>
      %mul3A_1446 = arith.mulf %mul3A_1445, %get3A_17 : vector<16xf32>
      %add3A_1447 = arith.addf %mul3A_1446, %get3A_33 : vector<16xf32>
      %swap3A_1448 = arith.constant 99 : i32
      %swap3A_1449 = arith.index_cast %swap3A_1448 : i32 to index
      %swap3A_1450 = arith.constant 96 : index
      %swap3A_1451 = tpu.vector_load %arg19[%swap3A_1449, %swap3A_1450] {strides = array<i32>} : memref<100x128xf32, #tpu.memory_space<vmem>>, vector<16xf32>,
      tpu.vector_store %arg19[%swap3A_1449, %swap3A_1450], %add3A_1447 {strides = array<i32>} : memref<100x128xf32, #tpu.memory_space<vmem>>, vector<16xf32>,
      %get3A_1452 = arith.constant 99 : i32
      %get3A_1453 = arith.index_cast %get3A_1452 : i32 to index
      %get3A_1454 = arith.constant 112 : index
      %get3A_1455 = tpu.vector_load %arg19[%get3A_1453, %get3A_1454] {strides = array<i32>} : memref<100x128xf32, #tpu.memory_space<vmem>>, vector<16xf32>,
      %sub3A_1456 = arith.subf %get3A_1455, %mul3A_1330 : vector<16xf32>
      %mul3A_1457 = arith.mulf %sub3A_1456, %mul3A_1367 : vector<16xf32>
      %mul3A_1458 = arith.mulf %mul3A_1457, %get3A_19 : vector<16xf32>
      %add3A_1459 = arith.addf %mul3A_1458, %get3A_35 : vector<16xf32>
      %swap3A_1460 = arith.constant 99 : i32
      %swap3A_1461 = arith.index_cast %swap3A_1460 : i32 to index
      %swap3A_1462 = arith.constant 112 : index
      %swap3A_1463 = tpu.vector_load %arg19[%swap3A_1461, %swap3A_1462] {strides = array<i32>} : memref<100x128xf32, #tpu.memory_space<vmem>>, vector<16xf32>,
      tpu.vector_store %arg19[%swap3A_1461, %swap3A_1462], %add3A_1459 {strides = array<i32>} : memref<100x128xf32, #tpu.memory_space<vmem>>, vector<16xf32>,
      %dma_wait3A_1464 = arith.constant 0 : i32
      %dma_wait3A_1465 = arith.constant 0 : i32
      %dma_wait3A_1466 = tpu.memref_slice %arg9[%dma_wait3A_1464, %dma_wait3A_1465] : memref<204800x128xf32, #tpu.memory_space<hbm>> -> memref<100x128xf32, #tpu.memory_space<hbm>>
      %dma_wait3A_1467 = arith.constant 0 : i32
      %dma_wait3A_1468 = arith.constant 0 : i32
      %dma_wait3A_1469 = tpu.memref_slice %arg9[%dma_wait3A_1467, %dma_wait3A_1468] : memref<204800x128xf32, #tpu.memory_space<hbm>> -> memref<100x128xf32, #tpu.memory_space<hbm>>
      tpu.wait_dma2 semaphore(%arg26 : memref<!tpu.dma_semaphore, #tpu.memory_space<semaphore_mem>>) src(%arg18 : memref<100x128xf32, #tpu.memory_space<vmem>>) dst(%dma_wait3A_1469 : memref<100x128xf32, #tpu.memory_space<hbm>>)
      %lt3A_1470 = arith.constant 15 : i32
      %lt3A_1471 = arith.cmpi slt, %scan3A_146, %lt3A_1470 : i32
      %convert_element_type3A_1472 = arith.extui %lt3A_1471 : i1 to i32
      %cond3A_1473 = arith.constant 0 : i32
      %cond3A_1474 = arith.cmpi ne, %convert_element_type3A_1472, %cond3A_1473 : i32
      scf.if %cond3A_1474 {
        %add3A_1482 = arith.constant 4 : i32
        %add3A_1483 = arith.addi %add3A_1150, %add3A_1482 : i32
        %sub3A_1484 = arith.constant 1 : i32
        %sub3A_1485 = arith.subi %add3A_1483, %sub3A_1484 : i32
        %dma_start3A_1486 = arith.constant 0 : i32
        %dma_start3A_1487 = tpu.memref_slice %arg10[%sub3A_1485, %dma_start3A_1486] : memref<64x100xi32, #tpu.memory_space<vmem>> -> memref<1x100xi32, #tpu.memory_space<vmem>>
        %dma_start3A_1488 = tpu.memref_squeeze %dma_start3A_1487 : memref<1x100xi32, #tpu.memory_space<vmem>> -> memref<100xi32, #tpu.memory_space<vmem>>
        %dma_start3A_1489 = arith.constant 0 : i32
        %dma_start3A_1490 = arith.constant 0 : i32
        %dma_start3A_1491 = tpu.memref_slice %arg4[%dma_start3A_1489, %dma_start3A_1490] : memref<100000x128xf32, #tpu.memory_space<hbm>> -> memref<100000x128xf32, #tpu.memory_space<hbm>>
        tpu.enqueue_indirect_dma source(%dma_start3A_1491 : memref<100000x128xf32, #tpu.memory_space<hbm>>) target(%arg18 : memref<100x128xf32, #tpu.memory_space<vmem>>) offsets(%dma_start3A_1488 : memref<100xi32, #tpu.memory_space<vmem>>) semaphore(%arg22 : memref<!tpu.dma_semaphore, #tpu.memory_space<semaphore_mem>>)
      } else {
      }
      %mul3A_1475 = arith.constant 100 : i32
      %mul3A_1476 = arith.muli %add3A_1150, %mul3A_1475 : i32
      %add3A_1477 = arith.addi %mul3A_2, %mul3A_1476 : i32
      %dma_start3A_1478 = arith.constant 0 : i32
      %dma_start3A_1479 = tpu.memref_slice %arg9[%add3A_1477, %dma_start3A_1478] : memref<204800x128xf32, #tpu.memory_space<hbm>> -> memref<100x128xf32, #tpu.memory_space<hbm>>
      %dma_start3A_1480 = arith.constant 0 : i32
      %dma_start3A_1481 = tpu.memref_slice %arg9[%add3A_1477, %dma_start3A_1480] : memref<204800x128xf32, #tpu.memory_space<hbm>> -> memref<100x128xf32, #tpu.memory_space<hbm>>
      tpu.enqueue_dma source(%arg19 : memref<100x128xf32, #tpu.memory_space<vmem>>) target(%dma_start3A_1481 : memref<100x128xf32, #tpu.memory_space<hbm>>) target_semaphore(%arg27 : memref<!tpu.dma_semaphore, #tpu.memory_space<semaphore_mem>>)
    }
    %scan3A_140 = arith.constant 16 : i32
    %dma_wait3A = arith.constant 0 : i32
    %dma_wait3A_141 = arith.constant 0 : i32
    %dma_wait3A_142 = tpu.memref_slice %arg9[%dma_wait3A, %dma_wait3A_141] : memref<204800x128xf32, #tpu.memory_space<hbm>> -> memref<100x128xf32, #tpu.memory_space<hbm>>
    %dma_wait3A_143 = arith.constant 0 : i32
    %dma_wait3A_144 = arith.constant 0 : i32
    %dma_wait3A_145 = tpu.memref_slice %arg9[%dma_wait3A_143, %dma_wait3A_144] : memref<204800x128xf32, #tpu.memory_space<hbm>> -> memref<100x128xf32, #tpu.memory_space<hbm>>
    tpu.wait_dma2 semaphore(%arg27 : memref<!tpu.dma_semaphore, #tpu.memory_space<semaphore_mem>>) src(%arg19 : memref<100x128xf32, #tpu.memory_space<vmem>>) dst(%dma_wait3A_145 : memref<100x128xf32, #tpu.memory_space<hbm>>)
    return
  }
}

</mosaic_0001>

<sc_bundles>
// kernel: kernel.3.cloned.1.call-start
scs
__scs_entry_jumppad:
0x0: {  	(pc) =	sbr.rel $0x88, $3  }
0x1: {  	(tag) =	ssettag $0x0;
	lr =	simm.s32 $0x1  }
0x2: {  	[smem:$0x3F9A] =	sst lr;
	_ =	strace $0xD0000000  }
0x3: {  	_ = 	snop  }
0x4: {  	_ = 	snop  }
0x5: {  	_ = 	snop  }
0x6: {  	_ = 	snop  }
0x7: {  	_ = 	snop  }
__scs_overlays_trampoline_lowered:
0x8: {  	[smem:$0x3FA9] =	sst s0  }
0x9: {  	[smem:$0x3FAA] =	sst s1  }
0xa: {  	[smem:$0x3FAB] =	sst s2  }
0xb: {  	[smem:$0x3FAC] =	sst s3  }
0xc: {  	[smem:$0x3FAD] =	sst s4  }
0xd: {  	[smem:$0x3FAE] =	sst s5  }
0xe: {  	[smem:$0x3FAF] =	sst s6  }
0xf: {  	[smem:$0x3FB0] =	sst s7  }
0x10: {  	[smem:$0x3FB1] =	sst s8  }
0x11: {  	[smem:$0x3FB2] =	sst s9;
	s0 =	simm.s32 @!p0 $0x0  }
0x12: {  	s1 =	sld [smem:$0x3F98];
	s0 =	simm.s32 @p0 $0x1  }
0x13: {  	[smem:$0x3FB3] =	sst s0;
	s0 =	simm.s32 @!p1 $0x0  }
0x14: {  	s2 =	sld [smem:$0x3F97];
	s0 =	simm.s32 @p1 $0x1  }
0x15: {  	[smem:$0x3FB4] =	sst s0;
	s0 =	simm.s32 @!p2 $0x0  }
0x16: {  	s3 =	sld [smem:$0x3FDB];
	s0 =	simm.s32 @p2 $0x1  }
0x17: {  	s4 =	simm.s32 $0x1BF5;
	[smem:$0x3FB6] =	sst s0  }
0x18: {  	s0 =	sld [smem:$0x3F99];
	_ =	swait.ge [sflag:s4], $0x0  }
0x19: {  	s7 =	sld [smem:$0x3F9A]  }
0x1a: {  	s8 =	sadd.s32 $0xFFFFE003, lr  }
0x1b: {  	s9 =	sadd.s32 $0xFFFFFEF7, lr;
	s5 =	simm.s32 $0xFFFFFFFF;
	p2 =	slt.u32 s8, $0xFFFFF086  }
0x1c: {  	p1 =	slt.u32 s9, $0xF7A;
	s5 =	simm.s32 @!p2 $0x0  }
0x1d: {  	s5 =	simm.s32 @p1 $0x1;
	p0 =	seq.s32 s7, s2  }
0x1e: {  	s7 =	smul.u32 @!p0 $0xF7A, s2;
	p2 =	seq.s32 @!p0 s5, $0x0  }
0x1f: {  	s9 =	smul.u32 $0xF7A, s1;
	s8 =	simm.s32 @!p0 $0x1BF5;
	p2 =	por !p2, p0  }
0x20: {  	[sflag:s8] =	ssyncset.s32 @!p0 $0xFFFFF086;
	s6 =	sadd.s32 @!p0 s3, s7;
	s7 =	simm.s32 @!p0 $0x108  }
0x21: {  	s3 =	sadd.s32 s3, s9;
	s6 =	sadd.s32 @!p0 $0x88, s6;
	s7 =	simm.s32 @p2 $0x1082  }
0x22: {  	[simem:s7], [sflag:s8] =	dma.local @!p0 [hbm:s6], $0xF7A  }
0x23: {  	s9 =	sor.u32 $0xD0000000, s2;
	s6 =	simm.s32 $0x108;
	_ =	swait.ge @!p0 [sflag:s8], $0x0  }
0x24: {  	s3 =	sadd.s32 $0x88, s3;
	s6 =	simm.s32 @!p1 $0x1082;
	[sflag:s4] =	ssyncset.s32 $0xFFFFF086  }
0x25: {  	[simem:s6], [sflag:s4] =	dma.local [hbm:s3], $0xF7A  }
0x26: {  	[smem:$0x3F9A] =	sst s1;
	(tag) =	ssettag s2;
	_ =	strace s9  }
0x27: {  	s1 =	sld [smem:$0x3FAA]  }
0x28: {  	s2 =	sld [smem:$0x3FAB]  }
0x29: {  	s4 =	sld [smem:$0x3FAD]  }
0x2a: {  	p0 =	seq.s32 s5, $0x0;
	s5 =	sld [smem:$0x3FAE]  }
0x2b: {  	s6 =	sld [smem:$0x3FAF]  }
0x2c: {  	s7 =	sld [smem:$0x3FB0]  }
0x2d: {  	s3 =	simm.s32 $0x108;
	s8 =	sld [smem:$0x3FB1]  }
0x2e: {  	s3 =	simm.s32 @!p0 $0x1082;
	s9 =	sld [smem:$0x3FB2]  }
0x2f: {  	lr =	sadd.s32 s0, s3;
	s0 =	sld [smem:$0x3FA9]  }
0x30: {  	s3 =	sld [smem:$0x3FAC]  }
0x31: {  	[smem:$0x3FB5] =	sst s10  }
0x32: {  	s10 =	sld [smem:$0x3FB3];
	_ =	sdelay $0x3  }
0x33: {  	p0 =	seq.s32 s10, $0x1;
	s10 =	sld [smem:$0x3FB5];
	_ =	sdelay $0x3  }
0x34: {  	[smem:$0x3FB5] =	sst s10  }
0x35: {  	s10 =	sld [smem:$0x3FB4];
	_ =	sdelay $0x3  }
0x36: {  	p1 =	seq.s32 s10, $0x1;
	s10 =	sld [smem:$0x3FB5];
	_ =	sdelay $0x3  }
0x37: {  	[smem:$0x3FB5] =	sst s10  }
0x38: {  	s10 =	sld [smem:$0x3FB6]  }
0x39: {  	_ = 	snop;
	(pc) =	sbr.ind lr, $3  }
0x3a: {  	_ = 	snop  }
0x3b: {  	_ = 	snop  }
0x3c: {  	p2 =	seq.s32 s10, $0x1;
	s10 =	sld [smem:$0x3FB5]  }
0x3d: {  	_ =	shalt  }
0x3e: {  	_ =	shalt  }
0x3f: {  	_ =	shalt  }
0x40: {  	_ =	shalt  }
0x41: {  	_ =	shalt  }
0x42: {  	_ =	shalt  }
0x43: {  	_ =	shalt  }
0x44: {  	_ =	shalt  }
0x45: {  	_ =	shalt  }
0x46: {  	_ =	shalt  }
0x47: {  	_ =	shalt  }
0x48: {  	_ =	shalt  }
0x49: {  	_ =	shalt  }
0x4a: {  	_ =	shalt  }
0x4b: {  	_ =	shalt  }
0x4c: {  	_ =	shalt  }
0x4d: {  	_ =	shalt  }
0x4e: {  	_ =	shalt  }
0x4f: {  	_ =	shalt  }
0x50: {  	_ =	shalt  }
0x51: {  	_ =	shalt  }
0x52: {  	_ =	shalt  }
0x53: {  	_ =	shalt  }
0x54: {  	_ =	shalt  }
0x55: {  	_ =	shalt  }
0x56: {  	_ =	shalt  }
0x57: {  	_ =	shalt  }
0x58: {  	_ =	shalt  }
0x59: {  	_ =	shalt  }
0x5a: {  	_ =	shalt  }
0x5b: {  	_ =	shalt  }
0x5c: {  	_ =	shalt  }
0x5d: {  	_ =	shalt  }
0x5e: {  	_ =	shalt  }
0x5f: {  	_ =	shalt  }
0x60: {  	_ =	shalt  }
0x61: {  	_ =	shalt  }
0x62: {  	_ =	shalt  }
0x63: {  	_ =	shalt  }
0x64: {  	_ =	shalt  }
0x65: {  	_ =	shalt  }
0x66: {  	_ =	shalt  }
0x67: {  	_ =	shalt  }
0x68: {  	_ =	shalt  }
0x69: {  	_ =	shalt  }
0x6a: {  	_ =	shalt  }
0x6b: {  	_ =	shalt  }
0x6c: {  	_ =	shalt  }
0x6d: {  	_ =	shalt  }
0x6e: {  	_ =	shalt  }
0x6f: {  	_ =	shalt  }
0x70: {  	_ =	shalt  }
0x71: {  	_ =	shalt  }
0x72: {  	_ =	shalt  }
0x73: {  	_ =	shalt  }
0x74: {  	_ =	shalt  }
0x75: {  	_ =	shalt  }
0x76: {  	_ =	shalt  }
0x77: {  	_ =	shalt  }
0x78: {  	_ =	shalt  }
0x79: {  	_ =	shalt  }
0x7a: {  	_ =	shalt  }
0x7b: {  	_ =	shalt  }
0x7c: {  	_ =	shalt  }
0x7d: {  	_ =	shalt  }
0x7e: {  	_ =	shalt  }
0x7f: {  	_ =	shalt  }
0x80: {  	_ =	shalt  }
0x81: {  	_ =	shalt  }
0x82: {  	_ =	shalt  }
0x83: {  	_ =	shalt  }
0x84: {  	_ =	shalt  }
0x85: {  	_ =	shalt  }
0x86: {  	_ =	shalt  }
0x87: {  	_ =	shalt  }
.Lfunc_end0:
.L_simem_size_0:
called_computation_lowered:
.L_overlay_start_0:
0x88: {  	s2 =	sld [smem:$0x3FD9]  }
0x89: {  	s3 =	sld [smem:$0x3FFE];
	_ =	sdelay $0x1  }
0x8a: {  	s1 =	srdreg.scid  }
0x8b: {  	s0 =	sand.u32 $0x1, s1  }
0x8c: {  	s17 =	sshll.u32 s0, $0xA;
	s2 =	sadd.s32 s3, s2  }
0x8d: {  	s2 =	sadd.s32 s2, s17  }
0x8e: {  	[smem:$0x3FC1] =	sst s2  }
0x8f: {  	_ = 	snop  }
0x90: {  	s2 =	sld [smem:$0x3FC7]  }
0x91: {  	s18 =	sld [smem:$0x3FC6]  }
0x92: {  	s4 =	sld [smem:$0x3FC5]  }
0x93: {  	s5 =	sld [smem:$0x3FC4]  }
0x94: {  	s6 =	sld [smem:$0x3FC3]  }
0x95: {  	s7 =	sld [smem:$0x3FD0];
	(tm) =	ssettm $0x1  }
0x96: {  	s8 =	sld [smem:$0x3FFB];
	_ =	sdelay $0x3  }
0x97: {  	_ =	strace s8  }
0x98: {  	s8 =	sld [smem:$0x3FFC];
	_ =	sdelay $0x3  }
0x99: {  	_ =	strace s8  }
0x9a: {  	s8 =	sld [smem:$0x3FFD];
	_ =	sdelay $0x3  }
0x9b: {  	_ =	strace s8  }
0x9c: {  	_ =	strace $0x8FFFFFFF  }
0x9d: {  	s19 =	sld [smem:$0x3FDB];
	_ =	sdelay $0x1  }
0x9e: {  	s9 =	simm.s32 $_scs_section_size  }
0x9f: {  	s10 =	simm.s32 $_size__tile_overlayer_lowered;
	s11 =	simm.s32 $_tile_overlayer_lowered  }
0xa0: {  	s22 =	simm.s32 $0x1BFF;
	s21 =	sshll.u32 s11, $0x1;
	s8 =	sadd.s32 s9, s19  }
0xa1: {  	s12 =	simm.s32 $0x0;
	s20 =	sshll.u32 s10, $0x1;
	s10 =	sadd.s32 s21, s8  }
0xa2: {  	[timem:s12], [sflag:s22] =	dma.local [hbm:s10], s20  }
0xa3: {  	_ =	swait.ge [sflag:s22], s20  }
0xa4: {  	s9 =	ssub.s32 $0x0, s20;
	[sflag:s22] =	ssyncset.done $0x0  }
0xa5: {  	[sflag:s22] =	ssyncadd.s32 s9;
	_ =	sdelay $0x1  }
0xa6: {  	s23 =	simm.s32 $0x1B8B  }
0xa7: {  	_ =	swait.ge [sflag:s23], $0x1  }
0xa8: {  	[sflag:s23] =	ssyncset.done $0x0  }
0xa9: {  	s25 =	simm.s32 $0x1B8E;
	s24 =	sld [smem:$0x3FFE];
	[sflag:s23] =	ssyncadd.s32 $0xFFFFFFFF  }
0xaa: {  	s26 =	simm.s32 $execute0_lowered;
	[smem:$0x3FD2] =	sst s25  }
0xab: {  	s10 =	sshll.u32 s26, $0x1;
	_ =	strace $0x80000046;
	[dreg:$0x1] =	wrdreg $0xFFFFFFFF  }
0xac: {  	s28 =	simm.s32 $_size_execute0_lowered;
	s8 =	sadd.s32 s8, s10;
	[dreg:$0x0] =	wrdreg $0x0  }
0xad: {  	s10 =	sshll.u32 s28, $0x1;
	[dreg:$0x2] =	wrdreg s8  }
0xae: {  	[dreg:$0x3] =	wrdreg s10  }
0xaf: {  	[dreg:$0x4] =	wrdreg $0xC0  }
0xb0: {  	_ =	task [dreg:s12], $0x5FFFF  }
0xb1: {  	[dreg:$0x1] =	wrdreg $0xFFFFFFFF  }
0xb2: {  	[dreg:$0x0] =	wrdreg $0x60  }
0xb3: {  	[dreg:$0x2] =	wrdreg s24  }
0xb4: {  	[dreg:$0x3] =	wrdreg s2  }
0xb5: {  	[dreg:$0x4] =	wrdreg s18  }
0xb6: {  	[dreg:$0x5] =	wrdreg s4  }
0xb7: {  	[dreg:$0x6] =	wrdreg s5  }
0xb8: {  	[dreg:$0x7] =	wrdreg s6  }
0xb9: {  	[dreg:$0x8] =	wrdreg s7  }
0xba: {  	[dreg:$0x9] =	wrdreg $0x9  }
0xbb: {  	_ =	task.clear_ibuf [dreg:s12], $0xAFFFF;
	_ =	strace $0x90000046  }
0xbc: {  	s29 =	simm.s32 $0x9;
	_ =	strace $0x80000048  }
0xbd: {  	_ =	swait.ge [sflag:s29], $0x1  }
0xbe: {  	[sflag:s29] =	ssyncadd.s32 $0xFFFFFFFF  }
0xbf: {  	_ =	strace $0x90000048  }
0xc0: {  	_ =	sfence  }
0xc1: {  	s30 =	sld [smem:$0x0];
	_ =	sdelay $0x2  }
0xc2: {  	s31 =	sshll.u32 s1, $0xD;
	s1 =	sshrl.u32 s1, $0x2  }
0xc3: {  	s3 =	sand.u32 $0x4000, s31;
	s1 =	sadd.s32 s1, s30  }
0xc4: {  	s0 =	sor.u32 s3, s0;
	s1 =	sshll.u32 s1, $0x11  }
0xc5: {  	s0 =	sor.u32 s1, s0  }
0xc6: {  	s0 =	sadd.s32 $0x8F2B, s0  }
0xc7: {  	[sflag:s0] =	ssyncadd.remote.s32 $0x1  }
0xc8: {  	_ =	sfence.sel $0xFFFF  }
0xc9: {  	[dreg:$0x0] =	wrdreg $0xFFFFFFFF;
	(pc) =	sbr.abs _section_cstart, $3  }
0xca: {  	[dreg:$0x1] =	wrdreg $0xFFFFFFFF  }
0xcb: {  	_ =	task.clear_ibuf [dreg:s12], $0x2FFFF;
	_ =	strace $0x9FFFFFFF  }
0xcc: {  	(tm) =	ssettm $0x7FFFFFFF  }
0xcd: {  	_ =	shalt  }
tec
execute0_lowered:
.L_overlay_start_1:
0x0: {  	(tag) =	ssettag $0x1  }
0x1: {  	s1 =	rddreg [dreg:$0x0]  }
0x2: {  	s0 =	rddreg [dreg:$0x1];
	s2 =	srdreg.scid  }
0x3: {  	s3 =	stileid.u32;
	s7 =	rddreg [dreg:$0x6];
	s8 =	simm.s32 $0x0  }
0x4: {  	s14 =	simm.s32 $0x9;
	s19 =	simm.s32 $0x64;
	s20 =	simm.s32 $0x9910  }
0x5: {  	s22 =	simm.s32 $0xCB10;
	s2 =	sand.u32 $0x1, s2;
	s3 =	sshll.u32 s3, $0x1  }
0x6: {  	s28 =	simm.s32 $0x2;
	s29 =	simm.s32 $0x5;
	s3 =	sor.u32 s2, s3  }
0x7: {  	s30 =	simm.s32 $0x3;
	s2 =	ssub.s32 $0x2, s2;
	s4 =	smul.u32 $0x340, s3  }
0x8: {  	[smem:$0x7FF] =	sst s8;
	s9 =	smul.u32 $0x1900, s3;
	s5 =	sshrl.u32 s2, $0x1  }
0x9: {  	s31 =	simm.s32 $0x6;
	_ =	strace $0x80000047;
	s2 =	ssub.s32 s2, s5  }
0xa: {  	s5 =	simm.s32 $0x4;
	s24 =	sadd.s32 s4, s1;
	s25 =	sshrl.u32 s9, $0x3  }
0xb: {  	v0 =	vlaneseq.u32;
	s26 =	smax.u32 s2, $0x1;
	s1 =	sadd.s32 s25, s1;
	s3 =	sadd.s32 $0x6800, s24  }
0xc: {  	v1 =	vmul.u32 $0xFFFFFFFF, v0;
	[dreg:$0xa] =	wrdreg s26;
	s24 =	simm.s32 $0xFD10;
	s25 =	simm.s32 $0x1  }
0xd: {  	vm0 =	vcmask $0x300;
	v0 =	vimm.f32 $0.0e+00;
	s26 =	simm.s32 $0x12F10;
	[dreg:$0x8] =	wrdreg s3;
	s1 =	sadd.s32 $0x400, s1  }
0xe: {  	v0 =	vsel vm0, $0x3F800000, v0;
	v1 =	vadd.s32 $0xF, v1;
	s3 =	simm.s32 $0x0;
	[dreg:$0x9] =	wrdreg s1;
	s1 =	simm.s32 $0x7  }
.LBB2_1:
0xf: {  	s2 =	rddreg [dreg:$0x2];
	s4 =	simm.s32 $0x3310  }
0x10: {  	[tilespmem:s4], [sflag:$0x9] =	stream.linear.gather [hbm4b:s2+s8], $0x6400, $0x38;
	[tilespmem:$0x16110] =	vst v63  }
0x11: {  	_ =	swait.ge [sflag:s14], $0x6400  }
0x12: {  	[sflag:s14] =	ssyncset.done $0x0  }
0x13: {  	[sflag:s14] =	ssyncadd.s32 $0xFFFF9C00  }
0x14: {  	s12 =	simm.s32 $0x9710;
	s11 =	rddreg [dreg:$0x3]  }
0x15: {  	[tilespmem:s12], [sflag:$0x9] =	stream.linear.gather [hbm4b:s11+s8], $0x100, $0x38;
	[tilespmem:$0x16110] =	vst v63  }
0x16: {  	_ =	swait.ge [sflag:s14], $0x100  }
0x17: {  	[sflag:s14] =	ssyncset.done $0x0  }
0x18: {  	[sflag:s14] =	ssyncadd.s32 $0xFFFFFF00  }
0x19: {  	s15 =	simm.s32 $0x9810;
	s13 =	rddreg [dreg:$0x4]  }
0x1a: {  	[tilespmem:s15], [sflag:$0x9] =	stream.linear.gather [hbm4b:s13+s8], $0x80, $0x38;
	[tilespmem:$0x16110] =	vst v63  }
0x1b: {  	_ =	swait.ge [sflag:s14], $0x80  }
0x1c: {  	[sflag:s14] =	ssyncset.done $0x0  }
0x1d: {  	[sflag:s14] =	ssyncadd.s32 $0xFFFFFF80  }
0x1e: {  	s17 =	simm.s32 $0x9890;
	s16 =	rddreg [dreg:$0x5]  }
0x1f: {  	[tilespmem:s17], [sflag:$0x9] =	stream.linear.gather [hbm4b:s16+s8], $0x80, $0x38;
	[tilespmem:$0x16110] =	vst v63  }
0x20: {  	_ =	swait.ge [sflag:s14], $0x80  }
0x21: {  	[sflag:s14] =	ssyncset.done $0x0  }
0x22: {  	s18 =	rddreg [dreg:$0x8];
	[sflag:s14] =	ssyncadd.s32 $0xFFFFFF80  }
0x23: {  	[tilespmem:s8], [sflag:$0x9] =	stream.linear.gather [hbm4b:s18+s8], $0x1A00, $0x38;
	[tilespmem:$0x16110] =	vst v63  }
0x24: {  	_ =	swait.ge [sflag:s14], $0x1A00  }
0x25: {  	[sflag:s14] =	ssyncset.done $0x0  }
0x26: {  	s23 =	simm.s32 $0x1A00;
	s21 =	rddreg [dreg:$0x9];
	[sflag:s14] =	ssyncadd.s32 $0xFFFFE600  }
0x27: {  	[tilespmem:s23], [sflag:$0x9] =	stream.linear.gather [hbm4b:s21+s8], $0x1900, $0x38;
	[tilespmem:$0x16110] =	vst v63  }
0x28: {  	_ =	swait.ge [sflag:s14], $0x1900  }
0x29: {  	[sflag:s14] =	ssyncset.done $0x0  }
0x2a: {  	[sflag:s14] =	ssyncadd.s32 $0xFFFFE700  }
0x2b: {  	v2 =	vld [tilespmem:$0x9810]  }
0x2c: {  	v3 =	vld [tilespmem:$0x9820]  }
0x2d: {  	v4 =	vld [tilespmem:$0x9830]  }
0x2e: {  	v5 =	vld [tilespmem:$0x9840]  }
0x2f: {  	v6 =	vld [tilespmem:$0x9850]  }
0x30: {  	v7 =	vld [tilespmem:$0x9860]  }
0x31: {  	v8 =	vld [tilespmem:$0x9870]  }
0x32: {  	v9 =	vld [tilespmem:$0x9880]  }
0x33: {  	v10 =	vld [tilespmem:$0x9890]  }
0x34: {  	v11 =	vld [tilespmem:$0x98A0]  }
0x35: {  	v12 =	vld [tilespmem:$0x98B0]  }
0x36: {  	v13 =	vld [tilespmem:$0x98C0]  }
0x37: {  	v14 =	vld [tilespmem:$0x98D0]  }
0x38: {  	v15 =	vld [tilespmem:$0x98E0]  }
0x39: {  	v16 =	vld [tilespmem:$0x98F0]  }
0x3a: {  	v17 =	vld [tilespmem:$0x9900]  }
0x3b: {  	v18 =	vld [tilespmem:$0x9710]  }
0x3c: {  	v19 =	vld [tilespmem:$0x9720]  }
0x3d: {  	v20 =	vld [tilespmem:$0x9730]  }
0x3e: {  	v21 =	vld [tilespmem:$0x9740]  }
0x3f: {  	v22 =	vld [tilespmem:$0x9750]  }
0x40: {  	v23 =	vld [tilespmem:$0x9760]  }
0x41: {  	v24 =	vld [tilespmem:$0x9770]  }
0x42: {  	v25 =	vld [tilespmem:$0x9780]  }
0x43: {  	v30 =	vld [tilespmem:$0x9790]  }
0x44: {  	v31 =	vld [tilespmem:$0x97A0]  }
0x45: {  	v32 =	vld [tilespmem:$0x97B0]  }
0x46: {  	v33 =	vld [tilespmem:$0x97C0]  }
0x47: {  	v27 =	vld [tilespmem:$0x97D0]  }
0x48: {  	v28 =	vld [tilespmem:$0x97E0]  }
0x49: {  	v26 =	vld [tilespmem:$0x97F0]  }
0x4a: {  	s4 =	simm.s32 $0x3390;
	v29 =	vld [tilespmem:$0x9800]  }
0x4b: {  	v34 =	vld [tilespmem:s4+$0xFFFFFF80]  }
0x4c: {  	v35 =	vld [tilespmem:s4+$0xFFFFFF90]  }
0x4d: {  	v36 =	vld [tilespmem:s4+$0xFFFFFFA0]  }
0x4e: {  	v37 =	vld [tilespmem:s4+$0xFFFFFFB0]  }
0x4f: {  	v38 =	vld [tilespmem:s4+$0xFFFFFFC0]  }
0x50: {  	v39 =	vld [tilespmem:s4+$0xFFFFFFD0];
	v34 =	vadd.f32 v34, v18  }
0x51: {  	v40 =	vld [tilespmem:s4+$0xFFFFFFE0];
	v35 =	vadd.f32 v35, v19  }
0x52: {  	v56 =	vld [tilespmem:s4+$0x0];
	v55 =	vadd.f32 v36, v20;
	[tilespmem:s4+$0xFFFFFF80] =	vst v34  }
0x53: {  	v58 =	vld [tilespmem:s4+$0x10];
	v57 =	vadd.f32 v37, v21;
	[tilespmem:s4+$0xFFFFFF90] =	vst v35  }
0x54: {  	v60 =	vld [tilespmem:s4+$0x20];
	v59 =	vadd.f32 v38, v22;
	[tilespmem:s4+$0xFFFFFFA0] =	vst v55  }
0x55: {  	v41 =	vld [tilespmem:s4+$0x30];
	v61 =	vadd.f32 v39, v23;
	[tilespmem:s4+$0xFFFFFFB0] =	vst v57  }
0x56: {  	v62 =	vadd.f32 v40, v24;
	[tilespmem:s4+$0xFFFFFFC0] =	vst v59;
	v34 =	vld [tilespmem:s4+$0x40]  }
0x57: {  	v36 =	vadd.f32 v56, v18;
	[tilespmem:s4+$0xFFFFFFD0] =	vst v61;
	v35 =	vld [tilespmem:s4+$0x50]  }
0x58: {  	v63 =	vadd.f32 v58, v19;
	v37 =	vld [tilespmem:s4+$0x60];
	[tilespmem:s4+$0xFFFFFFE0] =	vst v62  }
0x59: {  	v39 =	vadd.f32 v60, v20;
	v38 =	vld [tilespmem:s4+$0x70];
	[tilespmem:s4+$0x0] =	vst v36  }
0x5a: {  	s6 =	simm.s32 $0x0;
	s10 =	simm.s32 $0x3490;
	v40 =	vadd.f32 v41, v21;
	v36 =	vld [tilespmem:s4+$0xFFFFFFF0];
	[tilespmem:s4+$0x10] =	vst v63  }
.LBB2_2:
0x5b: {  	v41 =	vld [tilespmem:s10+$0xFFFFFF80];
	[tilespmem:s4+$0x20] =	vst v39;
	v34 =	vadd.f32 v34, v22  }
0x5c: {  	v39 =	vld [tilespmem:s10+$0xFFFFFF90];
	[tilespmem:s4+$0x30] =	vst v40;
	v35 =	vadd.f32 v35, v23  }
0x5d: {  	v40 =	vld [tilespmem:s10+$0xFFFFFFA0];
	[tilespmem:s4+$0x40] =	vst v34;
	v34 =	vadd.f32 v37, v24  }
0x5e: {  	v37 =	vld [tilespmem:s10+$0xFFFFFFB0];
	[tilespmem:s4+$0x50] =	vst v35;
	v35 =	vadd.f32 v38, v25  }
0x5f: {  	v38 =	vld [tilespmem:s10+$0xFFFFFFC0];
	v36 =	vadd.f32 v36, v25;
	[tilespmem:s4+$0x60] =	vst v34  }
0x60: {  	v34 =	vadd.f32 v41, v18;
	v41 =	vld [tilespmem:s10+$0xFFFFFFD0];
	[tilespmem:s4+$0x70] =	vst v35  }
0x61: {  	v35 =	vadd.f32 v39, v19;
	v39 =	vld [tilespmem:s10+$0xFFFFFFE0];
	[tilespmem:s4+$0xFFFFFFF0] =	vst v36;
	s4 =	smov.u32 s10  }
0x62: {  	[tilespmem:s10+$0xFFFFFF80] =	vst v34;
	v34 =	vadd.f32 v40, v20;
	v36 =	vld [tilespmem:s10+$0x0]  }
0x63: {  	[tilespmem:s10+$0xFFFFFF90] =	vst v35;
	v35 =	vadd.f32 v37, v21;
	v37 =	vld [tilespmem:s10+$0x10]  }
0x64: {  	s6 =	sadd.s32 $0x2, s6;
	[tilespmem:s10+$0xFFFFFFA0] =	vst v34;
	v34 =	vadd.f32 v38, v22;
	v38 =	vld [tilespmem:s10+$0x20]  }
0x65: {  	p0 =	slt.u32 s6, $0xC6;
	[tilespmem:s10+$0xFFFFFFB0] =	vst v35;
	v35 =	vadd.f32 v41, v23;
	v40 =	vld [tilespmem:s10+$0x30]  }
.Ltmp0:
0x66: {  	[tilespmem:s10+$0xFFFFFFC0] =	vst v34;
	v39 =	vadd.f32 v39, v24;
	v34 =	vld [tilespmem:s10+$0x40];
	(pc) =	sbr.rel @p0 .LBB2_2-.Ltmp0, $4  }
0x67: {  	[tilespmem:s10+$0xFFFFFFD0] =	vst v35;
	v36 =	vadd.f32 v36, v18;
	v35 =	vld [tilespmem:s10+$0x50]  }
0x68: {  	[tilespmem:s10+$0xFFFFFFE0] =	vst v39;
	v41 =	vadd.f32 v37, v19;
	v37 =	vld [tilespmem:s10+$0x60]  }
0x69: {  	[tilespmem:s10+$0x0] =	vst v36;
	v39 =	vadd.f32 v38, v20;
	v38 =	vld [tilespmem:s10+$0x70]  }
0x6a: {  	s10 =	sadd.s32 $0x100, s10;
	v36 =	vld [tilespmem:s4+$0xFFFFFFF0];
	[tilespmem:s4+$0x10] =	vst v41;
	v40 =	vadd.f32 v40, v21  }
0x6b: {  	[tilespmem:s4+$0x20] =	vst v39;
	v34 =	vadd.f32 v34, v22  }
0x6c: {  	[tilespmem:s4+$0x30] =	vst v40;
	v35 =	vadd.f32 v35, v23  }
0x6d: {  	[tilespmem:s4+$0x40] =	vst v34;
	v62 =	vadd.f32 v37, v24  }
0x6e: {  	[tilespmem:s4+$0x50] =	vst v35;
	v63 =	vadd.f32 v38, v25  }
0x6f: {  	v36 =	vadd.f32 v36, v25;
	[tilespmem:s4+$0x60] =	vst v62  }
0x70: {  	[tilespmem:s4+$0x70] =	vst v63  }
0x71: {  	[tilespmem:s4+$0xFFFFFFF0] =	vst v36;
	s4 =	simm.s32 $0x0  }
0x72: {  	[tilespmem:s20], [sflag:$0x1] =	stream.indirect.gather [hbm4b:s0+s19], $0x80, s4, s19, $0xb8;
	[tilespmem:$0x16110] =	vst v63  }
0x73: {  	s2 =	simm.s32 $0x68;
	v18 =	vsub.f32 v30, v18;
	v19 =	vsub.f32 v31, v19;
	s23 =	simm.s32 $0xD0;
	s6 =	simm.s32 $0x1A01  }
0x74: {  	v20 =	vsub.f32 v32, v20;
	v21 =	vsub.f32 v33, v21;
	[tilespmem:s22], [sflag:$0x2] =	stream.indirect.gather [hbm4b:s0+s19], $0x80, s2, s19, $0xb8;
	[tilespmem:$0x16110] =	vst v63  }
0x75: {  	v22 =	vsub.f32 v27, v22;
	s10 =	simm.s32 $0x1A65;
	s15 =	simm.s32 $0x1AC9;
	s16 =	simm.s32 $0x1B2D;
	v23 =	vsub.f32 v28, v23  }
0x76: {  	v24 =	vsub.f32 v26, v24;
	v25 =	vsub.f32 v29, v25;
	[tilespmem:s24], [sflag:$0x3] =	stream.indirect.gather [hbm4b:s0+s19], $0x80, s23, s19, $0xb8;
	[tilespmem:$0x16110] =	vst v63  }
.LBB2_4:
0x77: {  	_ =	swait.ge [sflag:s25], $0x3200  }
0x78: {  	s17 =	smul.u32 $0x190, s4;
	[sflag:s25] =	ssyncset.done $0x0  }
0x79: {  	[sflag:s25] =	ssyncadd.s32 $0xFFFFCE00  }
0x7a: {  	v26 =	vld [tilespmem:s17+$0x1A00];
	_ =	sdelay $0x4  }
0x7b: {  	v26 =	vmul.f32 v0, v26;
	_ =	sdelay $0x1  }
0x7c: {  	(xrf2) =	vadd.scan.msk.f32 $0xffff, v26;
	_ =	sdelay $0x2  }
0x7d: {  	v27 =	vld [tilespmem:$0x3310]  }
0x7e: {  	v28 =	vld [tilespmem:$0x9920]  }
0x7f: {  	v26 =	vld [tilespmem:$0x9910]  }
0x80: {  	v29 =	vld [tilespmem:$0x3320]  }
0x81: {  	v30 =	vld [tilespmem:$0x9930]  }
0x82: {  	v31 =	vld [tilespmem:$0x3330]  }
0x83: {  	v34 =	vld [tilespmem:$0x3340]  }
0x84: {  	v26 =	vadd.f32 v27, v26;
	v27 =	vld [tilespmem:$0x9940];
	v32, _, _ =	vpop (xrf2)  }
0x85: {  	v55 =	vld [tilespmem:$0x3350];
	v28 =	vadd.f32 v29, v28;
	v29 =	vmul.f32 v32, v19  }
0x86: {  	v38 =	vld [tilespmem:$0x9960];
	v33 =	vmul.f32 v32, v18  }
0x87: {  	v30 =	vadd.f32 v31, v30;
	v31 =	vmul.f32 v32, v20;
	v28 =	vadd.f32 v28, v29;
	v29 =	vld [tilespmem:$0x9950]  }
0x88: {  	v56 =	vld [tilespmem:$0x3360];
	v26 =	vadd.f32 v33, v26  }
0x89: {  	v39 =	vld [tilespmem:$0x3370];
	v27 =	vadd.f32 v34, v27;
	v30 =	vadd.f32 v30, v31;
	v31 =	vmul.f32 v32, v21  }
0x8a: {  	v40 =	vld [tilespmem:$0x9980];
	v35 =	vmul.f32 v26, v26;
	v37 =	vmul.f32 v28, v28  }
0x8b: {  	v58 =	vmul.f32 v32, v22;
	v36 =	vadd.f32 v28, v26;
	v27 =	vadd.f32 v27, v31;
	v31 =	vld [tilespmem:$0x9970]  }
0x8c: {  	v62 =	vld [tilespmem:$0x3380];
	v57 =	vmul.f32 v30, v30;
	v35 =	vadd.f32 v37, v35;
	v29 =	vadd.f32 v55, v29  }
0x8d: {  	v60 =	vadd.f32 v56, v38;
	v61 =	vmul.f32 v32, v23;
	v36 =	vadd.f32 v30, v36  }
0x8e: {  	v59 =	vmul.f32 v27, v27;
	v35 =	vadd.f32 v57, v35;
	v29 =	vadd.f32 v29, v58  }
0x8f: {  	v41 =	vmul.f32 v32, v24;
	v33 =	vadd.f32 v60, v61;
	v36 =	vadd.f32 v27, v36  }
0x90: {  	v31 =	vadd.f32 v39, v31;
	v35 =	vadd.f32 v59, v35;
	v63 =	vmul.f32 v29, v29  }
0x91: {  	v43 =	vadd.f32 v62, v40;
	v32 =	vmul.f32 v32, v25;
	v36 =	vadd.f32 v29, v36  }
0x92: {  	v42 =	vmul.f32 v33, v33;
	v31 =	vadd.f32 v31, v41;
	v35 =	vadd.f32 v63, v35  }
0x93: {  	v36 =	vadd.f32 v33, v36  }
0x94: {  	v32 =	vadd.f32 v43, v32;
	v44 =	vmul.f32 v31, v31;
	v35 =	vadd.f32 v42, v35  }
0x95: {  	[tilespmem:$0x9910] =	vst v26;
	v36 =	vadd.f32 v31, v36  }
0x96: {  	[tilespmem:$0x9920] =	vst v28;
	v34 =	vmul.f32 v32, v32;
	v26 =	vadd.f32 v44, v35  }
0x97: {  	[tilespmem:$0x9930] =	vst v30;
	v28 =	vadd.f32 v32, v36  }
0x98: {  	[tilespmem:$0x9960] =	vst v33;
	v26 =	vadd.f32 v34, v26  }
0x99: {  	[tilespmem:$0x9940] =	vst v27;
	(xrf2) =	vadd.scan.msk.f32 $0xffff, v28  }
0x9a: {  	[tilespmem:$0x9980] =	vst v32;
	(xrf2) =	vadd.scan.msk.f32 $0xffff, v26  }
0x9b: {  	[tilespmem:$0x9950] =	vst v29  }
0x9c: {  	s18 =	simm.s32 $0x0;
	[tilespmem:$0x9970] =	vst v31  }
0x9d: {  	v27 =	vld [tilespmem:s18+$0x33F0]  }
0x9e: {  	v29 =	vld [tilespmem:s18+$0x33D0]  }
0x9f: {  	v30 =	vld [tilespmem:s18+$0x33C0]  }
0xa0: {  	v33 =	vld [tilespmem:s18+$0x3390]  }
0xa1: {  	v46 =	vld [tilespmem:s6+$0x0]  }
0xa2: {  	v47 =	vld [tilespmem:s18+$0x33A0]  }
0xa3: {  	v48 =	vld [tilespmem:s18+$0x9A00];
	v31, _, _ =	vpop (xrf2)  }
0xa4: {  	v49 =	vld [tilespmem:s18+$0x99E0];
	v31 =	vperm.xlane v31, v1;
	v45, _, _ =	vpop (xrf2)  }
0xa5: {  	v50 =	vld [tilespmem:s18+$0x99D0];
	v34 =	vperm.xlane v45, v1  }
0xa6: {  	v52 =	vld [tilespmem:s18+$0x99C0];
	v31 =	vmul.f32 v0, v31  }
0xa7: {  	v53 =	vld [tilespmem:s18+$0x99B0];
	v34 =	vmul.f32 v0, v34  }
0xa8: {  	v54 =	vld [tilespmem:s18+$0x99A0];
	(xrf2) =	vadd.scan.msk.f32 $0xffff, v31  }
0xa9: {  	v41 =	vld [tilespmem:s18+$0x9990];
	(xrf2) =	vadd.scan.msk.f32 $0xffff, v34  }
0xaa: {  	v43 =	vld [tilespmem:s18+$0x9920]  }
0xab: {  	v51 =	vmul.f32 v0, v46;
	v31 =	vld [tilespmem:s18+$0x99F0]  }
0xac: {  	v55 =	vld [tilespmem:s18+$0x9950]  }
0xad: {  	v26 =	vld [tilespmem:s18+$0x3400];
	(xrf2) =	vadd.scan.msk.f32 $0xffff, v51  }
0xae: {  	v32 =	vld [tilespmem:s18+$0x33B0]  }
0xaf: {  	v28 =	vld [tilespmem:s18+$0x33E0]  }
0xb0: {  	v31 =	vadd.f32 v27, v31;
	v27 =	vld [tilespmem:s18+$0x9930]  }
0xb1: {  	v42 =	vld [tilespmem:s18+$0x9940];
	v29 =	vadd.f32 v29, v50  }
0xb2: {  	v56 =	vld [tilespmem:s18+$0x9960];
	v30 =	vadd.f32 v30, v52;
	v37 =	vadd.f32 v26, v48;
	v26, _, _ =	vpop (xrf2)  }
0xb3: {  	v33 =	vadd.f32 v33, v41;
	v32 =	vadd.f32 v32, v53;
	v51 =	vld [tilespmem:s18+$0x9910];
	v26 =	vmul.f32 $7.812500000e-03, v26;
	v57, _, _ =	vpop (xrf2)  }
0xb4: {  	v28 =	vadd.f32 v28, v49;
	v34 =	vadd.f32 v47, v54;
	v35 =	vmul.f32 $7.812500000e-03, v57  }
0xb5: {  	v58 =	vmul.f32 v26, v26;
	v59 =	vsub.f32 v43, v26;
	v41 =	vsub.f32 v27, v26  }
0xb6: {  	v42 =	vsub.f32 v42, v26;
	v36 =	vsub.f32 v55, v26  }
0xb7: {  	v60, _, _ =	vpop (xrf2);
	v38 =	vsub.f32 v56, v26;
	v27 =	vsub.f32 v35, v58  }
0xb8: {  	v55 =	vsub.f32 v51, v26;
	v61 =	vmul.f32 v60, v18;
	v62 =	vmul.f32 v60, v19  }
0xb9: {  	v45 =	vmul.f32 v60, v20;
	v48 =	vmul.f32 v60, v21;
	v27 =	vadd.f32 $9.999999740e-06, v27  }
0xba: {  	v50 =	vmul.f32 v60, v22;
	v33 =	vadd.f32 v61, v33;
	v34 =	vadd.f32 v34, v62  }
0xbb: {  	v32 =	vadd.f32 v32, v45;
	v49 =	vmul.f32 $-5.000000000e-01, v27;
	v27 =	vshra.s32 v27, $0x1  }
0xbc: {  	[tilespmem:s18+$0x9990] =	vst v33;
	v46 =	vmul.f32 v33, v33;
	v33 =	vadd.f32 v34, v33;
	v47 =	vsub.s32 $0x5F3759DF, v27  }
0xbd: {  	v30 =	vadd.f32 v30, v48;
	[tilespmem:s18+$0x99A0] =	vst v34;
	v34 =	vmul.f32 v34, v34;
	v45 =	vmul.f32 v47, v49  }
0xbe: {  	v52 =	vmul.f32 v60, v23;
	v29 =	vadd.f32 v29, v50;
	v33 =	vadd.f32 v32, v33  }
0xbf: {  	[tilespmem:s18+$0x99B0] =	vst v32;
	v34 =	vadd.f32 v34, v46;
	v32 =	vmul.f32 v32, v32;
	v45 =	vmul.f32 v47, v45  }
0xc0: {  	v63 =	vmul.f32 v60, v24;
	v39 =	vadd.f32 v28, v52;
	v33 =	vadd.f32 v30, v33  }
0xc1: {  	v53 =	vmul.f32 v30, v30;
	v32 =	vadd.f32 v32, v34;
	v45 =	vadd.f32 $1.500000000e+00, v45  }
0xc2: {  	v44 =	vld [tilespmem:s18+$0x9970];
	v56 =	vmul.f32 v60, v25;
	v31 =	vadd.f32 v31, v63;
	v33 =	vadd.f32 v29, v33  }
0xc3: {  	v54 =	vmul.f32 v29, v29;
	v32 =	vadd.f32 v53, v32;
	v28 =	vmul.f32 v47, v45  }
0xc4: {  	v58 =	vadd.f32 v37, v56;
	v33 =	vadd.f32 v39, v33  }
0xc5: {  	[tilespmem:s18+$0x99C0] =	vst v30;
	v57 =	vmul.f32 v39, v39;
	v30 =	vadd.f32 v54, v32;
	v34 =	vmul.f32 v28, v55  }
0xc6: {  	[tilespmem:s18+$0x99D0] =	vst v29;
	v60 =	vmul.f32 v31, v31;
	v29 =	vadd.f32 v31, v33;
	v59 =	vmul.f32 v28, v59  }
0xc7: {  	[tilespmem:s18+$0x99E0] =	vst v39;
	v27 =	vsub.f32 v44, v26;
	v30 =	vadd.f32 v57, v30;
	v34 =	vmul.f32 v34, v2  }
0xc8: {  	[tilespmem:s18+$0x99F0] =	vst v31;
	v61 =	vmul.f32 v28, v41;
	v31 =	vadd.f32 v58, v29;
	v29 =	vld [tilespmem:s18+$0x9980];
	v35 =	vmul.f32 v59, v3  }
0xc9: {  	[tilespmem:s18+$0x9A00] =	vst v58;
	v62 =	vmul.f32 v58, v58;
	v30 =	vadd.f32 v60, v30;
	v63 =	vadd.f32 v34, v10  }
0xca: {  	v33 =	vmul.f32 v61, v4;
	(xrf2) =	vadd.scan.msk.f32 $0xffff, v31;
	v31 =	vadd.f32 v35, v11;
	v34 =	vmul.f32 v28, v42  }
0xcb: {  	s13 =	simm.s32 $0x200;
	s11 =	simm.s32 $0x400;
	s21 =	smov.u32 s6;
	v32 =	vmul.f32 v28, v38;
	v30 =	vadd.f32 v62, v30;
	v35 =	vmul.f32 v28, v36;
	[tilespmem:s18+$0x9910] =	vst v63  }
.LBB2_5:
0xcc: {  	p0 =	sne.s32 s11, $0xC400;
	[tilespmem:s18+$0x9920] =	vst v31;
	v31 =	vadd.f32 v33, v12;
	v33 =	vmul.f32 v34, v5;
	v27 =	vmul.f32 v28, v27  }
0xcd: {  	(xrf2) =	vadd.scan.msk.f32 $0xffff, v30;
	v30 =	vmul.f32 v35, v6;
	v32 =	vmul.f32 v32, v7;
	v26 =	vsub.f32 v29, v26  }
0xce: {  	[tilespmem:s18+$0x9930] =	vst v31;
	v29 =	vadd.f32 v33, v13;
	v27 =	vmul.f32 v27, v8  }
0xcf: {  	s12 =	sshra.s32 s13, $0x2;
	s13 =	smov.u32 s11;
	v30 =	vadd.f32 v30, v14;
	v31 =	vadd.f32 v32, v15;
	v26 =	vmul.f32 v26, v28  }
0xd0: {  	v28 =	vld [tilespmem:s12+$0x3400];
	[tilespmem:s18+$0x9940] =	vst v29;
	v27 =	vadd.f32 v27, v16  }
0xd1: {  	v29 =	vld [tilespmem:s12+$0x33F0];
	[tilespmem:s18+$0x9950] =	vst v30;
	v26 =	vmul.f32 v26, v9  }
0xd2: {  	v30 =	vld [tilespmem:s12+$0x33E0];
	[tilespmem:s18+$0x9960] =	vst v31  }
0xd3: {  	v31 =	vld [tilespmem:s12+$0x33D0];
	[tilespmem:s18+$0x9970] =	vst v27;
	v26 =	vadd.f32 v26, v17  }
0xd4: {  	v27 =	vld [tilespmem:s12+$0x33C0];
	v32, _, _ =	vpop (xrf2)  }
0xd5: {  	v33 =	vld [tilespmem:s12+$0x33B0];
	v36 =	vperm.xlane v32, v1;
	[tilespmem:s18+$0x9980] =	vst v26;
	s18 =	smov.u32 s12  }
0xd6: {  	v34 =	vld [tilespmem:s18+$0x3390]  }
0xd7: {  	s21 =	sadd.s32 $0x1, s21;
	v35 =	vld [tilespmem:s18+$0x33A0];
	v26 =	vmul.f32 v0, v36;
	v32, _, _ =	vpop (xrf2)  }
0xd8: {  	v36 =	vld [tilespmem:s21+$0x0];
	v32 =	vperm.xlane v32, v1  }
0xd9: {  	v37 =	vld [tilespmem:s18+$0x9A00];
	(xrf2) =	vadd.scan.msk.f32 $0xffff, v26  }
0xda: {  	v26 =	vld [tilespmem:s18+$0x99F0];
	v32 =	vmul.f32 v0, v32  }
0xdb: {  	v38 =	vld [tilespmem:s18+$0x99E0]  }
0xdc: {  	v39 =	vld [tilespmem:s18+$0x99D0];
	(xrf2) =	vadd.scan.msk.f32 $0xffff, v32  }
0xdd: {  	v32 =	vmul.f32 v0, v36;
	v36 =	vld [tilespmem:s18+$0x99C0]  }
0xde: {  	v40 =	vld [tilespmem:s18+$0x99B0]  }
0xdf: {  	v41 =	vld [tilespmem:s18+$0x99A0];
	(xrf2) =	vadd.scan.msk.f32 $0xffff, v32  }
0xe0: {  	v32 =	vld [tilespmem:s18+$0x9990]  }
0xe1: {  	v42 =	vld [tilespmem:s18+$0x9940]  }
0xe2: {  	v43 =	vld [tilespmem:s18+$0x9920]  }
0xe3: {  	v37 =	vadd.f32 v28, v37;
	v29 =	vadd.f32 v29, v26;
	v28 =	vld [tilespmem:s18+$0x9930];
	v26, _, _ =	vpop (xrf2)  }
0xe4: {  	v30 =	vadd.f32 v30, v38;
	v31 =	vadd.f32 v31, v39;
	v38 =	vld [tilespmem:s18+$0x9950]  }
0xe5: {  	v36 =	vadd.f32 v27, v36;
	v33 =	vadd.f32 v33, v40;
	v26 =	vmul.f32 $7.812500000e-03, v26;
	v27 =	vld [tilespmem:s18+$0x9960]  }
0xe6: {  	v32 =	vadd.f32 v34, v32;
	v34 =	vadd.f32 v35, v41;
	v35, _, _ =	vpop (xrf2)  }
0xe7: {  	v39 =	vmul.f32 v26, v26;
	v35 =	vmul.f32 $7.812500000e-03, v35;
	v40 =	vsub.f32 v43, v26  }
0xe8: {  	v42 =	vsub.f32 v42, v26;
	v41 =	vsub.f32 v28, v26  }
0xe9: {  	v28 =	vsub.f32 v35, v39;
	v35 =	vsub.f32 v38, v26;
	v38, _, _ =	vpop (xrf2)  }
0xea: {  	v39 =	vmul.f32 v38, v18;
	v43 =	vmul.f32 v38, v19;
	v44 =	vsub.f32 v27, v26;
	v27 =	vld [tilespmem:s18+$0x9970]  }
0xeb: {  	v45 =	vmul.f32 v38, v20;
	v46 =	vmul.f32 v38, v24;
	v28 =	vadd.f32 $9.999999740e-06, v28  }
0xec: {  	v32 =	vadd.f32 v39, v32;
	v34 =	vadd.f32 v34, v43;
	v39 =	vmul.f32 v38, v21  }
0xed: {  	v33 =	vadd.f32 v33, v45;
	v43 =	vmul.f32 $-5.000000000e-01, v28;
	v28 =	vshra.s32 v28, $0x1  }
0xee: {  	[tilespmem:s18+$0x9990] =	vst v32;
	v45 =	vmul.f32 v32, v32;
	v32 =	vadd.f32 v34, v32;
	v28 =	vsub.s32 $0x5F3759DF, v28  }
0xef: {  	[tilespmem:s18+$0x99A0] =	vst v34;
	v34 =	vmul.f32 v34, v34;
	v43 =	vmul.f32 v28, v43;
	v27 =	vsub.f32 v27, v26  }
0xf0: {  	v36 =	vadd.f32 v36, v39;
	v39 =	vmul.f32 v38, v22;
	[tilespmem:s18+$0x99B0] =	vst v33;
	v32 =	vadd.f32 v33, v32;
	v47 =	vld [tilespmem:s18+$0x9910]  }
0xf1: {  	v33 =	vmul.f32 v33, v33;
	v34 =	vadd.f32 v34, v45;
	v43 =	vmul.f32 v28, v43  }
0xf2: {  	v31 =	vadd.f32 v31, v39;
	v39 =	vmul.f32 v38, v23;
	[tilespmem:s18+$0x99C0] =	vst v36;
	v32 =	vadd.f32 v36, v32  }
0xf3: {  	v33 =	vadd.f32 v33, v34;
	v34 =	vmul.f32 v36, v36;
	v36 =	vadd.f32 $1.500000000e+00, v43  }
0xf4: {  	v30 =	vadd.f32 v30, v39;
	[tilespmem:s18+$0x99D0] =	vst v31;
	v32 =	vadd.f32 v31, v32;
	v31 =	vmul.f32 v31, v31  }
0xf5: {  	v33 =	vadd.f32 v34, v33;
	v28 =	vmul.f32 v28, v36;
	v34 =	vsub.f32 v47, v26  }
0xf6: {  	v29 =	vadd.f32 v29, v46;
	v36 =	vmul.f32 v38, v25;
	[tilespmem:s18+$0x99E0] =	vst v30;
	v32 =	vadd.f32 v30, v32  }
0xf7: {  	v30 =	vmul.f32 v30, v30;
	v31 =	vadd.f32 v31, v33;
	v33 =	vmul.f32 v28, v34  }
0xf8: {  	v34 =	vadd.f32 v37, v36;
	v36 =	vmul.f32 v28, v40;
	[tilespmem:s18+$0x99F0] =	vst v29;
	v32 =	vadd.f32 v29, v32  }
.Ltmp1:
0xf9: {  	v30 =	vadd.f32 v30, v31;
	v31 =	vmul.f32 v29, v29;
	v33 =	vmul.f32 v33, v2;
	(pc) =	sbr.rel @p0 .LBB2_5-.Ltmp1, $4  }
0xfa: {  	v37 =	vmul.f32 v28, v41;
	v36 =	vmul.f32 v36, v3;
	[tilespmem:s18+$0x9A00] =	vst v34;
	v32 =	vadd.f32 v34, v32;
	v29 =	vld [tilespmem:s18+$0x9980]  }
0xfb: {  	v38 =	vmul.f32 v34, v34;
	v30 =	vadd.f32 v31, v30;
	v39 =	vadd.f32 v33, v10  }
0xfc: {  	v34 =	vmul.f32 v28, v42;
	v31 =	vadd.f32 v36, v11;
	v33 =	vmul.f32 v37, v4;
	(xrf2) =	vadd.scan.msk.f32 $0xffff, v32  }
0xfd: {  	s11 =	sadd.s32 $0x200, s11;
	v35 =	vmul.f32 v28, v35;
	v32 =	vmul.f32 v28, v44;
	v30 =	vadd.f32 v38, v30;
	[tilespmem:s18+$0x9910] =	vst v39  }
0xfe: {  	_ = 	snop  }
0xff: {  	v33 =	vadd.f32 v33, v12;
	v34 =	vmul.f32 v34, v5;
	v26 =	vsub.f32 v29, v26  }
0x100: {  	[tilespmem:s18+$0x9920] =	vst v31;
	v27 =	vmul.f32 v28, v27;
	v31 =	vmul.f32 v35, v6;
	(xrf2) =	vadd.scan.msk.f32 $0xffff, v30  }
0x101: {  	v32 =	vmul.f32 v32, v7;
	v62 =	vadd.f32 v34, v13;
	v26 =	vmul.f32 v26, v28  }
0x102: {  	s11 =	sshra.s32 s13, $0x2;
	[tilespmem:s18+$0x9930] =	vst v33;
	v27 =	vmul.f32 v27, v8;
	v31 =	vadd.f32 v31, v14  }
0x103: {  	v63 =	vld [tilespmem:s11+$0x3400];
	v30 =	vadd.f32 v32, v15;
	[tilespmem:s18+$0x9940] =	vst v62;
	v26 =	vmul.f32 v26, v9  }
0x104: {  	v27 =	vadd.f32 v27, v16;
	v29 =	vld [tilespmem:s11+$0x33F0];
	[tilespmem:s18+$0x9950] =	vst v31  }
0x105: {  	v28 =	vld [tilespmem:s11+$0x33E0];
	[tilespmem:s18+$0x9960] =	vst v30;
	v26 =	vadd.f32 v26, v17  }
0x106: {  	v30 =	vld [tilespmem:s11+$0x33D0];
	[tilespmem:s18+$0x9970] =	vst v27  }
0x107: {  	v27 =	vld [tilespmem:s11+$0x33C0]  }
0x108: {  	s12 =	sadd.s32 $0x1, s21;
	v31 =	vld [tilespmem:s11+$0x33B0];
	[tilespmem:s18+$0x9980] =	vst v26  }
0x109: {  	v43 =	vld [tilespmem:s12+$0x0];
	v26, _, _ =	vpop (xrf2)  }
0x10a: {  	v26 =	vperm.xlane v26, v1;
	v44, _, _ =	vpop (xrf2)  }
0x10b: {  	v33 =	vperm.xlane v44, v1  }
0x10c: {  	v26 =	vmul.f32 v0, v26  }
0x10d: {  	v33 =	vmul.f32 v0, v33  }
0x10e: {  	(xrf2) =	vadd.scan.msk.f32 $0xffff, v26;
	v26 =	vmul.f32 v0, v43  }
0x10f: {  	(xrf2) =	vadd.scan.msk.f32 $0xffff, v33  }
0x110: {  	(xrf2) =	vadd.scan.msk.f32 $0xffff, v26;
	_ =	sdelay $0x2  }
0x111: {  	v45 =	vld [tilespmem:s11+$0x33A0]  }
0x112: {  	v46 =	vld [tilespmem:s11+$0x9990]  }
0x113: {  	v47 =	vld [tilespmem:s11+$0x99A0]  }
0x114: {  	v26 =	vld [tilespmem:s11+$0x3390]  }
0x115: {  	v36 =	vld [tilespmem:s11+$0x99B0]  }
0x116: {  	v37, _, _ =	vpop (xrf2)  }
0x117: {  	v38 =	vld [tilespmem:s11+$0x99C0];
	v39, _, _ =	vpop (xrf2)  }
0x118: {  	v32 =	vadd.f32 v45, v47;
	v48, _, _ =	vpop (xrf2)  }
0x119: {  	v40 =	vld [tilespmem:s11+$0x99D0];
	v26 =	vadd.f32 v26, v46;
	v49 =	vmul.f32 v48, v18;
	v41 =	vmul.f32 v48, v19  }
0x11a: {  	v31 =	vadd.f32 v31, v36  }
0x11b: {  	v50 =	vld [tilespmem:s11+$0x99E0];
	v42 =	vmul.f32 v48, v20;
	v26 =	vadd.f32 v49, v26;
	v32 =	vadd.f32 v32, v41  }
0x11c: {  	v27 =	vadd.f32 v27, v38  }
0x11d: {  	v51 =	vld [tilespmem:s11+$0x99F0];
	v52 =	vmul.f32 v48, v21;
	v31 =	vadd.f32 v31, v42;
	v41 =	vadd.f32 v32, v26  }
0x11e: {  	v30 =	vadd.f32 v30, v40  }
0x11f: {  	v53 =	vld [tilespmem:s11+$0x9A00];
	v54 =	vmul.f32 v48, v22;
	v27 =	vadd.f32 v27, v52;
	v41 =	vadd.f32 v31, v41  }
0x120: {  	v28 =	vadd.f32 v28, v50  }
0x121: {  	v56 =	vmul.f32 v48, v23;
	v30 =	vadd.f32 v30, v54;
	v55 =	vadd.f32 v27, v41  }
0x122: {  	v29 =	vadd.f32 v29, v51  }
0x123: {  	v57 =	vmul.f32 v48, v24;
	v28 =	vadd.f32 v28, v56;
	v36 =	vadd.f32 v30, v55  }
0x124: {  	v34 =	vadd.f32 v63, v53  }
0x125: {  	v33 =	vmul.f32 v48, v25;
	v29 =	vadd.f32 v29, v57;
	v36 =	vadd.f32 v28, v36;
	_ =	sdelay $0x1  }
0x126: {  	v33 =	vadd.f32 v34, v33;
	v35 =	vadd.f32 v29, v36;
	_ =	sdelay $0x1  }
0x127: {  	v34 =	vadd.f32 v33, v35;
	_ =	sdelay $0x1  }
0x128: {  	v58 =	vmul.f32 v26, v26;
	v59 =	vmul.f32 v32, v32;
	(xrf2) =	vadd.scan.msk.f32 $0xffff, v34;
	_ =	sdelay $0x1  }
0x129: {  	v61 =	vmul.f32 v31, v31;
	v60 =	vadd.f32 v59, v58;
	_ =	sdelay $0x1  }
0x12a: {  	v62 =	vmul.f32 v27, v27;
	v34 =	vadd.f32 v61, v60;
	_ =	sdelay $0x1  }
0x12b: {  	v63 =	vmul.f32 v30, v30;
	v34 =	vadd.f32 v62, v34;
	_ =	sdelay $0x1  }
0x12c: {  	v40 =	vmul.f32 v28, v28;
	v34 =	vadd.f32 v63, v34;
	_ =	sdelay $0x1  }
0x12d: {  	v41 =	vmul.f32 v29, v29;
	v34 =	vadd.f32 v40, v34;
	v42, _, _ =	vpop (xrf2)  }
0x12e: {  	v36 =	vperm.xlane v42, v1  }
0x12f: {  	v43 =	vmul.f32 v33, v33;
	v34 =	vadd.f32 v41, v34  }
0x130: {  	v36 =	vmul.f32 v0, v36  }
0x131: {  	v34 =	vadd.f32 v43, v34  }
0x132: {  	(xrf2) =	vadd.scan.msk.f32 $0xffff, v36  }
0x133: {  	(xrf2) =	vadd.scan.msk.f32 $0xffff, v34;
	_ =	sdelay $0x1  }
0x134: {  	v34 =	vmul.f32 $7.812500000e-03, v37;
	_ =	sdelay $0x1  }
0x135: {  	v44 =	vmul.f32 $7.812500000e-03, v39;
	v45 =	vmul.f32 v34, v34;
	_ =	sdelay $0x1  }
0x136: {  	v35 =	vsub.f32 v44, v45;
	_ =	sdelay $0x1  }
0x137: {  	v35 =	vadd.f32 $9.999999740e-06, v35  }
0x138: {  	v47, _, _ =	vpop (xrf2)  }
0x139: {  	v46 =	vmul.f32 $-5.000000000e-01, v35;
	v35 =	vshra.s32 v35, $0x1;
	v48, _, _ =	vpop (xrf2)  }
0x13a: {  	v50 =	vld [tilespmem:s11+$0x9910];
	v35 =	vsub.s32 $0x5F3759DF, v35;
	v38 =	vperm.xlane v48, v1  }
0x13b: {  	v51 =	vld [tilespmem:s11+$0x9930];
	v36 =	vmul.f32 v35, v46  }
0x13c: {  	v49 =	vld [tilespmem:s11+$0x9920];
	v38 =	vmul.f32 v0, v38  }
0x13d: {  	v52 =	vld [tilespmem:s11+$0x9940];
	v36 =	vmul.f32 v35, v36  }
0x13e: {  	v53 =	vld [tilespmem:s11+$0x9950];
	(xrf2) =	vadd.scan.msk.f32 $0xffff, v38  }
0x13f: {  	v43 =	vld [tilespmem:s11+$0x9960];
	v36 =	vadd.f32 $1.500000000e+00, v36  }
0x140: {  	v56 =	vld [tilespmem:s11+$0x9970]  }
0x141: {  	[tilespmem:s11+$0x99B0] =	vst v31;
	v31 =	vld [tilespmem:s11+$0x9980];
	v54 =	vsub.f32 v50, v34;
	v39 =	vsub.f32 v49, v34;
	v35 =	vmul.f32 v35, v36  }
0x142: {  	[tilespmem:s11+$0x9990] =	vst v26;
	v55 =	vsub.f32 v51, v34;
	v59 =	vsub.f32 v52, v34;
	v37 =	vmul.f32 $7.812500000e-03, v47  }
0x143: {  	[tilespmem:s11+$0x99A0] =	vst v32;
	v38 =	vsub.f32 v53, v34;
	v26 =	vmul.f32 v35, v54;
	v57 =	vmul.f32 v35, v39  }
0x144: {  	[tilespmem:s11+$0x99D0] =	vst v30;
	v60 =	vsub.f32 v43, v34;
	v58 =	vmul.f32 v35, v55;
	v30 =	vmul.f32 v35, v59  }
0x145: {  	[tilespmem:s11+$0x99C0] =	vst v27;
	v62 =	vsub.f32 v56, v34;
	v38 =	vmul.f32 v35, v38;
	v26 =	vmul.f32 v26, v2  }
0x146: {  	[tilespmem:s11+$0x99E0] =	vst v28;
	v31 =	vsub.f32 v31, v34;
	v28 =	vmul.f32 v35, v60;
	v27 =	vmul.f32 v57, v3  }
0x147: {  	[tilespmem:s11+$0x99F0] =	vst v29;
	v39 =	vmul.f32 v37, v37;
	v61 =	vmul.f32 v58, v4;
	v26 =	vadd.f32 v26, v10  }
0x148: {  	[tilespmem:s11+$0x9A00] =	vst v33;
	v29 =	vmul.f32 v30, v5;
	v30 =	vmul.f32 v35, v62;
	v27 =	vadd.f32 v27, v11;
	v63, _, _ =	vpop (xrf2)  }
0x149: {  	v28 =	vmul.f32 v28, v7;
	[tilespmem:s11+$0x9910] =	vst v26;
	v26 =	vadd.f32 v61, v12;
	v36 =	vmul.f32 $7.812500000e-03, v63  }
0x14a: {  	v40 =	vmul.f32 v38, v6;
	[tilespmem:s11+$0x9920] =	vst v27;
	v27 =	vadd.f32 v29, v13;
	v29 =	vmul.f32 v31, v35  }
0x14b: {  	v28 =	vadd.f32 v28, v15;
	[tilespmem:s11+$0x9930] =	vst v26;
	v26 =	vmul.f32 v30, v8;
	v31 =	vsub.f32 v36, v39  }
0x14c: {  	v30 =	vadd.f32 v40, v14;
	[tilespmem:s11+$0x9940] =	vst v27;
	v27 =	vmul.f32 v29, v9  }
0x14d: {  	[tilespmem:s11+$0x9960] =	vst v28;
	v26 =	vadd.f32 v26, v16;
	v29 =	vadd.f32 $9.999999740e-06, v31  }
0x14e: {  	[tilespmem:s11+$0x9950] =	vst v30;
	v27 =	vadd.f32 v27, v17  }
0x14f: {  	[tilespmem:s11+$0x9970] =	vst v26;
	v28 =	vmul.f32 $-5.000000000e-01, v29;
	v29 =	vshra.s32 v29, $0x1  }
0x150: {  	[tilespmem:s11+$0x9980] =	vst v27;
	v26 =	vsub.s32 $0x5F3759DF, v29  }
0x151: {  	v30 =	vld [tilespmem:$0xCAB0];
	v27 =	vmul.f32 v26, v28  }
0x152: {  	v28 =	vld [tilespmem:$0xCA90]  }
0x153: {  	v31 =	vld [tilespmem:$0xCAD0];
	v27 =	vmul.f32 v26, v27  }
0x154: {  	v41 =	vld [tilespmem:$0xCAE0]  }
0x155: {  	v29 =	vld [tilespmem:$0xCAA0];
	v27 =	vadd.f32 $1.500000000e+00, v27  }
0x156: {  	v42 =	vld [tilespmem:$0xCAF0]  }
0x157: {  	v26 =	vmul.f32 v26, v27;
	v27 =	vsub.f32 v28, v37;
	v28 =	vld [tilespmem:$0xCAC0];
	_ =	sdelay $0x1  }
0x158: {  	v43 =	vld [tilespmem:$0xCB00];
	v30 =	vsub.f32 v30, v37;
	v31 =	vsub.f32 v31, v37;
	v27 =	vmul.f32 v26, v27  }
0x159: {  	v32 =	vsub.f32 v41, v37;
	v29 =	vsub.f32 v29, v37  }
0x15a: {  	v33 =	vsub.f32 v42, v37;
	v30 =	vmul.f32 v26, v30;
	v27 =	vmul.f32 v27, v2  }
0x15b: {  	v29 =	vmul.f32 v26, v29;
	v31 =	vmul.f32 v26, v31;
	v28 =	vsub.f32 v28, v37  }
0x15c: {  	v32 =	vmul.f32 v26, v32;
	v30 =	vmul.f32 v30, v4;
	v27 =	vadd.f32 v27, v10  }
0x15d: {  	v34 =	vsub.f32 v43, v37;
	v29 =	vmul.f32 v29, v3;
	v28 =	vmul.f32 v26, v28  }
0x15e: {  	[tilespmem:$0xCA90] =	vst v27;
	v27 =	vadd.f32 v30, v12;
	v30 =	vmul.f32 v31, v6;
	v31 =	vmul.f32 v26, v33  }
0x15f: {  	v29 =	vadd.f32 v29, v11;
	v26 =	vmul.f32 v34, v26;
	v28 =	vmul.f32 v28, v5  }
0x160: {  	[tilespmem:$0xCAB0] =	vst v27;
	v27 =	vadd.f32 v30, v14;
	v30 =	vmul.f32 v31, v8  }
0x161: {  	[tilespmem:$0xCAA0] =	vst v29;
	v26 =	vmul.f32 v26, v9;
	v28 =	vadd.f32 v28, v13  }
0x162: {  	v29 =	vmul.f32 v32, v7;
	[tilespmem:$0xCAD0] =	vst v27;
	v27 =	vadd.f32 v30, v16  }
0x163: {  	v26 =	vadd.f32 v26, v17;
	[tilespmem:$0xCAC0] =	vst v28  }
0x164: {  	v28 =	vadd.f32 v29, v15;
	[tilespmem:$0xCAF0] =	vst v27  }
0x165: {  	p0 =	seq.s32 s4, $0x0;
	s18 =	sshll.u32 s4, $0x2;
	[tilespmem:$0xCB00] =	vst v26  }
0x166: {  	s12 =	simm.s32 @!p0 $0x8;
	s18 =	sor.u32 $0x3, s18;
	[tilespmem:$0xCAE0] =	vst v28  }
0x167: {  	s11 =	smul.u32 $0x1A0, s18;
	_ =	swait.ge @!p0 [sflag:s12], $0x3200  }
0x168: {  	[sflag:s12] =	ssyncset.done @!p0 $0x0  }
0x169: {  	s21 =	sadd.s32 s9, s17;
	s11 =	sshra.s32 s11, $0x2;
	[sflag:s12] =	ssyncadd.s32 @!p0 $0xFFFFCE00  }
0x16a: {  	[tilespmem:s26], [sflag:$0x4] =	stream.indirect.gather [hbm4b:s0+s19], $0x80, s11, s19, $0xb8;
	[tilespmem:$0x16110] =	vst v63  }
0x16b: {  	s11 =	sshll.u32 s21, $0x4  }
0x16c: {  	s23 =	simm.s32 $0x0;
	s11 =	sadd.s32 s7, s11  }
0x16d: {  	[hbm4b:s11+s23] =	stream.linear.scatter [tilespmem:s20], [sflag:$0x5], $0x3200, $0x38;
	[tilespmem:$0x16110] =	vst v63  }
0x16e: {  	_ =	swait.ge [sflag:s28], $0x3200  }
0x16f: {  	[sflag:s28] =	ssyncset.done $0x0  }
0x170: {  	[sflag:s28] =	ssyncadd.s32 $0xFFFFCE00  }
0x171: {  	v26 =	vld [tilespmem:s17+$0x1A64];
	_ =	sdelay $0x4  }
0x172: {  	v26 =	vmul.f32 v0, v26;
	_ =	sdelay $0x1  }
0x173: {  	(xrf2) =	vadd.scan.msk.f32 $0xffff, v26;
	_ =	sdelay $0x2  }
0x174: {  	v27 =	vld [tilespmem:$0x6510]  }
0x175: {  	v28 =	vld [tilespmem:$0xCB20]  }
0x176: {  	v26 =	vld [tilespmem:$0xCB10]  }
0x177: {  	v29 =	vld [tilespmem:$0x6520]  }
0x178: {  	v30 =	vld [tilespmem:$0xCB30]  }
0x179: {  	v31 =	vld [tilespmem:$0x6530]  }
0x17a: {  	v46 =	vld [tilespmem:$0x6540]  }
0x17b: {  	v26 =	vadd.f32 v27, v26;
	v27 =	vld [tilespmem:$0xCB40];
	v44, _, _ =	vpop (xrf2)  }
0x17c: {  	v47 =	vld [tilespmem:$0x6550];
	v28 =	vadd.f32 v29, v28;
	v29 =	vmul.f32 v44, v19  }
0x17d: {  	v51 =	vld [tilespmem:$0xCB60];
	v45 =	vmul.f32 v44, v18  }
0x17e: {  	v30 =	vadd.f32 v31, v30;
	v31 =	vmul.f32 v44, v20;
	v28 =	vadd.f32 v28, v29;
	v29 =	vld [tilespmem:$0xCB50]  }
0x17f: {  	v52 =	vld [tilespmem:$0x6560];
	v26 =	vadd.f32 v45, v26  }
0x180: {  	v55 =	vld [tilespmem:$0x6570];
	v27 =	vadd.f32 v46, v27;
	v30 =	vadd.f32 v30, v31;
	v31 =	vmul.f32 v44, v21  }
0x181: {  	v57 =	vld [tilespmem:$0xCB80];
	v48 =	vmul.f32 v26, v26;
	v50 =	vmul.f32 v28, v28  }
0x182: {  	v54 =	vmul.f32 v44, v22;
	v49 =	vadd.f32 v28, v26;
	v27 =	vadd.f32 v27, v31;
	v31 =	vld [tilespmem:$0xCB70]  }
0x183: {  	v60 =	vld [tilespmem:$0x6580];
	v53 =	vmul.f32 v30, v30;
	v35 =	vadd.f32 v50, v48;
	v29 =	vadd.f32 v47, v29  }
0x184: {  	v58 =	vadd.f32 v52, v51;
	v59 =	vmul.f32 v44, v23;
	v36 =	vadd.f32 v30, v49  }
0x185: {  	v56 =	vmul.f32 v27, v27;
	v35 =	vadd.f32 v53, v35;
	v29 =	vadd.f32 v29, v54  }
0x186: {  	v62 =	vmul.f32 v44, v24;
	v33 =	vadd.f32 v58, v59;
	v36 =	vadd.f32 v27, v36  }
0x187: {  	v31 =	vadd.f32 v55, v31;
	v35 =	vadd.f32 v56, v35;
	v61 =	vmul.f32 v29, v29  }
0x188: {  	v41 =	vadd.f32 v60, v57;
	v32 =	vmul.f32 v44, v25;
	v36 =	vadd.f32 v29, v36  }
0x189: {  	v63 =	vmul.f32 v33, v33;
	v31 =	vadd.f32 v31, v62;
	v35 =	vadd.f32 v61, v35  }
0x18a: {  	v36 =	vadd.f32 v33, v36  }
0x18b: {  	v32 =	vadd.f32 v41, v32;
	v42 =	vmul.f32 v31, v31;
	v35 =	vadd.f32 v63, v35  }
0x18c: {  	[tilespmem:$0xCB10] =	vst v26;
	v36 =	vadd.f32 v31, v36  }
0x18d: {  	[tilespmem:$0xCB20] =	vst v28;
	v34 =	vmul.f32 v32, v32;
	v26 =	vadd.f32 v42, v35  }
0x18e: {  	[tilespmem:$0xCB30] =	vst v30;
	v28 =	vadd.f32 v32, v36  }
0x18f: {  	[tilespmem:$0xCB60] =	vst v33;
	v26 =	vadd.f32 v34, v26  }
0x190: {  	[tilespmem:$0xCB80] =	vst v32;
	(xrf2) =	vadd.scan.msk.f32 $0xffff, v28  }
0x191: {  	[tilespmem:$0xCB40] =	vst v27;
	(xrf2) =	vadd.scan.msk.f32 $0xffff, v26  }
0x192: {  	[tilespmem:$0xCB50] =	vst v29  }
0x193: {  	s21 =	simm.s32 $0x0;
	[tilespmem:$0xCB70] =	vst v31  }
0x194: {  	v27 =	vld [tilespmem:s21+$0x65F0]  }
0x195: {  	v29 =	vld [tilespmem:s21+$0x65D0]  }
0x196: {  	v30 =	vld [tilespmem:s21+$0x65C0]  }
0x197: {  	v33 =	vld [tilespmem:s21+$0x6590]  }
0x198: {  	v44 =	vld [tilespmem:s10+$0x0]  }
0x199: {  	v45 =	vld [tilespmem:s21+$0x65A0]  }
0x19a: {  	v46 =	vld [tilespmem:s21+$0xCC00];
	v31, _, _ =	vpop (xrf2)  }
0x19b: {  	v47 =	vld [tilespmem:s21+$0xCBE0];
	v31 =	vperm.xlane v31, v1;
	v43, _, _ =	vpop (xrf2)  }
0x19c: {  	v48 =	vld [tilespmem:s21+$0xCBD0];
	v34 =	vperm.xlane v43, v1  }
0x19d: {  	v50 =	vld [tilespmem:s21+$0xCBC0];
	v31 =	vmul.f32 v0, v31  }
0x19e: {  	v51 =	vld [tilespmem:s21+$0xCBB0];
	v34 =	vmul.f32 v0, v34  }
0x19f: {  	v52 =	vld [tilespmem:s21+$0xCBA0];
	(xrf2) =	vadd.scan.msk.f32 $0xffff, v31  }
0x1a0: {  	v53 =	vld [tilespmem:s21+$0xCB90];
	(xrf2) =	vadd.scan.msk.f32 $0xffff, v34  }
0x1a1: {  	v54 =	vld [tilespmem:s21+$0xCB40]  }
0x1a2: {  	v49 =	vmul.f32 v0, v44;
	v31 =	vld [tilespmem:s21+$0xCBF0]  }
0x1a3: {  	v55 =	vld [tilespmem:s21+$0xCB20]  }
0x1a4: {  	v26 =	vld [tilespmem:s21+$0x6600];
	(xrf2) =	vadd.scan.msk.f32 $0xffff, v49  }
0x1a5: {  	v32 =	vld [tilespmem:s21+$0x65B0]  }
0x1a6: {  	v28 =	vld [tilespmem:s21+$0x65E0]  }
0x1a7: {  	v31 =	vadd.f32 v27, v31;
	v27 =	vld [tilespmem:s21+$0xCB30]  }
0x1a8: {  	v56 =	vld [tilespmem:s21+$0xCB50];
	v29 =	vadd.f32 v29, v48  }
0x1a9: {  	v57 =	vld [tilespmem:s21+$0xCB60];
	v30 =	vadd.f32 v30, v50;
	v37 =	vadd.f32 v26, v46;
	v26, _, _ =	vpop (xrf2)  }
0x1aa: {  	v33 =	vadd.f32 v33, v53;
	v34 =	vadd.f32 v45, v52;
	v52 =	vld [tilespmem:s21+$0xCB10];
	v26 =	vmul.f32 $7.812500000e-03, v26;
	v58, _, _ =	vpop (xrf2)  }
0x1ab: {  	v32 =	vadd.f32 v32, v51;
	v28 =	vadd.f32 v28, v47;
	v35 =	vmul.f32 $7.812500000e-03, v58  }
0x1ac: {  	v59 =	vmul.f32 v26, v26;
	v60 =	vsub.f32 v55, v26;
	v41 =	vsub.f32 v27, v26  }
0x1ad: {  	v42 =	vsub.f32 v54, v26;
	v36 =	vsub.f32 v56, v26  }
0x1ae: {  	v61, _, _ =	vpop (xrf2);
	v38 =	vsub.f32 v57, v26;
	v27 =	vsub.f32 v35, v59  }
0x1af: {  	v56 =	vsub.f32 v52, v26;
	v62 =	vmul.f32 v61, v18;
	v63 =	vmul.f32 v61, v19  }
0x1b0: {  	v45 =	vmul.f32 v61, v20;
	v49 =	vmul.f32 v61, v21;
	v27 =	vadd.f32 $9.999999740e-06, v27  }
0x1b1: {  	v51 =	vmul.f32 v61, v22;
	v33 =	vadd.f32 v62, v33;
	v34 =	vadd.f32 v34, v63  }
0x1b2: {  	v32 =	vadd.f32 v32, v45;
	v50 =	vmul.f32 $-5.000000000e-01, v27;
	v27 =	vshra.s32 v27, $0x1  }
0x1b3: {  	[tilespmem:s21+$0xCB90] =	vst v33;
	v46 =	vmul.f32 v33, v33;
	v33 =	vadd.f32 v34, v33;
	v47 =	vsub.s32 $0x5F3759DF, v27  }
0x1b4: {  	v30 =	vadd.f32 v30, v49;
	[tilespmem:s21+$0xCBA0] =	vst v34;
	v34 =	vmul.f32 v34, v34;
	v45 =	vmul.f32 v47, v50  }
0x1b5: {  	v53 =	vmul.f32 v61, v23;
	v29 =	vadd.f32 v29, v51;
	v33 =	vadd.f32 v32, v33  }
0x1b6: {  	[tilespmem:s21+$0xCBB0] =	vst v32;
	v34 =	vadd.f32 v34, v46;
	v32 =	vmul.f32 v32, v32;
	v45 =	vmul.f32 v47, v45  }
0x1b7: {  	v48 =	vmul.f32 v61, v24;
	v39 =	vadd.f32 v28, v53;
	v33 =	vadd.f32 v30, v33  }
0x1b8: {  	v54 =	vmul.f32 v30, v30;
	v32 =	vadd.f32 v32, v34;
	v45 =	vadd.f32 $1.500000000e+00, v45  }
0x1b9: {  	v44 =	vld [tilespmem:s21+$0xCB70];
	v57 =	vmul.f32 v61, v25;
	v31 =	vadd.f32 v31, v48;
	v33 =	vadd.f32 v29, v33  }
0x1ba: {  	v55 =	vmul.f32 v29, v29;
	v32 =	vadd.f32 v54, v32;
	v28 =	vmul.f32 v47, v45  }
0x1bb: {  	v59 =	vadd.f32 v37, v57;
	v33 =	vadd.f32 v39, v33  }
0x1bc: {  	[tilespmem:s21+$0xCBC0] =	vst v30;
	v58 =	vmul.f32 v39, v39;
	v30 =	vadd.f32 v55, v32;
	v34 =	vmul.f32 v28, v56  }
0x1bd: {  	[tilespmem:s21+$0xCBD0] =	vst v29;
	v61 =	vmul.f32 v31, v31;
	v29 =	vadd.f32 v31, v33;
	v60 =	vmul.f32 v28, v60  }
0x1be: {  	[tilespmem:s21+$0xCBE0] =	vst v39;
	v27 =	vsub.f32 v44, v26;
	v30 =	vadd.f32 v58, v30;
	v34 =	vmul.f32 v34, v2  }
0x1bf: {  	[tilespmem:s21+$0xCBF0] =	vst v31;
	v62 =	vmul.f32 v28, v41;
	v31 =	vadd.f32 v59, v29;
	v29 =	vld [tilespmem:s21+$0xCB80];
	v35 =	vmul.f32 v60, v3  }
0x1c0: {  	[tilespmem:s21+$0xCC00] =	vst v59;
	v63 =	vmul.f32 v59, v59;
	v30 =	vadd.f32 v61, v30;
	v34 =	vadd.f32 v34, v10  }
0x1c1: {  	s13 =	smov.u32 s10;
	v33 =	vmul.f32 v28, v42;
	v32 =	vmul.f32 v62, v4;
	(xrf2) =	vadd.scan.msk.f32 $0xffff, v31;
	v31 =	vadd.f32 v35, v11  }
0x1c2: {  	s12 =	simm.s32 $0x400;
	s23 =	sadd.s32 $0x64, s17;
	s11 =	simm.s32 $0x200;
	v30 =	vadd.f32 v63, v30;
	v35 =	vmul.f32 v28, v36;
	[tilespmem:s21+$0xCB10] =	vst v34;
	v34 =	vmul.f32 v28, v38  }
.LBB2_7:
0x1c3: {  	p0 =	sne.s32 s12, $0xC400;
	[tilespmem:s21+$0xCB20] =	vst v31;
	v31 =	vadd.f32 v32, v12;
	v32 =	vmul.f32 v33, v5;
	v27 =	vmul.f32 v28, v27  }
0x1c4: {  	(xrf2) =	vadd.scan.msk.f32 $0xffff, v30;
	v30 =	vmul.f32 v35, v6;
	v33 =	vmul.f32 v34, v7;
	v26 =	vsub.f32 v29, v26  }
0x1c5: {  	[tilespmem:s21+$0xCB30] =	vst v31;
	v29 =	vadd.f32 v32, v13;
	v27 =	vmul.f32 v27, v8  }
0x1c6: {  	s2 =	sshra.s32 s11, $0x2;
	s11 =	smov.u32 s12;
	v30 =	vadd.f32 v30, v14;
	v31 =	vadd.f32 v33, v15;
	v26 =	vmul.f32 v26, v28  }
0x1c7: {  	v28 =	vld [tilespmem:s2+$0x6600];
	[tilespmem:s21+$0xCB40] =	vst v29;
	v27 =	vadd.f32 v27, v16  }
0x1c8: {  	v29 =	vld [tilespmem:s2+$0x65F0];
	[tilespmem:s21+$0xCB50] =	vst v30;
	v26 =	vmul.f32 v26, v9  }
0x1c9: {  	v30 =	vld [tilespmem:s2+$0x65E0];
	[tilespmem:s21+$0xCB60] =	vst v31  }
0x1ca: {  	v31 =	vld [tilespmem:s2+$0x65D0];
	[tilespmem:s21+$0xCB70] =	vst v27;
	v26 =	vadd.f32 v26, v17  }
0x1cb: {  	v27 =	vld [tilespmem:s2+$0x65C0];
	v32, _, _ =	vpop (xrf2)  }
0x1cc: {  	v33 =	vld [tilespmem:s2+$0x65B0];
	v36 =	vperm.xlane v32, v1;
	[tilespmem:s21+$0xCB80] =	vst v26;
	s21 =	smov.u32 s2  }
0x1cd: {  	v34 =	vld [tilespmem:s21+$0x6590]  }
0x1ce: {  	s13 =	sadd.s32 $0x1, s13;
	v35 =	vld [tilespmem:s21+$0x65A0];
	v26 =	vmul.f32 v0, v36;
	v32, _, _ =	vpop (xrf2)  }
0x1cf: {  	v36 =	vld [tilespmem:s13+$0x0];
	v32 =	vperm.xlane v32, v1  }
0x1d0: {  	v37 =	vld [tilespmem:s21+$0xCC00];
	(xrf2) =	vadd.scan.msk.f32 $0xffff, v26  }
0x1d1: {  	v26 =	vld [tilespmem:s21+$0xCBF0];
	v32 =	vmul.f32 v0, v32  }
0x1d2: {  	v38 =	vld [tilespmem:s21+$0xCBE0]  }
0x1d3: {  	v39 =	vld [tilespmem:s21+$0xCBD0];
	(xrf2) =	vadd.scan.msk.f32 $0xffff, v32  }
0x1d4: {  	v32 =	vmul.f32 v0, v36;
	v36 =	vld [tilespmem:s21+$0xCBC0]  }
0x1d5: {  	v40 =	vld [tilespmem:s21+$0xCBB0]  }
0x1d6: {  	v41 =	vld [tilespmem:s21+$0xCBA0];
	(xrf2) =	vadd.scan.msk.f32 $0xffff, v32  }
0x1d7: {  	v32 =	vld [tilespmem:s21+$0xCB90]  }
0x1d8: {  	v42 =	vld [tilespmem:s21+$0xCB40]  }
0x1d9: {  	v43 =	vld [tilespmem:s21+$0xCB20]  }
0x1da: {  	v37 =	vadd.f32 v28, v37;
	v29 =	vadd.f32 v29, v26;
	v28 =	vld [tilespmem:s21+$0xCB30];
	v26, _, _ =	vpop (xrf2)  }
0x1db: {  	v30 =	vadd.f32 v30, v38;
	v31 =	vadd.f32 v31, v39;
	v38 =	vld [tilespmem:s21+$0xCB50]  }
0x1dc: {  	v36 =	vadd.f32 v27, v36;
	v33 =	vadd.f32 v33, v40;
	v26 =	vmul.f32 $7.812500000e-03, v26;
	v27 =	vld [tilespmem:s21+$0xCB60]  }
0x1dd: {  	v32 =	vadd.f32 v34, v32;
	v34 =	vadd.f32 v35, v41;
	v35, _, _ =	vpop (xrf2)  }
0x1de: {  	v39 =	vmul.f32 v26, v26;
	v35 =	vmul.f32 $7.812500000e-03, v35;
	v40 =	vsub.f32 v43, v26  }
0x1df: {  	v42 =	vsub.f32 v42, v26;
	v41 =	vsub.f32 v28, v26  }
0x1e0: {  	v28 =	vsub.f32 v35, v39;
	v35 =	vsub.f32 v38, v26;
	v38, _, _ =	vpop (xrf2)  }
0x1e1: {  	v39 =	vmul.f32 v38, v18;
	v43 =	vmul.f32 v38, v19;
	v44 =	vsub.f32 v27, v26;
	v27 =	vld [tilespmem:s21+$0xCB70]  }
0x1e2: {  	v45 =	vmul.f32 v38, v20;
	v46 =	vmul.f32 v38, v24;
	v28 =	vadd.f32 $9.999999740e-06, v28  }
0x1e3: {  	v32 =	vadd.f32 v39, v32;
	v34 =	vadd.f32 v34, v43;
	v39 =	vmul.f32 v38, v21  }
0x1e4: {  	v33 =	vadd.f32 v33, v45;
	v43 =	vmul.f32 $-5.000000000e-01, v28;
	v28 =	vshra.s32 v28, $0x1  }
0x1e5: {  	[tilespmem:s21+$0xCB90] =	vst v32;
	v45 =	vmul.f32 v32, v32;
	v32 =	vadd.f32 v34, v32;
	v28 =	vsub.s32 $0x5F3759DF, v28  }
0x1e6: {  	[tilespmem:s21+$0xCBA0] =	vst v34;
	v34 =	vmul.f32 v34, v34;
	v43 =	vmul.f32 v28, v43;
	v27 =	vsub.f32 v27, v26  }
0x1e7: {  	v36 =	vadd.f32 v36, v39;
	v39 =	vmul.f32 v38, v22;
	[tilespmem:s21+$0xCBB0] =	vst v33;
	v32 =	vadd.f32 v33, v32;
	v47 =	vld [tilespmem:s21+$0xCB10]  }
0x1e8: {  	v33 =	vmul.f32 v33, v33;
	v34 =	vadd.f32 v34, v45;
	v43 =	vmul.f32 v28, v43  }
0x1e9: {  	v31 =	vadd.f32 v31, v39;
	v39 =	vmul.f32 v38, v23;
	[tilespmem:s21+$0xCBC0] =	vst v36;
	v32 =	vadd.f32 v36, v32  }
0x1ea: {  	v33 =	vadd.f32 v33, v34;
	v34 =	vmul.f32 v36, v36;
	v36 =	vadd.f32 $1.500000000e+00, v43  }
0x1eb: {  	v30 =	vadd.f32 v30, v39;
	[tilespmem:s21+$0xCBD0] =	vst v31;
	v32 =	vadd.f32 v31, v32;
	v31 =	vmul.f32 v31, v31  }
0x1ec: {  	v33 =	vadd.f32 v34, v33;
	v28 =	vmul.f32 v28, v36;
	v34 =	vsub.f32 v47, v26  }
0x1ed: {  	v29 =	vadd.f32 v29, v46;
	v36 =	vmul.f32 v38, v25;
	[tilespmem:s21+$0xCBE0] =	vst v30;
	v32 =	vadd.f32 v30, v32  }
0x1ee: {  	v30 =	vmul.f32 v30, v30;
	v31 =	vadd.f32 v31, v33;
	v33 =	vmul.f32 v28, v34  }
0x1ef: {  	v34 =	vadd.f32 v37, v36;
	v36 =	vmul.f32 v28, v40;
	[tilespmem:s21+$0xCBF0] =	vst v29;
	v32 =	vadd.f32 v29, v32  }
.Ltmp2:
0x1f0: {  	v30 =	vadd.f32 v30, v31;
	v31 =	vmul.f32 v29, v29;
	v33 =	vmul.f32 v33, v2;
	(pc) =	sbr.rel @p0 .LBB2_7-.Ltmp2, $4  }
0x1f1: {  	v37 =	vmul.f32 v28, v41;
	v36 =	vmul.f32 v36, v3;
	[tilespmem:s21+$0xCC00] =	vst v34;
	v32 =	vadd.f32 v34, v32;
	v29 =	vld [tilespmem:s21+$0xCB80]  }
0x1f2: {  	v34 =	vmul.f32 v34, v34;
	v30 =	vadd.f32 v31, v30;
	v38 =	vadd.f32 v33, v10  }
0x1f3: {  	v31 =	vadd.f32 v36, v11;
	v33 =	vmul.f32 v28, v42;
	(xrf2) =	vadd.scan.msk.f32 $0xffff, v32;
	v32 =	vmul.f32 v37, v4  }
0x1f4: {  	s12 =	sadd.s32 $0x200, s12;
	v35 =	vmul.f32 v28, v35;
	v30 =	vadd.f32 v34, v30;
	[tilespmem:s21+$0xCB10] =	vst v38;
	v34 =	vmul.f32 v28, v44  }
0x1f5: {  	_ = 	snop  }
0x1f6: {  	v32 =	vadd.f32 v32, v12;
	v33 =	vmul.f32 v33, v5;
	v26 =	vsub.f32 v29, v26  }
0x1f7: {  	[tilespmem:s21+$0xCB20] =	vst v31;
	v27 =	vmul.f32 v28, v27;
	v31 =	vmul.f32 v35, v6;
	(xrf2) =	vadd.scan.msk.f32 $0xffff, v30  }
0x1f8: {  	v34 =	vmul.f32 v34, v7;
	v62 =	vadd.f32 v33, v13;
	v26 =	vmul.f32 v26, v28  }
0x1f9: {  	s11 =	sshra.s32 s11, $0x2;
	[tilespmem:s21+$0xCB30] =	vst v32;
	v27 =	vmul.f32 v27, v8;
	v31 =	vadd.f32 v31, v14  }
0x1fa: {  	v63 =	vld [tilespmem:s11+$0x6600];
	v30 =	vadd.f32 v34, v15;
	[tilespmem:s21+$0xCB40] =	vst v62;
	v26 =	vmul.f32 v26, v9  }
0x1fb: {  	v27 =	vadd.f32 v27, v16;
	v29 =	vld [tilespmem:s11+$0x65F0];
	[tilespmem:s21+$0xCB50] =	vst v31  }
0x1fc: {  	v28 =	vld [tilespmem:s11+$0x65E0];
	[tilespmem:s21+$0xCB60] =	vst v30;
	v26 =	vadd.f32 v26, v17  }
0x1fd: {  	v30 =	vld [tilespmem:s11+$0x65D0];
	[tilespmem:s21+$0xCB70] =	vst v27  }
0x1fe: {  	v27 =	vld [tilespmem:s11+$0x65C0]  }
0x1ff: {  	s2 =	sadd.s32 $0x1, s13;
	v31 =	vld [tilespmem:s11+$0x65B0];
	[tilespmem:s21+$0xCB80] =	vst v26  }
0x200: {  	v32 =	vld [tilespmem:s2+$0x0];
	v26, _, _ =	vpop (xrf2)  }
0x201: {  	v26 =	vperm.xlane v26, v1;
	v44, _, _ =	vpop (xrf2)  }
0x202: {  	v34 =	vperm.xlane v44, v1  }
0x203: {  	v26 =	vmul.f32 v0, v26  }
0x204: {  	v34 =	vmul.f32 v0, v34  }
0x205: {  	(xrf2) =	vadd.scan.msk.f32 $0xffff, v26;
	v26 =	vmul.f32 v0, v32  }
0x206: {  	(xrf2) =	vadd.scan.msk.f32 $0xffff, v34  }
0x207: {  	(xrf2) =	vadd.scan.msk.f32 $0xffff, v26;
	_ =	sdelay $0x2  }
0x208: {  	v45 =	vld [tilespmem:s11+$0x65A0]  }
0x209: {  	v46 =	vld [tilespmem:s11+$0xCB90]  }
0x20a: {  	v47 =	vld [tilespmem:s11+$0xCBA0]  }
0x20b: {  	v26 =	vld [tilespmem:s11+$0x6590]  }
0x20c: {  	v36 =	vld [tilespmem:s11+$0xCBB0]  }
0x20d: {  	v37, _, _ =	vpop (xrf2)  }
0x20e: {  	v38 =	vld [tilespmem:s11+$0xCBC0];
	v39, _, _ =	vpop (xrf2)  }
0x20f: {  	v32 =	vadd.f32 v45, v47;
	v48, _, _ =	vpop (xrf2)  }
0x210: {  	v40 =	vld [tilespmem:s11+$0xCBD0];
	v26 =	vadd.f32 v26, v46;
	v49 =	vmul.f32 v48, v18;
	v41 =	vmul.f32 v48, v19  }
0x211: {  	v31 =	vadd.f32 v31, v36  }
0x212: {  	v50 =	vld [tilespmem:s11+$0xCBE0];
	v42 =	vmul.f32 v48, v20;
	v26 =	vadd.f32 v49, v26;
	v32 =	vadd.f32 v32, v41  }
0x213: {  	v27 =	vadd.f32 v27, v38  }
0x214: {  	v51 =	vld [tilespmem:s11+$0xCBF0];
	v52 =	vmul.f32 v48, v21;
	v31 =	vadd.f32 v31, v42;
	v41 =	vadd.f32 v32, v26  }
0x215: {  	v30 =	vadd.f32 v30, v40  }
0x216: {  	v53 =	vld [tilespmem:s11+$0xCC00];
	v54 =	vmul.f32 v48, v22;
	v27 =	vadd.f32 v27, v52;
	v41 =	vadd.f32 v31, v41  }
0x217: {  	v28 =	vadd.f32 v28, v50  }
0x218: {  	v56 =	vmul.f32 v48, v23;
	v30 =	vadd.f32 v30, v54;
	v55 =	vadd.f32 v27, v41  }
0x219: {  	v29 =	vadd.f32 v29, v51  }
0x21a: {  	v57 =	vmul.f32 v48, v24;
	v28 =	vadd.f32 v28, v56;
	v36 =	vadd.f32 v30, v55  }
0x21b: {  	v33 =	vadd.f32 v63, v53  }
0x21c: {  	v34 =	vmul.f32 v48, v25;
	v29 =	vadd.f32 v29, v57;
	v36 =	vadd.f32 v28, v36;
	_ =	sdelay $0x1  }
0x21d: {  	v33 =	vadd.f32 v33, v34;
	v35 =	vadd.f32 v29, v36;
	_ =	sdelay $0x1  }
0x21e: {  	v34 =	vadd.f32 v33, v35;
	_ =	sdelay $0x1  }
0x21f: {  	v58 =	vmul.f32 v26, v26;
	v59 =	vmul.f32 v32, v32;
	(xrf2) =	vadd.scan.msk.f32 $0xffff, v34;
	_ =	sdelay $0x1  }
0x220: {  	v61 =	vmul.f32 v31, v31;
	v60 =	vadd.f32 v59, v58;
	_ =	sdelay $0x1  }
0x221: {  	v62 =	vmul.f32 v27, v27;
	v34 =	vadd.f32 v61, v60;
	_ =	sdelay $0x1  }
0x222: {  	v63 =	vmul.f32 v30, v30;
	v34 =	vadd.f32 v62, v34;
	_ =	sdelay $0x1  }
0x223: {  	v40 =	vmul.f32 v28, v28;
	v34 =	vadd.f32 v63, v34;
	_ =	sdelay $0x1  }
0x224: {  	v41 =	vmul.f32 v29, v29;
	v34 =	vadd.f32 v40, v34;
	v42, _, _ =	vpop (xrf2)  }
0x225: {  	v36 =	vperm.xlane v42, v1  }
0x226: {  	v43 =	vmul.f32 v33, v33;
	v34 =	vadd.f32 v41, v34  }
0x227: {  	v36 =	vmul.f32 v0, v36  }
0x228: {  	v34 =	vadd.f32 v43, v34  }
0x229: {  	(xrf2) =	vadd.scan.msk.f32 $0xffff, v36  }
0x22a: {  	(xrf2) =	vadd.scan.msk.f32 $0xffff, v34;
	_ =	sdelay $0x1  }
0x22b: {  	v34 =	vmul.f32 $7.812500000e-03, v37;
	_ =	sdelay $0x1  }
0x22c: {  	v44 =	vmul.f32 $7.812500000e-03, v39;
	v45 =	vmul.f32 v34, v34;
	_ =	sdelay $0x1  }
0x22d: {  	v35 =	vsub.f32 v44, v45;
	_ =	sdelay $0x1  }
0x22e: {  	v35 =	vadd.f32 $9.999999740e-06, v35  }
0x22f: {  	v47, _, _ =	vpop (xrf2)  }
0x230: {  	v46 =	vmul.f32 $-5.000000000e-01, v35;
	v35 =	vshra.s32 v35, $0x1;
	v48, _, _ =	vpop (xrf2)  }
0x231: {  	v50 =	vld [tilespmem:s11+$0xCB10];
	v35 =	vsub.s32 $0x5F3759DF, v35;
	v38 =	vperm.xlane v48, v1  }
0x232: {  	v51 =	vld [tilespmem:s11+$0xCB30];
	v36 =	vmul.f32 v35, v46  }
0x233: {  	v49 =	vld [tilespmem:s11+$0xCB20];
	v38 =	vmul.f32 v0, v38  }
0x234: {  	v52 =	vld [tilespmem:s11+$0xCB40];
	v36 =	vmul.f32 v35, v36  }
0x235: {  	v53 =	vld [tilespmem:s11+$0xCB50];
	(xrf2) =	vadd.scan.msk.f32 $0xffff, v38  }
0x236: {  	v43 =	vld [tilespmem:s11+$0xCB60];
	v36 =	vadd.f32 $1.500000000e+00, v36  }
0x237: {  	v56 =	vld [tilespmem:s11+$0xCB70]  }
0x238: {  	[tilespmem:s11+$0xCBB0] =	vst v31;
	v31 =	vld [tilespmem:s11+$0xCB80];
	v54 =	vsub.f32 v50, v34;
	v39 =	vsub.f32 v49, v34;
	v35 =	vmul.f32 v35, v36  }
0x239: {  	[tilespmem:s11+$0xCB90] =	vst v26;
	v55 =	vsub.f32 v51, v34;
	v59 =	vsub.f32 v52, v34;
	v37 =	vmul.f32 $7.812500000e-03, v47  }
0x23a: {  	[tilespmem:s11+$0xCBA0] =	vst v32;
	v38 =	vsub.f32 v53, v34;
	v26 =	vmul.f32 v35, v54;
	v57 =	vmul.f32 v35, v39  }
0x23b: {  	[tilespmem:s11+$0xCBD0] =	vst v30;
	v60 =	vsub.f32 v43, v34;
	v58 =	vmul.f32 v35, v55;
	v30 =	vmul.f32 v35, v59  }
0x23c: {  	[tilespmem:s11+$0xCBC0] =	vst v27;
	v62 =	vsub.f32 v56, v34;
	v38 =	vmul.f32 v35, v38;
	v26 =	vmul.f32 v26, v2  }
0x23d: {  	[tilespmem:s11+$0xCBE0] =	vst v28;
	v31 =	vsub.f32 v31, v34;
	v28 =	vmul.f32 v35, v60;
	v27 =	vmul.f32 v57, v3  }
0x23e: {  	[tilespmem:s11+$0xCBF0] =	vst v29;
	v39 =	vmul.f32 v37, v37;
	v61 =	vmul.f32 v58, v4;
	v26 =	vadd.f32 v26, v10  }
0x23f: {  	[tilespmem:s11+$0xCC00] =	vst v33;
	v29 =	vmul.f32 v30, v5;
	v30 =	vmul.f32 v35, v62;
	v27 =	vadd.f32 v27, v11;
	v63, _, _ =	vpop (xrf2)  }
0x240: {  	v28 =	vmul.f32 v28, v7;
	[tilespmem:s11+$0xCB10] =	vst v26;
	v26 =	vadd.f32 v61, v12;
	v36 =	vmul.f32 $7.812500000e-03, v63  }
0x241: {  	v40 =	vmul.f32 v38, v6;
	[tilespmem:s11+$0xCB20] =	vst v27;
	v27 =	vadd.f32 v29, v13;
	v29 =	vmul.f32 v31, v35  }
0x242: {  	v28 =	vadd.f32 v28, v15;
	[tilespmem:s11+$0xCB30] =	vst v26;
	v26 =	vmul.f32 v30, v8;
	v31 =	vsub.f32 v36, v39  }
0x243: {  	v30 =	vadd.f32 v40, v14;
	[tilespmem:s11+$0xCB40] =	vst v27;
	v27 =	vmul.f32 v29, v9  }
0x244: {  	[tilespmem:s11+$0xCB60] =	vst v28;
	v26 =	vadd.f32 v26, v16;
	v29 =	vadd.f32 $9.999999740e-06, v31  }
0x245: {  	[tilespmem:s11+$0xCB50] =	vst v30;
	v27 =	vadd.f32 v27, v17  }
0x246: {  	[tilespmem:s11+$0xCB70] =	vst v26;
	v28 =	vmul.f32 $-5.000000000e-01, v29;
	v29 =	vshra.s32 v29, $0x1  }
0x247: {  	[tilespmem:s11+$0xCB80] =	vst v27;
	v26 =	vsub.s32 $0x5F3759DF, v29  }
0x248: {  	v30 =	vld [tilespmem:$0xFCB0];
	v27 =	vmul.f32 v26, v28  }
0x249: {  	v28 =	vld [tilespmem:$0xFC90]  }
0x24a: {  	v31 =	vld [tilespmem:$0xFCD0];
	v27 =	vmul.f32 v26, v27  }
0x24b: {  	v41 =	vld [tilespmem:$0xFCE0]  }
0x24c: {  	v29 =	vld [tilespmem:$0xFCA0];
	v27 =	vadd.f32 $1.500000000e+00, v27  }
0x24d: {  	v42 =	vld [tilespmem:$0xFCF0]  }
0x24e: {  	v26 =	vmul.f32 v26, v27;
	v27 =	vsub.f32 v28, v37;
	v28 =	vld [tilespmem:$0xFCC0];
	_ =	sdelay $0x1  }
0x24f: {  	v43 =	vld [tilespmem:$0xFD00];
	v30 =	vsub.f32 v30, v37;
	v31 =	vsub.f32 v31, v37;
	v27 =	vmul.f32 v26, v27  }
0x250: {  	v32 =	vsub.f32 v41, v37;
	v29 =	vsub.f32 v29, v37  }
0x251: {  	v33 =	vsub.f32 v42, v37;
	v30 =	vmul.f32 v26, v30;
	v27 =	vmul.f32 v27, v2  }
0x252: {  	v29 =	vmul.f32 v26, v29;
	v31 =	vmul.f32 v26, v31;
	v28 =	vsub.f32 v28, v37  }
0x253: {  	v32 =	vmul.f32 v26, v32;
	v30 =	vmul.f32 v30, v4;
	v27 =	vadd.f32 v27, v10  }
0x254: {  	v34 =	vsub.f32 v43, v37;
	v29 =	vmul.f32 v29, v3;
	v28 =	vmul.f32 v26, v28  }
0x255: {  	[tilespmem:$0xFC90] =	vst v27;
	v27 =	vadd.f32 v30, v12;
	v30 =	vmul.f32 v31, v6;
	v31 =	vmul.f32 v26, v33  }
0x256: {  	v29 =	vadd.f32 v29, v11;
	v26 =	vmul.f32 v34, v26;
	v28 =	vmul.f32 v28, v5  }
0x257: {  	[tilespmem:$0xFCB0] =	vst v27;
	v27 =	vadd.f32 v30, v14;
	v30 =	vmul.f32 v31, v8  }
0x258: {  	[tilespmem:$0xFCA0] =	vst v29;
	v26 =	vmul.f32 v26, v9;
	v28 =	vadd.f32 v28, v13  }
0x259: {  	v29 =	vmul.f32 v32, v7;
	[tilespmem:$0xFCD0] =	vst v27;
	v27 =	vadd.f32 v30, v16  }
0x25a: {  	v26 =	vadd.f32 v26, v17;
	[tilespmem:$0xFCC0] =	vst v28  }
0x25b: {  	v28 =	vadd.f32 v29, v15;
	[tilespmem:$0xFCF0] =	vst v27  }
0x25c: {  	p0 =	seq.s32 s4, $0xF;
	[tilespmem:$0xFD00] =	vst v26  }
0x25d: {  	s2 =	smul.u32 @!p0 $0x680, s4;
	[tilespmem:$0xFCE0] =	vst v28  }
0x25e: {  	s13 =	sadd.s32 s9, s23;
	_ =	swait.ge [sflag:s29], $0x3200  }
0x25f: {  	s12 =	simm.s32 @!p0 $0x9910;
	s21 =	sshra.s32 @!p0 s2, $0x2;
	[sflag:s29] =	ssyncset.done $0x0  }
0x260: {  	s2 =	sadd.s32 @!p0 $0x1A0, s21;
	s11 =	simm.s32 @!p0 $0x64;
	[sflag:s29] =	ssyncadd.s32 $0xFFFFCE00  }
0x261: {  	[tilespmem:s12], [sflag:$0x1] =	stream.indirect.gather @!p0 [hbm4b:s0+s11], $0x80, s2, s11, $0xb8;
	[tilespmem:$0x16110] =	vst v63  }
0x262: {  	s2 =	sshll.u32 s13, $0x4  }
0x263: {  	s2 =	sand.u32 $0x1FFFFF40, s2  }
0x264: {  	s23 =	simm.s32 $0x0;
	s2 =	sadd.s32 s7, s2  }
0x265: {  	[hbm4b:s2+s23] =	stream.linear.scatter [tilespmem:s22], [sflag:$0x6], $0x3200, $0x38;
	[tilespmem:$0x16110] =	vst v63  }
0x266: {  	_ =	swait.ge [sflag:s30], $0x3200  }
0x267: {  	[sflag:s30] =	ssyncset.done $0x0  }
0x268: {  	[sflag:s30] =	ssyncadd.s32 $0xFFFFCE00  }
0x269: {  	v26 =	vld [tilespmem:s17+$0x1AC8];
	_ =	sdelay $0x4  }
0x26a: {  	v26 =	vmul.f32 v0, v26;
	_ =	sdelay $0x1  }
0x26b: {  	(xrf2) =	vadd.scan.msk.f32 $0xffff, v26;
	_ =	sdelay $0x2  }
0x26c: {  	v27 =	vld [tilespmem:$0x3310]  }
0x26d: {  	v28 =	vld [tilespmem:$0xFD20]  }
0x26e: {  	v26 =	vld [tilespmem:$0xFD10]  }
0x26f: {  	v29 =	vld [tilespmem:$0x3320]  }
0x270: {  	v30 =	vld [tilespmem:$0xFD30]  }
0x271: {  	v31 =	vld [tilespmem:$0x3330]  }
0x272: {  	v46 =	vld [tilespmem:$0x3340]  }
0x273: {  	v26 =	vadd.f32 v27, v26;
	v27 =	vld [tilespmem:$0xFD40];
	v44, _, _ =	vpop (xrf2)  }
0x274: {  	v47 =	vld [tilespmem:$0x3350];
	v28 =	vadd.f32 v29, v28;
	v29 =	vmul.f32 v44, v19  }
0x275: {  	v51 =	vld [tilespmem:$0xFD60];
	v45 =	vmul.f32 v44, v18  }
0x276: {  	v30 =	vadd.f32 v31, v30;
	v31 =	vmul.f32 v44, v20;
	v28 =	vadd.f32 v28, v29;
	v29 =	vld [tilespmem:$0xFD50]  }
0x277: {  	v52 =	vld [tilespmem:$0x3360];
	v26 =	vadd.f32 v45, v26  }
0x278: {  	v55 =	vld [tilespmem:$0x3370];
	v27 =	vadd.f32 v46, v27;
	v30 =	vadd.f32 v30, v31;
	v31 =	vmul.f32 v44, v21  }
0x279: {  	v57 =	vld [tilespmem:$0xFD80];
	v48 =	vmul.f32 v26, v26;
	v50 =	vmul.f32 v28, v28  }
0x27a: {  	v54 =	vmul.f32 v44, v22;
	v49 =	vadd.f32 v28, v26;
	v27 =	vadd.f32 v27, v31;
	v31 =	vld [tilespmem:$0xFD70]  }
0x27b: {  	v60 =	vld [tilespmem:$0x3380];
	v53 =	vmul.f32 v30, v30;
	v35 =	vadd.f32 v50, v48;
	v29 =	vadd.f32 v47, v29  }
0x27c: {  	v58 =	vadd.f32 v52, v51;
	v59 =	vmul.f32 v44, v23;
	v36 =	vadd.f32 v30, v49  }
0x27d: {  	v56 =	vmul.f32 v27, v27;
	v35 =	vadd.f32 v53, v35;
	v29 =	vadd.f32 v29, v54  }
0x27e: {  	v62 =	vmul.f32 v44, v24;
	v33 =	vadd.f32 v58, v59;
	v36 =	vadd.f32 v27, v36  }
0x27f: {  	v31 =	vadd.f32 v55, v31;
	v35 =	vadd.f32 v56, v35;
	v61 =	vmul.f32 v29, v29  }
0x280: {  	v41 =	vadd.f32 v60, v57;
	v32 =	vmul.f32 v44, v25;
	v36 =	vadd.f32 v29, v36  }
0x281: {  	v63 =	vmul.f32 v33, v33;
	v31 =	vadd.f32 v31, v62;
	v35 =	vadd.f32 v61, v35  }
0x282: {  	v36 =	vadd.f32 v33, v36  }
0x283: {  	v32 =	vadd.f32 v41, v32;
	v42 =	vmul.f32 v31, v31;
	v35 =	vadd.f32 v63, v35  }
0x284: {  	[tilespmem:$0xFD10] =	vst v26;
	v36 =	vadd.f32 v31, v36  }
0x285: {  	[tilespmem:$0xFD20] =	vst v28;
	v34 =	vmul.f32 v32, v32;
	v26 =	vadd.f32 v42, v35  }
0x286: {  	[tilespmem:$0xFD30] =	vst v30;
	v28 =	vadd.f32 v32, v36  }
0x287: {  	[tilespmem:$0xFD60] =	vst v33;
	v26 =	vadd.f32 v34, v26  }
0x288: {  	[tilespmem:$0xFD80] =	vst v32;
	(xrf2) =	vadd.scan.msk.f32 $0xffff, v28  }
0x289: {  	[tilespmem:$0xFD40] =	vst v27;
	(xrf2) =	vadd.scan.msk.f32 $0xffff, v26  }
0x28a: {  	[tilespmem:$0xFD50] =	vst v29  }
0x28b: {  	s23 =	simm.s32 $0x0;
	[tilespmem:$0xFD70] =	vst v31  }
0x28c: {  	v27 =	vld [tilespmem:s23+$0x33F0]  }
0x28d: {  	v29 =	vld [tilespmem:s23+$0x33D0]  }
0x28e: {  	v30 =	vld [tilespmem:s23+$0x33C0]  }
0x28f: {  	v33 =	vld [tilespmem:s23+$0x3390]  }
0x290: {  	v44 =	vld [tilespmem:s15+$0x0]  }
0x291: {  	v45 =	vld [tilespmem:s23+$0x33A0]  }
0x292: {  	v46 =	vld [tilespmem:s23+$0xFE00];
	v31, _, _ =	vpop (xrf2)  }
0x293: {  	v47 =	vld [tilespmem:s23+$0xFDE0];
	v31 =	vperm.xlane v31, v1;
	v43, _, _ =	vpop (xrf2)  }
0x294: {  	v48 =	vld [tilespmem:s23+$0xFDD0];
	v34 =	vperm.xlane v43, v1  }
0x295: {  	v50 =	vld [tilespmem:s23+$0xFDC0];
	v31 =	vmul.f32 v0, v31  }
0x296: {  	v51 =	vld [tilespmem:s23+$0xFDB0];
	v34 =	vmul.f32 v0, v34  }
0x297: {  	v52 =	vld [tilespmem:s23+$0xFDA0];
	(xrf2) =	vadd.scan.msk.f32 $0xffff, v31  }
0x298: {  	v53 =	vld [tilespmem:s23+$0xFD90];
	(xrf2) =	vadd.scan.msk.f32 $0xffff, v34  }
0x299: {  	v54 =	vld [tilespmem:s23+$0xFD40]  }
0x29a: {  	v49 =	vmul.f32 v0, v44;
	v31 =	vld [tilespmem:s23+$0xFDF0]  }
0x29b: {  	v55 =	vld [tilespmem:s23+$0xFD20]  }
0x29c: {  	v26 =	vld [tilespmem:s23+$0x3400];
	(xrf2) =	vadd.scan.msk.f32 $0xffff, v49  }
0x29d: {  	v32 =	vld [tilespmem:s23+$0x33B0]  }
0x29e: {  	v28 =	vld [tilespmem:s23+$0x33E0]  }
0x29f: {  	v31 =	vadd.f32 v27, v31;
	v27 =	vld [tilespmem:s23+$0xFD30]  }
0x2a0: {  	v56 =	vld [tilespmem:s23+$0xFD50];
	v29 =	vadd.f32 v29, v48  }
0x2a1: {  	v57 =	vld [tilespmem:s23+$0xFD60];
	v30 =	vadd.f32 v30, v50;
	v37 =	vadd.f32 v26, v46;
	v26, _, _ =	vpop (xrf2)  }
0x2a2: {  	v33 =	vadd.f32 v33, v53;
	v34 =	vadd.f32 v45, v52;
	v52 =	vld [tilespmem:s23+$0xFD10];
	v26 =	vmul.f32 $7.812500000e-03, v26;
	v58, _, _ =	vpop (xrf2)  }
0x2a3: {  	v32 =	vadd.f32 v32, v51;
	v28 =	vadd.f32 v28, v47;
	v35 =	vmul.f32 $7.812500000e-03, v58  }
0x2a4: {  	v59 =	vmul.f32 v26, v26;
	v60 =	vsub.f32 v55, v26;
	v41 =	vsub.f32 v27, v26  }
0x2a5: {  	v42 =	vsub.f32 v54, v26;
	v36 =	vsub.f32 v56, v26  }
0x2a6: {  	v61, _, _ =	vpop (xrf2);
	v38 =	vsub.f32 v57, v26;
	v27 =	vsub.f32 v35, v59  }
0x2a7: {  	v56 =	vsub.f32 v52, v26;
	v62 =	vmul.f32 v61, v18;
	v63 =	vmul.f32 v61, v19  }
0x2a8: {  	v45 =	vmul.f32 v61, v20;
	v49 =	vmul.f32 v61, v21;
	v27 =	vadd.f32 $9.999999740e-06, v27  }
0x2a9: {  	v51 =	vmul.f32 v61, v22;
	v33 =	vadd.f32 v62, v33;
	v34 =	vadd.f32 v34, v63  }
0x2aa: {  	v32 =	vadd.f32 v32, v45;
	v50 =	vmul.f32 $-5.000000000e-01, v27;
	v27 =	vshra.s32 v27, $0x1  }
0x2ab: {  	[tilespmem:s23+$0xFD90] =	vst v33;
	v46 =	vmul.f32 v33, v33;
	v33 =	vadd.f32 v34, v33;
	v47 =	vsub.s32 $0x5F3759DF, v27  }
0x2ac: {  	v30 =	vadd.f32 v30, v49;
	[tilespmem:s23+$0xFDA0] =	vst v34;
	v34 =	vmul.f32 v34, v34;
	v45 =	vmul.f32 v47, v50  }
0x2ad: {  	v53 =	vmul.f32 v61, v23;
	v29 =	vadd.f32 v29, v51;
	v33 =	vadd.f32 v32, v33  }
0x2ae: {  	[tilespmem:s23+$0xFDB0] =	vst v32;
	v34 =	vadd.f32 v34, v46;
	v32 =	vmul.f32 v32, v32;
	v45 =	vmul.f32 v47, v45  }
0x2af: {  	v48 =	vmul.f32 v61, v24;
	v39 =	vadd.f32 v28, v53;
	v33 =	vadd.f32 v30, v33  }
0x2b0: {  	v54 =	vmul.f32 v30, v30;
	v32 =	vadd.f32 v32, v34;
	v45 =	vadd.f32 $1.500000000e+00, v45  }
0x2b1: {  	v44 =	vld [tilespmem:s23+$0xFD70];
	v57 =	vmul.f32 v61, v25;
	v31 =	vadd.f32 v31, v48;
	v33 =	vadd.f32 v29, v33  }
0x2b2: {  	v55 =	vmul.f32 v29, v29;
	v32 =	vadd.f32 v54, v32;
	v28 =	vmul.f32 v47, v45  }
0x2b3: {  	v59 =	vadd.f32 v37, v57;
	v33 =	vadd.f32 v39, v33  }
0x2b4: {  	[tilespmem:s23+$0xFDC0] =	vst v30;
	v58 =	vmul.f32 v39, v39;
	v30 =	vadd.f32 v55, v32;
	v34 =	vmul.f32 v28, v56  }
0x2b5: {  	[tilespmem:s23+$0xFDD0] =	vst v29;
	v61 =	vmul.f32 v31, v31;
	v29 =	vadd.f32 v31, v33;
	v60 =	vmul.f32 v28, v60  }
0x2b6: {  	[tilespmem:s23+$0xFDE0] =	vst v39;
	v27 =	vsub.f32 v44, v26;
	v30 =	vadd.f32 v58, v30;
	v34 =	vmul.f32 v34, v2  }
0x2b7: {  	[tilespmem:s23+$0xFDF0] =	vst v31;
	v62 =	vmul.f32 v28, v41;
	v31 =	vadd.f32 v59, v29;
	v29 =	vld [tilespmem:s23+$0xFD80];
	v35 =	vmul.f32 v60, v3  }
0x2b8: {  	[tilespmem:s23+$0xFE00] =	vst v59;
	v63 =	vmul.f32 v59, v59;
	v30 =	vadd.f32 v61, v30;
	v34 =	vadd.f32 v34, v10  }
0x2b9: {  	s11 =	simm.s32 $0x200;
	v33 =	vmul.f32 v28, v42;
	v32 =	vmul.f32 v62, v4;
	(xrf2) =	vadd.scan.msk.f32 $0xffff, v31;
	v31 =	vadd.f32 v35, v11  }
0x2ba: {  	s12 =	simm.s32 $0x400;
	s13 =	smov.u32 s15;
	s17 =	sadd.s32 $0xC8, s17;
	v30 =	vadd.f32 v63, v30;
	v35 =	vmul.f32 v28, v36;
	[tilespmem:s23+$0xFD10] =	vst v34;
	v34 =	vmul.f32 v28, v38  }
.LBB2_9:
0x2bb: {  	p1 =	sne.s32 s12, $0xC400;
	[tilespmem:s23+$0xFD20] =	vst v31;
	v31 =	vadd.f32 v32, v12;
	v32 =	vmul.f32 v33, v5;
	v27 =	vmul.f32 v28, v27  }
0x2bc: {  	(xrf2) =	vadd.scan.msk.f32 $0xffff, v30;
	v30 =	vmul.f32 v35, v6;
	v33 =	vmul.f32 v34, v7;
	v26 =	vsub.f32 v29, v26  }
0x2bd: {  	[tilespmem:s23+$0xFD30] =	vst v31;
	v29 =	vadd.f32 v32, v13;
	v27 =	vmul.f32 v27, v8  }
0x2be: {  	s2 =	sshra.s32 s11, $0x2;
	s11 =	smov.u32 s12;
	v30 =	vadd.f32 v30, v14;
	v31 =	vadd.f32 v33, v15;
	v26 =	vmul.f32 v26, v28  }
0x2bf: {  	v28 =	vld [tilespmem:s2+$0x3400];
	[tilespmem:s23+$0xFD40] =	vst v29;
	v27 =	vadd.f32 v27, v16  }
0x2c0: {  	v29 =	vld [tilespmem:s2+$0x33F0];
	[tilespmem:s23+$0xFD50] =	vst v30;
	v26 =	vmul.f32 v26, v9  }
0x2c1: {  	v30 =	vld [tilespmem:s2+$0x33E0];
	[tilespmem:s23+$0xFD60] =	vst v31  }
0x2c2: {  	v31 =	vld [tilespmem:s2+$0x33D0];
	[tilespmem:s23+$0xFD70] =	vst v27;
	v26 =	vadd.f32 v26, v17  }
0x2c3: {  	v27 =	vld [tilespmem:s2+$0x33C0];
	v32, _, _ =	vpop (xrf2)  }
0x2c4: {  	v33 =	vld [tilespmem:s2+$0x33B0];
	v36 =	vperm.xlane v32, v1;
	[tilespmem:s23+$0xFD80] =	vst v26;
	s23 =	smov.u32 s2  }
0x2c5: {  	v34 =	vld [tilespmem:s23+$0x3390]  }
0x2c6: {  	s13 =	sadd.s32 $0x1, s13;
	v35 =	vld [tilespmem:s23+$0x33A0];
	v26 =	vmul.f32 v0, v36;
	v32, _, _ =	vpop (xrf2)  }
0x2c7: {  	v36 =	vld [tilespmem:s13+$0x0];
	v32 =	vperm.xlane v32, v1  }
0x2c8: {  	v37 =	vld [tilespmem:s23+$0xFE00];
	(xrf2) =	vadd.scan.msk.f32 $0xffff, v26  }
0x2c9: {  	v26 =	vld [tilespmem:s23+$0xFDF0];
	v32 =	vmul.f32 v0, v32  }
0x2ca: {  	v38 =	vld [tilespmem:s23+$0xFDE0]  }
0x2cb: {  	v39 =	vld [tilespmem:s23+$0xFDD0];
	(xrf2) =	vadd.scan.msk.f32 $0xffff, v32  }
0x2cc: {  	v32 =	vmul.f32 v0, v36;
	v36 =	vld [tilespmem:s23+$0xFDC0]  }
0x2cd: {  	v40 =	vld [tilespmem:s23+$0xFDB0]  }
0x2ce: {  	v41 =	vld [tilespmem:s23+$0xFDA0];
	(xrf2) =	vadd.scan.msk.f32 $0xffff, v32  }
0x2cf: {  	v32 =	vld [tilespmem:s23+$0xFD90]  }
0x2d0: {  	v42 =	vld [tilespmem:s23+$0xFD40]  }
0x2d1: {  	v43 =	vld [tilespmem:s23+$0xFD20]  }
0x2d2: {  	v37 =	vadd.f32 v28, v37;
	v29 =	vadd.f32 v29, v26;
	v28 =	vld [tilespmem:s23+$0xFD30];
	v26, _, _ =	vpop (xrf2)  }
0x2d3: {  	v30 =	vadd.f32 v30, v38;
	v31 =	vadd.f32 v31, v39;
	v38 =	vld [tilespmem:s23+$0xFD50]  }
0x2d4: {  	v36 =	vadd.f32 v27, v36;
	v33 =	vadd.f32 v33, v40;
	v26 =	vmul.f32 $7.812500000e-03, v26;
	v27 =	vld [tilespmem:s23+$0xFD60]  }
0x2d5: {  	v32 =	vadd.f32 v34, v32;
	v34 =	vadd.f32 v35, v41;
	v35, _, _ =	vpop (xrf2)  }
0x2d6: {  	v39 =	vmul.f32 v26, v26;
	v35 =	vmul.f32 $7.812500000e-03, v35;
	v40 =	vsub.f32 v43, v26  }
0x2d7: {  	v42 =	vsub.f32 v42, v26;
	v41 =	vsub.f32 v28, v26  }
0x2d8: {  	v28 =	vsub.f32 v35, v39;
	v35 =	vsub.f32 v38, v26;
	v38, _, _ =	vpop (xrf2)  }
0x2d9: {  	v39 =	vmul.f32 v38, v18;
	v43 =	vmul.f32 v38, v19;
	v44 =	vsub.f32 v27, v26;
	v27 =	vld [tilespmem:s23+$0xFD70]  }
0x2da: {  	v45 =	vmul.f32 v38, v20;
	v46 =	vmul.f32 v38, v24;
	v28 =	vadd.f32 $9.999999740e-06, v28  }
0x2db: {  	v32 =	vadd.f32 v39, v32;
	v34 =	vadd.f32 v34, v43;
	v39 =	vmul.f32 v38, v21  }
0x2dc: {  	v33 =	vadd.f32 v33, v45;
	v43 =	vmul.f32 $-5.000000000e-01, v28;
	v28 =	vshra.s32 v28, $0x1  }
0x2dd: {  	[tilespmem:s23+$0xFD90] =	vst v32;
	v45 =	vmul.f32 v32, v32;
	v32 =	vadd.f32 v34, v32;
	v28 =	vsub.s32 $0x5F3759DF, v28  }
0x2de: {  	[tilespmem:s23+$0xFDA0] =	vst v34;
	v34 =	vmul.f32 v34, v34;
	v43 =	vmul.f32 v28, v43;
	v27 =	vsub.f32 v27, v26  }
0x2df: {  	v36 =	vadd.f32 v36, v39;
	v39 =	vmul.f32 v38, v22;
	[tilespmem:s23+$0xFDB0] =	vst v33;
	v32 =	vadd.f32 v33, v32;
	v47 =	vld [tilespmem:s23+$0xFD10]  }
0x2e0: {  	v33 =	vmul.f32 v33, v33;
	v34 =	vadd.f32 v34, v45;
	v43 =	vmul.f32 v28, v43  }
0x2e1: {  	v31 =	vadd.f32 v31, v39;
	v39 =	vmul.f32 v38, v23;
	[tilespmem:s23+$0xFDC0] =	vst v36;
	v32 =	vadd.f32 v36, v32  }
0x2e2: {  	v33 =	vadd.f32 v33, v34;
	v34 =	vmul.f32 v36, v36;
	v36 =	vadd.f32 $1.500000000e+00, v43  }
0x2e3: {  	v30 =	vadd.f32 v30, v39;
	[tilespmem:s23+$0xFDD0] =	vst v31;
	v32 =	vadd.f32 v31, v32;
	v31 =	vmul.f32 v31, v31  }
0x2e4: {  	v33 =	vadd.f32 v34, v33;
	v28 =	vmul.f32 v28, v36;
	v34 =	vsub.f32 v47, v26  }
0x2e5: {  	v29 =	vadd.f32 v29, v46;
	v36 =	vmul.f32 v38, v25;
	[tilespmem:s23+$0xFDE0] =	vst v30;
	v32 =	vadd.f32 v30, v32  }
0x2e6: {  	v30 =	vmul.f32 v30, v30;
	v31 =	vadd.f32 v31, v33;
	v33 =	vmul.f32 v28, v34  }
0x2e7: {  	v34 =	vadd.f32 v37, v36;
	v36 =	vmul.f32 v28, v40;
	[tilespmem:s23+$0xFDF0] =	vst v29;
	v32 =	vadd.f32 v29, v32  }
.Ltmp3:
0x2e8: {  	v30 =	vadd.f32 v30, v31;
	v31 =	vmul.f32 v29, v29;
	v33 =	vmul.f32 v33, v2;
	(pc) =	sbr.rel @p1 .LBB2_9-.Ltmp3, $4  }
0x2e9: {  	v37 =	vmul.f32 v28, v41;
	v36 =	vmul.f32 v36, v3;
	[tilespmem:s23+$0xFE00] =	vst v34;
	v32 =	vadd.f32 v34, v32;
	v29 =	vld [tilespmem:s23+$0xFD80]  }
0x2ea: {  	v34 =	vmul.f32 v34, v34;
	v30 =	vadd.f32 v31, v30;
	v38 =	vadd.f32 v33, v10  }
0x2eb: {  	v31 =	vadd.f32 v36, v11;
	v33 =	vmul.f32 v28, v42;
	(xrf2) =	vadd.scan.msk.f32 $0xffff, v32;
	v32 =	vmul.f32 v37, v4  }
0x2ec: {  	s12 =	sadd.s32 $0x200, s12;
	v35 =	vmul.f32 v28, v35;
	v30 =	vadd.f32 v34, v30;
	[tilespmem:s23+$0xFD10] =	vst v38;
	v34 =	vmul.f32 v28, v44  }
0x2ed: {  	_ = 	snop  }
0x2ee: {  	v32 =	vadd.f32 v32, v12;
	v33 =	vmul.f32 v33, v5;
	v26 =	vsub.f32 v29, v26  }
0x2ef: {  	[tilespmem:s23+$0xFD20] =	vst v31;
	v27 =	vmul.f32 v28, v27;
	v31 =	vmul.f32 v35, v6;
	(xrf2) =	vadd.scan.msk.f32 $0xffff, v30  }
0x2f0: {  	v34 =	vmul.f32 v34, v7;
	v52 =	vadd.f32 v33, v13;
	v26 =	vmul.f32 v26, v28  }
0x2f1: {  	s11 =	sshra.s32 s11, $0x2;
	[tilespmem:s23+$0xFD30] =	vst v32;
	v27 =	vmul.f32 v27, v8;
	v31 =	vadd.f32 v31, v14  }
0x2f2: {  	v53 =	vld [tilespmem:s11+$0x3400];
	v30 =	vadd.f32 v34, v15;
	[tilespmem:s23+$0xFD40] =	vst v52;
	v26 =	vmul.f32 v26, v9  }
0x2f3: {  	v27 =	vadd.f32 v27, v16;
	v29 =	vld [tilespmem:s11+$0x33F0];
	[tilespmem:s23+$0xFD50] =	vst v31  }
0x2f4: {  	v28 =	vld [tilespmem:s11+$0x33E0];
	[tilespmem:s23+$0xFD60] =	vst v30;
	v26 =	vadd.f32 v26, v17  }
0x2f5: {  	v30 =	vld [tilespmem:s11+$0x33D0];
	[tilespmem:s23+$0xFD70] =	vst v27  }
0x2f6: {  	v27 =	vld [tilespmem:s11+$0x33C0]  }
0x2f7: {  	s2 =	sadd.s32 $0x1, s13;
	v31 =	vld [tilespmem:s11+$0x33B0];
	[tilespmem:s23+$0xFD80] =	vst v26  }
0x2f8: {  	v32 =	vld [tilespmem:s2+$0x0];
	v26, _, _ =	vpop (xrf2)  }
0x2f9: {  	v26 =	vperm.xlane v26, v1;
	v54, _, _ =	vpop (xrf2)  }
0x2fa: {  	v34 =	vperm.xlane v54, v1  }
0x2fb: {  	v26 =	vmul.f32 v0, v26  }
0x2fc: {  	v34 =	vmul.f32 v0, v34  }
0x2fd: {  	(xrf2) =	vadd.scan.msk.f32 $0xffff, v26;
	v26 =	vmul.f32 v0, v32  }
0x2fe: {  	(xrf2) =	vadd.scan.msk.f32 $0xffff, v34  }
0x2ff: {  	(xrf2) =	vadd.scan.msk.f32 $0xffff, v26;
	_ =	sdelay $0x2  }
0x300: {  	v55 =	vld [tilespmem:s11+$0x33A0]  }
0x301: {  	v56 =	vld [tilespmem:s11+$0xFD90]  }
0x302: {  	v57 =	vld [tilespmem:s11+$0xFDA0]  }
0x303: {  	v26 =	vld [tilespmem:s11+$0x3390]  }
0x304: {  	v36 =	vld [tilespmem:s11+$0xFDB0]  }
0x305: {  	v37, _, _ =	vpop (xrf2)  }
0x306: {  	v38 =	vld [tilespmem:s11+$0xFDC0];
	v39, _, _ =	vpop (xrf2)  }
0x307: {  	v32 =	vadd.f32 v55, v57;
	v58, _, _ =	vpop (xrf2)  }
0x308: {  	v40 =	vld [tilespmem:s11+$0xFDD0];
	v26 =	vadd.f32 v26, v56;
	v59 =	vmul.f32 v58, v18;
	v41 =	vmul.f32 v58, v19  }
0x309: {  	v31 =	vadd.f32 v31, v36  }
0x30a: {  	v60 =	vld [tilespmem:s11+$0xFDE0];
	v42 =	vmul.f32 v58, v20;
	v26 =	vadd.f32 v59, v26;
	v32 =	vadd.f32 v32, v41  }
0x30b: {  	v27 =	vadd.f32 v27, v38  }
0x30c: {  	v61 =	vld [tilespmem:s11+$0xFDF0];
	v62 =	vmul.f32 v58, v21;
	v31 =	vadd.f32 v31, v42;
	v41 =	vadd.f32 v32, v26  }
0x30d: {  	v30 =	vadd.f32 v30, v40  }
0x30e: {  	v63 =	vld [tilespmem:s11+$0xFE00];
	v27 =	vadd.f32 v27, v62;
	v42 =	vmul.f32 v58, v22;
	v41 =	vadd.f32 v31, v41  }
0x30f: {  	v28 =	vadd.f32 v28, v60  }
0x310: {  	v44 =	vmul.f32 v58, v23;
	v30 =	vadd.f32 v30, v42;
	v43 =	vadd.f32 v27, v41  }
0x311: {  	v29 =	vadd.f32 v29, v61  }
0x312: {  	v45 =	vmul.f32 v58, v24;
	v28 =	vadd.f32 v28, v44;
	v36 =	vadd.f32 v30, v43  }
0x313: {  	v33 =	vadd.f32 v53, v63  }
0x314: {  	v34 =	vmul.f32 v58, v25;
	v29 =	vadd.f32 v29, v45;
	v36 =	vadd.f32 v28, v36;
	_ =	sdelay $0x1  }
0x315: {  	v33 =	vadd.f32 v33, v34;
	v35 =	vadd.f32 v29, v36;
	_ =	sdelay $0x1  }
0x316: {  	v34 =	vadd.f32 v33, v35;
	_ =	sdelay $0x1  }
0x317: {  	v46 =	vmul.f32 v26, v26;
	v47 =	vmul.f32 v32, v32;
	(xrf2) =	vadd.scan.msk.f32 $0xffff, v34;
	_ =	sdelay $0x1  }
0x318: {  	v49 =	vmul.f32 v31, v31;
	v48 =	vadd.f32 v47, v46;
	_ =	sdelay $0x1  }
0x319: {  	v50 =	vmul.f32 v27, v27;
	v34 =	vadd.f32 v49, v48;
	_ =	sdelay $0x1  }
0x31a: {  	v51 =	vmul.f32 v30, v30;
	v34 =	vadd.f32 v50, v34;
	_ =	sdelay $0x1  }
0x31b: {  	v52 =	vmul.f32 v28, v28;
	v34 =	vadd.f32 v51, v34;
	_ =	sdelay $0x1  }
0x31c: {  	v53 =	vmul.f32 v29, v29;
	v34 =	vadd.f32 v52, v34;
	v54, _, _ =	vpop (xrf2)  }
0x31d: {  	v36 =	vperm.xlane v54, v1  }
0x31e: {  	v55 =	vmul.f32 v33, v33;
	v34 =	vadd.f32 v53, v34  }
0x31f: {  	v36 =	vmul.f32 v0, v36  }
0x320: {  	v34 =	vadd.f32 v55, v34  }
0x321: {  	(xrf2) =	vadd.scan.msk.f32 $0xffff, v36  }
0x322: {  	(xrf2) =	vadd.scan.msk.f32 $0xffff, v34;
	_ =	sdelay $0x1  }
0x323: {  	v34 =	vmul.f32 $7.812500000e-03, v37;
	_ =	sdelay $0x1  }
0x324: {  	v56 =	vmul.f32 $7.812500000e-03, v39;
	v57 =	vmul.f32 v34, v34;
	_ =	sdelay $0x1  }
0x325: {  	v35 =	vsub.f32 v56, v57;
	_ =	sdelay $0x1  }
0x326: {  	v35 =	vadd.f32 $9.999999740e-06, v35  }
0x327: {  	v59, _, _ =	vpop (xrf2)  }
0x328: {  	v58 =	vmul.f32 $-5.000000000e-01, v35;
	v35 =	vshra.s32 v35, $0x1;
	v60, _, _ =	vpop (xrf2)  }
0x329: {  	v61 =	vld [tilespmem:s11+$0xFD20];
	v35 =	vsub.s32 $0x5F3759DF, v35;
	v38 =	vperm.xlane v60, v1  }
0x32a: {  	v62 =	vld [tilespmem:s11+$0xFD10];
	v36 =	vmul.f32 v35, v58  }
0x32b: {  	v63 =	vld [tilespmem:s11+$0xFD30];
	v38 =	vmul.f32 v0, v38  }
0x32c: {  	v45 =	vld [tilespmem:s11+$0xFD40];
	v36 =	vmul.f32 v35, v36  }
0x32d: {  	v43 =	vld [tilespmem:s11+$0xFD60];
	(xrf2) =	vadd.scan.msk.f32 $0xffff, v38  }
0x32e: {  	v46 =	vld [tilespmem:s11+$0xFD50];
	v36 =	vadd.f32 $1.500000000e+00, v36  }
0x32f: {  	v49 =	vld [tilespmem:s11+$0xFD70];
	v47 =	vsub.f32 v62, v34  }
0x330: {  	[tilespmem:s11+$0xFDB0] =	vst v31;
	v31 =	vld [tilespmem:s11+$0xFD80];
	v39 =	vsub.f32 v61, v34;
	v37 =	vmul.f32 $7.812500000e-03, v59;
	v35 =	vmul.f32 v35, v36  }
0x331: {  	[tilespmem:s11+$0xFD90] =	vst v26;
	v48 =	vsub.f32 v63, v34;
	v52 =	vsub.f32 v45, v34  }
0x332: {  	[tilespmem:s11+$0xFDA0] =	vst v32;
	v53 =	vsub.f32 v43, v34;
	v58 =	vmul.f32 v37, v37;
	v26 =	vmul.f32 v35, v47  }
0x333: {  	[tilespmem:s11+$0xFDC0] =	vst v27;
	v38 =	vsub.f32 v46, v34;
	v50 =	vmul.f32 v35, v39;
	v51 =	vmul.f32 v35, v48  }
0x334: {  	[tilespmem:s11+$0xFDD0] =	vst v30;
	v55 =	vsub.f32 v49, v34;
	v30 =	vmul.f32 v35, v52;
	v26 =	vmul.f32 v26, v2  }
0x335: {  	[tilespmem:s11+$0xFDE0] =	vst v28;
	v31 =	vsub.f32 v31, v34;
	v38 =	vmul.f32 v35, v38;
	v27 =	vmul.f32 v50, v3  }
0x336: {  	[tilespmem:s11+$0xFDF0] =	vst v29;
	v28 =	vmul.f32 v35, v53;
	v54 =	vmul.f32 v51, v4;
	v26 =	vadd.f32 v26, v10  }
0x337: {  	[tilespmem:s11+$0xFE00] =	vst v33;
	v29 =	vmul.f32 v30, v5;
	v30 =	vmul.f32 v35, v55;
	v27 =	vadd.f32 v27, v11;
	v56, _, _ =	vpop (xrf2)  }
0x338: {  	v28 =	vmul.f32 v28, v7;
	[tilespmem:s11+$0xFD10] =	vst v26;
	v26 =	vadd.f32 v54, v12;
	v57 =	vmul.f32 $7.812500000e-03, v56  }
0x339: {  	v59 =	vmul.f32 v38, v6;
	[tilespmem:s11+$0xFD20] =	vst v27;
	v27 =	vadd.f32 v29, v13;
	v29 =	vmul.f32 v31, v35  }
0x33a: {  	v28 =	vadd.f32 v28, v15;
	[tilespmem:s11+$0xFD30] =	vst v26;
	v26 =	vmul.f32 v30, v8;
	v31 =	vsub.f32 v57, v58  }
0x33b: {  	v30 =	vadd.f32 v59, v14;
	[tilespmem:s11+$0xFD40] =	vst v27;
	v27 =	vmul.f32 v29, v9  }
0x33c: {  	[tilespmem:s11+$0xFD60] =	vst v28;
	v26 =	vadd.f32 v26, v16;
	v29 =	vadd.f32 $9.999999740e-06, v31  }
0x33d: {  	[tilespmem:s11+$0xFD50] =	vst v30;
	v27 =	vadd.f32 v27, v17  }
0x33e: {  	[tilespmem:s11+$0xFD70] =	vst v26;
	v28 =	vmul.f32 $-5.000000000e-01, v29;
	v29 =	vshra.s32 v29, $0x1  }
0x33f: {  	[tilespmem:s11+$0xFD80] =	vst v27;
	v26 =	vsub.s32 $0x5F3759DF, v29  }
0x340: {  	v30 =	vld [tilespmem:$0x12EB0];
	v27 =	vmul.f32 v26, v28  }
0x341: {  	v28 =	vld [tilespmem:$0x12E90]  }
0x342: {  	v31 =	vld [tilespmem:$0x12ED0];
	v27 =	vmul.f32 v26, v27  }
0x343: {  	v60 =	vld [tilespmem:$0x12EE0]  }
0x344: {  	v29 =	vld [tilespmem:$0x12EA0];
	v27 =	vadd.f32 $1.500000000e+00, v27  }
0x345: {  	v61 =	vld [tilespmem:$0x12EF0]  }
0x346: {  	v26 =	vmul.f32 v26, v27;
	v27 =	vsub.f32 v28, v37;
	v28 =	vld [tilespmem:$0x12EC0];
	_ =	sdelay $0x1  }
0x347: {  	v62 =	vld [tilespmem:$0x12F00];
	v30 =	vsub.f32 v30, v37;
	v31 =	vsub.f32 v31, v37;
	v27 =	vmul.f32 v26, v27  }
0x348: {  	v32 =	vsub.f32 v60, v37;
	v29 =	vsub.f32 v29, v37  }
0x349: {  	v33 =	vsub.f32 v61, v37;
	v30 =	vmul.f32 v26, v30;
	v27 =	vmul.f32 v27, v2  }
0x34a: {  	v29 =	vmul.f32 v26, v29;
	v31 =	vmul.f32 v26, v31;
	v28 =	vsub.f32 v28, v37  }
0x34b: {  	v32 =	vmul.f32 v26, v32;
	v30 =	vmul.f32 v30, v4;
	v27 =	vadd.f32 v27, v10  }
0x34c: {  	v34 =	vsub.f32 v62, v37;
	v29 =	vmul.f32 v29, v3;
	v28 =	vmul.f32 v26, v28  }
0x34d: {  	[tilespmem:$0x12E90] =	vst v27;
	v27 =	vadd.f32 v30, v12;
	v30 =	vmul.f32 v31, v6;
	v31 =	vmul.f32 v26, v33  }
0x34e: {  	v29 =	vadd.f32 v29, v11;
	v26 =	vmul.f32 v34, v26;
	v28 =	vmul.f32 v28, v5  }
0x34f: {  	[tilespmem:$0x12EB0] =	vst v27;
	v27 =	vadd.f32 v30, v14;
	v30 =	vmul.f32 v31, v8  }
0x350: {  	[tilespmem:$0x12EA0] =	vst v29;
	v26 =	vmul.f32 v26, v9;
	v28 =	vadd.f32 v28, v13  }
0x351: {  	v29 =	vmul.f32 v32, v7;
	[tilespmem:$0x12ED0] =	vst v27;
	v27 =	vadd.f32 v30, v16  }
0x352: {  	v26 =	vadd.f32 v26, v17;
	[tilespmem:$0x12EC0] =	vst v28  }
0x353: {  	v28 =	vadd.f32 v29, v15;
	[tilespmem:$0x12EF0] =	vst v27  }
0x354: {  	[tilespmem:$0x12F00] =	vst v26  }
0x355: {  	[tilespmem:$0x12EE0] =	vst v28  }
0x356: {  	_ =	swait.ge [sflag:s31], $0x3200  }
0x357: {  	s12 =	simm.s32 @!p0 $0xCB10;
	s17 =	sadd.s32 s9, s17;
	[sflag:s31] =	ssyncset.done $0x0  }
0x358: {  	s2 =	sadd.s32 @!p0 $0x208, s21;
	s11 =	simm.s32 @!p0 $0x64;
	[sflag:s31] =	ssyncadd.s32 $0xFFFFCE00  }
0x359: {  	[tilespmem:s12], [sflag:$0x2] =	stream.indirect.gather @!p0 [hbm4b:s0+s11], $0x80, s2, s11, $0xb8;
	[tilespmem:$0x16110] =	vst v63  }
0x35a: {  	s2 =	sshll.u32 s17, $0x4  }
0x35b: {  	s2 =	sand.u32 $0x1FFFFF80, s2  }
0x35c: {  	s23 =	simm.s32 $0x0;
	s2 =	sadd.s32 s7, s2  }
0x35d: {  	[hbm4b:s2+s23] =	stream.linear.scatter [tilespmem:s24], [sflag:$0x7], $0x3200, $0x38;
	[tilespmem:$0x16110] =	vst v63  }
0x35e: {  	_ =	swait.ge [sflag:s5], $0x3200  }
0x35f: {  	s17 =	smul.u32 $0x64, s18;
	[sflag:s5] =	ssyncset.done $0x0  }
0x360: {  	[sflag:s5] =	ssyncadd.s32 $0xFFFFCE00  }
0x361: {  	v26 =	vld [tilespmem:s17+$0x1A00];
	_ =	sdelay $0x4  }
0x362: {  	v26 =	vmul.f32 v0, v26;
	_ =	sdelay $0x1  }
0x363: {  	(xrf2) =	vadd.scan.msk.f32 $0xffff, v26;
	_ =	sdelay $0x2  }
0x364: {  	v27 =	vld [tilespmem:$0x6510]  }
0x365: {  	v28 =	vld [tilespmem:$0x12F20]  }
0x366: {  	v26 =	vld [tilespmem:$0x12F10]  }
0x367: {  	v29 =	vld [tilespmem:$0x6520]  }
0x368: {  	v30 =	vld [tilespmem:$0x12F30]  }
0x369: {  	v31 =	vld [tilespmem:$0x6530]  }
0x36a: {  	v41 =	vld [tilespmem:$0x6540]  }
0x36b: {  	v26 =	vadd.f32 v27, v26;
	v27 =	vld [tilespmem:$0x12F40];
	v63, _, _ =	vpop (xrf2)  }
0x36c: {  	v42 =	vld [tilespmem:$0x6550];
	v28 =	vadd.f32 v29, v28;
	v29 =	vmul.f32 v63, v19  }
0x36d: {  	v46 =	vld [tilespmem:$0x12F60];
	v40 =	vmul.f32 v63, v18  }
0x36e: {  	v30 =	vadd.f32 v31, v30;
	v31 =	vmul.f32 v63, v20;
	v28 =	vadd.f32 v28, v29;
	v29 =	vld [tilespmem:$0x12F50]  }
0x36f: {  	v47 =	vld [tilespmem:$0x6560];
	v26 =	vadd.f32 v40, v26  }
0x370: {  	v50 =	vld [tilespmem:$0x6570];
	v27 =	vadd.f32 v41, v27;
	v30 =	vadd.f32 v30, v31;
	v31 =	vmul.f32 v63, v21  }
0x371: {  	v52 =	vld [tilespmem:$0x12F80];
	v43 =	vmul.f32 v26, v26;
	v45 =	vmul.f32 v28, v28  }
0x372: {  	v49 =	vmul.f32 v63, v22;
	v44 =	vadd.f32 v28, v26;
	v27 =	vadd.f32 v27, v31;
	v31 =	vld [tilespmem:$0x12F70]  }
0x373: {  	v55 =	vld [tilespmem:$0x6580];
	v48 =	vmul.f32 v30, v30;
	v35 =	vadd.f32 v45, v43;
	v29 =	vadd.f32 v42, v29  }
0x374: {  	v53 =	vadd.f32 v47, v46;
	v54 =	vmul.f32 v63, v23;
	v36 =	vadd.f32 v30, v44  }
0x375: {  	v51 =	vmul.f32 v27, v27;
	v35 =	vadd.f32 v48, v35;
	v29 =	vadd.f32 v29, v49  }
0x376: {  	v57 =	vmul.f32 v63, v24;
	v33 =	vadd.f32 v53, v54;
	v36 =	vadd.f32 v27, v36  }
0x377: {  	v31 =	vadd.f32 v50, v31;
	v35 =	vadd.f32 v51, v35;
	v56 =	vmul.f32 v29, v29  }
0x378: {  	v59 =	vadd.f32 v55, v52;
	v32 =	vmul.f32 v63, v25;
	v36 =	vadd.f32 v29, v36  }
0x379: {  	v58 =	vmul.f32 v33, v33;
	v31 =	vadd.f32 v31, v57;
	v35 =	vadd.f32 v56, v35  }
0x37a: {  	v36 =	vadd.f32 v33, v36  }
0x37b: {  	v32 =	vadd.f32 v59, v32;
	v60 =	vmul.f32 v31, v31;
	v35 =	vadd.f32 v58, v35  }
0x37c: {  	[tilespmem:$0x12F10] =	vst v26;
	v36 =	vadd.f32 v31, v36  }
0x37d: {  	[tilespmem:$0x12F20] =	vst v28;
	v34 =	vmul.f32 v32, v32;
	v26 =	vadd.f32 v60, v35  }
0x37e: {  	[tilespmem:$0x12F30] =	vst v30;
	v28 =	vadd.f32 v32, v36  }
0x37f: {  	[tilespmem:$0x12F60] =	vst v33;
	v26 =	vadd.f32 v34, v26  }
0x380: {  	[tilespmem:$0x12F80] =	vst v32;
	(xrf2) =	vadd.scan.msk.f32 $0xffff, v28  }
0x381: {  	[tilespmem:$0x12F40] =	vst v27;
	(xrf2) =	vadd.scan.msk.f32 $0xffff, v26  }
0x382: {  	[tilespmem:$0x12F50] =	vst v29  }
0x383: {  	s18 =	simm.s32 $0x0;
	[tilespmem:$0x12F70] =	vst v31  }
0x384: {  	v27 =	vld [tilespmem:s18+$0x65F0]  }
0x385: {  	v29 =	vld [tilespmem:s18+$0x65D0]  }
0x386: {  	v30 =	vld [tilespmem:s18+$0x65C0]  }
0x387: {  	v33 =	vld [tilespmem:s18+$0x6590]  }
0x388: {  	v62 =	vld [tilespmem:s16+$0x0]  }
0x389: {  	v63 =	vld [tilespmem:s18+$0x65A0]  }
0x38a: {  	v45 =	vld [tilespmem:s18+$0x13000];
	v31, _, _ =	vpop (xrf2)  }
0x38b: {  	v46 =	vld [tilespmem:s18+$0x12FE0];
	v31 =	vperm.xlane v31, v1;
	v61, _, _ =	vpop (xrf2)  }
0x38c: {  	v47 =	vld [tilespmem:s18+$0x12FD0];
	v34 =	vperm.xlane v61, v1  }
0x38d: {  	v49 =	vld [tilespmem:s18+$0x12FC0];
	v31 =	vmul.f32 v0, v31  }
0x38e: {  	v50 =	vld [tilespmem:s18+$0x12FB0];
	v34 =	vmul.f32 v0, v34  }
0x38f: {  	v51 =	vld [tilespmem:s18+$0x12FA0];
	(xrf2) =	vadd.scan.msk.f32 $0xffff, v31  }
0x390: {  	v52 =	vld [tilespmem:s18+$0x12F90];
	(xrf2) =	vadd.scan.msk.f32 $0xffff, v34  }
0x391: {  	v53 =	vld [tilespmem:s18+$0x12F40]  }
0x392: {  	v48 =	vmul.f32 v0, v62;
	v31 =	vld [tilespmem:s18+$0x12FF0]  }
0x393: {  	v54 =	vld [tilespmem:s18+$0x12F20]  }
0x394: {  	v26 =	vld [tilespmem:s18+$0x6600];
	(xrf2) =	vadd.scan.msk.f32 $0xffff, v48  }
0x395: {  	v32 =	vld [tilespmem:s18+$0x65B0]  }
0x396: {  	v28 =	vld [tilespmem:s18+$0x65E0]  }
0x397: {  	v31 =	vadd.f32 v27, v31;
	v27 =	vld [tilespmem:s18+$0x12F30]  }
0x398: {  	v55 =	vld [tilespmem:s18+$0x12F50];
	v29 =	vadd.f32 v29, v47  }
0x399: {  	v56 =	vld [tilespmem:s18+$0x12F60];
	v30 =	vadd.f32 v30, v49;
	v37 =	vadd.f32 v26, v45;
	v26, _, _ =	vpop (xrf2)  }
0x39a: {  	v33 =	vadd.f32 v33, v52;
	v34 =	vadd.f32 v63, v51;
	v51 =	vld [tilespmem:s18+$0x12F10];
	v26 =	vmul.f32 $7.812500000e-03, v26;
	v57, _, _ =	vpop (xrf2)  }
0x39b: {  	v32 =	vadd.f32 v32, v50;
	v28 =	vadd.f32 v28, v46;
	v35 =	vmul.f32 $7.812500000e-03, v57  }
0x39c: {  	v58 =	vmul.f32 v26, v26;
	v59 =	vsub.f32 v54, v26;
	v41 =	vsub.f32 v27, v26  }
0x39d: {  	v42 =	vsub.f32 v53, v26;
	v36 =	vsub.f32 v55, v26  }
0x39e: {  	v60, _, _ =	vpop (xrf2);
	v38 =	vsub.f32 v56, v26;
	v27 =	vsub.f32 v35, v58  }
0x39f: {  	v55 =	vsub.f32 v51, v26;
	v61 =	vmul.f32 v60, v18;
	v62 =	vmul.f32 v60, v19  }
0x3a0: {  	v45 =	vmul.f32 v60, v20;
	v48 =	vmul.f32 v60, v21;
	v27 =	vadd.f32 $9.999999740e-06, v27  }
0x3a1: {  	v50 =	vmul.f32 v60, v22;
	v33 =	vadd.f32 v61, v33;
	v34 =	vadd.f32 v34, v62  }
0x3a2: {  	v32 =	vadd.f32 v32, v45;
	v49 =	vmul.f32 $-5.000000000e-01, v27;
	v27 =	vshra.s32 v27, $0x1  }
0x3a3: {  	[tilespmem:s18+$0x12F90] =	vst v33;
	v46 =	vmul.f32 v33, v33;
	v33 =	vadd.f32 v34, v33;
	v47 =	vsub.s32 $0x5F3759DF, v27  }
0x3a4: {  	v30 =	vadd.f32 v30, v48;
	[tilespmem:s18+$0x12FA0] =	vst v34;
	v34 =	vmul.f32 v34, v34;
	v45 =	vmul.f32 v47, v49  }
0x3a5: {  	v52 =	vmul.f32 v60, v23;
	v29 =	vadd.f32 v29, v50;
	v33 =	vadd.f32 v32, v33  }
0x3a6: {  	[tilespmem:s18+$0x12FB0] =	vst v32;
	v34 =	vadd.f32 v34, v46;
	v32 =	vmul.f32 v32, v32;
	v45 =	vmul.f32 v47, v45  }
0x3a7: {  	v63 =	vmul.f32 v60, v24;
	v39 =	vadd.f32 v28, v52;
	v33 =	vadd.f32 v30, v33  }
0x3a8: {  	v53 =	vmul.f32 v30, v30;
	v32 =	vadd.f32 v32, v34;
	v45 =	vadd.f32 $1.500000000e+00, v45  }
0x3a9: {  	v44 =	vld [tilespmem:s18+$0x12F70];
	v56 =	vmul.f32 v60, v25;
	v31 =	vadd.f32 v31, v63;
	v33 =	vadd.f32 v29, v33  }
0x3aa: {  	v54 =	vmul.f32 v29, v29;
	v32 =	vadd.f32 v53, v32;
	v28 =	vmul.f32 v47, v45  }
0x3ab: {  	v58 =	vadd.f32 v37, v56;
	v33 =	vadd.f32 v39, v33  }
0x3ac: {  	[tilespmem:s18+$0x12FC0] =	vst v30;
	v57 =	vmul.f32 v39, v39;
	v30 =	vadd.f32 v54, v32;
	v34 =	vmul.f32 v28, v55  }
0x3ad: {  	[tilespmem:s18+$0x12FD0] =	vst v29;
	v60 =	vmul.f32 v31, v31;
	v29 =	vadd.f32 v31, v33;
	v59 =	vmul.f32 v28, v59  }
0x3ae: {  	[tilespmem:s18+$0x12FE0] =	vst v39;
	v27 =	vsub.f32 v44, v26;
	v30 =	vadd.f32 v57, v30;
	v34 =	vmul.f32 v34, v2  }
0x3af: {  	[tilespmem:s18+$0x12FF0] =	vst v31;
	v61 =	vmul.f32 v28, v41;
	v31 =	vadd.f32 v58, v29;
	v29 =	vld [tilespmem:s18+$0x12F80];
	v35 =	vmul.f32 v59, v3  }
0x3b0: {  	[tilespmem:s18+$0x13000] =	vst v58;
	v62 =	vmul.f32 v58, v58;
	v30 =	vadd.f32 v60, v30;
	v63 =	vadd.f32 v34, v10  }
0x3b1: {  	v33 =	vmul.f32 v61, v4;
	(xrf2) =	vadd.scan.msk.f32 $0xffff, v31;
	v31 =	vadd.f32 v35, v11;
	v34 =	vmul.f32 v28, v42  }
0x3b2: {  	s13 =	smov.u32 s16;
	s11 =	simm.s32 $0x200;
	s12 =	simm.s32 $0x400;
	v32 =	vmul.f32 v28, v38;
	v30 =	vadd.f32 v62, v30;
	v35 =	vmul.f32 v28, v36;
	[tilespmem:s18+$0x12F10] =	vst v63  }
.LBB2_11:
0x3b3: {  	p1 =	sne.s32 s12, $0xC400;
	[tilespmem:s18+$0x12F20] =	vst v31;
	v31 =	vadd.f32 v33, v12;
	v33 =	vmul.f32 v34, v5;
	v27 =	vmul.f32 v28, v27  }
0x3b4: {  	(xrf2) =	vadd.scan.msk.f32 $0xffff, v30;
	v30 =	vmul.f32 v35, v6;
	v32 =	vmul.f32 v32, v7;
	v26 =	vsub.f32 v29, v26  }
0x3b5: {  	[tilespmem:s18+$0x12F30] =	vst v31;
	v29 =	vadd.f32 v33, v13;
	v27 =	vmul.f32 v27, v8  }
0x3b6: {  	s2 =	sshra.s32 s11, $0x2;
	s11 =	smov.u32 s12;
	v30 =	vadd.f32 v30, v14;
	v31 =	vadd.f32 v32, v15;
	v26 =	vmul.f32 v26, v28  }
0x3b7: {  	v28 =	vld [tilespmem:s2+$0x6600];
	[tilespmem:s18+$0x12F40] =	vst v29;
	v27 =	vadd.f32 v27, v16  }
0x3b8: {  	v29 =	vld [tilespmem:s2+$0x65F0];
	[tilespmem:s18+$0x12F50] =	vst v30;
	v26 =	vmul.f32 v26, v9  }
0x3b9: {  	v30 =	vld [tilespmem:s2+$0x65E0];
	[tilespmem:s18+$0x12F60] =	vst v31  }
0x3ba: {  	v31 =	vld [tilespmem:s2+$0x65D0];
	[tilespmem:s18+$0x12F70] =	vst v27;
	v26 =	vadd.f32 v26, v17  }
0x3bb: {  	v27 =	vld [tilespmem:s2+$0x65C0];
	v32, _, _ =	vpop (xrf2)  }
0x3bc: {  	v33 =	vld [tilespmem:s2+$0x65B0];
	v36 =	vperm.xlane v32, v1;
	[tilespmem:s18+$0x12F80] =	vst v26;
	s18 =	smov.u32 s2  }
0x3bd: {  	v34 =	vld [tilespmem:s18+$0x6590]  }
0x3be: {  	s13 =	sadd.s32 $0x1, s13;
	v35 =	vld [tilespmem:s18+$0x65A0];
	v26 =	vmul.f32 v0, v36;
	v32, _, _ =	vpop (xrf2)  }
0x3bf: {  	v36 =	vld [tilespmem:s13+$0x0];
	v32 =	vperm.xlane v32, v1  }
0x3c0: {  	v37 =	vld [tilespmem:s18+$0x13000];
	(xrf2) =	vadd.scan.msk.f32 $0xffff, v26  }
0x3c1: {  	v26 =	vld [tilespmem:s18+$0x12FF0];
	v32 =	vmul.f32 v0, v32  }
0x3c2: {  	v38 =	vld [tilespmem:s18+$0x12FE0]  }
0x3c3: {  	v39 =	vld [tilespmem:s18+$0x12FD0];
	(xrf2) =	vadd.scan.msk.f32 $0xffff, v32  }
0x3c4: {  	v32 =	vmul.f32 v0, v36;
	v36 =	vld [tilespmem:s18+$0x12FC0]  }
0x3c5: {  	v40 =	vld [tilespmem:s18+$0x12FB0]  }
0x3c6: {  	v41 =	vld [tilespmem:s18+$0x12FA0];
	(xrf2) =	vadd.scan.msk.f32 $0xffff, v32  }
0x3c7: {  	v32 =	vld [tilespmem:s18+$0x12F90]  }
0x3c8: {  	v42 =	vld [tilespmem:s18+$0x12F40]  }
0x3c9: {  	v43 =	vld [tilespmem:s18+$0x12F20]  }
0x3ca: {  	v37 =	vadd.f32 v28, v37;
	v29 =	vadd.f32 v29, v26;
	v28 =	vld [tilespmem:s18+$0x12F30];
	v26, _, _ =	vpop (xrf2)  }
0x3cb: {  	v30 =	vadd.f32 v30, v38;
	v31 =	vadd.f32 v31, v39;
	v38 =	vld [tilespmem:s18+$0x12F50]  }
0x3cc: {  	v36 =	vadd.f32 v27, v36;
	v33 =	vadd.f32 v33, v40;
	v26 =	vmul.f32 $7.812500000e-03, v26;
	v27 =	vld [tilespmem:s18+$0x12F60]  }
0x3cd: {  	v32 =	vadd.f32 v34, v32;
	v34 =	vadd.f32 v35, v41;
	v35, _, _ =	vpop (xrf2)  }
0x3ce: {  	v39 =	vmul.f32 v26, v26;
	v35 =	vmul.f32 $7.812500000e-03, v35;
	v40 =	vsub.f32 v43, v26  }
0x3cf: {  	v42 =	vsub.f32 v42, v26;
	v41 =	vsub.f32 v28, v26  }
0x3d0: {  	v28 =	vsub.f32 v35, v39;
	v35 =	vsub.f32 v38, v26;
	v38, _, _ =	vpop (xrf2)  }
0x3d1: {  	v39 =	vmul.f32 v38, v18;
	v43 =	vmul.f32 v38, v19;
	v44 =	vsub.f32 v27, v26;
	v27 =	vld [tilespmem:s18+$0x12F70]  }
0x3d2: {  	v45 =	vmul.f32 v38, v20;
	v46 =	vmul.f32 v38, v24;
	v28 =	vadd.f32 $9.999999740e-06, v28  }
0x3d3: {  	v32 =	vadd.f32 v39, v32;
	v34 =	vadd.f32 v34, v43;
	v39 =	vmul.f32 v38, v21  }
0x3d4: {  	v33 =	vadd.f32 v33, v45;
	v43 =	vmul.f32 $-5.000000000e-01, v28;
	v28 =	vshra.s32 v28, $0x1  }
0x3d5: {  	[tilespmem:s18+$0x12F90] =	vst v32;
	v45 =	vmul.f32 v32, v32;
	v32 =	vadd.f32 v34, v32;
	v28 =	vsub.s32 $0x5F3759DF, v28  }
0x3d6: {  	[tilespmem:s18+$0x12FA0] =	vst v34;
	v34 =	vmul.f32 v34, v34;
	v43 =	vmul.f32 v28, v43;
	v27 =	vsub.f32 v27, v26  }
0x3d7: {  	v36 =	vadd.f32 v36, v39;
	v39 =	vmul.f32 v38, v22;
	[tilespmem:s18+$0x12FB0] =	vst v33;
	v32 =	vadd.f32 v33, v32;
	v47 =	vld [tilespmem:s18+$0x12F10]  }
0x3d8: {  	v33 =	vmul.f32 v33, v33;
	v34 =	vadd.f32 v34, v45;
	v43 =	vmul.f32 v28, v43  }
0x3d9: {  	v31 =	vadd.f32 v31, v39;
	v39 =	vmul.f32 v38, v23;
	[tilespmem:s18+$0x12FC0] =	vst v36;
	v32 =	vadd.f32 v36, v32  }
0x3da: {  	v33 =	vadd.f32 v33, v34;
	v34 =	vmul.f32 v36, v36;
	v36 =	vadd.f32 $1.500000000e+00, v43  }
0x3db: {  	v30 =	vadd.f32 v30, v39;
	[tilespmem:s18+$0x12FD0] =	vst v31;
	v32 =	vadd.f32 v31, v32;
	v31 =	vmul.f32 v31, v31  }
0x3dc: {  	v33 =	vadd.f32 v34, v33;
	v28 =	vmul.f32 v28, v36;
	v34 =	vsub.f32 v47, v26  }
0x3dd: {  	v29 =	vadd.f32 v29, v46;
	v36 =	vmul.f32 v38, v25;
	[tilespmem:s18+$0x12FE0] =	vst v30;
	v32 =	vadd.f32 v30, v32  }
0x3de: {  	v30 =	vmul.f32 v30, v30;
	v31 =	vadd.f32 v31, v33;
	v33 =	vmul.f32 v28, v34  }
0x3df: {  	v34 =	vadd.f32 v37, v36;
	v36 =	vmul.f32 v28, v40;
	[tilespmem:s18+$0x12FF0] =	vst v29;
	v32 =	vadd.f32 v29, v32  }
.Ltmp4:
0x3e0: {  	v30 =	vadd.f32 v30, v31;
	v31 =	vmul.f32 v29, v29;
	v33 =	vmul.f32 v33, v2;
	(pc) =	sbr.rel @p1 .LBB2_11-.Ltmp4, $4  }
0x3e1: {  	v37 =	vmul.f32 v28, v41;
	v36 =	vmul.f32 v36, v3;
	[tilespmem:s18+$0x13000] =	vst v34;
	v32 =	vadd.f32 v34, v32;
	v29 =	vld [tilespmem:s18+$0x12F80]  }
0x3e2: {  	v38 =	vmul.f32 v34, v34;
	v30 =	vadd.f32 v31, v30;
	v39 =	vadd.f32 v33, v10  }
0x3e3: {  	v34 =	vmul.f32 v28, v42;
	v31 =	vadd.f32 v36, v11;
	v33 =	vmul.f32 v37, v4;
	(xrf2) =	vadd.scan.msk.f32 $0xffff, v32  }
0x3e4: {  	s12 =	sadd.s32 $0x200, s12;
	v35 =	vmul.f32 v28, v35;
	v32 =	vmul.f32 v28, v44;
	v30 =	vadd.f32 v38, v30;
	[tilespmem:s18+$0x12F10] =	vst v39  }
0x3e5: {  	_ = 	snop  }
0x3e6: {  	v34 =	vmul.f32 v34, v5;
	v26 =	vsub.f32 v29, v26  }
0x3e7: {  	v33 =	vadd.f32 v33, v12;
	v27 =	vmul.f32 v28, v27;
	v58 =	vmul.f32 v35, v6;
	(xrf2) =	vadd.scan.msk.f32 $0xffff, v30  }
0x3e8: {  	[tilespmem:s18+$0x12F20] =	vst v31;
	v32 =	vmul.f32 v32, v7;
	v59 =	vadd.f32 v34, v13;
	v26 =	vmul.f32 v26, v28  }
0x3e9: {  	s11 =	sshra.s32 s11, $0x2;
	[tilespmem:s18+$0x12F30] =	vst v33;
	v27 =	vmul.f32 v27, v8;
	v31 =	vadd.f32 v58, v14  }
0x3ea: {  	v60 =	vld [tilespmem:s11+$0x6600];
	v62 =	vadd.f32 v32, v15;
	[tilespmem:s18+$0x12F40] =	vst v59;
	v26 =	vmul.f32 v26, v9  }
0x3eb: {  	v27 =	vadd.f32 v27, v16;
	v61 =	vld [tilespmem:s11+$0x65F0];
	[tilespmem:s18+$0x12F50] =	vst v31  }
0x3ec: {  	v63 =	vld [tilespmem:s11+$0x65E0];
	[tilespmem:s18+$0x12F60] =	vst v62;
	v26 =	vadd.f32 v26, v17  }
0x3ed: {  	v30 =	vld [tilespmem:s11+$0x65D0];
	[tilespmem:s18+$0x12F70] =	vst v27  }
0x3ee: {  	v27 =	vld [tilespmem:s11+$0x65C0]  }
0x3ef: {  	s2 =	sadd.s32 $0x1, s13;
	v31 =	vld [tilespmem:s11+$0x65B0];
	[tilespmem:s18+$0x12F80] =	vst v26  }
0x3f0: {  	v43 =	vld [tilespmem:s2+$0x0];
	v26, _, _ =	vpop (xrf2)  }
0x3f1: {  	v26 =	vperm.xlane v26, v1;
	v44, _, _ =	vpop (xrf2)  }
0x3f2: {  	v33 =	vperm.xlane v44, v1  }
0x3f3: {  	v26 =	vmul.f32 v0, v26  }
0x3f4: {  	v33 =	vmul.f32 v0, v33  }
0x3f5: {  	(xrf2) =	vadd.scan.msk.f32 $0xffff, v26;
	v26 =	vmul.f32 v0, v43  }
0x3f6: {  	(xrf2) =	vadd.scan.msk.f32 $0xffff, v33  }
0x3f7: {  	(xrf2) =	vadd.scan.msk.f32 $0xffff, v26;
	_ =	sdelay $0x2  }
0x3f8: {  	v45 =	vld [tilespmem:s11+$0x65A0]  }
0x3f9: {  	v46 =	vld [tilespmem:s11+$0x12F90]  }
0x3fa: {  	v47 =	vld [tilespmem:s11+$0x12FA0]  }
0x3fb: {  	v26 =	vld [tilespmem:s11+$0x6590]  }
0x3fc: {  	v36 =	vld [tilespmem:s11+$0x12FB0]  }
0x3fd: {  	v37, _, _ =	vpop (xrf2)  }
0x3fe: {  	v38 =	vld [tilespmem:s11+$0x12FC0];
	v39, _, _ =	vpop (xrf2)  }
0x3ff: {  	v32 =	vadd.f32 v45, v47;
	v48, _, _ =	vpop (xrf2)  }
0x400: {  	v40 =	vld [tilespmem:s11+$0x12FD0];
	v26 =	vadd.f32 v26, v46;
	v49 =	vmul.f32 v48, v18;
	v41 =	vmul.f32 v48, v19  }
0x401: {  	v31 =	vadd.f32 v31, v36  }
0x402: {  	v50 =	vld [tilespmem:s11+$0x12FE0];
	v42 =	vmul.f32 v48, v20;
	v26 =	vadd.f32 v49, v26;
	v32 =	vadd.f32 v32, v41  }
0x403: {  	v27 =	vadd.f32 v27, v38  }
0x404: {  	v51 =	vld [tilespmem:s11+$0x12FF0];
	v52 =	vmul.f32 v48, v21;
	v31 =	vadd.f32 v31, v42;
	v41 =	vadd.f32 v32, v26  }
0x405: {  	v30 =	vadd.f32 v30, v40  }
0x406: {  	v53 =	vld [tilespmem:s11+$0x13000];
	v54 =	vmul.f32 v48, v22;
	v27 =	vadd.f32 v27, v52;
	v41 =	vadd.f32 v31, v41  }
0x407: {  	v28 =	vadd.f32 v63, v50  }
0x408: {  	v56 =	vmul.f32 v48, v23;
	v30 =	vadd.f32 v30, v54;
	v55 =	vadd.f32 v27, v41  }
0x409: {  	v29 =	vadd.f32 v61, v51  }
0x40a: {  	v57 =	vmul.f32 v48, v24;
	v28 =	vadd.f32 v28, v56;
	v36 =	vadd.f32 v30, v55  }
0x40b: {  	v34 =	vadd.f32 v60, v53  }
0x40c: {  	v33 =	vmul.f32 v48, v25;
	v29 =	vadd.f32 v29, v57;
	v36 =	vadd.f32 v28, v36;
	_ =	sdelay $0x1  }
0x40d: {  	v33 =	vadd.f32 v34, v33;
	v35 =	vadd.f32 v29, v36;
	_ =	sdelay $0x1  }
0x40e: {  	v34 =	vadd.f32 v33, v35;
	_ =	sdelay $0x1  }
0x40f: {  	v58 =	vmul.f32 v26, v26;
	v59 =	vmul.f32 v32, v32;
	(xrf2) =	vadd.scan.msk.f32 $0xffff, v34;
	_ =	sdelay $0x1  }
0x410: {  	v61 =	vmul.f32 v31, v31;
	v60 =	vadd.f32 v59, v58;
	_ =	sdelay $0x1  }
0x411: {  	v62 =	vmul.f32 v27, v27;
	v34 =	vadd.f32 v61, v60;
	_ =	sdelay $0x1  }
0x412: {  	v63 =	vmul.f32 v30, v30;
	v34 =	vadd.f32 v62, v34;
	_ =	sdelay $0x1  }
0x413: {  	v38 =	vmul.f32 v28, v28;
	v34 =	vadd.f32 v63, v34;
	_ =	sdelay $0x1  }
0x414: {  	v40 =	vmul.f32 v29, v29;
	v34 =	vadd.f32 v38, v34;
	v41, _, _ =	vpop (xrf2)  }
0x415: {  	v36 =	vperm.xlane v41, v1  }
0x416: {  	v42 =	vmul.f32 v33, v33;
	v34 =	vadd.f32 v40, v34  }
0x417: {  	v36 =	vmul.f32 v0, v36  }
0x418: {  	v34 =	vadd.f32 v42, v34  }
0x419: {  	(xrf2) =	vadd.scan.msk.f32 $0xffff, v36  }
0x41a: {  	(xrf2) =	vadd.scan.msk.f32 $0xffff, v34  }
0x41b: {  	v34 =	vmul.f32 $7.812500000e-03, v37;
	_ =	sdelay $0x1  }
0x41c: {  	v43 =	vmul.f32 $7.812500000e-03, v39;
	v44 =	vmul.f32 v34, v34;
	_ =	sdelay $0x1  }
0x41d: {  	v35 =	vsub.f32 v43, v44;
	_ =	sdelay $0x1  }
0x41e: {  	v35 =	vadd.f32 $9.999999740e-06, v35;
	_ =	sdelay $0x1  }
0x41f: {  	v45 =	vmul.f32 $-5.000000000e-01, v35;
	v35 =	vshra.s32 v35, $0x1;
	v46, _, _ =	vpop (xrf2)  }
0x420: {  	v50 =	vld [tilespmem:s11+$0x12F30];
	v35 =	vsub.s32 $0x5F3759DF, v35;
	v47, _, _ =	vpop (xrf2)  }
0x421: {  	v49 =	vld [tilespmem:s11+$0x12F10];
	v36 =	vmul.f32 v35, v45;
	v38 =	vperm.xlane v47, v1  }
0x422: {  	v48 =	vld [tilespmem:s11+$0x12F20]  }
0x423: {  	v51 =	vld [tilespmem:s11+$0x12F40];
	v36 =	vmul.f32 v35, v36;
	v38 =	vmul.f32 v0, v38  }
0x424: {  	v55 =	vld [tilespmem:s11+$0x12F70]  }
0x425: {  	v52 =	vld [tilespmem:s11+$0x12F50];
	v36 =	vadd.f32 $1.500000000e+00, v36;
	(xrf2) =	vadd.scan.msk.f32 $0xffff, v38  }
0x426: {  	v53 =	vsub.f32 v49, v34;
	v43 =	vld [tilespmem:s11+$0x12F60]  }
0x427: {  	[tilespmem:s11+$0x12F90] =	vst v26;
	v59 =	vld [tilespmem:s11+$0x12F80];
	v39 =	vsub.f32 v48, v34;
	v37 =	vmul.f32 $7.812500000e-03, v46;
	v35 =	vmul.f32 v35, v36  }
0x428: {  	[tilespmem:s11+$0x12FA0] =	vst v32;
	v54 =	vsub.f32 v50, v34;
	v58 =	vsub.f32 v51, v34  }
0x429: {  	[tilespmem:s11+$0x12FB0] =	vst v31;
	v62 =	vsub.f32 v55, v34;
	v45 =	vmul.f32 v37, v37;
	v26 =	vmul.f32 v35, v53  }
0x42a: {  	[tilespmem:s11+$0x12FC0] =	vst v27;
	v38 =	vsub.f32 v52, v34;
	v56 =	vmul.f32 v35, v39;
	v57 =	vmul.f32 v35, v54  }
0x42b: {  	[tilespmem:s11+$0x12FD0] =	vst v30;
	v60 =	vsub.f32 v43, v34;
	v63 =	vmul.f32 v35, v58;
	v26 =	vmul.f32 v26, v2  }
0x42c: {  	[tilespmem:s11+$0x12FE0] =	vst v28;
	v31 =	vsub.f32 v59, v34;
	v38 =	vmul.f32 v35, v38;
	v27 =	vmul.f32 v56, v3  }
0x42d: {  	[tilespmem:s11+$0x12FF0] =	vst v29;
	v40 =	vmul.f32 v35, v60;
	v61 =	vmul.f32 v57, v4;
	v26 =	vadd.f32 v26, v10  }
0x42e: {  	[tilespmem:s11+$0x13000] =	vst v33;
	v42 =	vmul.f32 v35, v62;
	v41 =	vmul.f32 v63, v5;
	v27 =	vadd.f32 v27, v11  }
0x42f: {  	v47 =	vmul.f32 v31, v35;
	v46 =	vmul.f32 v38, v6;
	[tilespmem:s11+$0x12F10] =	vst v26;
	v26 =	vadd.f32 v61, v12;
	v43, _, _ =	vpop (xrf2)  }
0x430: {  	v28 =	vmul.f32 v40, v7;
	[tilespmem:s11+$0x12F20] =	vst v27;
	v27 =	vadd.f32 v41, v13;
	v44 =	vmul.f32 $7.812500000e-03, v43  }
0x431: {  	v49 =	vadd.f32 v46, v14;
	[tilespmem:s11+$0x12F30] =	vst v26;
	v26 =	vmul.f32 v42, v8  }
0x432: {  	v28 =	vadd.f32 v28, v15;
	[tilespmem:s11+$0x12F40] =	vst v27;
	v27 =	vmul.f32 v47, v9;
	v48 =	vsub.f32 v44, v45  }
0x433: {  	[tilespmem:s11+$0x12F50] =	vst v49;
	v26 =	vadd.f32 v26, v16  }
0x434: {  	[tilespmem:s11+$0x12F60] =	vst v28;
	v27 =	vadd.f32 v27, v17;
	v50 =	vadd.f32 $9.999999740e-06, v48  }
0x435: {  	[tilespmem:s11+$0x12F70] =	vst v26  }
0x436: {  	[tilespmem:s11+$0x12F80] =	vst v27;
	v51 =	vmul.f32 $-5.000000000e-01, v50;
	v29 =	vshra.s32 v50, $0x1  }
0x437: {  	v52 =	vld [tilespmem:$0x16090];
	v26 =	vsub.s32 $0x5F3759DF, v29  }
0x438: {  	v53 =	vld [tilespmem:$0x160A0];
	v27 =	vmul.f32 v26, v51  }
0x439: {  	v30 =	vld [tilespmem:$0x160B0]  }
0x43a: {  	v54 =	vld [tilespmem:$0x160C0];
	v27 =	vmul.f32 v26, v27  }
0x43b: {  	v55 =	vld [tilespmem:$0x160D0]  }
0x43c: {  	v56 =	vld [tilespmem:$0x160E0];
	v27 =	vadd.f32 $1.500000000e+00, v27  }
0x43d: {  	v57 =	vld [tilespmem:$0x160F0]  }
0x43e: {  	v58 =	vld [tilespmem:$0x16100];
	v26 =	vmul.f32 v26, v27;
	v27 =	vsub.f32 v52, v37  }
0x43f: {  	v29 =	vsub.f32 v53, v37;
	v30 =	vsub.f32 v30, v37  }
0x440: {  	v28 =	vsub.f32 v54, v37;
	v31 =	vsub.f32 v55, v37;
	v27 =	vmul.f32 v26, v27  }
0x441: {  	v32 =	vsub.f32 v56, v37;
	v29 =	vmul.f32 v26, v29;
	v30 =	vmul.f32 v26, v30  }
0x442: {  	v33 =	vsub.f32 v57, v37;
	v28 =	vmul.f32 v26, v28;
	v27 =	vmul.f32 v27, v2  }
0x443: {  	v34 =	vsub.f32 v58, v37;
	v31 =	vmul.f32 v26, v31;
	v29 =	vmul.f32 v29, v3  }
0x444: {  	v32 =	vmul.f32 v26, v32;
	v28 =	vmul.f32 v28, v5;
	v27 =	vadd.f32 v27, v10  }
0x445: {  	v60 =	vmul.f32 v26, v33;
	v30 =	vmul.f32 v30, v4;
	v29 =	vadd.f32 v29, v11  }
0x446: {  	v26 =	vmul.f32 v34, v26;
	v61 =	vmul.f32 v32, v7;
	v28 =	vadd.f32 v28, v13;
	[tilespmem:$0x16090] =	vst v27  }
0x447: {  	v59 =	vmul.f32 v31, v6;
	v27 =	vadd.f32 v30, v12;
	[tilespmem:$0x160A0] =	vst v29  }
0x448: {  	v26 =	vmul.f32 v26, v9;
	v63 =	vadd.f32 v61, v15;
	[tilespmem:$0x160C0] =	vst v28  }
0x449: {  	v62 =	vmul.f32 v60, v8;
	[tilespmem:$0x160B0] =	vst v27;
	v27 =	vadd.f32 v59, v14  }
0x44a: {  	v26 =	vadd.f32 v26, v17;
	[tilespmem:$0x160E0] =	vst v63  }
0x44b: {  	[tilespmem:$0x160D0] =	vst v27;
	v27 =	vadd.f32 v62, v16  }
0x44c: {  	[tilespmem:$0x16100] =	vst v26  }
0x44d: {  	[tilespmem:$0x160F0] =	vst v27  }
0x44e: {  	_ =	swait.ge [sflag:s1], $0x3200  }
0x44f: {  	s12 =	simm.s32 @!p0 $0xFD10;
	s4 =	sadd.s32 $0x1, s4;
	[sflag:s1] =	ssyncset.done $0x0  }
0x450: {  	s2 =	sadd.s32 @!p0 $0x270, s21;
	s11 =	simm.s32 @!p0 $0x64;
	[sflag:s1] =	ssyncadd.s32 $0xFFFFCE00  }
0x451: {  	[tilespmem:s12], [sflag:$0x3] =	stream.indirect.gather @!p0 [hbm4b:s0+s11], $0x80, s2, s11, $0xb8;
	[tilespmem:$0x16110] =	vst v63  }
0x452: {  	p0 =	sne.s32 s4, $0x10  }
.Ltmp5:
0x453: {  	s23 =	sadd.s32 s9, s17;
	(pc) =	sbr.rel @p0 .LBB2_4-.Ltmp5, $4  }
0x454: {  	s2 =	sshll.u32 s23, $0x4  }
0x455: {  	s6 =	sadd.s32 $0x190, s6;
	s10 =	sadd.s32 $0x190, s10;
	s2 =	sand.u32 $0x1FFFFFC0, s2  }
0x456: {  	s15 =	sadd.s32 $0x190, s15;
	s16 =	sadd.s32 $0x190, s16;
	s2 =	sadd.s32 s7, s2  }
0x457: {  	[hbm4b:s2+s8] =	stream.linear.scatter [tilespmem:s26], [sflag:$0x8], $0x3200, $0x38;
	[tilespmem:$0x16110] =	vst v63  }
0x458: {  	s4 =	simm.s32 $0x8  }
0x459: {  	_ =	swait.ge [sflag:s4], $0x3200  }
0x45a: {  	s3 =	sadd.s32 $0x1, s3;
	s2 =	rddreg [dreg:$0xa]  }
0x45b: {  	p0 =	sne.s32 s3, s2  }
.Ltmp6:
0x45c: {  	_ = 	snop;
	(pc) =	sbr.rel @p0 .LBB2_1-.Ltmp6, $3  }
0x45d: {  	_ =	sdelay $0x1  }
0x45e: {  	[sflag:s4] =	ssyncset.done $0x0  }
0x45f: {  	[sflag:s4] =	ssyncadd.s32 $0xFFFFCE00  }
0x460: {  	_ =	sfence.sel $0x180000  }
0x461: {  	[bflag:$0x0] =	sbarrier.arrive $0xFFFF  }
0x462: {  	_ =	strace $0x90000047  }
0x463: {  	s0 =	stileid.u32;
	[bflag:$0x2] =	sbarrier.arrive $0xFFFF  }
0x464: {  	p0 =	sne.s32 s0, $0x0;
	s0 =	rddreg [dreg:$0x7]  }
0x465: {  	s0 =	sadd.s32 @!p0 $0x100000, s0  }
0x466: {  	[sflag:s0] =	ssyncadd.tile.s32 @!p0 $0x1;
	_ =	shalt  }
.Lfunc_end2:
_tile_overlayer_lowered:
.L_overlay_start_2:
0x467: {  	(tag) =	ssettag $0x2  }
0x468: {  	s0 =	rddreg [dreg:$0x0];
	s2 =	stileid.u32  }
0x469: {  	s1 =	rddreg [dreg:$0x1];
	p0 =	sne.s32 s2, $0x0  }
0x46a: {  	s3 =	rddreg [dreg:$0x2];
	[bflag:$0x3] =	sbarrier.arrive $0xFFFF;
	s2 =	simm.s32 @!p0 $0x1C09  }
0x46b: {  	[timem:s3], [sflag:s2] =	dma.local @!p0 [hbm:s0], s1  }
0x46c: {  	s0 =	simm.s32 @!p0 $0x9  }
0x46d: {  	_ =	swait.ge @!p0 [sflag:s0], s1  }
0x46e: {  	s1 =	ssub.s32 @!p0 $0x0, s1;
	[sflag:s0] =	ssyncset.done @!p0 $0x0  }
0x46f: {  	[sflag:s0] =	ssyncadd.s32 @!p0 s1  }
0x470: {  	[bflag:$0x3] =	sbarrier.arrive $0xFFFF  }
0x471: {  	_ =	shalt  }

</sc_bundles>
